<compile_context>
chip_gen: v7x
topology: tpu7x:2x2x1
jax: 0.10.2.dev20260603
libtpu: 0.0.44.dev20260713+nightly
codegen_flags: <defaults>
</compile_context>

<pallas_src>
import functools

import jax
import jax.numpy as jnp
from jax import lax
from jax.experimental import pallas as pl
from jax.experimental.pallas import tpu as pltpu
from jax.experimental.pallas import tpu_sc as plsc

USER_NUM = 1000000
ITEM_NUM = 100000
DIM = 64
BATCH = 4096
NUM_NEG = 300
NEGP = 304
K_NBR = 10
KP = 16
W1 = 1e-06
W2 = 1.0
NEG_WEIGHT = 300.0
GAMMA = 0.0001
LAMBDA = 0.0005

NC = 2
NS = 16
NW = NC * NS
BPW = BATCH // NW


def _sc_body(users_r, pos_r, negp_r, ut_r, it_r, bu2_r, bi2_r, nbrp_r, simp_r,
             nego_r, poso_r, innero_r, simo_r, buo_r, bio_r,
             uidx_v, pidx_v, u_rows, p_rows, nidx_all, rows0, rows1,
             nbr_idx_v, nbr0, nbr1, sim_v, bu_v, bi_v, scores0, scores1,
             inner_v, pos_v, sem, sem0, sem1, ssem0, ssem1):
    wid = lax.axis_index("s") * NC + lax.axis_index("c")
    base = wid * BPW
    pltpu.sync_copy(users_r.at[pl.ds(base, BPW)], uidx_v)
    pltpu.sync_copy(pos_r.at[pl.ds(base, BPW)], pidx_v)
    pltpu.async_copy(ut_r.at[uidx_v], u_rows, sem).wait()
    pltpu.async_copy(it_r.at[pidx_v], p_rows, sem).wait()
    pltpu.async_copy(bu2_r.at[uidx_v], bu_v, sem).wait()
    pltpu.async_copy(bi2_r.at[pidx_v], bi_v, sem).wait()
    pltpu.async_copy(nbrp_r.at[pidx_v], nbr_idx_v, sem).wait()
    pltpu.async_copy(simp_r.at[pidx_v], sim_v, sem).wait()
    pltpu.sync_copy(bu_v, buo_r.at[pl.ds(base, BPW)])
    pltpu.sync_copy(bi_v, bio_r.at[pl.ds(base, BPW)])
    pltpu.sync_copy(sim_v, simo_r.at[pl.ds(base, BPW)])
    iota16 = lax.iota(jnp.int32, 16)
    zero16 = jnp.zeros((16,), jnp.float32)

    def dotrow(rows_ref, r, u):
        p = rows_ref[r, pl.ds(0, 16)] * u[0]
        for k in range(1, 4):
            p = p + rows_ref[r, pl.ds(k * 16, 16)] * u[k]
        return jnp.sum(p)

    def dot16(rows_ref, row_base, u):
        res = zero16
        for jj in range(16):
            res = jnp.where(iota16 == jj, dotrow(rows_ref, row_base + jj, u),
                            res)
        return res

    pltpu.sync_copy(negp_r.at[pl.ds(base, BPW)], nidx_all)

    def issue(b, rows_buf, nbr_buf, gsem):
        pltpu.async_copy(it_r.at[nidx_all.at[b, pl.ds(0, 128)]],
                         rows_buf.at[pl.ds(0, 128)], gsem)
        pltpu.async_copy(it_r.at[nidx_all.at[b, pl.ds(128, 128)]],
                         rows_buf.at[pl.ds(128, 128)], gsem)
        pltpu.async_copy(it_r.at[nidx_all.at[b, pl.ds(256, 48)]],
                         rows_buf.at[pl.ds(256, 48)], gsem)
        pltpu.async_copy(it_r.at[nbr_idx_v.at[b]], nbr_buf, gsem)

    def drain(rows_buf, nbr_buf, gsem):
        pltpu.make_async_copy(it_r.at[pl.ds(0, NEGP)], rows_buf, gsem).wait()
        pltpu.make_async_copy(it_r.at[pl.ds(0, KP)], nbr_buf, gsem).wait()

    def compute(p, b, rows_buf, nbr_buf, scores_buf, ssem, pos_acc):
        row = base + b
        u = [u_rows[b, pl.ds(k * 16, 16)] for k in range(4)]

        @pl.when(p >= 1)
        def _():
            pltpu.make_async_copy(nego_r.at[0], scores_buf, ssem).wait()

        def g_body(g, carry2):
            scores_buf[pl.ds(g * 16, 16)] = dot16(rows_buf, g * 16, u)
            return carry2

        lax.fori_loop(0, NEGP // 16, g_body, 0)
        pltpu.async_copy(scores_buf, nego_r.at[row], ssem)
        inner_v[b, :] = dot16(nbr_buf, 0, u)
        pos_acc = jnp.where(iota16 == (b % 16), dotrow(p_rows, b, u), pos_acc)

        @pl.when(b % 16 == 15)
        def _():
            pos_v[pl.ds(b - 15, 16)] = pos_acc

        return pos_acc

    issue(0, rows0, nbr0, sem0)

    def pair_body(p, pos_acc):
        b0 = 2 * p
        issue(b0 + 1, rows1, nbr1, sem1)
        drain(rows0, nbr0, sem0)
        pos_acc = compute(p, b0, rows0, nbr0, scores0, ssem0, pos_acc)

        @pl.when(p < BPW // 2 - 1)
        def _():
            issue(b0 + 2, rows0, nbr0, sem0)

        drain(rows1, nbr1, sem1)
        pos_acc = compute(p, b0 + 1, rows1, nbr1, scores1, ssem1, pos_acc)
        return pos_acc

    lax.fori_loop(0, BPW // 2, pair_body, zero16)
    pltpu.make_async_copy(nego_r.at[0], scores0, ssem0).wait()
    pltpu.make_async_copy(nego_r.at[0], scores1, ssem1).wait()
    pltpu.sync_copy(inner_v, innero_r.at[pl.ds(base, BPW)])
    pltpu.sync_copy(pos_v, poso_r.at[pl.ds(base, BPW)])


_sc_score = functools.partial(
    pl.kernel,
    out_type=[
        jax.ShapeDtypeStruct((BATCH, NEGP), jnp.float32),
        jax.ShapeDtypeStruct((BATCH,), jnp.float32),
        jax.ShapeDtypeStruct((BATCH, KP), jnp.float32),
        jax.ShapeDtypeStruct((BATCH, KP), jnp.float32),
        jax.ShapeDtypeStruct((BATCH, 1), jnp.float32),
        jax.ShapeDtypeStruct((BATCH, 1), jnp.float32),
    ],
    mesh=plsc.VectorSubcoreMesh(core_axis_name="c", subcore_axis_name="s",
                                num_cores=NC, num_subcores=NS),
    compiler_params=pltpu.CompilerParams(needs_layout_passes=False,
                                         use_tc_tiling_on_sc=False),
    scratch_types=[
        pltpu.VMEM((BPW,), jnp.int32),
        pltpu.VMEM((BPW,), jnp.int32),
        pltpu.VMEM((BPW, DIM), jnp.float32),
        pltpu.VMEM((BPW, DIM), jnp.float32),
        pltpu.VMEM((BPW, NEGP), jnp.int32),
        pltpu.VMEM((NEGP, DIM), jnp.float32),
        pltpu.VMEM((NEGP, DIM), jnp.float32),
        pltpu.VMEM((BPW, KP), jnp.int32),
        pltpu.VMEM((KP, DIM), jnp.float32),
        pltpu.VMEM((KP, DIM), jnp.float32),
        pltpu.VMEM((BPW, KP), jnp.float32),
        pltpu.VMEM((BPW, 1), jnp.float32),
        pltpu.VMEM((BPW, 1), jnp.float32),
        pltpu.VMEM((NEGP,), jnp.float32),
        pltpu.VMEM((NEGP,), jnp.float32),
        pltpu.VMEM((BPW, KP), jnp.float32),
        pltpu.VMEM((BPW,), jnp.float32),
        pltpu.SemaphoreType.DMA,
        pltpu.SemaphoreType.DMA,
        pltpu.SemaphoreType.DMA,
        pltpu.SemaphoreType.DMA,
        pltpu.SemaphoreType.DMA,
    ],
)(_sc_body)


def _sumsq_body(x_ref, o_ref):
    @pl.when(pl.program_id(0) == 0)
    def _():
        o_ref[0, 0] = 0.0

    x = x_ref[...]
    o_ref[0, 0] += jnp.sum(x * x)


def _sumsq(x, block_rows):
    rows = x.shape[0]
    return pl.pallas_call(
        _sumsq_body,
        grid=(rows // block_rows,),
        in_specs=[pl.BlockSpec((block_rows, 128), lambda i: (i, 0))],
        out_specs=pl.BlockSpec(memory_space=pltpu.SMEM),
        out_shape=jax.ShapeDtypeStruct((1, 1), jnp.float32),
    )(x)


def _combine_body(ns_ref, ps_ref, bu_ref, bi_ref, inn_ref, sim_ref,
                  nu_ref, ni_ref, o_ref):
    i = pl.program_id(0)
    ns = ns_ref[...]
    col = lax.broadcasted_iota(jnp.int32, ns.shape, 1)
    negl = ns + jnp.log1p(jnp.exp(-jnp.abs(ns))) + jnp.maximum(-ns, 0.0)
    negl = jnp.where(col < NUM_NEG, negl, 0.0)
    ps = ps_ref[...]
    pw = W1 + W2 * (bu_ref[...] * bi_ref[...])
    posl = (1.0 + (pw - 1.0)) * (jnp.log1p(jnp.exp(-jnp.abs(ps)))
                                 + jnp.maximum(-ps, 0.0))
    inn = inn_ref[...]
    sim = sim_ref[...]
    li = jnp.sum(-sim * jnp.log(jax.nn.sigmoid(inn)))
    part = (jnp.sum(posl) + (NEG_WEIGHT / NUM_NEG) * jnp.sum(negl)
            + LAMBDA * li)

    @pl.when(i == 0)
    def _():
        o_ref[0, 0] = 0.0

    o_ref[0, 0] += part

    @pl.when(i == pl.num_programs(0) - 1)
    def _():
        o_ref[0, 0] += GAMMA * ((nu_ref[0, 0] + ni_ref[0, 0]) / 2.0)


def _combine(neg_s, pos_r, bu_r, bi_r, inner, sim, n_u, n_i):
    blocks = 16
    rb = BATCH // blocks
    cb = BATCH // blocks // 16
    del cb
    return pl.pallas_call(
        _combine_body,
        grid=(blocks,),
        in_specs=[
            pl.BlockSpec((rb, NEGP), lambda i: (i, 0)),
            pl.BlockSpec((8, 32), lambda i: (i, 0)),
            pl.BlockSpec((8, 32), lambda i: (i, 0)),
            pl.BlockSpec((8, 32), lambda i: (i, 0)),
            pl.BlockSpec((rb, KP), lambda i: (i, 0)),
            pl.BlockSpec((rb, KP), lambda i: (i, 0)),
            pl.BlockSpec(memory_space=pltpu.SMEM),
            pl.BlockSpec(memory_space=pltpu.SMEM),
        ],
        out_specs=pl.BlockSpec(memory_space=pltpu.SMEM),
        out_shape=jax.ShapeDtypeStruct((1, 1), jnp.float32),
    )(neg_s, pos_r, bu_r, bi_r, inner, sim, n_u, n_i)


def kernel(users, pos_items, neg_items, user_table, item_table, beta_uD,
           beta_iD, ii_neighbor_mat, ii_constraint_mat):
    users32 = users.astype(jnp.int32)
    pos32 = pos_items.astype(jnp.int32)
    negp = jnp.pad(neg_items.astype(jnp.int32), ((0, 0), (0, NEGP - NUM_NEG)))
    nbrp = jnp.pad(ii_neighbor_mat.astype(jnp.int32),
                   ((0, 0), (0, KP - K_NBR)))
    simp = jnp.pad(ii_constraint_mat, ((0, 0), (0, KP - K_NBR)))
    bu2 = beta_uD[:, None]
    bi2 = beta_iD[:, None]

    n_u = _sumsq(user_table.reshape(USER_NUM // 2, 128), 4000)
    n_i = _sumsq(item_table.reshape(ITEM_NUM // 2, 128), 2000)

    neg_s, pos_s, inner, sim, bu, bi = _sc_score(
        users32, pos32, negp, user_table, item_table, bu2, bi2, nbrp, simp)

    out = _combine(neg_s, pos_s.reshape(128, 32), bu.reshape(128, 32),
                   bi.reshape(128, 32), inner, sim, n_u, n_i)
    return out[0, 0]

# --- scband reference (transcript-rebuilt; emitter-appended) ---
"""Pipeline reference for scband-ultra-gcn-31585189495423 (READ-ONLY COPY).

The authoritative reference and input builder live on the scoring server;
editing this copy changes nothing except your own understanding.
"""

import jax, jax.numpy as jnp
import numpy as np

USER_NUM = 1000000
ITEM_NUM = 100000
DIM = 64
BATCH = 4096
NUM_NEG = 300
K_NBR = 10
W1 = 1e-06
W2 = 1.0
W3 = 1e-06
W4 = 1.0
NEG_WEIGHT = 300.0
GAMMA = 0.0001
LAMBDA = 0.0005


def setup_inputs(seed: int = 0) -> dict:
    key = jax.random.key(seed)
    ks = jax.random.split(key, 9)
    users = jax.random.randint(ks[0], (BATCH,), 0, USER_NUM)
    pos_items = jax.random.randint(ks[1], (BATCH,), 0, ITEM_NUM)
    neg_items = jax.random.randint(ks[2], (BATCH, NUM_NEG), 0, ITEM_NUM)
    user_table = (jax.random.normal(ks[3], (USER_NUM, DIM), dtype=jnp.float32) * 1e-4)
    item_table = (jax.random.normal(ks[4], (ITEM_NUM, DIM), dtype=jnp.float32) * 1e-4)
    beta_uD = jax.random.uniform(ks[5], (USER_NUM,), dtype=jnp.float32)
    beta_iD = jax.random.uniform(ks[6], (ITEM_NUM,), dtype=jnp.float32)
    ii_neighbor_mat = jax.random.randint(ks[7], (ITEM_NUM, K_NBR), 0, ITEM_NUM)
    ii_constraint_mat = jax.random.uniform(ks[8], (ITEM_NUM, K_NBR), dtype=jnp.float32)
    return {
        'users': users,
        'pos_items': pos_items,
        'neg_items': neg_items,
        'user_table': user_table,
        'item_table': item_table,
        'beta_uD': beta_uD,
        'beta_iD': beta_iD,
        'ii_neighbor_mat': ii_neighbor_mat,
        'ii_constraint_mat': ii_constraint_mat,
    }


def _weighted_ce_with_logits(labels, logits, pos_weight):
    # TF formula: (1 - z) * x + (1 + (q - 1) * z) * (log(1 + exp(-|x|)) + max(-x, 0))
    return (1.0 - labels) * logits + (1.0 + (pos_weight - 1.0) * labels) * (
        jnp.log1p(jnp.exp(-jnp.abs(logits))) + jnp.maximum(-logits, 0.0))


def reference(users, pos_items, neg_items, user_table, item_table, beta_uD, beta_iD, ii_neighbor_mat, ii_constraint_mat):
    # get_omegas
    pos_weight = W1 + W2 * (jnp.take(beta_uD, users) * jnp.take(beta_iD, pos_items))
    neg_weight = W3 + W4 * (jnp.repeat(jnp.take(beta_uD, users), NUM_NEG) * jnp.take(beta_iD, neg_items.reshape(-1)))

    # cal_loss_L
    user_embeds = jnp.take(user_table, users, axis=0)            # [B, D]
    pos_embeds = jnp.take(item_table, pos_items, axis=0)         # [B, D]
    neg_embeds = jnp.take(item_table, neg_items, axis=0)         # [B, NEG, D]
    pos_scores = jnp.sum(user_embeds * pos_embeds, axis=-1)      # [B]
    neg_scores = jnp.sum(user_embeds[:, None, :] * neg_embeds, axis=-1)  # [B, NEG]
    neg_loss = _weighted_ce_with_logits(jnp.zeros_like(neg_scores), neg_scores, neg_weight.reshape(neg_scores.shape))
    neg_loss = jnp.mean(neg_loss, axis=-1)
    pos_loss = _weighted_ce_with_logits(jnp.ones_like(pos_scores), pos_scores, pos_weight)
    loss_L = jnp.sum(pos_loss + neg_loss * NEG_WEIGHT)

    # norm_loss over trainable embedding tables
    norm = (jnp.sum(user_table ** 2) + jnp.sum(item_table ** 2)) / 2.0

    # cal_loss_I
    neighbor_idx = jnp.take(ii_neighbor_mat, pos_items, axis=0)   # [B, K]
    neighbor_embeds = jnp.take(item_table, neighbor_idx, axis=0)  # [B, K, D]
    sim_scores = jnp.take(ii_constraint_mat, pos_items, axis=0)   # [B, K]
    inner = jnp.sum(user_embeds[:, None, :] * neighbor_embeds, axis=-1)  # [B, K]
    loss_I = jnp.sum(-sim_scores * jnp.log(jax.nn.sigmoid(inner)))

    return loss_L + GAMMA * norm + LAMBDA * loss_I


if False:  # reference __main__ guard neutralized (emitter)
    out = reference(**setup_inputs())
    print(out)

if __name__ == "__main__":
    import jax
    _d = setup_inputs()
    print(jax.jit(kernel)(*tuple(_d.values())))

</pallas_src>

<mosaic_0001>
#map = affine_map<(d0, d1) -> (0)>
#map1 = affine_map<(d0, d1) -> (0, 0)>
module attributes {stable_mosaic.version = 14 : i64} {
  func.func @_sc_body(%arg0: i32, %arg1: i32, %arg2: memref<4096xi32, #tpu.memory_space<hbm>>, %arg3: memref<4096xi32, #tpu.memory_space<hbm>>, %arg4: memref<4096x304xi32, #tpu.memory_space<hbm>>, %arg5: memref<1000000x64xf32, #tpu.memory_space<hbm>>, %arg6: memref<100000x64xf32, #tpu.memory_space<hbm>>, %arg7: memref<1000000x1xf32, #tpu.memory_space<hbm>>, %arg8: memref<100000x1xf32, #tpu.memory_space<hbm>>, %arg9: memref<100000x16xi32, #tpu.memory_space<hbm>>, %arg10: memref<100000x16xf32, #tpu.memory_space<hbm>>, %arg11: memref<4096x304xf32, #tpu.memory_space<hbm>>, %arg12: memref<4096xf32, #tpu.memory_space<hbm>>, %arg13: memref<4096x16xf32, #tpu.memory_space<hbm>>, %arg14: memref<4096x16xf32, #tpu.memory_space<hbm>>, %arg15: memref<4096x1xf32, #tpu.memory_space<hbm>>, %arg16: memref<4096x1xf32, #tpu.memory_space<hbm>>, %arg17: memref<128xi32, #tpu.memory_space<vmem>>, %arg18: memref<128xi32, #tpu.memory_space<vmem>>, %arg19: memref<128x64xf32, #tpu.memory_space<vmem>>, %arg20: memref<128x64xf32, #tpu.memory_space<vmem>>, %arg21: memref<128x304xi32, #tpu.memory_space<vmem>>, %arg22: memref<304x64xf32, #tpu.memory_space<vmem>>, %arg23: memref<304x64xf32, #tpu.memory_space<vmem>>, %arg24: memref<128x16xi32, #tpu.memory_space<vmem>>, %arg25: memref<16x64xf32, #tpu.memory_space<vmem>>, %arg26: memref<16x64xf32, #tpu.memory_space<vmem>>, %arg27: memref<128x16xf32, #tpu.memory_space<vmem>>, %arg28: memref<128x1xf32, #tpu.memory_space<vmem>>, %arg29: memref<128x1xf32, #tpu.memory_space<vmem>>, %arg30: memref<304xf32, #tpu.memory_space<vmem>>, %arg31: memref<304xf32, #tpu.memory_space<vmem>>, %arg32: memref<128x16xf32, #tpu.memory_space<vmem>>, %arg33: memref<128xf32, #tpu.memory_space<vmem>>, %arg34: memref<!tpu.dma_semaphore, #tpu.memory_space<semaphore_mem>>, %arg35: memref<!tpu.dma_semaphore, #tpu.memory_space<semaphore_mem>>, %arg36: memref<!tpu.dma_semaphore, #tpu.memory_space<semaphore_mem>>, %arg37: memref<!tpu.dma_semaphore, #tpu.memory_space<semaphore_mem>>, %arg38: memref<!tpu.dma_semaphore, #tpu.memory_space<semaphore_mem>>) attributes {dimension_semantics = [#tpu.dimension_semantics<core_parallel>, #tpu.dimension_semantics<subcore_parallel>], iteration_bounds = array<i64: 2, 16>, scalar_prefetch = 0 : i64, scratch_operands = 22 : i64, tpu.core_type = #tpu.core_type<sc_vector_subcore>, window_params = [{transform_indices = #map}, {transform_indices = #map}, {transform_indices = #map1}, {transform_indices = #map1}, {transform_indices = #map1}, {transform_indices = #map1}, {transform_indices = #map1}, {transform_indices = #map1}, {transform_indices = #map1}, {transform_indices = #map1}, {transform_indices = #map}, {transform_indices = #map1}, {transform_indices = #map1}, {transform_indices = #map1}, {transform_indices = #map1}]} {
    %mul3A = arith.constant 2 : i32
    %mul3A_0 = arith.muli %arg1, %mul3A : i32
    %add3A = arith.addi %mul3A_0, %arg0 : i32
    %mul3A_1 = arith.constant 128 : i32
    %mul3A_2 = arith.muli %add3A, %mul3A_1 : i32
    "tpu.region"() ({
      %run_scoped3A = tpu.sem_alloc : memref<!tpu.dma_semaphore, #tpu.memory_space<semaphore_mem>>
      %dma_start3A_94 = tpu.memref_slice %arg2[%mul3A_2] : memref<4096xi32, #tpu.memory_space<hbm>> -> memref<128xi32, #tpu.memory_space<hbm>>
      %dma_start3A_95 = tpu.memref_slice %arg2[%mul3A_2] : memref<4096xi32, #tpu.memory_space<hbm>> -> memref<128xi32, #tpu.memory_space<hbm>>
      tpu.enqueue_dma source(%dma_start3A_95 : memref<128xi32, #tpu.memory_space<hbm>>) target(%arg17 : memref<128xi32, #tpu.memory_space<vmem>>) target_semaphore(%run_scoped3A : memref<!tpu.dma_semaphore, #tpu.memory_space<semaphore_mem>>)
      %dma_wait3A_96 = tpu.memref_slice %arg2[%mul3A_2] : memref<4096xi32, #tpu.memory_space<hbm>> -> memref<128xi32, #tpu.memory_space<hbm>>
      %dma_wait3A_97 = tpu.memref_slice %arg2[%mul3A_2] : memref<4096xi32, #tpu.memory_space<hbm>> -> memref<128xi32, #tpu.memory_space<hbm>>
      tpu.wait_dma2 semaphore(%run_scoped3A : memref<!tpu.dma_semaphore, #tpu.memory_space<semaphore_mem>>) src(%dma_wait3A_97 : memref<128xi32, #tpu.memory_space<hbm>>) dst(%arg17 : memref<128xi32, #tpu.memory_space<vmem>>)
      tpu.yield
    }) : () -> ()
    "tpu.region"() ({
      %run_scoped3A = tpu.sem_alloc : memref<!tpu.dma_semaphore, #tpu.memory_space<semaphore_mem>>
      %dma_start3A_94 = tpu.memref_slice %arg3[%mul3A_2] : memref<4096xi32, #tpu.memory_space<hbm>> -> memref<128xi32, #tpu.memory_space<hbm>>
      %dma_start3A_95 = tpu.memref_slice %arg3[%mul3A_2] : memref<4096xi32, #tpu.memory_space<hbm>> -> memref<128xi32, #tpu.memory_space<hbm>>
      tpu.enqueue_dma source(%dma_start3A_95 : memref<128xi32, #tpu.memory_space<hbm>>) target(%arg18 : memref<128xi32, #tpu.memory_space<vmem>>) target_semaphore(%run_scoped3A : memref<!tpu.dma_semaphore, #tpu.memory_space<semaphore_mem>>)
      %dma_wait3A_96 = tpu.memref_slice %arg3[%mul3A_2] : memref<4096xi32, #tpu.memory_space<hbm>> -> memref<128xi32, #tpu.memory_space<hbm>>
      %dma_wait3A_97 = tpu.memref_slice %arg3[%mul3A_2] : memref<4096xi32, #tpu.memory_space<hbm>> -> memref<128xi32, #tpu.memory_space<hbm>>
      tpu.wait_dma2 semaphore(%run_scoped3A : memref<!tpu.dma_semaphore, #tpu.memory_space<semaphore_mem>>) src(%dma_wait3A_97 : memref<128xi32, #tpu.memory_space<hbm>>) dst(%arg18 : memref<128xi32, #tpu.memory_space<vmem>>)
      tpu.yield
    }) : () -> ()
    %dma_start3A = arith.constant 0 : i32
    %dma_start3A_3 = arith.constant 0 : i32
    %dma_start3A_4 = tpu.memref_slice %arg5[%dma_start3A, %dma_start3A_3] : memref<1000000x64xf32, #tpu.memory_space<hbm>> -> memref<1000000x64xf32, #tpu.memory_space<hbm>>
    tpu.enqueue_indirect_dma source(%dma_start3A_4 : memref<1000000x64xf32, #tpu.memory_space<hbm>>) target(%arg19 : memref<128x64xf32, #tpu.memory_space<vmem>>) offsets(%arg17 : memref<128xi32, #tpu.memory_space<vmem>>) semaphore(%arg34 : memref<!tpu.dma_semaphore, #tpu.memory_space<semaphore_mem>>)
    %dma_wait3A = arith.constant 0 : i32
    %dma_wait3A_5 = arith.constant 0 : i32
    %dma_wait3A_6 = tpu.memref_slice %arg5[%dma_wait3A, %dma_wait3A_5] : memref<1000000x64xf32, #tpu.memory_space<hbm>> -> memref<1000000x64xf32, #tpu.memory_space<hbm>>
    tpu.wait_indirect_dma semaphore(%arg34 : memref<!tpu.dma_semaphore, #tpu.memory_space<semaphore_mem>>) src(%dma_wait3A_6 : memref<1000000x64xf32, #tpu.memory_space<hbm>>) dst(%arg19 : memref<128x64xf32, #tpu.memory_space<vmem>>)
    %dma_start3A_7 = arith.constant 0 : i32
    %dma_start3A_8 = arith.constant 0 : i32
    %dma_start3A_9 = tpu.memref_slice %arg6[%dma_start3A_7, %dma_start3A_8] : memref<100000x64xf32, #tpu.memory_space<hbm>> -> memref<100000x64xf32, #tpu.memory_space<hbm>>
    tpu.enqueue_indirect_dma source(%dma_start3A_9 : memref<100000x64xf32, #tpu.memory_space<hbm>>) target(%arg20 : memref<128x64xf32, #tpu.memory_space<vmem>>) offsets(%arg18 : memref<128xi32, #tpu.memory_space<vmem>>) semaphore(%arg34 : memref<!tpu.dma_semaphore, #tpu.memory_space<semaphore_mem>>)
    %dma_wait3A_10 = arith.constant 0 : i32
    %dma_wait3A_11 = arith.constant 0 : i32
    %dma_wait3A_12 = tpu.memref_slice %arg6[%dma_wait3A_10, %dma_wait3A_11] : memref<100000x64xf32, #tpu.memory_space<hbm>> -> memref<100000x64xf32, #tpu.memory_space<hbm>>
    tpu.wait_indirect_dma semaphore(%arg34 : memref<!tpu.dma_semaphore, #tpu.memory_space<semaphore_mem>>) src(%dma_wait3A_12 : memref<100000x64xf32, #tpu.memory_space<hbm>>) dst(%arg20 : memref<128x64xf32, #tpu.memory_space<vmem>>)
    %dma_start3A_13 = arith.constant 0 : i32
    %dma_start3A_14 = arith.constant 0 : i32
    %dma_start3A_15 = tpu.memref_slice %arg7[%dma_start3A_13, %dma_start3A_14] : memref<1000000x1xf32, #tpu.memory_space<hbm>> -> memref<1000000x1xf32, #tpu.memory_space<hbm>>
    tpu.enqueue_indirect_dma source(%dma_start3A_15 : memref<1000000x1xf32, #tpu.memory_space<hbm>>) target(%arg28 : memref<128x1xf32, #tpu.memory_space<vmem>>) offsets(%arg17 : memref<128xi32, #tpu.memory_space<vmem>>) semaphore(%arg34 : memref<!tpu.dma_semaphore, #tpu.memory_space<semaphore_mem>>)
    %dma_wait3A_16 = arith.constant 0 : i32
    %dma_wait3A_17 = arith.constant 0 : i32
    %dma_wait3A_18 = tpu.memref_slice %arg7[%dma_wait3A_16, %dma_wait3A_17] : memref<1000000x1xf32, #tpu.memory_space<hbm>> -> memref<1000000x1xf32, #tpu.memory_space<hbm>>
    tpu.wait_indirect_dma semaphore(%arg34 : memref<!tpu.dma_semaphore, #tpu.memory_space<semaphore_mem>>) src(%dma_wait3A_18 : memref<1000000x1xf32, #tpu.memory_space<hbm>>) dst(%arg28 : memref<128x1xf32, #tpu.memory_space<vmem>>)
    %dma_start3A_19 = arith.constant 0 : i32
    %dma_start3A_20 = arith.constant 0 : i32
    %dma_start3A_21 = tpu.memref_slice %arg8[%dma_start3A_19, %dma_start3A_20] : memref<100000x1xf32, #tpu.memory_space<hbm>> -> memref<100000x1xf32, #tpu.memory_space<hbm>>
    tpu.enqueue_indirect_dma source(%dma_start3A_21 : memref<100000x1xf32, #tpu.memory_space<hbm>>) target(%arg29 : memref<128x1xf32, #tpu.memory_space<vmem>>) offsets(%arg18 : memref<128xi32, #tpu.memory_space<vmem>>) semaphore(%arg34 : memref<!tpu.dma_semaphore, #tpu.memory_space<semaphore_mem>>)
    %dma_wait3A_22 = arith.constant 0 : i32
    %dma_wait3A_23 = arith.constant 0 : i32
    %dma_wait3A_24 = tpu.memref_slice %arg8[%dma_wait3A_22, %dma_wait3A_23] : memref<100000x1xf32, #tpu.memory_space<hbm>> -> memref<100000x1xf32, #tpu.memory_space<hbm>>
    tpu.wait_indirect_dma semaphore(%arg34 : memref<!tpu.dma_semaphore, #tpu.memory_space<semaphore_mem>>) src(%dma_wait3A_24 : memref<100000x1xf32, #tpu.memory_space<hbm>>) dst(%arg29 : memref<128x1xf32, #tpu.memory_space<vmem>>)
    %dma_start3A_25 = arith.constant 0 : i32
    %dma_start3A_26 = arith.constant 0 : i32
    %dma_start3A_27 = tpu.memref_slice %arg9[%dma_start3A_25, %dma_start3A_26] : memref<100000x16xi32, #tpu.memory_space<hbm>> -> memref<100000x16xi32, #tpu.memory_space<hbm>>
    tpu.enqueue_indirect_dma source(%dma_start3A_27 : memref<100000x16xi32, #tpu.memory_space<hbm>>) target(%arg24 : memref<128x16xi32, #tpu.memory_space<vmem>>) offsets(%arg18 : memref<128xi32, #tpu.memory_space<vmem>>) semaphore(%arg34 : memref<!tpu.dma_semaphore, #tpu.memory_space<semaphore_mem>>)
    %dma_wait3A_28 = arith.constant 0 : i32
    %dma_wait3A_29 = arith.constant 0 : i32
    %dma_wait3A_30 = tpu.memref_slice %arg9[%dma_wait3A_28, %dma_wait3A_29] : memref<100000x16xi32, #tpu.memory_space<hbm>> -> memref<100000x16xi32, #tpu.memory_space<hbm>>
    tpu.wait_indirect_dma semaphore(%arg34 : memref<!tpu.dma_semaphore, #tpu.memory_space<semaphore_mem>>) src(%dma_wait3A_30 : memref<100000x16xi32, #tpu.memory_space<hbm>>) dst(%arg24 : memref<128x16xi32, #tpu.memory_space<vmem>>)
    %dma_start3A_31 = arith.constant 0 : i32
    %dma_start3A_32 = arith.constant 0 : i32
    %dma_start3A_33 = tpu.memref_slice %arg10[%dma_start3A_31, %dma_start3A_32] : memref<100000x16xf32, #tpu.memory_space<hbm>> -> memref<100000x16xf32, #tpu.memory_space<hbm>>
    tpu.enqueue_indirect_dma source(%dma_start3A_33 : memref<100000x16xf32, #tpu.memory_space<hbm>>) target(%arg27 : memref<128x16xf32, #tpu.memory_space<vmem>>) offsets(%arg18 : memref<128xi32, #tpu.memory_space<vmem>>) semaphore(%arg34 : memref<!tpu.dma_semaphore, #tpu.memory_space<semaphore_mem>>)
    %dma_wait3A_34 = arith.constant 0 : i32
    %dma_wait3A_35 = arith.constant 0 : i32
    %dma_wait3A_36 = tpu.memref_slice %arg10[%dma_wait3A_34, %dma_wait3A_35] : memref<100000x16xf32, #tpu.memory_space<hbm>> -> memref<100000x16xf32, #tpu.memory_space<hbm>>
    tpu.wait_indirect_dma semaphore(%arg34 : memref<!tpu.dma_semaphore, #tpu.memory_space<semaphore_mem>>) src(%dma_wait3A_36 : memref<100000x16xf32, #tpu.memory_space<hbm>>) dst(%arg27 : memref<128x16xf32, #tpu.memory_space<vmem>>)
    "tpu.region"() ({
      %run_scoped3A = tpu.sem_alloc : memref<!tpu.dma_semaphore, #tpu.memory_space<semaphore_mem>>
      %dma_start3A_94 = arith.constant 0 : i32
      %dma_start3A_95 = tpu.memref_slice %arg15[%mul3A_2, %dma_start3A_94] : memref<4096x1xf32, #tpu.memory_space<hbm>> -> memref<128x1xf32, #tpu.memory_space<hbm>>
      %dma_start3A_96 = arith.constant 0 : i32
      %dma_start3A_97 = tpu.memref_slice %arg15[%mul3A_2, %dma_start3A_96] : memref<4096x1xf32, #tpu.memory_space<hbm>> -> memref<128x1xf32, #tpu.memory_space<hbm>>
      tpu.enqueue_dma source(%arg28 : memref<128x1xf32, #tpu.memory_space<vmem>>) target(%dma_start3A_97 : memref<128x1xf32, #tpu.memory_space<hbm>>) target_semaphore(%run_scoped3A : memref<!tpu.dma_semaphore, #tpu.memory_space<semaphore_mem>>)
      %dma_wait3A_98 = arith.constant 0 : i32
      %dma_wait3A_99 = tpu.memref_slice %arg15[%mul3A_2, %dma_wait3A_98] : memref<4096x1xf32, #tpu.memory_space<hbm>> -> memref<128x1xf32, #tpu.memory_space<hbm>>
      %dma_wait3A_100 = arith.constant 0 : i32
      %dma_wait3A_101 = tpu.memref_slice %arg15[%mul3A_2, %dma_wait3A_100] : memref<4096x1xf32, #tpu.memory_space<hbm>> -> memref<128x1xf32, #tpu.memory_space<hbm>>
      tpu.wait_dma2 semaphore(%run_scoped3A : memref<!tpu.dma_semaphore, #tpu.memory_space<semaphore_mem>>) src(%arg28 : memref<128x1xf32, #tpu.memory_space<vmem>>) dst(%dma_wait3A_101 : memref<128x1xf32, #tpu.memory_space<hbm>>)
      tpu.yield
    }) : () -> ()
    "tpu.region"() ({
      %run_scoped3A = tpu.sem_alloc : memref<!tpu.dma_semaphore, #tpu.memory_space<semaphore_mem>>
      %dma_start3A_94 = arith.constant 0 : i32
      %dma_start3A_95 = tpu.memref_slice %arg16[%mul3A_2, %dma_start3A_94] : memref<4096x1xf32, #tpu.memory_space<hbm>> -> memref<128x1xf32, #tpu.memory_space<hbm>>
      %dma_start3A_96 = arith.constant 0 : i32
      %dma_start3A_97 = tpu.memref_slice %arg16[%mul3A_2, %dma_start3A_96] : memref<4096x1xf32, #tpu.memory_space<hbm>> -> memref<128x1xf32, #tpu.memory_space<hbm>>
      tpu.enqueue_dma source(%arg29 : memref<128x1xf32, #tpu.memory_space<vmem>>) target(%dma_start3A_97 : memref<128x1xf32, #tpu.memory_space<hbm>>) target_semaphore(%run_scoped3A : memref<!tpu.dma_semaphore, #tpu.memory_space<semaphore_mem>>)
      %dma_wait3A_98 = arith.constant 0 : i32
      %dma_wait3A_99 = tpu.memref_slice %arg16[%mul3A_2, %dma_wait3A_98] : memref<4096x1xf32, #tpu.memory_space<hbm>> -> memref<128x1xf32, #tpu.memory_space<hbm>>
      %dma_wait3A_100 = arith.constant 0 : i32
      %dma_wait3A_101 = tpu.memref_slice %arg16[%mul3A_2, %dma_wait3A_100] : memref<4096x1xf32, #tpu.memory_space<hbm>> -> memref<128x1xf32, #tpu.memory_space<hbm>>
      tpu.wait_dma2 semaphore(%run_scoped3A : memref<!tpu.dma_semaphore, #tpu.memory_space<semaphore_mem>>) src(%arg29 : memref<128x1xf32, #tpu.memory_space<vmem>>) dst(%dma_wait3A_101 : memref<128x1xf32, #tpu.memory_space<hbm>>)
      tpu.yield
    }) : () -> ()
    "tpu.region"() ({
      %run_scoped3A = tpu.sem_alloc : memref<!tpu.dma_semaphore, #tpu.memory_space<semaphore_mem>>
      %dma_start3A_94 = arith.constant 0 : i32
      %dma_start3A_95 = tpu.memref_slice %arg14[%mul3A_2, %dma_start3A_94] : memref<4096x16xf32, #tpu.memory_space<hbm>> -> memref<128x16xf32, #tpu.memory_space<hbm>>
      %dma_start3A_96 = arith.constant 0 : i32
      %dma_start3A_97 = tpu.memref_slice %arg14[%mul3A_2, %dma_start3A_96] : memref<4096x16xf32, #tpu.memory_space<hbm>> -> memref<128x16xf32, #tpu.memory_space<hbm>>
      tpu.enqueue_dma source(%arg27 : memref<128x16xf32, #tpu.memory_space<vmem>>) target(%dma_start3A_97 : memref<128x16xf32, #tpu.memory_space<hbm>>) target_semaphore(%run_scoped3A : memref<!tpu.dma_semaphore, #tpu.memory_space<semaphore_mem>>)
      %dma_wait3A_98 = arith.constant 0 : i32
      %dma_wait3A_99 = tpu.memref_slice %arg14[%mul3A_2, %dma_wait3A_98] : memref<4096x16xf32, #tpu.memory_space<hbm>> -> memref<128x16xf32, #tpu.memory_space<hbm>>
      %dma_wait3A_100 = arith.constant 0 : i32
      %dma_wait3A_101 = tpu.memref_slice %arg14[%mul3A_2, %dma_wait3A_100] : memref<4096x16xf32, #tpu.memory_space<hbm>> -> memref<128x16xf32, #tpu.memory_space<hbm>>
      tpu.wait_dma2 semaphore(%run_scoped3A : memref<!tpu.dma_semaphore, #tpu.memory_space<semaphore_mem>>) src(%arg27 : memref<128x16xf32, #tpu.memory_space<vmem>>) dst(%dma_wait3A_101 : memref<128x16xf32, #tpu.memory_space<hbm>>)
      tpu.yield
    }) : () -> ()
    %iota3A = tpu.iota {dimensions = array<i32: 0>} : vector<16xi32>
    %broadcast_in_dim3A = arith.constant 0.000000e+00 : f32
    %broadcast_in_dim3A_37 = vector.broadcast %broadcast_in_dim3A : f32 to vector<16xf32>
    "tpu.region"() ({
      %run_scoped3A = tpu.sem_alloc : memref<!tpu.dma_semaphore, #tpu.memory_space<semaphore_mem>>
      %dma_start3A_94 = arith.constant 0 : i32
      %dma_start3A_95 = tpu.memref_slice %arg4[%mul3A_2, %dma_start3A_94] : memref<4096x304xi32, #tpu.memory_space<hbm>> -> memref<128x304xi32, #tpu.memory_space<hbm>>
      %dma_start3A_96 = arith.constant 0 : i32
      %dma_start3A_97 = tpu.memref_slice %arg4[%mul3A_2, %dma_start3A_96] : memref<4096x304xi32, #tpu.memory_space<hbm>> -> memref<128x304xi32, #tpu.memory_space<hbm>>
      tpu.enqueue_dma source(%dma_start3A_97 : memref<128x304xi32, #tpu.memory_space<hbm>>) target(%arg21 : memref<128x304xi32, #tpu.memory_space<vmem>>) target_semaphore(%run_scoped3A : memref<!tpu.dma_semaphore, #tpu.memory_space<semaphore_mem>>)
      %dma_wait3A_98 = arith.constant 0 : i32
      %dma_wait3A_99 = tpu.memref_slice %arg4[%mul3A_2, %dma_wait3A_98] : memref<4096x304xi32, #tpu.memory_space<hbm>> -> memref<128x304xi32, #tpu.memory_space<hbm>>
      %dma_wait3A_100 = arith.constant 0 : i32
      %dma_wait3A_101 = tpu.memref_slice %arg4[%mul3A_2, %dma_wait3A_100] : memref<4096x304xi32, #tpu.memory_space<hbm>> -> memref<128x304xi32, #tpu.memory_space<hbm>>
      tpu.wait_dma2 semaphore(%run_scoped3A : memref<!tpu.dma_semaphore, #tpu.memory_space<semaphore_mem>>) src(%dma_wait3A_101 : memref<128x304xi32, #tpu.memory_space<hbm>>) dst(%arg21 : memref<128x304xi32, #tpu.memory_space<vmem>>)
      tpu.yield
    }) : () -> ()
    %dma_start3A_38 = arith.constant 0 : i32
    %dma_start3A_39 = arith.constant 0 : i32
    %dma_start3A_40 = arith.constant 0 : i32
    %dma_start3A_41 = tpu.memref_slice %arg22[%dma_start3A_39, %dma_start3A_40] : memref<304x64xf32, #tpu.memory_space<vmem>> -> memref<128x64xf32, #tpu.memory_space<vmem>>
    %dma_start3A_42 = arith.constant 0 : i32
    %dma_start3A_43 = tpu.memref_slice %arg21[%dma_start3A_38, %dma_start3A_42] : memref<128x304xi32, #tpu.memory_space<vmem>> -> memref<1x128xi32, #tpu.memory_space<vmem>>
    %dma_start3A_44 = tpu.memref_squeeze %dma_start3A_43 : memref<1x128xi32, #tpu.memory_space<vmem>> -> memref<128xi32, #tpu.memory_space<vmem>>
    %dma_start3A_45 = arith.constant 0 : i32
    %dma_start3A_46 = arith.constant 0 : i32
    %dma_start3A_47 = tpu.memref_slice %arg6[%dma_start3A_45, %dma_start3A_46] : memref<100000x64xf32, #tpu.memory_space<hbm>> -> memref<100000x64xf32, #tpu.memory_space<hbm>>
    tpu.enqueue_indirect_dma source(%dma_start3A_47 : memref<100000x64xf32, #tpu.memory_space<hbm>>) target(%dma_start3A_41 : memref<128x64xf32, #tpu.memory_space<vmem>>) offsets(%dma_start3A_44 : memref<128xi32, #tpu.memory_space<vmem>>) semaphore(%arg35 : memref<!tpu.dma_semaphore, #tpu.memory_space<semaphore_mem>>)
    %dma_start3A_48 = arith.constant 0 : i32
    %dma_start3A_49 = arith.constant 128 : i32
    %dma_start3A_50 = arith.constant 0 : i32
    %dma_start3A_51 = tpu.memref_slice %arg22[%dma_start3A_49, %dma_start3A_50] : memref<304x64xf32, #tpu.memory_space<vmem>> -> memref<128x64xf32, #tpu.memory_space<vmem>>
    %dma_start3A_52 = arith.constant 128 : i32
    %dma_start3A_53 = tpu.memref_slice %arg21[%dma_start3A_48, %dma_start3A_52] : memref<128x304xi32, #tpu.memory_space<vmem>> -> memref<1x128xi32, #tpu.memory_space<vmem>>
    %dma_start3A_54 = tpu.memref_squeeze %dma_start3A_53 : memref<1x128xi32, #tpu.memory_space<vmem>> -> memref<128xi32, #tpu.memory_space<vmem>>
    %dma_start3A_55 = arith.constant 0 : i32
    %dma_start3A_56 = arith.constant 0 : i32
    %dma_start3A_57 = tpu.memref_slice %arg6[%dma_start3A_55, %dma_start3A_56] : memref<100000x64xf32, #tpu.memory_space<hbm>> -> memref<100000x64xf32, #tpu.memory_space<hbm>>
    tpu.enqueue_indirect_dma source(%dma_start3A_57 : memref<100000x64xf32, #tpu.memory_space<hbm>>) target(%dma_start3A_51 : memref<128x64xf32, #tpu.memory_space<vmem>>) offsets(%dma_start3A_54 : memref<128xi32, #tpu.memory_space<vmem>>) semaphore(%arg35 : memref<!tpu.dma_semaphore, #tpu.memory_space<semaphore_mem>>)
    %dma_start3A_58 = arith.constant 0 : i32
    %dma_start3A_59 = arith.constant 256 : i32
    %dma_start3A_60 = arith.constant 0 : i32
    %dma_start3A_61 = tpu.memref_slice %arg22[%dma_start3A_59, %dma_start3A_60] : memref<304x64xf32, #tpu.memory_space<vmem>> -> memref<48x64xf32, #tpu.memory_space<vmem>>
    %dma_start3A_62 = arith.constant 256 : i32
    %dma_start3A_63 = tpu.memref_slice %arg21[%dma_start3A_58, %dma_start3A_62] : memref<128x304xi32, #tpu.memory_space<vmem>> -> memref<1x48xi32, #tpu.memory_space<vmem>>
    %dma_start3A_64 = tpu.memref_squeeze %dma_start3A_63 : memref<1x48xi32, #tpu.memory_space<vmem>> -> memref<48xi32, #tpu.memory_space<vmem>>
    %dma_start3A_65 = arith.constant 0 : i32
    %dma_start3A_66 = arith.constant 0 : i32
    %dma_start3A_67 = tpu.memref_slice %arg6[%dma_start3A_65, %dma_start3A_66] : memref<100000x64xf32, #tpu.memory_space<hbm>> -> memref<100000x64xf32, #tpu.memory_space<hbm>>
    tpu.enqueue_indirect_dma source(%dma_start3A_67 : memref<100000x64xf32, #tpu.memory_space<hbm>>) target(%dma_start3A_61 : memref<48x64xf32, #tpu.memory_space<vmem>>) offsets(%dma_start3A_64 : memref<48xi32, #tpu.memory_space<vmem>>) semaphore(%arg35 : memref<!tpu.dma_semaphore, #tpu.memory_space<semaphore_mem>>)
    %dma_start3A_68 = arith.constant 0 : i32
    %dma_start3A_69 = arith.constant 0 : i32
    %dma_start3A_70 = tpu.memref_slice %arg24[%dma_start3A_68, %dma_start3A_69] : memref<128x16xi32, #tpu.memory_space<vmem>> -> memref<1x16xi32, #tpu.memory_space<vmem>>
    %dma_start3A_71 = tpu.memref_squeeze %dma_start3A_70 : memref<1x16xi32, #tpu.memory_space<vmem>> -> memref<16xi32, #tpu.memory_space<vmem>>
    %dma_start3A_72 = arith.constant 0 : i32
    %dma_start3A_73 = arith.constant 0 : i32
    %dma_start3A_74 = tpu.memref_slice %arg6[%dma_start3A_72, %dma_start3A_73] : memref<100000x64xf32, #tpu.memory_space<hbm>> -> memref<100000x64xf32, #tpu.memory_space<hbm>>
    tpu.enqueue_indirect_dma source(%dma_start3A_74 : memref<100000x64xf32, #tpu.memory_space<hbm>>) target(%arg25 : memref<16x64xf32, #tpu.memory_space<vmem>>) offsets(%dma_start3A_71 : memref<16xi32, #tpu.memory_space<vmem>>) semaphore(%arg35 : memref<!tpu.dma_semaphore, #tpu.memory_space<semaphore_mem>>)
    %scan3A = arith.constant 0 : i32
    %scan3A_75 = arith.constant 64 : i32
    %scan3A_76 = arith.addi %scan3A, %scan3A_75 : i32
    %scan3A_77 = arith.constant 1 : i32
    %scan3A_78 = scf.for %scan3A_94 = %scan3A to %scan3A_76 step %scan3A_77 iter_args(%scan3A_95 = %broadcast_in_dim3A_37) -> (vector<16xf32>)  : i32 {
      %mul3A_96 = arith.constant 2 : i32
      %mul3A_97 = arith.muli %mul3A_96, %scan3A_94 : i32
      %add3A_98 = arith.constant 1 : i32
      %add3A_99 = arith.addi %mul3A_97, %add3A_98 : i32
      %dma_start3A_100 = arith.constant 0 : i32
      %dma_start3A_101 = arith.constant 0 : i32
      %dma_start3A_102 = tpu.memref_slice %arg23[%dma_start3A_100, %dma_start3A_101] : memref<304x64xf32, #tpu.memory_space<vmem>> -> memref<128x64xf32, #tpu.memory_space<vmem>>
      %dma_start3A_103 = arith.constant 0 : i32
      %dma_start3A_104 = tpu.memref_slice %arg21[%add3A_99, %dma_start3A_103] : memref<128x304xi32, #tpu.memory_space<vmem>> -> memref<1x128xi32, #tpu.memory_space<vmem>>
      %dma_start3A_105 = tpu.memref_squeeze %dma_start3A_104 : memref<1x128xi32, #tpu.memory_space<vmem>> -> memref<128xi32, #tpu.memory_space<vmem>>
      %dma_start3A_106 = arith.constant 0 : i32
      %dma_start3A_107 = arith.constant 0 : i32
      %dma_start3A_108 = tpu.memref_slice %arg6[%dma_start3A_106, %dma_start3A_107] : memref<100000x64xf32, #tpu.memory_space<hbm>> -> memref<100000x64xf32, #tpu.memory_space<hbm>>
      tpu.enqueue_indirect_dma source(%dma_start3A_108 : memref<100000x64xf32, #tpu.memory_space<hbm>>) target(%dma_start3A_102 : memref<128x64xf32, #tpu.memory_space<vmem>>) offsets(%dma_start3A_105 : memref<128xi32, #tpu.memory_space<vmem>>) semaphore(%arg36 : memref<!tpu.dma_semaphore, #tpu.memory_space<semaphore_mem>>)
      %dma_start3A_109 = arith.constant 128 : i32
      %dma_start3A_110 = arith.constant 0 : i32
      %dma_start3A_111 = tpu.memref_slice %arg23[%dma_start3A_109, %dma_start3A_110] : memref<304x64xf32, #tpu.memory_space<vmem>> -> memref<128x64xf32, #tpu.memory_space<vmem>>
      %dma_start3A_112 = arith.constant 128 : i32
      %dma_start3A_113 = tpu.memref_slice %arg21[%add3A_99, %dma_start3A_112] : memref<128x304xi32, #tpu.memory_space<vmem>> -> memref<1x128xi32, #tpu.memory_space<vmem>>
      %dma_start3A_114 = tpu.memref_squeeze %dma_start3A_113 : memref<1x128xi32, #tpu.memory_space<vmem>> -> memref<128xi32, #tpu.memory_space<vmem>>
      %dma_start3A_115 = arith.constant 0 : i32
      %dma_start3A_116 = arith.constant 0 : i32
      %dma_start3A_117 = tpu.memref_slice %arg6[%dma_start3A_115, %dma_start3A_116] : memref<100000x64xf32, #tpu.memory_space<hbm>> -> memref<100000x64xf32, #tpu.memory_space<hbm>>
      tpu.enqueue_indirect_dma source(%dma_start3A_117 : memref<100000x64xf32, #tpu.memory_space<hbm>>) target(%dma_start3A_111 : memref<128x64xf32, #tpu.memory_space<vmem>>) offsets(%dma_start3A_114 : memref<128xi32, #tpu.memory_space<vmem>>) semaphore(%arg36 : memref<!tpu.dma_semaphore, #tpu.memory_space<semaphore_mem>>)
      %dma_start3A_118 = arith.constant 256 : i32
      %dma_start3A_119 = arith.constant 0 : i32
      %dma_start3A_120 = tpu.memref_slice %arg23[%dma_start3A_118, %dma_start3A_119] : memref<304x64xf32, #tpu.memory_space<vmem>> -> memref<48x64xf32, #tpu.memory_space<vmem>>
      %dma_start3A_121 = arith.constant 256 : i32
      %dma_start3A_122 = tpu.memref_slice %arg21[%add3A_99, %dma_start3A_121] : memref<128x304xi32, #tpu.memory_space<vmem>> -> memref<1x48xi32, #tpu.memory_space<vmem>>
      %dma_start3A_123 = tpu.memref_squeeze %dma_start3A_122 : memref<1x48xi32, #tpu.memory_space<vmem>> -> memref<48xi32, #tpu.memory_space<vmem>>
      %dma_start3A_124 = arith.constant 0 : i32
      %dma_start3A_125 = arith.constant 0 : i32
      %dma_start3A_126 = tpu.memref_slice %arg6[%dma_start3A_124, %dma_start3A_125] : memref<100000x64xf32, #tpu.memory_space<hbm>> -> memref<100000x64xf32, #tpu.memory_space<hbm>>
      tpu.enqueue_indirect_dma source(%dma_start3A_126 : memref<100000x64xf32, #tpu.memory_space<hbm>>) target(%dma_start3A_120 : memref<48x64xf32, #tpu.memory_space<vmem>>) offsets(%dma_start3A_123 : memref<48xi32, #tpu.memory_space<vmem>>) semaphore(%arg36 : memref<!tpu.dma_semaphore, #tpu.memory_space<semaphore_mem>>)
      %dma_start3A_127 = arith.constant 0 : i32
      %dma_start3A_128 = tpu.memref_slice %arg24[%add3A_99, %dma_start3A_127] : memref<128x16xi32, #tpu.memory_space<vmem>> -> memref<1x16xi32, #tpu.memory_space<vmem>>
      %dma_start3A_129 = tpu.memref_squeeze %dma_start3A_128 : memref<1x16xi32, #tpu.memory_space<vmem>> -> memref<16xi32, #tpu.memory_space<vmem>>
      %dma_start3A_130 = arith.constant 0 : i32
      %dma_start3A_131 = arith.constant 0 : i32
      %dma_start3A_132 = tpu.memref_slice %arg6[%dma_start3A_130, %dma_start3A_131] : memref<100000x64xf32, #tpu.memory_space<hbm>> -> memref<100000x64xf32, #tpu.memory_space<hbm>>
      tpu.enqueue_indirect_dma source(%dma_start3A_132 : memref<100000x64xf32, #tpu.memory_space<hbm>>) target(%arg26 : memref<16x64xf32, #tpu.memory_space<vmem>>) offsets(%dma_start3A_129 : memref<16xi32, #tpu.memory_space<vmem>>) semaphore(%arg36 : memref<!tpu.dma_semaphore, #tpu.memory_space<semaphore_mem>>)
      %dma_wait3A_133 = arith.constant 0 : i32
      %dma_wait3A_134 = arith.constant 0 : i32
      %dma_wait3A_135 = tpu.memref_slice %arg6[%dma_wait3A_133, %dma_wait3A_134] : memref<100000x64xf32, #tpu.memory_space<hbm>> -> memref<304x64xf32, #tpu.memory_space<hbm>>
      %dma_wait3A_136 = arith.constant 0 : i32
      %dma_wait3A_137 = arith.constant 0 : i32
      %dma_wait3A_138 = tpu.memref_slice %arg6[%dma_wait3A_136, %dma_wait3A_137] : memref<100000x64xf32, #tpu.memory_space<hbm>> -> memref<304x64xf32, #tpu.memory_space<hbm>>
      tpu.wait_dma2 semaphore(%arg35 : memref<!tpu.dma_semaphore, #tpu.memory_space<semaphore_mem>>) src(%dma_wait3A_138 : memref<304x64xf32, #tpu.memory_space<hbm>>) dst(%arg22 : memref<304x64xf32, #tpu.memory_space<vmem>>)
      %dma_wait3A_139 = arith.constant 0 : i32
      %dma_wait3A_140 = arith.constant 0 : i32
      %dma_wait3A_141 = tpu.memref_slice %arg6[%dma_wait3A_139, %dma_wait3A_140] : memref<100000x64xf32, #tpu.memory_space<hbm>> -> memref<16x64xf32, #tpu.memory_space<hbm>>
      %dma_wait3A_142 = arith.constant 0 : i32
      %dma_wait3A_143 = arith.constant 0 : i32
      %dma_wait3A_144 = tpu.memref_slice %arg6[%dma_wait3A_142, %dma_wait3A_143] : memref<100000x64xf32, #tpu.memory_space<hbm>> -> memref<16x64xf32, #tpu.memory_space<hbm>>
      tpu.wait_dma2 semaphore(%arg35 : memref<!tpu.dma_semaphore, #tpu.memory_space<semaphore_mem>>) src(%dma_wait3A_144 : memref<16x64xf32, #tpu.memory_space<hbm>>) dst(%arg25 : memref<16x64xf32, #tpu.memory_space<vmem>>)
      %add3A_145 = arith.addi %mul3A_2, %mul3A_97 : i32
      %get3A = arith.index_cast %mul3A_97 : i32 to index
      %get3A_146 = arith.constant 0 : index
      %get3A_147 = tpu.vector_load %arg19[%get3A, %get3A_146] {strides = array<i32>} : memref<128x64xf32, #tpu.memory_space<vmem>>, vector<16xf32>,
      %get3A_148 = arith.index_cast %mul3A_97 : i32 to index
      %get3A_149 = arith.constant 16 : index
      %get3A_150 = tpu.vector_load %arg19[%get3A_148, %get3A_149] {strides = array<i32>} : memref<128x64xf32, #tpu.memory_space<vmem>>, vector<16xf32>,
      %get3A_151 = arith.index_cast %mul3A_97 : i32 to index
      %get3A_152 = arith.constant 32 : index
      %get3A_153 = tpu.vector_load %arg19[%get3A_151, %get3A_152] {strides = array<i32>} : memref<128x64xf32, #tpu.memory_space<vmem>>, vector<16xf32>,
      %get3A_154 = arith.index_cast %mul3A_97 : i32 to index
      %get3A_155 = arith.constant 48 : index
      %get3A_156 = tpu.vector_load %arg19[%get3A_154, %get3A_155] {strides = array<i32>} : memref<128x64xf32, #tpu.memory_space<vmem>>, vector<16xf32>,
      %ge3A = arith.constant 1 : i32
      %ge3A_157 = arith.cmpi sge, %scan3A_94, %ge3A : i32
      %convert_element_type3A = arith.extui %ge3A_157 : i1 to i32
      %cond3A = arith.constant 0 : i32
      %cond3A_158 = arith.cmpi ne, %convert_element_type3A, %cond3A : i32
      scf.if %cond3A_158 {
        %dma_wait3A_1369 = arith.constant 0 : i32
        %dma_wait3A_1370 = arith.constant 0 : i32
        %dma_wait3A_1371 = tpu.memref_slice %arg11[%dma_wait3A_1369, %dma_wait3A_1370] : memref<4096x304xf32, #tpu.memory_space<hbm>> -> memref<1x304xf32, #tpu.memory_space<hbm>>
        %dma_wait3A_1372 = tpu.memref_squeeze %dma_wait3A_1371 : memref<1x304xf32, #tpu.memory_space<hbm>> -> memref<304xf32, #tpu.memory_space<hbm>>
        %dma_wait3A_1373 = arith.constant 0 : i32
        %dma_wait3A_1374 = tpu.memref_slice %arg11[%dma_wait3A_1369, %dma_wait3A_1373] : memref<4096x304xf32, #tpu.memory_space<hbm>> -> memref<1x304xf32, #tpu.memory_space<hbm>>
        %dma_wait3A_1375 = tpu.memref_squeeze %dma_wait3A_1374 : memref<1x304xf32, #tpu.memory_space<hbm>> -> memref<304xf32, #tpu.memory_space<hbm>>
        tpu.wait_dma2 semaphore(%arg37 : memref<!tpu.dma_semaphore, #tpu.memory_space<semaphore_mem>>) src(%dma_wait3A_1375 : memref<304xf32, #tpu.memory_space<hbm>>) dst(%arg30 : memref<304xf32, #tpu.memory_space<vmem>>)
      } else {
      }
      %scan3A_159 = arith.constant 0 : i32
      %scan3A_160 = arith.constant 0 : i32
      %scan3A_161 = arith.constant 19 : i32
      %scan3A_162 = arith.addi %scan3A_160, %scan3A_161 : i32
      %scan3A_163 = arith.constant 1 : i32
      scf.for %scan3A_1369 = %scan3A_160 to %scan3A_162 step %scan3A_163  : i32 {
        %mul3A_1370 = arith.constant 16 : i32
        %mul3A_1371 = arith.muli %scan3A_1369, %mul3A_1370 : i32
        %eq3A_1372 = arith.constant 0 : i32
        %eq3A_1373 = vector.broadcast %eq3A_1372 : i32 to vector<16xi32>
        %eq3A_1374 = arith.cmpi eq, %iota3A, %eq3A_1373 : vector<16xi32>
        %add3A_1375 = arith.constant 0 : i32
        %add3A_1376 = arith.addi %mul3A_1371, %add3A_1375 : i32
        %get3A_1377 = arith.index_cast %add3A_1376 : i32 to index
        %get3A_1378 = arith.constant 0 : index
        %get3A_1379 = tpu.vector_load %arg22[%get3A_1377, %get3A_1378] {strides = array<i32>} : memref<304x64xf32, #tpu.memory_space<vmem>>, vector<16xf32>,
        %mul3A_1380 = arith.mulf %get3A_1379, %get3A_147 : vector<16xf32>
        %get3A_1381 = arith.index_cast %add3A_1376 : i32 to index
        %get3A_1382 = arith.constant 16 : index
        %get3A_1383 = tpu.vector_load %arg22[%get3A_1381, %get3A_1382] {strides = array<i32>} : memref<304x64xf32, #tpu.memory_space<vmem>>, vector<16xf32>,
        %mul3A_1384 = arith.mulf %get3A_1383, %get3A_150 : vector<16xf32>
        %add3A_1385 = arith.addf %mul3A_1380, %mul3A_1384 : vector<16xf32>
        %get3A_1386 = arith.index_cast %add3A_1376 : i32 to index
        %get3A_1387 = arith.constant 32 : index
        %get3A_1388 = tpu.vector_load %arg22[%get3A_1386, %get3A_1387] {strides = array<i32>} : memref<304x64xf32, #tpu.memory_space<vmem>>, vector<16xf32>,
        %mul3A_1389 = arith.mulf %get3A_1388, %get3A_153 : vector<16xf32>
        %add3A_1390 = arith.addf %add3A_1385, %mul3A_1389 : vector<16xf32>
        %get3A_1391 = arith.index_cast %add3A_1376 : i32 to index
        %get3A_1392 = arith.constant 48 : index
        %get3A_1393 = tpu.vector_load %arg22[%get3A_1391, %get3A_1392] {strides = array<i32>} : memref<304x64xf32, #tpu.memory_space<vmem>>, vector<16xf32>,
        %mul3A_1394 = arith.mulf %get3A_1393, %get3A_156 : vector<16xf32>
        %add3A_1395 = arith.addf %add3A_1390, %mul3A_1394 : vector<16xf32>
        %reduce_sum3A_1396 = arith.constant true
        %reduce_sum3A_1397 = vector.broadcast %reduce_sum3A_1396 : i1 to vector<16xi1>
        %reduce_sum3A_1398 = tpu.scan <sum>, %add3A_1395 masked %reduce_sum3A_1397 : vector<16xf32>, vector<16xi1> -> vector<16xf32>
        %reduce_sum3A_1399 = vector.extract %reduce_sum3A_1398[15] : f32 from vector<16xf32>
        %broadcast_in_dim3A_1400 = vector.broadcast %reduce_sum3A_1399 : f32 to vector<16xf32>
        %select_n3A_1401 = arith.select %eq3A_1374, %broadcast_in_dim3A_1400, %broadcast_in_dim3A_37 : vector<16xi1>, vector<16xf32>
        %eq3A_1402 = arith.constant 1 : i32
        %eq3A_1403 = vector.broadcast %eq3A_1402 : i32 to vector<16xi32>
        %eq3A_1404 = arith.cmpi eq, %iota3A, %eq3A_1403 : vector<16xi32>
        %add3A_1405 = arith.constant 1 : i32
        %add3A_1406 = arith.addi %mul3A_1371, %add3A_1405 : i32
        %get3A_1407 = arith.index_cast %add3A_1406 : i32 to index
        %get3A_1408 = arith.constant 0 : index
        %get3A_1409 = tpu.vector_load %arg22[%get3A_1407, %get3A_1408] {strides = array<i32>} : memref<304x64xf32, #tpu.memory_space<vmem>>, vector<16xf32>,
        %mul3A_1410 = arith.mulf %get3A_1409, %get3A_147 : vector<16xf32>
        %get3A_1411 = arith.index_cast %add3A_1406 : i32 to index
        %get3A_1412 = arith.constant 16 : index
        %get3A_1413 = tpu.vector_load %arg22[%get3A_1411, %get3A_1412] {strides = array<i32>} : memref<304x64xf32, #tpu.memory_space<vmem>>, vector<16xf32>,
        %mul3A_1414 = arith.mulf %get3A_1413, %get3A_150 : vector<16xf32>
        %add3A_1415 = arith.addf %mul3A_1410, %mul3A_1414 : vector<16xf32>
        %get3A_1416 = arith.index_cast %add3A_1406 : i32 to index
        %get3A_1417 = arith.constant 32 : index
        %get3A_1418 = tpu.vector_load %arg22[%get3A_1416, %get3A_1417] {strides = array<i32>} : memref<304x64xf32, #tpu.memory_space<vmem>>, vector<16xf32>,
        %mul3A_1419 = arith.mulf %get3A_1418, %get3A_153 : vector<16xf32>
        %add3A_1420 = arith.addf %add3A_1415, %mul3A_1419 : vector<16xf32>
        %get3A_1421 = arith.index_cast %add3A_1406 : i32 to index
        %get3A_1422 = arith.constant 48 : index
        %get3A_1423 = tpu.vector_load %arg22[%get3A_1421, %get3A_1422] {strides = array<i32>} : memref<304x64xf32, #tpu.memory_space<vmem>>, vector<16xf32>,
        %mul3A_1424 = arith.mulf %get3A_1423, %get3A_156 : vector<16xf32>
        %add3A_1425 = arith.addf %add3A_1420, %mul3A_1424 : vector<16xf32>
        %reduce_sum3A_1426 = arith.constant true
        %reduce_sum3A_1427 = vector.broadcast %reduce_sum3A_1426 : i1 to vector<16xi1>
        %reduce_sum3A_1428 = tpu.scan <sum>, %add3A_1425 masked %reduce_sum3A_1427 : vector<16xf32>, vector<16xi1> -> vector<16xf32>
        %reduce_sum3A_1429 = vector.extract %reduce_sum3A_1428[15] : f32 from vector<16xf32>
        %broadcast_in_dim3A_1430 = vector.broadcast %reduce_sum3A_1429 : f32 to vector<16xf32>
        %select_n3A_1431 = arith.select %eq3A_1404, %broadcast_in_dim3A_1430, %select_n3A_1401 : vector<16xi1>, vector<16xf32>
        %eq3A_1432 = arith.constant 2 : i32
        %eq3A_1433 = vector.broadcast %eq3A_1432 : i32 to vector<16xi32>
        %eq3A_1434 = arith.cmpi eq, %iota3A, %eq3A_1433 : vector<16xi32>
        %add3A_1435 = arith.constant 2 : i32
        %add3A_1436 = arith.addi %mul3A_1371, %add3A_1435 : i32
        %get3A_1437 = arith.index_cast %add3A_1436 : i32 to index
        %get3A_1438 = arith.constant 0 : index
        %get3A_1439 = tpu.vector_load %arg22[%get3A_1437, %get3A_1438] {strides = array<i32>} : memref<304x64xf32, #tpu.memory_space<vmem>>, vector<16xf32>,
        %mul3A_1440 = arith.mulf %get3A_1439, %get3A_147 : vector<16xf32>
        %get3A_1441 = arith.index_cast %add3A_1436 : i32 to index
        %get3A_1442 = arith.constant 16 : index
        %get3A_1443 = tpu.vector_load %arg22[%get3A_1441, %get3A_1442] {strides = array<i32>} : memref<304x64xf32, #tpu.memory_space<vmem>>, vector<16xf32>,
        %mul3A_1444 = arith.mulf %get3A_1443, %get3A_150 : vector<16xf32>
        %add3A_1445 = arith.addf %mul3A_1440, %mul3A_1444 : vector<16xf32>
        %get3A_1446 = arith.index_cast %add3A_1436 : i32 to index
        %get3A_1447 = arith.constant 32 : index
        %get3A_1448 = tpu.vector_load %arg22[%get3A_1446, %get3A_1447] {strides = array<i32>} : memref<304x64xf32, #tpu.memory_space<vmem>>, vector<16xf32>,
        %mul3A_1449 = arith.mulf %get3A_1448, %get3A_153 : vector<16xf32>
        %add3A_1450 = arith.addf %add3A_1445, %mul3A_1449 : vector<16xf32>
        %get3A_1451 = arith.index_cast %add3A_1436 : i32 to index
        %get3A_1452 = arith.constant 48 : index
        %get3A_1453 = tpu.vector_load %arg22[%get3A_1451, %get3A_1452] {strides = array<i32>} : memref<304x64xf32, #tpu.memory_space<vmem>>, vector<16xf32>,
        %mul3A_1454 = arith.mulf %get3A_1453, %get3A_156 : vector<16xf32>
        %add3A_1455 = arith.addf %add3A_1450, %mul3A_1454 : vector<16xf32>
        %reduce_sum3A_1456 = arith.constant true
        %reduce_sum3A_1457 = vector.broadcast %reduce_sum3A_1456 : i1 to vector<16xi1>
        %reduce_sum3A_1458 = tpu.scan <sum>, %add3A_1455 masked %reduce_sum3A_1457 : vector<16xf32>, vector<16xi1> -> vector<16xf32>
        %reduce_sum3A_1459 = vector.extract %reduce_sum3A_1458[15] : f32 from vector<16xf32>
        %broadcast_in_dim3A_1460 = vector.broadcast %reduce_sum3A_1459 : f32 to vector<16xf32>
        %select_n3A_1461 = arith.select %eq3A_1434, %broadcast_in_dim3A_1460, %select_n3A_1431 : vector<16xi1>, vector<16xf32>
        %eq3A_1462 = arith.constant 3 : i32
        %eq3A_1463 = vector.broadcast %eq3A_1462 : i32 to vector<16xi32>
        %eq3A_1464 = arith.cmpi eq, %iota3A, %eq3A_1463 : vector<16xi32>
        %add3A_1465 = arith.constant 3 : i32
        %add3A_1466 = arith.addi %mul3A_1371, %add3A_1465 : i32
        %get3A_1467 = arith.index_cast %add3A_1466 : i32 to index
        %get3A_1468 = arith.constant 0 : index
        %get3A_1469 = tpu.vector_load %arg22[%get3A_1467, %get3A_1468] {strides = array<i32>} : memref<304x64xf32, #tpu.memory_space<vmem>>, vector<16xf32>,
        %mul3A_1470 = arith.mulf %get3A_1469, %get3A_147 : vector<16xf32>
        %get3A_1471 = arith.index_cast %add3A_1466 : i32 to index
        %get3A_1472 = arith.constant 16 : index
        %get3A_1473 = tpu.vector_load %arg22[%get3A_1471, %get3A_1472] {strides = array<i32>} : memref<304x64xf32, #tpu.memory_space<vmem>>, vector<16xf32>,
        %mul3A_1474 = arith.mulf %get3A_1473, %get3A_150 : vector<16xf32>
        %add3A_1475 = arith.addf %mul3A_1470, %mul3A_1474 : vector<16xf32>
        %get3A_1476 = arith.index_cast %add3A_1466 : i32 to index
        %get3A_1477 = arith.constant 32 : index
        %get3A_1478 = tpu.vector_load %arg22[%get3A_1476, %get3A_1477] {strides = array<i32>} : memref<304x64xf32, #tpu.memory_space<vmem>>, vector<16xf32>,
        %mul3A_1479 = arith.mulf %get3A_1478, %get3A_153 : vector<16xf32>
        %add3A_1480 = arith.addf %add3A_1475, %mul3A_1479 : vector<16xf32>
        %get3A_1481 = arith.index_cast %add3A_1466 : i32 to index
        %get3A_1482 = arith.constant 48 : index
        %get3A_1483 = tpu.vector_load %arg22[%get3A_1481, %get3A_1482] {strides = array<i32>} : memref<304x64xf32, #tpu.memory_space<vmem>>, vector<16xf32>,
        %mul3A_1484 = arith.mulf %get3A_1483, %get3A_156 : vector<16xf32>
        %add3A_1485 = arith.addf %add3A_1480, %mul3A_1484 : vector<16xf32>
        %reduce_sum3A_1486 = arith.constant true
        %reduce_sum3A_1487 = vector.broadcast %reduce_sum3A_1486 : i1 to vector<16xi1>
        %reduce_sum3A_1488 = tpu.scan <sum>, %add3A_1485 masked %reduce_sum3A_1487 : vector<16xf32>, vector<16xi1> -> vector<16xf32>
        %reduce_sum3A_1489 = vector.extract %reduce_sum3A_1488[15] : f32 from vector<16xf32>
        %broadcast_in_dim3A_1490 = vector.broadcast %reduce_sum3A_1489 : f32 to vector<16xf32>
        %select_n3A_1491 = arith.select %eq3A_1464, %broadcast_in_dim3A_1490, %select_n3A_1461 : vector<16xi1>, vector<16xf32>
        %eq3A_1492 = arith.constant 4 : i32
        %eq3A_1493 = vector.broadcast %eq3A_1492 : i32 to vector<16xi32>
        %eq3A_1494 = arith.cmpi eq, %iota3A, %eq3A_1493 : vector<16xi32>
        %add3A_1495 = arith.constant 4 : i32
        %add3A_1496 = arith.addi %mul3A_1371, %add3A_1495 : i32
        %get3A_1497 = arith.index_cast %add3A_1496 : i32 to index
        %get3A_1498 = arith.constant 0 : index
        %get3A_1499 = tpu.vector_load %arg22[%get3A_1497, %get3A_1498] {strides = array<i32>} : memref<304x64xf32, #tpu.memory_space<vmem>>, vector<16xf32>,
        %mul3A_1500 = arith.mulf %get3A_1499, %get3A_147 : vector<16xf32>
        %get3A_1501 = arith.index_cast %add3A_1496 : i32 to index
        %get3A_1502 = arith.constant 16 : index
        %get3A_1503 = tpu.vector_load %arg22[%get3A_1501, %get3A_1502] {strides = array<i32>} : memref<304x64xf32, #tpu.memory_space<vmem>>, vector<16xf32>,
        %mul3A_1504 = arith.mulf %get3A_1503, %get3A_150 : vector<16xf32>
        %add3A_1505 = arith.addf %mul3A_1500, %mul3A_1504 : vector<16xf32>
        %get3A_1506 = arith.index_cast %add3A_1496 : i32 to index
        %get3A_1507 = arith.constant 32 : index
        %get3A_1508 = tpu.vector_load %arg22[%get3A_1506, %get3A_1507] {strides = array<i32>} : memref<304x64xf32, #tpu.memory_space<vmem>>, vector<16xf32>,
        %mul3A_1509 = arith.mulf %get3A_1508, %get3A_153 : vector<16xf32>
        %add3A_1510 = arith.addf %add3A_1505, %mul3A_1509 : vector<16xf32>
        %get3A_1511 = arith.index_cast %add3A_1496 : i32 to index
        %get3A_1512 = arith.constant 48 : index
        %get3A_1513 = tpu.vector_load %arg22[%get3A_1511, %get3A_1512] {strides = array<i32>} : memref<304x64xf32, #tpu.memory_space<vmem>>, vector<16xf32>,
        %mul3A_1514 = arith.mulf %get3A_1513, %get3A_156 : vector<16xf32>
        %add3A_1515 = arith.addf %add3A_1510, %mul3A_1514 : vector<16xf32>
        %reduce_sum3A_1516 = arith.constant true
        %reduce_sum3A_1517 = vector.broadcast %reduce_sum3A_1516 : i1 to vector<16xi1>
        %reduce_sum3A_1518 = tpu.scan <sum>, %add3A_1515 masked %reduce_sum3A_1517 : vector<16xf32>, vector<16xi1> -> vector<16xf32>
        %reduce_sum3A_1519 = vector.extract %reduce_sum3A_1518[15] : f32 from vector<16xf32>
        %broadcast_in_dim3A_1520 = vector.broadcast %reduce_sum3A_1519 : f32 to vector<16xf32>
        %select_n3A_1521 = arith.select %eq3A_1494, %broadcast_in_dim3A_1520, %select_n3A_1491 : vector<16xi1>, vector<16xf32>
        %eq3A_1522 = arith.constant 5 : i32
        %eq3A_1523 = vector.broadcast %eq3A_1522 : i32 to vector<16xi32>
        %eq3A_1524 = arith.cmpi eq, %iota3A, %eq3A_1523 : vector<16xi32>
        %add3A_1525 = arith.constant 5 : i32
        %add3A_1526 = arith.addi %mul3A_1371, %add3A_1525 : i32
        %get3A_1527 = arith.index_cast %add3A_1526 : i32 to index
        %get3A_1528 = arith.constant 0 : index
        %get3A_1529 = tpu.vector_load %arg22[%get3A_1527, %get3A_1528] {strides = array<i32>} : memref<304x64xf32, #tpu.memory_space<vmem>>, vector<16xf32>,
        %mul3A_1530 = arith.mulf %get3A_1529, %get3A_147 : vector<16xf32>
        %get3A_1531 = arith.index_cast %add3A_1526 : i32 to index
        %get3A_1532 = arith.constant 16 : index
        %get3A_1533 = tpu.vector_load %arg22[%get3A_1531, %get3A_1532] {strides = array<i32>} : memref<304x64xf32, #tpu.memory_space<vmem>>, vector<16xf32>,
        %mul3A_1534 = arith.mulf %get3A_1533, %get3A_150 : vector<16xf32>
        %add3A_1535 = arith.addf %mul3A_1530, %mul3A_1534 : vector<16xf32>
        %get3A_1536 = arith.index_cast %add3A_1526 : i32 to index
        %get3A_1537 = arith.constant 32 : index
        %get3A_1538 = tpu.vector_load %arg22[%get3A_1536, %get3A_1537] {strides = array<i32>} : memref<304x64xf32, #tpu.memory_space<vmem>>, vector<16xf32>,
        %mul3A_1539 = arith.mulf %get3A_1538, %get3A_153 : vector<16xf32>
        %add3A_1540 = arith.addf %add3A_1535, %mul3A_1539 : vector<16xf32>
        %get3A_1541 = arith.index_cast %add3A_1526 : i32 to index
        %get3A_1542 = arith.constant 48 : index
        %get3A_1543 = tpu.vector_load %arg22[%get3A_1541, %get3A_1542] {strides = array<i32>} : memref<304x64xf32, #tpu.memory_space<vmem>>, vector<16xf32>,
        %mul3A_1544 = arith.mulf %get3A_1543, %get3A_156 : vector<16xf32>
        %add3A_1545 = arith.addf %add3A_1540, %mul3A_1544 : vector<16xf32>
        %reduce_sum3A_1546 = arith.constant true
        %reduce_sum3A_1547 = vector.broadcast %reduce_sum3A_1546 : i1 to vector<16xi1>
        %reduce_sum3A_1548 = tpu.scan <sum>, %add3A_1545 masked %reduce_sum3A_1547 : vector<16xf32>, vector<16xi1> -> vector<16xf32>
        %reduce_sum3A_1549 = vector.extract %reduce_sum3A_1548[15] : f32 from vector<16xf32>
        %broadcast_in_dim3A_1550 = vector.broadcast %reduce_sum3A_1549 : f32 to vector<16xf32>
        %select_n3A_1551 = arith.select %eq3A_1524, %broadcast_in_dim3A_1550, %select_n3A_1521 : vector<16xi1>, vector<16xf32>
        %eq3A_1552 = arith.constant 6 : i32
        %eq3A_1553 = vector.broadcast %eq3A_1552 : i32 to vector<16xi32>
        %eq3A_1554 = arith.cmpi eq, %iota3A, %eq3A_1553 : vector<16xi32>
        %add3A_1555 = arith.constant 6 : i32
        %add3A_1556 = arith.addi %mul3A_1371, %add3A_1555 : i32
        %get3A_1557 = arith.index_cast %add3A_1556 : i32 to index
        %get3A_1558 = arith.constant 0 : index
        %get3A_1559 = tpu.vector_load %arg22[%get3A_1557, %get3A_1558] {strides = array<i32>} : memref<304x64xf32, #tpu.memory_space<vmem>>, vector<16xf32>,
        %mul3A_1560 = arith.mulf %get3A_1559, %get3A_147 : vector<16xf32>
        %get3A_1561 = arith.index_cast %add3A_1556 : i32 to index
        %get3A_1562 = arith.constant 16 : index
        %get3A_1563 = tpu.vector_load %arg22[%get3A_1561, %get3A_1562] {strides = array<i32>} : memref<304x64xf32, #tpu.memory_space<vmem>>, vector<16xf32>,
        %mul3A_1564 = arith.mulf %get3A_1563, %get3A_150 : vector<16xf32>
        %add3A_1565 = arith.addf %mul3A_1560, %mul3A_1564 : vector<16xf32>
        %get3A_1566 = arith.index_cast %add3A_1556 : i32 to index
        %get3A_1567 = arith.constant 32 : index
        %get3A_1568 = tpu.vector_load %arg22[%get3A_1566, %get3A_1567] {strides = array<i32>} : memref<304x64xf32, #tpu.memory_space<vmem>>, vector<16xf32>,
        %mul3A_1569 = arith.mulf %get3A_1568, %get3A_153 : vector<16xf32>
        %add3A_1570 = arith.addf %add3A_1565, %mul3A_1569 : vector<16xf32>
        %get3A_1571 = arith.index_cast %add3A_1556 : i32 to index
        %get3A_1572 = arith.constant 48 : index
        %get3A_1573 = tpu.vector_load %arg22[%get3A_1571, %get3A_1572] {strides = array<i32>} : memref<304x64xf32, #tpu.memory_space<vmem>>, vector<16xf32>,
        %mul3A_1574 = arith.mulf %get3A_1573, %get3A_156 : vector<16xf32>
        %add3A_1575 = arith.addf %add3A_1570, %mul3A_1574 : vector<16xf32>
        %reduce_sum3A_1576 = arith.constant true
        %reduce_sum3A_1577 = vector.broadcast %reduce_sum3A_1576 : i1 to vector<16xi1>
        %reduce_sum3A_1578 = tpu.scan <sum>, %add3A_1575 masked %reduce_sum3A_1577 : vector<16xf32>, vector<16xi1> -> vector<16xf32>
        %reduce_sum3A_1579 = vector.extract %reduce_sum3A_1578[15] : f32 from vector<16xf32>
        %broadcast_in_dim3A_1580 = vector.broadcast %reduce_sum3A_1579 : f32 to vector<16xf32>
        %select_n3A_1581 = arith.select %eq3A_1554, %broadcast_in_dim3A_1580, %select_n3A_1551 : vector<16xi1>, vector<16xf32>
        %eq3A_1582 = arith.constant 7 : i32
        %eq3A_1583 = vector.broadcast %eq3A_1582 : i32 to vector<16xi32>
        %eq3A_1584 = arith.cmpi eq, %iota3A, %eq3A_1583 : vector<16xi32>
        %add3A_1585 = arith.constant 7 : i32
        %add3A_1586 = arith.addi %mul3A_1371, %add3A_1585 : i32
        %get3A_1587 = arith.index_cast %add3A_1586 : i32 to index
        %get3A_1588 = arith.constant 0 : index
        %get3A_1589 = tpu.vector_load %arg22[%get3A_1587, %get3A_1588] {strides = array<i32>} : memref<304x64xf32, #tpu.memory_space<vmem>>, vector<16xf32>,
        %mul3A_1590 = arith.mulf %get3A_1589, %get3A_147 : vector<16xf32>
        %get3A_1591 = arith.index_cast %add3A_1586 : i32 to index
        %get3A_1592 = arith.constant 16 : index
        %get3A_1593 = tpu.vector_load %arg22[%get3A_1591, %get3A_1592] {strides = array<i32>} : memref<304x64xf32, #tpu.memory_space<vmem>>, vector<16xf32>,
        %mul3A_1594 = arith.mulf %get3A_1593, %get3A_150 : vector<16xf32>
        %add3A_1595 = arith.addf %mul3A_1590, %mul3A_1594 : vector<16xf32>
        %get3A_1596 = arith.index_cast %add3A_1586 : i32 to index
        %get3A_1597 = arith.constant 32 : index
        %get3A_1598 = tpu.vector_load %arg22[%get3A_1596, %get3A_1597] {strides = array<i32>} : memref<304x64xf32, #tpu.memory_space<vmem>>, vector<16xf32>,
        %mul3A_1599 = arith.mulf %get3A_1598, %get3A_153 : vector<16xf32>
        %add3A_1600 = arith.addf %add3A_1595, %mul3A_1599 : vector<16xf32>
        %get3A_1601 = arith.index_cast %add3A_1586 : i32 to index
        %get3A_1602 = arith.constant 48 : index
        %get3A_1603 = tpu.vector_load %arg22[%get3A_1601, %get3A_1602] {strides = array<i32>} : memref<304x64xf32, #tpu.memory_space<vmem>>, vector<16xf32>,
        %mul3A_1604 = arith.mulf %get3A_1603, %get3A_156 : vector<16xf32>
        %add3A_1605 = arith.addf %add3A_1600, %mul3A_1604 : vector<16xf32>
        %reduce_sum3A_1606 = arith.constant true
        %reduce_sum3A_1607 = vector.broadcast %reduce_sum3A_1606 : i1 to vector<16xi1>
        %reduce_sum3A_1608 = tpu.scan <sum>, %add3A_1605 masked %reduce_sum3A_1607 : vector<16xf32>, vector<16xi1> -> vector<16xf32>
        %reduce_sum3A_1609 = vector.extract %reduce_sum3A_1608[15] : f32 from vector<16xf32>
        %broadcast_in_dim3A_1610 = vector.broadcast %reduce_sum3A_1609 : f32 to vector<16xf32>
        %select_n3A_1611 = arith.select %eq3A_1584, %broadcast_in_dim3A_1610, %select_n3A_1581 : vector<16xi1>, vector<16xf32>
        %eq3A_1612 = arith.constant 8 : i32
        %eq3A_1613 = vector.broadcast %eq3A_1612 : i32 to vector<16xi32>
        %eq3A_1614 = arith.cmpi eq, %iota3A, %eq3A_1613 : vector<16xi32>
        %add3A_1615 = arith.constant 8 : i32
        %add3A_1616 = arith.addi %mul3A_1371, %add3A_1615 : i32
        %get3A_1617 = arith.index_cast %add3A_1616 : i32 to index
        %get3A_1618 = arith.constant 0 : index
        %get3A_1619 = tpu.vector_load %arg22[%get3A_1617, %get3A_1618] {strides = array<i32>} : memref<304x64xf32, #tpu.memory_space<vmem>>, vector<16xf32>,
        %mul3A_1620 = arith.mulf %get3A_1619, %get3A_147 : vector<16xf32>
        %get3A_1621 = arith.index_cast %add3A_1616 : i32 to index
        %get3A_1622 = arith.constant 16 : index
        %get3A_1623 = tpu.vector_load %arg22[%get3A_1621, %get3A_1622] {strides = array<i32>} : memref<304x64xf32, #tpu.memory_space<vmem>>, vector<16xf32>,
        %mul3A_1624 = arith.mulf %get3A_1623, %get3A_150 : vector<16xf32>
        %add3A_1625 = arith.addf %mul3A_1620, %mul3A_1624 : vector<16xf32>
        %get3A_1626 = arith.index_cast %add3A_1616 : i32 to index
        %get3A_1627 = arith.constant 32 : index
        %get3A_1628 = tpu.vector_load %arg22[%get3A_1626, %get3A_1627] {strides = array<i32>} : memref<304x64xf32, #tpu.memory_space<vmem>>, vector<16xf32>,
        %mul3A_1629 = arith.mulf %get3A_1628, %get3A_153 : vector<16xf32>
        %add3A_1630 = arith.addf %add3A_1625, %mul3A_1629 : vector<16xf32>
        %get3A_1631 = arith.index_cast %add3A_1616 : i32 to index
        %get3A_1632 = arith.constant 48 : index
        %get3A_1633 = tpu.vector_load %arg22[%get3A_1631, %get3A_1632] {strides = array<i32>} : memref<304x64xf32, #tpu.memory_space<vmem>>, vector<16xf32>,
        %mul3A_1634 = arith.mulf %get3A_1633, %get3A_156 : vector<16xf32>
        %add3A_1635 = arith.addf %add3A_1630, %mul3A_1634 : vector<16xf32>
        %reduce_sum3A_1636 = arith.constant true
        %reduce_sum3A_1637 = vector.broadcast %reduce_sum3A_1636 : i1 to vector<16xi1>
        %reduce_sum3A_1638 = tpu.scan <sum>, %add3A_1635 masked %reduce_sum3A_1637 : vector<16xf32>, vector<16xi1> -> vector<16xf32>
        %reduce_sum3A_1639 = vector.extract %reduce_sum3A_1638[15] : f32 from vector<16xf32>
        %broadcast_in_dim3A_1640 = vector.broadcast %reduce_sum3A_1639 : f32 to vector<16xf32>
        %select_n3A_1641 = arith.select %eq3A_1614, %broadcast_in_dim3A_1640, %select_n3A_1611 : vector<16xi1>, vector<16xf32>
        %eq3A_1642 = arith.constant 9 : i32
        %eq3A_1643 = vector.broadcast %eq3A_1642 : i32 to vector<16xi32>
        %eq3A_1644 = arith.cmpi eq, %iota3A, %eq3A_1643 : vector<16xi32>
        %add3A_1645 = arith.constant 9 : i32
        %add3A_1646 = arith.addi %mul3A_1371, %add3A_1645 : i32
        %get3A_1647 = arith.index_cast %add3A_1646 : i32 to index
        %get3A_1648 = arith.constant 0 : index
        %get3A_1649 = tpu.vector_load %arg22[%get3A_1647, %get3A_1648] {strides = array<i32>} : memref<304x64xf32, #tpu.memory_space<vmem>>, vector<16xf32>,
        %mul3A_1650 = arith.mulf %get3A_1649, %get3A_147 : vector<16xf32>
        %get3A_1651 = arith.index_cast %add3A_1646 : i32 to index
        %get3A_1652 = arith.constant 16 : index
        %get3A_1653 = tpu.vector_load %arg22[%get3A_1651, %get3A_1652] {strides = array<i32>} : memref<304x64xf32, #tpu.memory_space<vmem>>, vector<16xf32>,
        %mul3A_1654 = arith.mulf %get3A_1653, %get3A_150 : vector<16xf32>
        %add3A_1655 = arith.addf %mul3A_1650, %mul3A_1654 : vector<16xf32>
        %get3A_1656 = arith.index_cast %add3A_1646 : i32 to index
        %get3A_1657 = arith.constant 32 : index
        %get3A_1658 = tpu.vector_load %arg22[%get3A_1656, %get3A_1657] {strides = array<i32>} : memref<304x64xf32, #tpu.memory_space<vmem>>, vector<16xf32>,
        %mul3A_1659 = arith.mulf %get3A_1658, %get3A_153 : vector<16xf32>
        %add3A_1660 = arith.addf %add3A_1655, %mul3A_1659 : vector<16xf32>
        %get3A_1661 = arith.index_cast %add3A_1646 : i32 to index
        %get3A_1662 = arith.constant 48 : index
        %get3A_1663 = tpu.vector_load %arg22[%get3A_1661, %get3A_1662] {strides = array<i32>} : memref<304x64xf32, #tpu.memory_space<vmem>>, vector<16xf32>,
        %mul3A_1664 = arith.mulf %get3A_1663, %get3A_156 : vector<16xf32>
        %add3A_1665 = arith.addf %add3A_1660, %mul3A_1664 : vector<16xf32>
        %reduce_sum3A_1666 = arith.constant true
        %reduce_sum3A_1667 = vector.broadcast %reduce_sum3A_1666 : i1 to vector<16xi1>
        %reduce_sum3A_1668 = tpu.scan <sum>, %add3A_1665 masked %reduce_sum3A_1667 : vector<16xf32>, vector<16xi1> -> vector<16xf32>
        %reduce_sum3A_1669 = vector.extract %reduce_sum3A_1668[15] : f32 from vector<16xf32>
        %broadcast_in_dim3A_1670 = vector.broadcast %reduce_sum3A_1669 : f32 to vector<16xf32>
        %select_n3A_1671 = arith.select %eq3A_1644, %broadcast_in_dim3A_1670, %select_n3A_1641 : vector<16xi1>, vector<16xf32>
        %eq3A_1672 = arith.constant 10 : i32
        %eq3A_1673 = vector.broadcast %eq3A_1672 : i32 to vector<16xi32>
        %eq3A_1674 = arith.cmpi eq, %iota3A, %eq3A_1673 : vector<16xi32>
        %add3A_1675 = arith.constant 10 : i32
        %add3A_1676 = arith.addi %mul3A_1371, %add3A_1675 : i32
        %get3A_1677 = arith.index_cast %add3A_1676 : i32 to index
        %get3A_1678 = arith.constant 0 : index
        %get3A_1679 = tpu.vector_load %arg22[%get3A_1677, %get3A_1678] {strides = array<i32>} : memref<304x64xf32, #tpu.memory_space<vmem>>, vector<16xf32>,
        %mul3A_1680 = arith.mulf %get3A_1679, %get3A_147 : vector<16xf32>
        %get3A_1681 = arith.index_cast %add3A_1676 : i32 to index
        %get3A_1682 = arith.constant 16 : index
        %get3A_1683 = tpu.vector_load %arg22[%get3A_1681, %get3A_1682] {strides = array<i32>} : memref<304x64xf32, #tpu.memory_space<vmem>>, vector<16xf32>,
        %mul3A_1684 = arith.mulf %get3A_1683, %get3A_150 : vector<16xf32>
        %add3A_1685 = arith.addf %mul3A_1680, %mul3A_1684 : vector<16xf32>
        %get3A_1686 = arith.index_cast %add3A_1676 : i32 to index
        %get3A_1687 = arith.constant 32 : index
        %get3A_1688 = tpu.vector_load %arg22[%get3A_1686, %get3A_1687] {strides = array<i32>} : memref<304x64xf32, #tpu.memory_space<vmem>>, vector<16xf32>,
        %mul3A_1689 = arith.mulf %get3A_1688, %get3A_153 : vector<16xf32>
        %add3A_1690 = arith.addf %add3A_1685, %mul3A_1689 : vector<16xf32>
        %get3A_1691 = arith.index_cast %add3A_1676 : i32 to index
        %get3A_1692 = arith.constant 48 : index
        %get3A_1693 = tpu.vector_load %arg22[%get3A_1691, %get3A_1692] {strides = array<i32>} : memref<304x64xf32, #tpu.memory_space<vmem>>, vector<16xf32>,
        %mul3A_1694 = arith.mulf %get3A_1693, %get3A_156 : vector<16xf32>
        %add3A_1695 = arith.addf %add3A_1690, %mul3A_1694 : vector<16xf32>
        %reduce_sum3A_1696 = arith.constant true
        %reduce_sum3A_1697 = vector.broadcast %reduce_sum3A_1696 : i1 to vector<16xi1>
        %reduce_sum3A_1698 = tpu.scan <sum>, %add3A_1695 masked %reduce_sum3A_1697 : vector<16xf32>, vector<16xi1> -> vector<16xf32>
        %reduce_sum3A_1699 = vector.extract %reduce_sum3A_1698[15] : f32 from vector<16xf32>
        %broadcast_in_dim3A_1700 = vector.broadcast %reduce_sum3A_1699 : f32 to vector<16xf32>
        %select_n3A_1701 = arith.select %eq3A_1674, %broadcast_in_dim3A_1700, %select_n3A_1671 : vector<16xi1>, vector<16xf32>
        %eq3A_1702 = arith.constant 11 : i32
        %eq3A_1703 = vector.broadcast %eq3A_1702 : i32 to vector<16xi32>
        %eq3A_1704 = arith.cmpi eq, %iota3A, %eq3A_1703 : vector<16xi32>
        %add3A_1705 = arith.constant 11 : i32
        %add3A_1706 = arith.addi %mul3A_1371, %add3A_1705 : i32
        %get3A_1707 = arith.index_cast %add3A_1706 : i32 to index
        %get3A_1708 = arith.constant 0 : index
        %get3A_1709 = tpu.vector_load %arg22[%get3A_1707, %get3A_1708] {strides = array<i32>} : memref<304x64xf32, #tpu.memory_space<vmem>>, vector<16xf32>,
        %mul3A_1710 = arith.mulf %get3A_1709, %get3A_147 : vector<16xf32>
        %get3A_1711 = arith.index_cast %add3A_1706 : i32 to index
        %get3A_1712 = arith.constant 16 : index
        %get3A_1713 = tpu.vector_load %arg22[%get3A_1711, %get3A_1712] {strides = array<i32>} : memref<304x64xf32, #tpu.memory_space<vmem>>, vector<16xf32>,
        %mul3A_1714 = arith.mulf %get3A_1713, %get3A_150 : vector<16xf32>
        %add3A_1715 = arith.addf %mul3A_1710, %mul3A_1714 : vector<16xf32>
        %get3A_1716 = arith.index_cast %add3A_1706 : i32 to index
        %get3A_1717 = arith.constant 32 : index
        %get3A_1718 = tpu.vector_load %arg22[%get3A_1716, %get3A_1717] {strides = array<i32>} : memref<304x64xf32, #tpu.memory_space<vmem>>, vector<16xf32>,
        %mul3A_1719 = arith.mulf %get3A_1718, %get3A_153 : vector<16xf32>
        %add3A_1720 = arith.addf %add3A_1715, %mul3A_1719 : vector<16xf32>
        %get3A_1721 = arith.index_cast %add3A_1706 : i32 to index
        %get3A_1722 = arith.constant 48 : index
        %get3A_1723 = tpu.vector_load %arg22[%get3A_1721, %get3A_1722] {strides = array<i32>} : memref<304x64xf32, #tpu.memory_space<vmem>>, vector<16xf32>,
        %mul3A_1724 = arith.mulf %get3A_1723, %get3A_156 : vector<16xf32>
        %add3A_1725 = arith.addf %add3A_1720, %mul3A_1724 : vector<16xf32>
        %reduce_sum3A_1726 = arith.constant true
        %reduce_sum3A_1727 = vector.broadcast %reduce_sum3A_1726 : i1 to vector<16xi1>
        %reduce_sum3A_1728 = tpu.scan <sum>, %add3A_1725 masked %reduce_sum3A_1727 : vector<16xf32>, vector<16xi1> -> vector<16xf32>
        %reduce_sum3A_1729 = vector.extract %reduce_sum3A_1728[15] : f32 from vector<16xf32>
        %broadcast_in_dim3A_1730 = vector.broadcast %reduce_sum3A_1729 : f32 to vector<16xf32>
        %select_n3A_1731 = arith.select %eq3A_1704, %broadcast_in_dim3A_1730, %select_n3A_1701 : vector<16xi1>, vector<16xf32>
        %eq3A_1732 = arith.constant 12 : i32
        %eq3A_1733 = vector.broadcast %eq3A_1732 : i32 to vector<16xi32>
        %eq3A_1734 = arith.cmpi eq, %iota3A, %eq3A_1733 : vector<16xi32>
        %add3A_1735 = arith.constant 12 : i32
        %add3A_1736 = arith.addi %mul3A_1371, %add3A_1735 : i32
        %get3A_1737 = arith.index_cast %add3A_1736 : i32 to index
        %get3A_1738 = arith.constant 0 : index
        %get3A_1739 = tpu.vector_load %arg22[%get3A_1737, %get3A_1738] {strides = array<i32>} : memref<304x64xf32, #tpu.memory_space<vmem>>, vector<16xf32>,
        %mul3A_1740 = arith.mulf %get3A_1739, %get3A_147 : vector<16xf32>
        %get3A_1741 = arith.index_cast %add3A_1736 : i32 to index
        %get3A_1742 = arith.constant 16 : index
        %get3A_1743 = tpu.vector_load %arg22[%get3A_1741, %get3A_1742] {strides = array<i32>} : memref<304x64xf32, #tpu.memory_space<vmem>>, vector<16xf32>,
        %mul3A_1744 = arith.mulf %get3A_1743, %get3A_150 : vector<16xf32>
        %add3A_1745 = arith.addf %mul3A_1740, %mul3A_1744 : vector<16xf32>
        %get3A_1746 = arith.index_cast %add3A_1736 : i32 to index
        %get3A_1747 = arith.constant 32 : index
        %get3A_1748 = tpu.vector_load %arg22[%get3A_1746, %get3A_1747] {strides = array<i32>} : memref<304x64xf32, #tpu.memory_space<vmem>>, vector<16xf32>,
        %mul3A_1749 = arith.mulf %get3A_1748, %get3A_153 : vector<16xf32>
        %add3A_1750 = arith.addf %add3A_1745, %mul3A_1749 : vector<16xf32>
        %get3A_1751 = arith.index_cast %add3A_1736 : i32 to index
        %get3A_1752 = arith.constant 48 : index
        %get3A_1753 = tpu.vector_load %arg22[%get3A_1751, %get3A_1752] {strides = array<i32>} : memref<304x64xf32, #tpu.memory_space<vmem>>, vector<16xf32>,
        %mul3A_1754 = arith.mulf %get3A_1753, %get3A_156 : vector<16xf32>
        %add3A_1755 = arith.addf %add3A_1750, %mul3A_1754 : vector<16xf32>
        %reduce_sum3A_1756 = arith.constant true
        %reduce_sum3A_1757 = vector.broadcast %reduce_sum3A_1756 : i1 to vector<16xi1>
        %reduce_sum3A_1758 = tpu.scan <sum>, %add3A_1755 masked %reduce_sum3A_1757 : vector<16xf32>, vector<16xi1> -> vector<16xf32>
        %reduce_sum3A_1759 = vector.extract %reduce_sum3A_1758[15] : f32 from vector<16xf32>
        %broadcast_in_dim3A_1760 = vector.broadcast %reduce_sum3A_1759 : f32 to vector<16xf32>
        %select_n3A_1761 = arith.select %eq3A_1734, %broadcast_in_dim3A_1760, %select_n3A_1731 : vector<16xi1>, vector<16xf32>
        %eq3A_1762 = arith.constant 13 : i32
        %eq3A_1763 = vector.broadcast %eq3A_1762 : i32 to vector<16xi32>
        %eq3A_1764 = arith.cmpi eq, %iota3A, %eq3A_1763 : vector<16xi32>
        %add3A_1765 = arith.constant 13 : i32
        %add3A_1766 = arith.addi %mul3A_1371, %add3A_1765 : i32
        %get3A_1767 = arith.index_cast %add3A_1766 : i32 to index
        %get3A_1768 = arith.constant 0 : index
        %get3A_1769 = tpu.vector_load %arg22[%get3A_1767, %get3A_1768] {strides = array<i32>} : memref<304x64xf32, #tpu.memory_space<vmem>>, vector<16xf32>,
        %mul3A_1770 = arith.mulf %get3A_1769, %get3A_147 : vector<16xf32>
        %get3A_1771 = arith.index_cast %add3A_1766 : i32 to index
        %get3A_1772 = arith.constant 16 : index
        %get3A_1773 = tpu.vector_load %arg22[%get3A_1771, %get3A_1772] {strides = array<i32>} : memref<304x64xf32, #tpu.memory_space<vmem>>, vector<16xf32>,
        %mul3A_1774 = arith.mulf %get3A_1773, %get3A_150 : vector<16xf32>
        %add3A_1775 = arith.addf %mul3A_1770, %mul3A_1774 : vector<16xf32>
        %get3A_1776 = arith.index_cast %add3A_1766 : i32 to index
        %get3A_1777 = arith.constant 32 : index
        %get3A_1778 = tpu.vector_load %arg22[%get3A_1776, %get3A_1777] {strides = array<i32>} : memref<304x64xf32, #tpu.memory_space<vmem>>, vector<16xf32>,
        %mul3A_1779 = arith.mulf %get3A_1778, %get3A_153 : vector<16xf32>
        %add3A_1780 = arith.addf %add3A_1775, %mul3A_1779 : vector<16xf32>
        %get3A_1781 = arith.index_cast %add3A_1766 : i32 to index
        %get3A_1782 = arith.constant 48 : index
        %get3A_1783 = tpu.vector_load %arg22[%get3A_1781, %get3A_1782] {strides = array<i32>} : memref<304x64xf32, #tpu.memory_space<vmem>>, vector<16xf32>,
        %mul3A_1784 = arith.mulf %get3A_1783, %get3A_156 : vector<16xf32>
        %add3A_1785 = arith.addf %add3A_1780, %mul3A_1784 : vector<16xf32>
        %reduce_sum3A_1786 = arith.constant true
        %reduce_sum3A_1787 = vector.broadcast %reduce_sum3A_1786 : i1 to vector<16xi1>
        %reduce_sum3A_1788 = tpu.scan <sum>, %add3A_1785 masked %reduce_sum3A_1787 : vector<16xf32>, vector<16xi1> -> vector<16xf32>
        %reduce_sum3A_1789 = vector.extract %reduce_sum3A_1788[15] : f32 from vector<16xf32>
        %broadcast_in_dim3A_1790 = vector.broadcast %reduce_sum3A_1789 : f32 to vector<16xf32>
        %select_n3A_1791 = arith.select %eq3A_1764, %broadcast_in_dim3A_1790, %select_n3A_1761 : vector<16xi1>, vector<16xf32>
        %eq3A_1792 = arith.constant 14 : i32
        %eq3A_1793 = vector.broadcast %eq3A_1792 : i32 to vector<16xi32>
        %eq3A_1794 = arith.cmpi eq, %iota3A, %eq3A_1793 : vector<16xi32>
        %add3A_1795 = arith.constant 14 : i32
        %add3A_1796 = arith.addi %mul3A_1371, %add3A_1795 : i32
        %get3A_1797 = arith.index_cast %add3A_1796 : i32 to index
        %get3A_1798 = arith.constant 0 : index
        %get3A_1799 = tpu.vector_load %arg22[%get3A_1797, %get3A_1798] {strides = array<i32>} : memref<304x64xf32, #tpu.memory_space<vmem>>, vector<16xf32>,
        %mul3A_1800 = arith.mulf %get3A_1799, %get3A_147 : vector<16xf32>
        %get3A_1801 = arith.index_cast %add3A_1796 : i32 to index
        %get3A_1802 = arith.constant 16 : index
        %get3A_1803 = tpu.vector_load %arg22[%get3A_1801, %get3A_1802] {strides = array<i32>} : memref<304x64xf32, #tpu.memory_space<vmem>>, vector<16xf32>,
        %mul3A_1804 = arith.mulf %get3A_1803, %get3A_150 : vector<16xf32>
        %add3A_1805 = arith.addf %mul3A_1800, %mul3A_1804 : vector<16xf32>
        %get3A_1806 = arith.index_cast %add3A_1796 : i32 to index
        %get3A_1807 = arith.constant 32 : index
        %get3A_1808 = tpu.vector_load %arg22[%get3A_1806, %get3A_1807] {strides = array<i32>} : memref<304x64xf32, #tpu.memory_space<vmem>>, vector<16xf32>,
        %mul3A_1809 = arith.mulf %get3A_1808, %get3A_153 : vector<16xf32>
        %add3A_1810 = arith.addf %add3A_1805, %mul3A_1809 : vector<16xf32>
        %get3A_1811 = arith.index_cast %add3A_1796 : i32 to index
        %get3A_1812 = arith.constant 48 : index
        %get3A_1813 = tpu.vector_load %arg22[%get3A_1811, %get3A_1812] {strides = array<i32>} : memref<304x64xf32, #tpu.memory_space<vmem>>, vector<16xf32>,
        %mul3A_1814 = arith.mulf %get3A_1813, %get3A_156 : vector<16xf32>
        %add3A_1815 = arith.addf %add3A_1810, %mul3A_1814 : vector<16xf32>
        %reduce_sum3A_1816 = arith.constant true
        %reduce_sum3A_1817 = vector.broadcast %reduce_sum3A_1816 : i1 to vector<16xi1>
        %reduce_sum3A_1818 = tpu.scan <sum>, %add3A_1815 masked %reduce_sum3A_1817 : vector<16xf32>, vector<16xi1> -> vector<16xf32>
        %reduce_sum3A_1819 = vector.extract %reduce_sum3A_1818[15] : f32 from vector<16xf32>
        %broadcast_in_dim3A_1820 = vector.broadcast %reduce_sum3A_1819 : f32 to vector<16xf32>
        %select_n3A_1821 = arith.select %eq3A_1794, %broadcast_in_dim3A_1820, %select_n3A_1791 : vector<16xi1>, vector<16xf32>
        %eq3A_1822 = arith.constant 15 : i32
        %eq3A_1823 = vector.broadcast %eq3A_1822 : i32 to vector<16xi32>
        %eq3A_1824 = arith.cmpi eq, %iota3A, %eq3A_1823 : vector<16xi32>
        %add3A_1825 = arith.constant 15 : i32
        %add3A_1826 = arith.addi %mul3A_1371, %add3A_1825 : i32
        %get3A_1827 = arith.index_cast %add3A_1826 : i32 to index
        %get3A_1828 = arith.constant 0 : index
        %get3A_1829 = tpu.vector_load %arg22[%get3A_1827, %get3A_1828] {strides = array<i32>} : memref<304x64xf32, #tpu.memory_space<vmem>>, vector<16xf32>,
        %mul3A_1830 = arith.mulf %get3A_1829, %get3A_147 : vector<16xf32>
        %get3A_1831 = arith.index_cast %add3A_1826 : i32 to index
        %get3A_1832 = arith.constant 16 : index
        %get3A_1833 = tpu.vector_load %arg22[%get3A_1831, %get3A_1832] {strides = array<i32>} : memref<304x64xf32, #tpu.memory_space<vmem>>, vector<16xf32>,
        %mul3A_1834 = arith.mulf %get3A_1833, %get3A_150 : vector<16xf32>
        %add3A_1835 = arith.addf %mul3A_1830, %mul3A_1834 : vector<16xf32>
        %get3A_1836 = arith.index_cast %add3A_1826 : i32 to index
        %get3A_1837 = arith.constant 32 : index
        %get3A_1838 = tpu.vector_load %arg22[%get3A_1836, %get3A_1837] {strides = array<i32>} : memref<304x64xf32, #tpu.memory_space<vmem>>, vector<16xf32>,
        %mul3A_1839 = arith.mulf %get3A_1838, %get3A_153 : vector<16xf32>
        %add3A_1840 = arith.addf %add3A_1835, %mul3A_1839 : vector<16xf32>
        %get3A_1841 = arith.index_cast %add3A_1826 : i32 to index
        %get3A_1842 = arith.constant 48 : index
        %get3A_1843 = tpu.vector_load %arg22[%get3A_1841, %get3A_1842] {strides = array<i32>} : memref<304x64xf32, #tpu.memory_space<vmem>>, vector<16xf32>,
        %mul3A_1844 = arith.mulf %get3A_1843, %get3A_156 : vector<16xf32>
        %add3A_1845 = arith.addf %add3A_1840, %mul3A_1844 : vector<16xf32>
        %reduce_sum3A_1846 = arith.constant true
        %reduce_sum3A_1847 = vector.broadcast %reduce_sum3A_1846 : i1 to vector<16xi1>
        %reduce_sum3A_1848 = tpu.scan <sum>, %add3A_1845 masked %reduce_sum3A_1847 : vector<16xf32>, vector<16xi1> -> vector<16xf32>
        %reduce_sum3A_1849 = vector.extract %reduce_sum3A_1848[15] : f32 from vector<16xf32>
        %broadcast_in_dim3A_1850 = vector.broadcast %reduce_sum3A_1849 : f32 to vector<16xf32>
        %select_n3A_1851 = arith.select %eq3A_1824, %broadcast_in_dim3A_1850, %select_n3A_1821 : vector<16xi1>, vector<16xf32>
        %mul3A_1852 = arith.constant 16 : i32
        %mul3A_1853 = arith.muli %scan3A_1369, %mul3A_1852 : i32
        %swap3A_1854 = arith.index_cast %mul3A_1853 : i32 to index
        %swap3A_1855 = tpu.vector_load %arg30[%swap3A_1854] {strides = array<i32>} : memref<304xf32, #tpu.memory_space<vmem>>, vector<16xf32>,
        tpu.vector_store %arg30[%swap3A_1854], %select_n3A_1851 {strides = array<i32>} : memref<304xf32, #tpu.memory_space<vmem>>, vector<16xf32>,
      }
      %scan3A_164 = arith.constant 19 : i32
      %dma_start3A_165 = arith.constant 0 : i32
      %dma_start3A_166 = tpu.memref_slice %arg11[%add3A_145, %dma_start3A_165] : memref<4096x304xf32, #tpu.memory_space<hbm>> -> memref<1x304xf32, #tpu.memory_space<hbm>>
      %dma_start3A_167 = tpu.memref_squeeze %dma_start3A_166 : memref<1x304xf32, #tpu.memory_space<hbm>> -> memref<304xf32, #tpu.memory_space<hbm>>
      %dma_start3A_168 = arith.constant 0 : i32
      %dma_start3A_169 = tpu.memref_slice %arg11[%add3A_145, %dma_start3A_168] : memref<4096x304xf32, #tpu.memory_space<hbm>> -> memref<1x304xf32, #tpu.memory_space<hbm>>
      %dma_start3A_170 = tpu.memref_squeeze %dma_start3A_169 : memref<1x304xf32, #tpu.memory_space<hbm>> -> memref<304xf32, #tpu.memory_space<hbm>>
      tpu.enqueue_dma source(%arg30 : memref<304xf32, #tpu.memory_space<vmem>>) target(%dma_start3A_170 : memref<304xf32, #tpu.memory_space<hbm>>) target_semaphore(%arg37 : memref<!tpu.dma_semaphore, #tpu.memory_space<semaphore_mem>>)
      %eq3A = arith.constant 0 : i32
      %eq3A_171 = vector.broadcast %eq3A : i32 to vector<16xi32>
      %eq3A_172 = arith.cmpi eq, %iota3A, %eq3A_171 : vector<16xi32>
      %get3A_173 = arith.constant 0 : i32
      %get3A_174 = arith.index_cast %get3A_173 : i32 to index
      %get3A_175 = arith.constant 0 : index
      %get3A_176 = tpu.vector_load %arg25[%get3A_174, %get3A_175] {strides = array<i32>} : memref<16x64xf32, #tpu.memory_space<vmem>>, vector<16xf32>,
      %mul3A_177 = arith.mulf %get3A_176, %get3A_147 : vector<16xf32>
      %get3A_178 = arith.constant 0 : i32
      %get3A_179 = arith.index_cast %get3A_178 : i32 to index
      %get3A_180 = arith.constant 16 : index
      %get3A_181 = tpu.vector_load %arg25[%get3A_179, %get3A_180] {strides = array<i32>} : memref<16x64xf32, #tpu.memory_space<vmem>>, vector<16xf32>,
      %mul3A_182 = arith.mulf %get3A_181, %get3A_150 : vector<16xf32>
      %add3A_183 = arith.addf %mul3A_177, %mul3A_182 : vector<16xf32>
      %get3A_184 = arith.constant 0 : i32
      %get3A_185 = arith.index_cast %get3A_184 : i32 to index
      %get3A_186 = arith.constant 32 : index
      %get3A_187 = tpu.vector_load %arg25[%get3A_185, %get3A_186] {strides = array<i32>} : memref<16x64xf32, #tpu.memory_space<vmem>>, vector<16xf32>,
      %mul3A_188 = arith.mulf %get3A_187, %get3A_153 : vector<16xf32>
      %add3A_189 = arith.addf %add3A_183, %mul3A_188 : vector<16xf32>
      %get3A_190 = arith.constant 0 : i32
      %get3A_191 = arith.index_cast %get3A_190 : i32 to index
      %get3A_192 = arith.constant 48 : index
      %get3A_193 = tpu.vector_load %arg25[%get3A_191, %get3A_192] {strides = array<i32>} : memref<16x64xf32, #tpu.memory_space<vmem>>, vector<16xf32>,
      %mul3A_194 = arith.mulf %get3A_193, %get3A_156 : vector<16xf32>
      %add3A_195 = arith.addf %add3A_189, %mul3A_194 : vector<16xf32>
      %reduce_sum3A = arith.constant true
      %reduce_sum3A_196 = vector.broadcast %reduce_sum3A : i1 to vector<16xi1>
      %reduce_sum3A_197 = tpu.scan <sum>, %add3A_195 masked %reduce_sum3A_196 : vector<16xf32>, vector<16xi1> -> vector<16xf32>
      %reduce_sum3A_198 = vector.extract %reduce_sum3A_197[15] : f32 from vector<16xf32>
      %broadcast_in_dim3A_199 = vector.broadcast %reduce_sum3A_198 : f32 to vector<16xf32>
      %select_n3A = arith.select %eq3A_172, %broadcast_in_dim3A_199, %broadcast_in_dim3A_37 : vector<16xi1>, vector<16xf32>
      %eq3A_200 = arith.constant 1 : i32
      %eq3A_201 = vector.broadcast %eq3A_200 : i32 to vector<16xi32>
      %eq3A_202 = arith.cmpi eq, %iota3A, %eq3A_201 : vector<16xi32>
      %get3A_203 = arith.constant 1 : i32
      %get3A_204 = arith.index_cast %get3A_203 : i32 to index
      %get3A_205 = arith.constant 0 : index
      %get3A_206 = tpu.vector_load %arg25[%get3A_204, %get3A_205] {strides = array<i32>} : memref<16x64xf32, #tpu.memory_space<vmem>>, vector<16xf32>,
      %mul3A_207 = arith.mulf %get3A_206, %get3A_147 : vector<16xf32>
      %get3A_208 = arith.constant 1 : i32
      %get3A_209 = arith.index_cast %get3A_208 : i32 to index
      %get3A_210 = arith.constant 16 : index
      %get3A_211 = tpu.vector_load %arg25[%get3A_209, %get3A_210] {strides = array<i32>} : memref<16x64xf32, #tpu.memory_space<vmem>>, vector<16xf32>,
      %mul3A_212 = arith.mulf %get3A_211, %get3A_150 : vector<16xf32>
      %add3A_213 = arith.addf %mul3A_207, %mul3A_212 : vector<16xf32>
      %get3A_214 = arith.constant 1 : i32
      %get3A_215 = arith.index_cast %get3A_214 : i32 to index
      %get3A_216 = arith.constant 32 : index
      %get3A_217 = tpu.vector_load %arg25[%get3A_215, %get3A_216] {strides = array<i32>} : memref<16x64xf32, #tpu.memory_space<vmem>>, vector<16xf32>,
      %mul3A_218 = arith.mulf %get3A_217, %get3A_153 : vector<16xf32>
      %add3A_219 = arith.addf %add3A_213, %mul3A_218 : vector<16xf32>
      %get3A_220 = arith.constant 1 : i32
      %get3A_221 = arith.index_cast %get3A_220 : i32 to index
      %get3A_222 = arith.constant 48 : index
      %get3A_223 = tpu.vector_load %arg25[%get3A_221, %get3A_222] {strides = array<i32>} : memref<16x64xf32, #tpu.memory_space<vmem>>, vector<16xf32>,
      %mul3A_224 = arith.mulf %get3A_223, %get3A_156 : vector<16xf32>
      %add3A_225 = arith.addf %add3A_219, %mul3A_224 : vector<16xf32>
      %reduce_sum3A_226 = arith.constant true
      %reduce_sum3A_227 = vector.broadcast %reduce_sum3A_226 : i1 to vector<16xi1>
      %reduce_sum3A_228 = tpu.scan <sum>, %add3A_225 masked %reduce_sum3A_227 : vector<16xf32>, vector<16xi1> -> vector<16xf32>
      %reduce_sum3A_229 = vector.extract %reduce_sum3A_228[15] : f32 from vector<16xf32>
      %broadcast_in_dim3A_230 = vector.broadcast %reduce_sum3A_229 : f32 to vector<16xf32>
      %select_n3A_231 = arith.select %eq3A_202, %broadcast_in_dim3A_230, %select_n3A : vector<16xi1>, vector<16xf32>
      %eq3A_232 = arith.constant 2 : i32
      %eq3A_233 = vector.broadcast %eq3A_232 : i32 to vector<16xi32>
      %eq3A_234 = arith.cmpi eq, %iota3A, %eq3A_233 : vector<16xi32>
      %get3A_235 = arith.constant 2 : i32
      %get3A_236 = arith.index_cast %get3A_235 : i32 to index
      %get3A_237 = arith.constant 0 : index
      %get3A_238 = tpu.vector_load %arg25[%get3A_236, %get3A_237] {strides = array<i32>} : memref<16x64xf32, #tpu.memory_space<vmem>>, vector<16xf32>,
      %mul3A_239 = arith.mulf %get3A_238, %get3A_147 : vector<16xf32>
      %get3A_240 = arith.constant 2 : i32
      %get3A_241 = arith.index_cast %get3A_240 : i32 to index
      %get3A_242 = arith.constant 16 : index
      %get3A_243 = tpu.vector_load %arg25[%get3A_241, %get3A_242] {strides = array<i32>} : memref<16x64xf32, #tpu.memory_space<vmem>>, vector<16xf32>,
      %mul3A_244 = arith.mulf %get3A_243, %get3A_150 : vector<16xf32>
      %add3A_245 = arith.addf %mul3A_239, %mul3A_244 : vector<16xf32>
      %get3A_246 = arith.constant 2 : i32
      %get3A_247 = arith.index_cast %get3A_246 : i32 to index
      %get3A_248 = arith.constant 32 : index
      %get3A_249 = tpu.vector_load %arg25[%get3A_247, %get3A_248] {strides = array<i32>} : memref<16x64xf32, #tpu.memory_space<vmem>>, vector<16xf32>,
      %mul3A_250 = arith.mulf %get3A_249, %get3A_153 : vector<16xf32>
      %add3A_251 = arith.addf %add3A_245, %mul3A_250 : vector<16xf32>
      %get3A_252 = arith.constant 2 : i32
      %get3A_253 = arith.index_cast %get3A_252 : i32 to index
      %get3A_254 = arith.constant 48 : index
      %get3A_255 = tpu.vector_load %arg25[%get3A_253, %get3A_254] {strides = array<i32>} : memref<16x64xf32, #tpu.memory_space<vmem>>, vector<16xf32>,
      %mul3A_256 = arith.mulf %get3A_255, %get3A_156 : vector<16xf32>
      %add3A_257 = arith.addf %add3A_251, %mul3A_256 : vector<16xf32>
      %reduce_sum3A_258 = arith.constant true
      %reduce_sum3A_259 = vector.broadcast %reduce_sum3A_258 : i1 to vector<16xi1>
      %reduce_sum3A_260 = tpu.scan <sum>, %add3A_257 masked %reduce_sum3A_259 : vector<16xf32>, vector<16xi1> -> vector<16xf32>
      %reduce_sum3A_261 = vector.extract %reduce_sum3A_260[15] : f32 from vector<16xf32>
      %broadcast_in_dim3A_262 = vector.broadcast %reduce_sum3A_261 : f32 to vector<16xf32>
      %select_n3A_263 = arith.select %eq3A_234, %broadcast_in_dim3A_262, %select_n3A_231 : vector<16xi1>, vector<16xf32>
      %eq3A_264 = arith.constant 3 : i32
      %eq3A_265 = vector.broadcast %eq3A_264 : i32 to vector<16xi32>
      %eq3A_266 = arith.cmpi eq, %iota3A, %eq3A_265 : vector<16xi32>
      %get3A_267 = arith.constant 3 : i32
      %get3A_268 = arith.index_cast %get3A_267 : i32 to index
      %get3A_269 = arith.constant 0 : index
      %get3A_270 = tpu.vector_load %arg25[%get3A_268, %get3A_269] {strides = array<i32>} : memref<16x64xf32, #tpu.memory_space<vmem>>, vector<16xf32>,
      %mul3A_271 = arith.mulf %get3A_270, %get3A_147 : vector<16xf32>
      %get3A_272 = arith.constant 3 : i32
      %get3A_273 = arith.index_cast %get3A_272 : i32 to index
      %get3A_274 = arith.constant 16 : index
      %get3A_275 = tpu.vector_load %arg25[%get3A_273, %get3A_274] {strides = array<i32>} : memref<16x64xf32, #tpu.memory_space<vmem>>, vector<16xf32>,
      %mul3A_276 = arith.mulf %get3A_275, %get3A_150 : vector<16xf32>
      %add3A_277 = arith.addf %mul3A_271, %mul3A_276 : vector<16xf32>
      %get3A_278 = arith.constant 3 : i32
      %get3A_279 = arith.index_cast %get3A_278 : i32 to index
      %get3A_280 = arith.constant 32 : index
      %get3A_281 = tpu.vector_load %arg25[%get3A_279, %get3A_280] {strides = array<i32>} : memref<16x64xf32, #tpu.memory_space<vmem>>, vector<16xf32>,
      %mul3A_282 = arith.mulf %get3A_281, %get3A_153 : vector<16xf32>
      %add3A_283 = arith.addf %add3A_277, %mul3A_282 : vector<16xf32>
      %get3A_284 = arith.constant 3 : i32
      %get3A_285 = arith.index_cast %get3A_284 : i32 to index
      %get3A_286 = arith.constant 48 : index
      %get3A_287 = tpu.vector_load %arg25[%get3A_285, %get3A_286] {strides = array<i32>} : memref<16x64xf32, #tpu.memory_space<vmem>>, vector<16xf32>,
      %mul3A_288 = arith.mulf %get3A_287, %get3A_156 : vector<16xf32>
      %add3A_289 = arith.addf %add3A_283, %mul3A_288 : vector<16xf32>
      %reduce_sum3A_290 = arith.constant true
      %reduce_sum3A_291 = vector.broadcast %reduce_sum3A_290 : i1 to vector<16xi1>
      %reduce_sum3A_292 = tpu.scan <sum>, %add3A_289 masked %reduce_sum3A_291 : vector<16xf32>, vector<16xi1> -> vector<16xf32>
      %reduce_sum3A_293 = vector.extract %reduce_sum3A_292[15] : f32 from vector<16xf32>
      %broadcast_in_dim3A_294 = vector.broadcast %reduce_sum3A_293 : f32 to vector<16xf32>
      %select_n3A_295 = arith.select %eq3A_266, %broadcast_in_dim3A_294, %select_n3A_263 : vector<16xi1>, vector<16xf32>
      %eq3A_296 = arith.constant 4 : i32
      %eq3A_297 = vector.broadcast %eq3A_296 : i32 to vector<16xi32>
      %eq3A_298 = arith.cmpi eq, %iota3A, %eq3A_297 : vector<16xi32>
      %get3A_299 = arith.constant 4 : i32
      %get3A_300 = arith.index_cast %get3A_299 : i32 to index
      %get3A_301 = arith.constant 0 : index
      %get3A_302 = tpu.vector_load %arg25[%get3A_300, %get3A_301] {strides = array<i32>} : memref<16x64xf32, #tpu.memory_space<vmem>>, vector<16xf32>,
      %mul3A_303 = arith.mulf %get3A_302, %get3A_147 : vector<16xf32>
      %get3A_304 = arith.constant 4 : i32
      %get3A_305 = arith.index_cast %get3A_304 : i32 to index
      %get3A_306 = arith.constant 16 : index
      %get3A_307 = tpu.vector_load %arg25[%get3A_305, %get3A_306] {strides = array<i32>} : memref<16x64xf32, #tpu.memory_space<vmem>>, vector<16xf32>,
      %mul3A_308 = arith.mulf %get3A_307, %get3A_150 : vector<16xf32>
      %add3A_309 = arith.addf %mul3A_303, %mul3A_308 : vector<16xf32>
      %get3A_310 = arith.constant 4 : i32
      %get3A_311 = arith.index_cast %get3A_310 : i32 to index
      %get3A_312 = arith.constant 32 : index
      %get3A_313 = tpu.vector_load %arg25[%get3A_311, %get3A_312] {strides = array<i32>} : memref<16x64xf32, #tpu.memory_space<vmem>>, vector<16xf32>,
      %mul3A_314 = arith.mulf %get3A_313, %get3A_153 : vector<16xf32>
      %add3A_315 = arith.addf %add3A_309, %mul3A_314 : vector<16xf32>
      %get3A_316 = arith.constant 4 : i32
      %get3A_317 = arith.index_cast %get3A_316 : i32 to index
      %get3A_318 = arith.constant 48 : index
      %get3A_319 = tpu.vector_load %arg25[%get3A_317, %get3A_318] {strides = array<i32>} : memref<16x64xf32, #tpu.memory_space<vmem>>, vector<16xf32>,
      %mul3A_320 = arith.mulf %get3A_319, %get3A_156 : vector<16xf32>
      %add3A_321 = arith.addf %add3A_315, %mul3A_320 : vector<16xf32>
      %reduce_sum3A_322 = arith.constant true
      %reduce_sum3A_323 = vector.broadcast %reduce_sum3A_322 : i1 to vector<16xi1>
      %reduce_sum3A_324 = tpu.scan <sum>, %add3A_321 masked %reduce_sum3A_323 : vector<16xf32>, vector<16xi1> -> vector<16xf32>
      %reduce_sum3A_325 = vector.extract %reduce_sum3A_324[15] : f32 from vector<16xf32>
      %broadcast_in_dim3A_326 = vector.broadcast %reduce_sum3A_325 : f32 to vector<16xf32>
      %select_n3A_327 = arith.select %eq3A_298, %broadcast_in_dim3A_326, %select_n3A_295 : vector<16xi1>, vector<16xf32>
      %eq3A_328 = arith.constant 5 : i32
      %eq3A_329 = vector.broadcast %eq3A_328 : i32 to vector<16xi32>
      %eq3A_330 = arith.cmpi eq, %iota3A, %eq3A_329 : vector<16xi32>
      %get3A_331 = arith.constant 5 : i32
      %get3A_332 = arith.index_cast %get3A_331 : i32 to index
      %get3A_333 = arith.constant 0 : index
      %get3A_334 = tpu.vector_load %arg25[%get3A_332, %get3A_333] {strides = array<i32>} : memref<16x64xf32, #tpu.memory_space<vmem>>, vector<16xf32>,
      %mul3A_335 = arith.mulf %get3A_334, %get3A_147 : vector<16xf32>
      %get3A_336 = arith.constant 5 : i32
      %get3A_337 = arith.index_cast %get3A_336 : i32 to index
      %get3A_338 = arith.constant 16 : index
      %get3A_339 = tpu.vector_load %arg25[%get3A_337, %get3A_338] {strides = array<i32>} : memref<16x64xf32, #tpu.memory_space<vmem>>, vector<16xf32>,
      %mul3A_340 = arith.mulf %get3A_339, %get3A_150 : vector<16xf32>
      %add3A_341 = arith.addf %mul3A_335, %mul3A_340 : vector<16xf32>
      %get3A_342 = arith.constant 5 : i32
      %get3A_343 = arith.index_cast %get3A_342 : i32 to index
      %get3A_344 = arith.constant 32 : index
      %get3A_345 = tpu.vector_load %arg25[%get3A_343, %get3A_344] {strides = array<i32>} : memref<16x64xf32, #tpu.memory_space<vmem>>, vector<16xf32>,
      %mul3A_346 = arith.mulf %get3A_345, %get3A_153 : vector<16xf32>
      %add3A_347 = arith.addf %add3A_341, %mul3A_346 : vector<16xf32>
      %get3A_348 = arith.constant 5 : i32
      %get3A_349 = arith.index_cast %get3A_348 : i32 to index
      %get3A_350 = arith.constant 48 : index
      %get3A_351 = tpu.vector_load %arg25[%get3A_349, %get3A_350] {strides = array<i32>} : memref<16x64xf32, #tpu.memory_space<vmem>>, vector<16xf32>,
      %mul3A_352 = arith.mulf %get3A_351, %get3A_156 : vector<16xf32>
      %add3A_353 = arith.addf %add3A_347, %mul3A_352 : vector<16xf32>
      %reduce_sum3A_354 = arith.constant true
      %reduce_sum3A_355 = vector.broadcast %reduce_sum3A_354 : i1 to vector<16xi1>
      %reduce_sum3A_356 = tpu.scan <sum>, %add3A_353 masked %reduce_sum3A_355 : vector<16xf32>, vector<16xi1> -> vector<16xf32>
      %reduce_sum3A_357 = vector.extract %reduce_sum3A_356[15] : f32 from vector<16xf32>
      %broadcast_in_dim3A_358 = vector.broadcast %reduce_sum3A_357 : f32 to vector<16xf32>
      %select_n3A_359 = arith.select %eq3A_330, %broadcast_in_dim3A_358, %select_n3A_327 : vector<16xi1>, vector<16xf32>
      %eq3A_360 = arith.constant 6 : i32
      %eq3A_361 = vector.broadcast %eq3A_360 : i32 to vector<16xi32>
      %eq3A_362 = arith.cmpi eq, %iota3A, %eq3A_361 : vector<16xi32>
      %get3A_363 = arith.constant 6 : i32
      %get3A_364 = arith.index_cast %get3A_363 : i32 to index
      %get3A_365 = arith.constant 0 : index
      %get3A_366 = tpu.vector_load %arg25[%get3A_364, %get3A_365] {strides = array<i32>} : memref<16x64xf32, #tpu.memory_space<vmem>>, vector<16xf32>,
      %mul3A_367 = arith.mulf %get3A_366, %get3A_147 : vector<16xf32>
      %get3A_368 = arith.constant 6 : i32
      %get3A_369 = arith.index_cast %get3A_368 : i32 to index
      %get3A_370 = arith.constant 16 : index
      %get3A_371 = tpu.vector_load %arg25[%get3A_369, %get3A_370] {strides = array<i32>} : memref<16x64xf32, #tpu.memory_space<vmem>>, vector<16xf32>,
      %mul3A_372 = arith.mulf %get3A_371, %get3A_150 : vector<16xf32>
      %add3A_373 = arith.addf %mul3A_367, %mul3A_372 : vector<16xf32>
      %get3A_374 = arith.constant 6 : i32
      %get3A_375 = arith.index_cast %get3A_374 : i32 to index
      %get3A_376 = arith.constant 32 : index
      %get3A_377 = tpu.vector_load %arg25[%get3A_375, %get3A_376] {strides = array<i32>} : memref<16x64xf32, #tpu.memory_space<vmem>>, vector<16xf32>,
      %mul3A_378 = arith.mulf %get3A_377, %get3A_153 : vector<16xf32>
      %add3A_379 = arith.addf %add3A_373, %mul3A_378 : vector<16xf32>
      %get3A_380 = arith.constant 6 : i32
      %get3A_381 = arith.index_cast %get3A_380 : i32 to index
      %get3A_382 = arith.constant 48 : index
      %get3A_383 = tpu.vector_load %arg25[%get3A_381, %get3A_382] {strides = array<i32>} : memref<16x64xf32, #tpu.memory_space<vmem>>, vector<16xf32>,
      %mul3A_384 = arith.mulf %get3A_383, %get3A_156 : vector<16xf32>
      %add3A_385 = arith.addf %add3A_379, %mul3A_384 : vector<16xf32>
      %reduce_sum3A_386 = arith.constant true
      %reduce_sum3A_387 = vector.broadcast %reduce_sum3A_386 : i1 to vector<16xi1>
      %reduce_sum3A_388 = tpu.scan <sum>, %add3A_385 masked %reduce_sum3A_387 : vector<16xf32>, vector<16xi1> -> vector<16xf32>
      %reduce_sum3A_389 = vector.extract %reduce_sum3A_388[15] : f32 from vector<16xf32>
      %broadcast_in_dim3A_390 = vector.broadcast %reduce_sum3A_389 : f32 to vector<16xf32>
      %select_n3A_391 = arith.select %eq3A_362, %broadcast_in_dim3A_390, %select_n3A_359 : vector<16xi1>, vector<16xf32>
      %eq3A_392 = arith.constant 7 : i32
      %eq3A_393 = vector.broadcast %eq3A_392 : i32 to vector<16xi32>
      %eq3A_394 = arith.cmpi eq, %iota3A, %eq3A_393 : vector<16xi32>
      %get3A_395 = arith.constant 7 : i32
      %get3A_396 = arith.index_cast %get3A_395 : i32 to index
      %get3A_397 = arith.constant 0 : index
      %get3A_398 = tpu.vector_load %arg25[%get3A_396, %get3A_397] {strides = array<i32>} : memref<16x64xf32, #tpu.memory_space<vmem>>, vector<16xf32>,
      %mul3A_399 = arith.mulf %get3A_398, %get3A_147 : vector<16xf32>
      %get3A_400 = arith.constant 7 : i32
      %get3A_401 = arith.index_cast %get3A_400 : i32 to index
      %get3A_402 = arith.constant 16 : index
      %get3A_403 = tpu.vector_load %arg25[%get3A_401, %get3A_402] {strides = array<i32>} : memref<16x64xf32, #tpu.memory_space<vmem>>, vector<16xf32>,
      %mul3A_404 = arith.mulf %get3A_403, %get3A_150 : vector<16xf32>
      %add3A_405 = arith.addf %mul3A_399, %mul3A_404 : vector<16xf32>
      %get3A_406 = arith.constant 7 : i32
      %get3A_407 = arith.index_cast %get3A_406 : i32 to index
      %get3A_408 = arith.constant 32 : index
      %get3A_409 = tpu.vector_load %arg25[%get3A_407, %get3A_408] {strides = array<i32>} : memref<16x64xf32, #tpu.memory_space<vmem>>, vector<16xf32>,
      %mul3A_410 = arith.mulf %get3A_409, %get3A_153 : vector<16xf32>
      %add3A_411 = arith.addf %add3A_405, %mul3A_410 : vector<16xf32>
      %get3A_412 = arith.constant 7 : i32
      %get3A_413 = arith.index_cast %get3A_412 : i32 to index
      %get3A_414 = arith.constant 48 : index
      %get3A_415 = tpu.vector_load %arg25[%get3A_413, %get3A_414] {strides = array<i32>} : memref<16x64xf32, #tpu.memory_space<vmem>>, vector<16xf32>,
      %mul3A_416 = arith.mulf %get3A_415, %get3A_156 : vector<16xf32>
      %add3A_417 = arith.addf %add3A_411, %mul3A_416 : vector<16xf32>
      %reduce_sum3A_418 = arith.constant true
      %reduce_sum3A_419 = vector.broadcast %reduce_sum3A_418 : i1 to vector<16xi1>
      %reduce_sum3A_420 = tpu.scan <sum>, %add3A_417 masked %reduce_sum3A_419 : vector<16xf32>, vector<16xi1> -> vector<16xf32>
      %reduce_sum3A_421 = vector.extract %reduce_sum3A_420[15] : f32 from vector<16xf32>
      %broadcast_in_dim3A_422 = vector.broadcast %reduce_sum3A_421 : f32 to vector<16xf32>
      %select_n3A_423 = arith.select %eq3A_394, %broadcast_in_dim3A_422, %select_n3A_391 : vector<16xi1>, vector<16xf32>
      %eq3A_424 = arith.constant 8 : i32
      %eq3A_425 = vector.broadcast %eq3A_424 : i32 to vector<16xi32>
      %eq3A_426 = arith.cmpi eq, %iota3A, %eq3A_425 : vector<16xi32>
      %get3A_427 = arith.constant 8 : i32
      %get3A_428 = arith.index_cast %get3A_427 : i32 to index
      %get3A_429 = arith.constant 0 : index
      %get3A_430 = tpu.vector_load %arg25[%get3A_428, %get3A_429] {strides = array<i32>} : memref<16x64xf32, #tpu.memory_space<vmem>>, vector<16xf32>,
      %mul3A_431 = arith.mulf %get3A_430, %get3A_147 : vector<16xf32>
      %get3A_432 = arith.constant 8 : i32
      %get3A_433 = arith.index_cast %get3A_432 : i32 to index
      %get3A_434 = arith.constant 16 : index
      %get3A_435 = tpu.vector_load %arg25[%get3A_433, %get3A_434] {strides = array<i32>} : memref<16x64xf32, #tpu.memory_space<vmem>>, vector<16xf32>,
      %mul3A_436 = arith.mulf %get3A_435, %get3A_150 : vector<16xf32>
      %add3A_437 = arith.addf %mul3A_431, %mul3A_436 : vector<16xf32>
      %get3A_438 = arith.constant 8 : i32
      %get3A_439 = arith.index_cast %get3A_438 : i32 to index
      %get3A_440 = arith.constant 32 : index
      %get3A_441 = tpu.vector_load %arg25[%get3A_439, %get3A_440] {strides = array<i32>} : memref<16x64xf32, #tpu.memory_space<vmem>>, vector<16xf32>,
      %mul3A_442 = arith.mulf %get3A_441, %get3A_153 : vector<16xf32>
      %add3A_443 = arith.addf %add3A_437, %mul3A_442 : vector<16xf32>
      %get3A_444 = arith.constant 8 : i32
      %get3A_445 = arith.index_cast %get3A_444 : i32 to index
      %get3A_446 = arith.constant 48 : index
      %get3A_447 = tpu.vector_load %arg25[%get3A_445, %get3A_446] {strides = array<i32>} : memref<16x64xf32, #tpu.memory_space<vmem>>, vector<16xf32>,
      %mul3A_448 = arith.mulf %get3A_447, %get3A_156 : vector<16xf32>
      %add3A_449 = arith.addf %add3A_443, %mul3A_448 : vector<16xf32>
      %reduce_sum3A_450 = arith.constant true
      %reduce_sum3A_451 = vector.broadcast %reduce_sum3A_450 : i1 to vector<16xi1>
      %reduce_sum3A_452 = tpu.scan <sum>, %add3A_449 masked %reduce_sum3A_451 : vector<16xf32>, vector<16xi1> -> vector<16xf32>
      %reduce_sum3A_453 = vector.extract %reduce_sum3A_452[15] : f32 from vector<16xf32>
      %broadcast_in_dim3A_454 = vector.broadcast %reduce_sum3A_453 : f32 to vector<16xf32>
      %select_n3A_455 = arith.select %eq3A_426, %broadcast_in_dim3A_454, %select_n3A_423 : vector<16xi1>, vector<16xf32>
      %eq3A_456 = arith.constant 9 : i32
      %eq3A_457 = vector.broadcast %eq3A_456 : i32 to vector<16xi32>
      %eq3A_458 = arith.cmpi eq, %iota3A, %eq3A_457 : vector<16xi32>
      %get3A_459 = arith.constant 9 : i32
      %get3A_460 = arith.index_cast %get3A_459 : i32 to index
      %get3A_461 = arith.constant 0 : index
      %get3A_462 = tpu.vector_load %arg25[%get3A_460, %get3A_461] {strides = array<i32>} : memref<16x64xf32, #tpu.memory_space<vmem>>, vector<16xf32>,
      %mul3A_463 = arith.mulf %get3A_462, %get3A_147 : vector<16xf32>
      %get3A_464 = arith.constant 9 : i32
      %get3A_465 = arith.index_cast %get3A_464 : i32 to index
      %get3A_466 = arith.constant 16 : index
      %get3A_467 = tpu.vector_load %arg25[%get3A_465, %get3A_466] {strides = array<i32>} : memref<16x64xf32, #tpu.memory_space<vmem>>, vector<16xf32>,
      %mul3A_468 = arith.mulf %get3A_467, %get3A_150 : vector<16xf32>
      %add3A_469 = arith.addf %mul3A_463, %mul3A_468 : vector<16xf32>
      %get3A_470 = arith.constant 9 : i32
      %get3A_471 = arith.index_cast %get3A_470 : i32 to index
      %get3A_472 = arith.constant 32 : index
      %get3A_473 = tpu.vector_load %arg25[%get3A_471, %get3A_472] {strides = array<i32>} : memref<16x64xf32, #tpu.memory_space<vmem>>, vector<16xf32>,
      %mul3A_474 = arith.mulf %get3A_473, %get3A_153 : vector<16xf32>
      %add3A_475 = arith.addf %add3A_469, %mul3A_474 : vector<16xf32>
      %get3A_476 = arith.constant 9 : i32
      %get3A_477 = arith.index_cast %get3A_476 : i32 to index
      %get3A_478 = arith.constant 48 : index
      %get3A_479 = tpu.vector_load %arg25[%get3A_477, %get3A_478] {strides = array<i32>} : memref<16x64xf32, #tpu.memory_space<vmem>>, vector<16xf32>,
      %mul3A_480 = arith.mulf %get3A_479, %get3A_156 : vector<16xf32>
      %add3A_481 = arith.addf %add3A_475, %mul3A_480 : vector<16xf32>
      %reduce_sum3A_482 = arith.constant true
      %reduce_sum3A_483 = vector.broadcast %reduce_sum3A_482 : i1 to vector<16xi1>
      %reduce_sum3A_484 = tpu.scan <sum>, %add3A_481 masked %reduce_sum3A_483 : vector<16xf32>, vector<16xi1> -> vector<16xf32>
      %reduce_sum3A_485 = vector.extract %reduce_sum3A_484[15] : f32 from vector<16xf32>
      %broadcast_in_dim3A_486 = vector.broadcast %reduce_sum3A_485 : f32 to vector<16xf32>
      %select_n3A_487 = arith.select %eq3A_458, %broadcast_in_dim3A_486, %select_n3A_455 : vector<16xi1>, vector<16xf32>
      %eq3A_488 = arith.constant 10 : i32
      %eq3A_489 = vector.broadcast %eq3A_488 : i32 to vector<16xi32>
      %eq3A_490 = arith.cmpi eq, %iota3A, %eq3A_489 : vector<16xi32>
      %get3A_491 = arith.constant 10 : i32
      %get3A_492 = arith.index_cast %get3A_491 : i32 to index
      %get3A_493 = arith.constant 0 : index
      %get3A_494 = tpu.vector_load %arg25[%get3A_492, %get3A_493] {strides = array<i32>} : memref<16x64xf32, #tpu.memory_space<vmem>>, vector<16xf32>,
      %mul3A_495 = arith.mulf %get3A_494, %get3A_147 : vector<16xf32>
      %get3A_496 = arith.constant 10 : i32
      %get3A_497 = arith.index_cast %get3A_496 : i32 to index
      %get3A_498 = arith.constant 16 : index
      %get3A_499 = tpu.vector_load %arg25[%get3A_497, %get3A_498] {strides = array<i32>} : memref<16x64xf32, #tpu.memory_space<vmem>>, vector<16xf32>,
      %mul3A_500 = arith.mulf %get3A_499, %get3A_150 : vector<16xf32>
      %add3A_501 = arith.addf %mul3A_495, %mul3A_500 : vector<16xf32>
      %get3A_502 = arith.constant 10 : i32
      %get3A_503 = arith.index_cast %get3A_502 : i32 to index
      %get3A_504 = arith.constant 32 : index
      %get3A_505 = tpu.vector_load %arg25[%get3A_503, %get3A_504] {strides = array<i32>} : memref<16x64xf32, #tpu.memory_space<vmem>>, vector<16xf32>,
      %mul3A_506 = arith.mulf %get3A_505, %get3A_153 : vector<16xf32>
      %add3A_507 = arith.addf %add3A_501, %mul3A_506 : vector<16xf32>
      %get3A_508 = arith.constant 10 : i32
      %get3A_509 = arith.index_cast %get3A_508 : i32 to index
      %get3A_510 = arith.constant 48 : index
      %get3A_511 = tpu.vector_load %arg25[%get3A_509, %get3A_510] {strides = array<i32>} : memref<16x64xf32, #tpu.memory_space<vmem>>, vector<16xf32>,
      %mul3A_512 = arith.mulf %get3A_511, %get3A_156 : vector<16xf32>
      %add3A_513 = arith.addf %add3A_507, %mul3A_512 : vector<16xf32>
      %reduce_sum3A_514 = arith.constant true
      %reduce_sum3A_515 = vector.broadcast %reduce_sum3A_514 : i1 to vector<16xi1>
      %reduce_sum3A_516 = tpu.scan <sum>, %add3A_513 masked %reduce_sum3A_515 : vector<16xf32>, vector<16xi1> -> vector<16xf32>
      %reduce_sum3A_517 = vector.extract %reduce_sum3A_516[15] : f32 from vector<16xf32>
      %broadcast_in_dim3A_518 = vector.broadcast %reduce_sum3A_517 : f32 to vector<16xf32>
      %select_n3A_519 = arith.select %eq3A_490, %broadcast_in_dim3A_518, %select_n3A_487 : vector<16xi1>, vector<16xf32>
      %eq3A_520 = arith.constant 11 : i32
      %eq3A_521 = vector.broadcast %eq3A_520 : i32 to vector<16xi32>
      %eq3A_522 = arith.cmpi eq, %iota3A, %eq3A_521 : vector<16xi32>
      %get3A_523 = arith.constant 11 : i32
      %get3A_524 = arith.index_cast %get3A_523 : i32 to index
      %get3A_525 = arith.constant 0 : index
      %get3A_526 = tpu.vector_load %arg25[%get3A_524, %get3A_525] {strides = array<i32>} : memref<16x64xf32, #tpu.memory_space<vmem>>, vector<16xf32>,
      %mul3A_527 = arith.mulf %get3A_526, %get3A_147 : vector<16xf32>
      %get3A_528 = arith.constant 11 : i32
      %get3A_529 = arith.index_cast %get3A_528 : i32 to index
      %get3A_530 = arith.constant 16 : index
      %get3A_531 = tpu.vector_load %arg25[%get3A_529, %get3A_530] {strides = array<i32>} : memref<16x64xf32, #tpu.memory_space<vmem>>, vector<16xf32>,
      %mul3A_532 = arith.mulf %get3A_531, %get3A_150 : vector<16xf32>
      %add3A_533 = arith.addf %mul3A_527, %mul3A_532 : vector<16xf32>
      %get3A_534 = arith.constant 11 : i32
      %get3A_535 = arith.index_cast %get3A_534 : i32 to index
      %get3A_536 = arith.constant 32 : index
      %get3A_537 = tpu.vector_load %arg25[%get3A_535, %get3A_536] {strides = array<i32>} : memref<16x64xf32, #tpu.memory_space<vmem>>, vector<16xf32>,
      %mul3A_538 = arith.mulf %get3A_537, %get3A_153 : vector<16xf32>
      %add3A_539 = arith.addf %add3A_533, %mul3A_538 : vector<16xf32>
      %get3A_540 = arith.constant 11 : i32
      %get3A_541 = arith.index_cast %get3A_540 : i32 to index
      %get3A_542 = arith.constant 48 : index
      %get3A_543 = tpu.vector_load %arg25[%get3A_541, %get3A_542] {strides = array<i32>} : memref<16x64xf32, #tpu.memory_space<vmem>>, vector<16xf32>,
      %mul3A_544 = arith.mulf %get3A_543, %get3A_156 : vector<16xf32>
      %add3A_545 = arith.addf %add3A_539, %mul3A_544 : vector<16xf32>
      %reduce_sum3A_546 = arith.constant true
      %reduce_sum3A_547 = vector.broadcast %reduce_sum3A_546 : i1 to vector<16xi1>
      %reduce_sum3A_548 = tpu.scan <sum>, %add3A_545 masked %reduce_sum3A_547 : vector<16xf32>, vector<16xi1> -> vector<16xf32>
      %reduce_sum3A_549 = vector.extract %reduce_sum3A_548[15] : f32 from vector<16xf32>
      %broadcast_in_dim3A_550 = vector.broadcast %reduce_sum3A_549 : f32 to vector<16xf32>
      %select_n3A_551 = arith.select %eq3A_522, %broadcast_in_dim3A_550, %select_n3A_519 : vector<16xi1>, vector<16xf32>
      %eq3A_552 = arith.constant 12 : i32
      %eq3A_553 = vector.broadcast %eq3A_552 : i32 to vector<16xi32>
      %eq3A_554 = arith.cmpi eq, %iota3A, %eq3A_553 : vector<16xi32>
      %get3A_555 = arith.constant 12 : i32
      %get3A_556 = arith.index_cast %get3A_555 : i32 to index
      %get3A_557 = arith.constant 0 : index
      %get3A_558 = tpu.vector_load %arg25[%get3A_556, %get3A_557] {strides = array<i32>} : memref<16x64xf32, #tpu.memory_space<vmem>>, vector<16xf32>,
      %mul3A_559 = arith.mulf %get3A_558, %get3A_147 : vector<16xf32>
      %get3A_560 = arith.constant 12 : i32
      %get3A_561 = arith.index_cast %get3A_560 : i32 to index
      %get3A_562 = arith.constant 16 : index
      %get3A_563 = tpu.vector_load %arg25[%get3A_561, %get3A_562] {strides = array<i32>} : memref<16x64xf32, #tpu.memory_space<vmem>>, vector<16xf32>,
      %mul3A_564 = arith.mulf %get3A_563, %get3A_150 : vector<16xf32>
      %add3A_565 = arith.addf %mul3A_559, %mul3A_564 : vector<16xf32>
      %get3A_566 = arith.constant 12 : i32
      %get3A_567 = arith.index_cast %get3A_566 : i32 to index
      %get3A_568 = arith.constant 32 : index
      %get3A_569 = tpu.vector_load %arg25[%get3A_567, %get3A_568] {strides = array<i32>} : memref<16x64xf32, #tpu.memory_space<vmem>>, vector<16xf32>,
      %mul3A_570 = arith.mulf %get3A_569, %get3A_153 : vector<16xf32>
      %add3A_571 = arith.addf %add3A_565, %mul3A_570 : vector<16xf32>
      %get3A_572 = arith.constant 12 : i32
      %get3A_573 = arith.index_cast %get3A_572 : i32 to index
      %get3A_574 = arith.constant 48 : index
      %get3A_575 = tpu.vector_load %arg25[%get3A_573, %get3A_574] {strides = array<i32>} : memref<16x64xf32, #tpu.memory_space<vmem>>, vector<16xf32>,
      %mul3A_576 = arith.mulf %get3A_575, %get3A_156 : vector<16xf32>
      %add3A_577 = arith.addf %add3A_571, %mul3A_576 : vector<16xf32>
      %reduce_sum3A_578 = arith.constant true
      %reduce_sum3A_579 = vector.broadcast %reduce_sum3A_578 : i1 to vector<16xi1>
      %reduce_sum3A_580 = tpu.scan <sum>, %add3A_577 masked %reduce_sum3A_579 : vector<16xf32>, vector<16xi1> -> vector<16xf32>
      %reduce_sum3A_581 = vector.extract %reduce_sum3A_580[15] : f32 from vector<16xf32>
      %broadcast_in_dim3A_582 = vector.broadcast %reduce_sum3A_581 : f32 to vector<16xf32>
      %select_n3A_583 = arith.select %eq3A_554, %broadcast_in_dim3A_582, %select_n3A_551 : vector<16xi1>, vector<16xf32>
      %eq3A_584 = arith.constant 13 : i32
      %eq3A_585 = vector.broadcast %eq3A_584 : i32 to vector<16xi32>
      %eq3A_586 = arith.cmpi eq, %iota3A, %eq3A_585 : vector<16xi32>
      %get3A_587 = arith.constant 13 : i32
      %get3A_588 = arith.index_cast %get3A_587 : i32 to index
      %get3A_589 = arith.constant 0 : index
      %get3A_590 = tpu.vector_load %arg25[%get3A_588, %get3A_589] {strides = array<i32>} : memref<16x64xf32, #tpu.memory_space<vmem>>, vector<16xf32>,
      %mul3A_591 = arith.mulf %get3A_590, %get3A_147 : vector<16xf32>
      %get3A_592 = arith.constant 13 : i32
      %get3A_593 = arith.index_cast %get3A_592 : i32 to index
      %get3A_594 = arith.constant 16 : index
      %get3A_595 = tpu.vector_load %arg25[%get3A_593, %get3A_594] {strides = array<i32>} : memref<16x64xf32, #tpu.memory_space<vmem>>, vector<16xf32>,
      %mul3A_596 = arith.mulf %get3A_595, %get3A_150 : vector<16xf32>
      %add3A_597 = arith.addf %mul3A_591, %mul3A_596 : vector<16xf32>
      %get3A_598 = arith.constant 13 : i32
      %get3A_599 = arith.index_cast %get3A_598 : i32 to index
      %get3A_600 = arith.constant 32 : index
      %get3A_601 = tpu.vector_load %arg25[%get3A_599, %get3A_600] {strides = array<i32>} : memref<16x64xf32, #tpu.memory_space<vmem>>, vector<16xf32>,
      %mul3A_602 = arith.mulf %get3A_601, %get3A_153 : vector<16xf32>
      %add3A_603 = arith.addf %add3A_597, %mul3A_602 : vector<16xf32>
      %get3A_604 = arith.constant 13 : i32
      %get3A_605 = arith.index_cast %get3A_604 : i32 to index
      %get3A_606 = arith.constant 48 : index
      %get3A_607 = tpu.vector_load %arg25[%get3A_605, %get3A_606] {strides = array<i32>} : memref<16x64xf32, #tpu.memory_space<vmem>>, vector<16xf32>,
      %mul3A_608 = arith.mulf %get3A_607, %get3A_156 : vector<16xf32>
      %add3A_609 = arith.addf %add3A_603, %mul3A_608 : vector<16xf32>
      %reduce_sum3A_610 = arith.constant true
      %reduce_sum3A_611 = vector.broadcast %reduce_sum3A_610 : i1 to vector<16xi1>
      %reduce_sum3A_612 = tpu.scan <sum>, %add3A_609 masked %reduce_sum3A_611 : vector<16xf32>, vector<16xi1> -> vector<16xf32>
      %reduce_sum3A_613 = vector.extract %reduce_sum3A_612[15] : f32 from vector<16xf32>
      %broadcast_in_dim3A_614 = vector.broadcast %reduce_sum3A_613 : f32 to vector<16xf32>
      %select_n3A_615 = arith.select %eq3A_586, %broadcast_in_dim3A_614, %select_n3A_583 : vector<16xi1>, vector<16xf32>
      %eq3A_616 = arith.constant 14 : i32
      %eq3A_617 = vector.broadcast %eq3A_616 : i32 to vector<16xi32>
      %eq3A_618 = arith.cmpi eq, %iota3A, %eq3A_617 : vector<16xi32>
      %get3A_619 = arith.constant 14 : i32
      %get3A_620 = arith.index_cast %get3A_619 : i32 to index
      %get3A_621 = arith.constant 0 : index
      %get3A_622 = tpu.vector_load %arg25[%get3A_620, %get3A_621] {strides = array<i32>} : memref<16x64xf32, #tpu.memory_space<vmem>>, vector<16xf32>,
      %mul3A_623 = arith.mulf %get3A_622, %get3A_147 : vector<16xf32>
      %get3A_624 = arith.constant 14 : i32
      %get3A_625 = arith.index_cast %get3A_624 : i32 to index
      %get3A_626 = arith.constant 16 : index
      %get3A_627 = tpu.vector_load %arg25[%get3A_625, %get3A_626] {strides = array<i32>} : memref<16x64xf32, #tpu.memory_space<vmem>>, vector<16xf32>,
      %mul3A_628 = arith.mulf %get3A_627, %get3A_150 : vector<16xf32>
      %add3A_629 = arith.addf %mul3A_623, %mul3A_628 : vector<16xf32>
      %get3A_630 = arith.constant 14 : i32
      %get3A_631 = arith.index_cast %get3A_630 : i32 to index
      %get3A_632 = arith.constant 32 : index
      %get3A_633 = tpu.vector_load %arg25[%get3A_631, %get3A_632] {strides = array<i32>} : memref<16x64xf32, #tpu.memory_space<vmem>>, vector<16xf32>,
      %mul3A_634 = arith.mulf %get3A_633, %get3A_153 : vector<16xf32>
      %add3A_635 = arith.addf %add3A_629, %mul3A_634 : vector<16xf32>
      %get3A_636 = arith.constant 14 : i32
      %get3A_637 = arith.index_cast %get3A_636 : i32 to index
      %get3A_638 = arith.constant 48 : index
      %get3A_639 = tpu.vector_load %arg25[%get3A_637, %get3A_638] {strides = array<i32>} : memref<16x64xf32, #tpu.memory_space<vmem>>, vector<16xf32>,
      %mul3A_640 = arith.mulf %get3A_639, %get3A_156 : vector<16xf32>
      %add3A_641 = arith.addf %add3A_635, %mul3A_640 : vector<16xf32>
      %reduce_sum3A_642 = arith.constant true
      %reduce_sum3A_643 = vector.broadcast %reduce_sum3A_642 : i1 to vector<16xi1>
      %reduce_sum3A_644 = tpu.scan <sum>, %add3A_641 masked %reduce_sum3A_643 : vector<16xf32>, vector<16xi1> -> vector<16xf32>
      %reduce_sum3A_645 = vector.extract %reduce_sum3A_644[15] : f32 from vector<16xf32>
      %broadcast_in_dim3A_646 = vector.broadcast %reduce_sum3A_645 : f32 to vector<16xf32>
      %select_n3A_647 = arith.select %eq3A_618, %broadcast_in_dim3A_646, %select_n3A_615 : vector<16xi1>, vector<16xf32>
      %eq3A_648 = arith.constant 15 : i32
      %eq3A_649 = vector.broadcast %eq3A_648 : i32 to vector<16xi32>
      %eq3A_650 = arith.cmpi eq, %iota3A, %eq3A_649 : vector<16xi32>
      %get3A_651 = arith.constant 15 : i32
      %get3A_652 = arith.index_cast %get3A_651 : i32 to index
      %get3A_653 = arith.constant 0 : index
      %get3A_654 = tpu.vector_load %arg25[%get3A_652, %get3A_653] {strides = array<i32>} : memref<16x64xf32, #tpu.memory_space<vmem>>, vector<16xf32>,
      %mul3A_655 = arith.mulf %get3A_654, %get3A_147 : vector<16xf32>
      %get3A_656 = arith.constant 15 : i32
      %get3A_657 = arith.index_cast %get3A_656 : i32 to index
      %get3A_658 = arith.constant 16 : index
      %get3A_659 = tpu.vector_load %arg25[%get3A_657, %get3A_658] {strides = array<i32>} : memref<16x64xf32, #tpu.memory_space<vmem>>, vector<16xf32>,
      %mul3A_660 = arith.mulf %get3A_659, %get3A_150 : vector<16xf32>
      %add3A_661 = arith.addf %mul3A_655, %mul3A_660 : vector<16xf32>
      %get3A_662 = arith.constant 15 : i32
      %get3A_663 = arith.index_cast %get3A_662 : i32 to index
      %get3A_664 = arith.constant 32 : index
      %get3A_665 = tpu.vector_load %arg25[%get3A_663, %get3A_664] {strides = array<i32>} : memref<16x64xf32, #tpu.memory_space<vmem>>, vector<16xf32>,
      %mul3A_666 = arith.mulf %get3A_665, %get3A_153 : vector<16xf32>
      %add3A_667 = arith.addf %add3A_661, %mul3A_666 : vector<16xf32>
      %get3A_668 = arith.constant 15 : i32
      %get3A_669 = arith.index_cast %get3A_668 : i32 to index
      %get3A_670 = arith.constant 48 : index
      %get3A_671 = tpu.vector_load %arg25[%get3A_669, %get3A_670] {strides = array<i32>} : memref<16x64xf32, #tpu.memory_space<vmem>>, vector<16xf32>,
      %mul3A_672 = arith.mulf %get3A_671, %get3A_156 : vector<16xf32>
      %add3A_673 = arith.addf %add3A_667, %mul3A_672 : vector<16xf32>
      %reduce_sum3A_674 = arith.constant true
      %reduce_sum3A_675 = vector.broadcast %reduce_sum3A_674 : i1 to vector<16xi1>
      %reduce_sum3A_676 = tpu.scan <sum>, %add3A_673 masked %reduce_sum3A_675 : vector<16xf32>, vector<16xi1> -> vector<16xf32>
      %reduce_sum3A_677 = vector.extract %reduce_sum3A_676[15] : f32 from vector<16xf32>
      %broadcast_in_dim3A_678 = vector.broadcast %reduce_sum3A_677 : f32 to vector<16xf32>
      %select_n3A_679 = arith.select %eq3A_650, %broadcast_in_dim3A_678, %select_n3A_647 : vector<16xi1>, vector<16xf32>
      %swap3A = arith.index_cast %mul3A_97 : i32 to index
      %swap3A_680 = arith.constant 0 : index
      %swap3A_681 = tpu.vector_load %arg32[%swap3A, %swap3A_680] {strides = array<i32>} : memref<128x16xf32, #tpu.memory_space<vmem>>, vector<16xf32>,
      tpu.vector_store %arg32[%swap3A, %swap3A_680], %select_n3A_679 {strides = array<i32>} : memref<128x16xf32, #tpu.memory_space<vmem>>, vector<16xf32>,
      %jit3A = arith.constant 16 : i32
      %eq3A_682 = arith.constant 0 : i32
      %eq3A_683 = arith.cmpi eq, %jit3A, %eq3A_682 : i32
      %jit3A_684 = arith.constant 1 : i32
      %select_n3A_685 = arith.select %eq3A_683, %jit3A_684, %jit3A : i32
      %rem3A = arith.remsi %mul3A_97, %select_n3A_685 : i32
      %ne3A = arith.constant 0 : i32
      %ne3A_686 = arith.cmpi ne, %rem3A, %ne3A : i32
      %lt3A = arith.constant 0 : i32
      %lt3A_687 = arith.cmpi slt, %rem3A, %lt3A : i32
      %lt3A_688 = arith.constant 0 : i32
      %lt3A_689 = arith.cmpi slt, %select_n3A_685, %lt3A_688 : i32
      %ne3A_690 = arith.xori %lt3A_687, %lt3A_689 : i1
      %and3A = arith.andi %ne3A_690, %ne3A_686 : i1
      %add3A_691 = arith.addi %rem3A, %select_n3A_685 : i32
      %select_n3A_692 = arith.select %and3A, %add3A_691, %rem3A : i32
      %eq3A_693 = vector.broadcast %select_n3A_692 : i32 to vector<16xi32>
      %eq3A_694 = arith.cmpi eq, %iota3A, %eq3A_693 : vector<16xi32>
      %get3A_695 = arith.index_cast %mul3A_97 : i32 to index
      %get3A_696 = arith.constant 0 : index
      %get3A_697 = tpu.vector_load %arg20[%get3A_695, %get3A_696] {strides = array<i32>} : memref<128x64xf32, #tpu.memory_space<vmem>>, vector<16xf32>,
      %mul3A_698 = arith.mulf %get3A_697, %get3A_147 : vector<16xf32>
      %get3A_699 = arith.index_cast %mul3A_97 : i32 to index
      %get3A_700 = arith.constant 16 : index
      %get3A_701 = tpu.vector_load %arg20[%get3A_699, %get3A_700] {strides = array<i32>} : memref<128x64xf32, #tpu.memory_space<vmem>>, vector<16xf32>,
      %mul3A_702 = arith.mulf %get3A_701, %get3A_150 : vector<16xf32>
      %add3A_703 = arith.addf %mul3A_698, %mul3A_702 : vector<16xf32>
      %get3A_704 = arith.index_cast %mul3A_97 : i32 to index
      %get3A_705 = arith.constant 32 : index
      %get3A_706 = tpu.vector_load %arg20[%get3A_704, %get3A_705] {strides = array<i32>} : memref<128x64xf32, #tpu.memory_space<vmem>>, vector<16xf32>,
      %mul3A_707 = arith.mulf %get3A_706, %get3A_153 : vector<16xf32>
      %add3A_708 = arith.addf %add3A_703, %mul3A_707 : vector<16xf32>
      %get3A_709 = arith.index_cast %mul3A_97 : i32 to index
      %get3A_710 = arith.constant 48 : index
      %get3A_711 = tpu.vector_load %arg20[%get3A_709, %get3A_710] {strides = array<i32>} : memref<128x64xf32, #tpu.memory_space<vmem>>, vector<16xf32>,
      %mul3A_712 = arith.mulf %get3A_711, %get3A_156 : vector<16xf32>
      %add3A_713 = arith.addf %add3A_708, %mul3A_712 : vector<16xf32>
      %reduce_sum3A_714 = arith.constant true
      %reduce_sum3A_715 = vector.broadcast %reduce_sum3A_714 : i1 to vector<16xi1>
      %reduce_sum3A_716 = tpu.scan <sum>, %add3A_713 masked %reduce_sum3A_715 : vector<16xf32>, vector<16xi1> -> vector<16xf32>
      %reduce_sum3A_717 = vector.extract %reduce_sum3A_716[15] : f32 from vector<16xf32>
      %broadcast_in_dim3A_718 = vector.broadcast %reduce_sum3A_717 : f32 to vector<16xf32>
      %select_n3A_719 = arith.select %eq3A_694, %broadcast_in_dim3A_718, %scan3A_95 : vector<16xi1>, vector<16xf32>
      %jit3A_720 = arith.constant 16 : i32
      %eq3A_721 = arith.constant 0 : i32
      %eq3A_722 = arith.cmpi eq, %jit3A_720, %eq3A_721 : i32
      %jit3A_723 = arith.constant 1 : i32
      %select_n3A_724 = arith.select %eq3A_722, %jit3A_723, %jit3A_720 : i32
      %rem3A_725 = arith.remsi %mul3A_97, %select_n3A_724 : i32
      %ne3A_726 = arith.constant 0 : i32
      %ne3A_727 = arith.cmpi ne, %rem3A_725, %ne3A_726 : i32
      %lt3A_728 = arith.constant 0 : i32
      %lt3A_729 = arith.cmpi slt, %rem3A_725, %lt3A_728 : i32
      %lt3A_730 = arith.constant 0 : i32
      %lt3A_731 = arith.cmpi slt, %select_n3A_724, %lt3A_730 : i32
      %ne3A_732 = arith.xori %lt3A_729, %lt3A_731 : i1
      %and3A_733 = arith.andi %ne3A_732, %ne3A_727 : i1
      %add3A_734 = arith.addi %rem3A_725, %select_n3A_724 : i32
      %select_n3A_735 = arith.select %and3A_733, %add3A_734, %rem3A_725 : i32
      %eq3A_736 = arith.constant 15 : i32
      %eq3A_737 = arith.cmpi eq, %select_n3A_735, %eq3A_736 : i32
      %convert_element_type3A_738 = arith.extui %eq3A_737 : i1 to i32
      %cond3A_739 = arith.constant 0 : i32
      %cond3A_740 = arith.cmpi ne, %convert_element_type3A_738, %cond3A_739 : i32
      scf.if %cond3A_740 {
        %sub3A = arith.constant 15 : i32
        %sub3A_1369 = arith.subi %mul3A_97, %sub3A : i32
        %swap3A_1370 = arith.index_cast %sub3A_1369 : i32 to index
        %swap3A_1371 = tpu.vector_load %arg33[%swap3A_1370] {strides = array<i32>} : memref<128xf32, #tpu.memory_space<vmem>>, vector<16xf32>,
        tpu.vector_store %arg33[%swap3A_1370], %select_n3A_719 {strides = array<i32>} : memref<128xf32, #tpu.memory_space<vmem>>, vector<16xf32>,
      } else {
      }
      %lt3A_741 = arith.constant 63 : i32
      %lt3A_742 = arith.cmpi slt, %scan3A_94, %lt3A_741 : i32
      %convert_element_type3A_743 = arith.extui %lt3A_742 : i1 to i32
      %cond3A_744 = arith.constant 0 : i32
      %cond3A_745 = arith.cmpi ne, %convert_element_type3A_743, %cond3A_744 : i32
      scf.if %cond3A_745 {
        %add3A_1369 = arith.constant 2 : i32
        %add3A_1370 = arith.addi %mul3A_97, %add3A_1369 : i32
        %dma_start3A_1371 = arith.constant 0 : i32
        %dma_start3A_1372 = arith.constant 0 : i32
        %dma_start3A_1373 = tpu.memref_slice %arg22[%dma_start3A_1371, %dma_start3A_1372] : memref<304x64xf32, #tpu.memory_space<vmem>> -> memref<128x64xf32, #tpu.memory_space<vmem>>
        %dma_start3A_1374 = arith.constant 0 : i32
        %dma_start3A_1375 = tpu.memref_slice %arg21[%add3A_1370, %dma_start3A_1374] : memref<128x304xi32, #tpu.memory_space<vmem>> -> memref<1x128xi32, #tpu.memory_space<vmem>>
        %dma_start3A_1376 = tpu.memref_squeeze %dma_start3A_1375 : memref<1x128xi32, #tpu.memory_space<vmem>> -> memref<128xi32, #tpu.memory_space<vmem>>
        %dma_start3A_1377 = arith.constant 0 : i32
        %dma_start3A_1378 = arith.constant 0 : i32
        %dma_start3A_1379 = tpu.memref_slice %arg6[%dma_start3A_1377, %dma_start3A_1378] : memref<100000x64xf32, #tpu.memory_space<hbm>> -> memref<100000x64xf32, #tpu.memory_space<hbm>>
        tpu.enqueue_indirect_dma source(%dma_start3A_1379 : memref<100000x64xf32, #tpu.memory_space<hbm>>) target(%dma_start3A_1373 : memref<128x64xf32, #tpu.memory_space<vmem>>) offsets(%dma_start3A_1376 : memref<128xi32, #tpu.memory_space<vmem>>) semaphore(%arg35 : memref<!tpu.dma_semaphore, #tpu.memory_space<semaphore_mem>>)
        %dma_start3A_1380 = arith.constant 128 : i32
        %dma_start3A_1381 = arith.constant 0 : i32
        %dma_start3A_1382 = tpu.memref_slice %arg22[%dma_start3A_1380, %dma_start3A_1381] : memref<304x64xf32, #tpu.memory_space<vmem>> -> memref<128x64xf32, #tpu.memory_space<vmem>>
        %dma_start3A_1383 = arith.constant 128 : i32
        %dma_start3A_1384 = tpu.memref_slice %arg21[%add3A_1370, %dma_start3A_1383] : memref<128x304xi32, #tpu.memory_space<vmem>> -> memref<1x128xi32, #tpu.memory_space<vmem>>
        %dma_start3A_1385 = tpu.memref_squeeze %dma_start3A_1384 : memref<1x128xi32, #tpu.memory_space<vmem>> -> memref<128xi32, #tpu.memory_space<vmem>>
        %dma_start3A_1386 = arith.constant 0 : i32
        %dma_start3A_1387 = arith.constant 0 : i32
        %dma_start3A_1388 = tpu.memref_slice %arg6[%dma_start3A_1386, %dma_start3A_1387] : memref<100000x64xf32, #tpu.memory_space<hbm>> -> memref<100000x64xf32, #tpu.memory_space<hbm>>
        tpu.enqueue_indirect_dma source(%dma_start3A_1388 : memref<100000x64xf32, #tpu.memory_space<hbm>>) target(%dma_start3A_1382 : memref<128x64xf32, #tpu.memory_space<vmem>>) offsets(%dma_start3A_1385 : memref<128xi32, #tpu.memory_space<vmem>>) semaphore(%arg35 : memref<!tpu.dma_semaphore, #tpu.memory_space<semaphore_mem>>)
        %dma_start3A_1389 = arith.constant 256 : i32
        %dma_start3A_1390 = arith.constant 0 : i32
        %dma_start3A_1391 = tpu.memref_slice %arg22[%dma_start3A_1389, %dma_start3A_1390] : memref<304x64xf32, #tpu.memory_space<vmem>> -> memref<48x64xf32, #tpu.memory_space<vmem>>
        %dma_start3A_1392 = arith.constant 256 : i32
        %dma_start3A_1393 = tpu.memref_slice %arg21[%add3A_1370, %dma_start3A_1392] : memref<128x304xi32, #tpu.memory_space<vmem>> -> memref<1x48xi32, #tpu.memory_space<vmem>>
        %dma_start3A_1394 = tpu.memref_squeeze %dma_start3A_1393 : memref<1x48xi32, #tpu.memory_space<vmem>> -> memref<48xi32, #tpu.memory_space<vmem>>
        %dma_start3A_1395 = arith.constant 0 : i32
        %dma_start3A_1396 = arith.constant 0 : i32
        %dma_start3A_1397 = tpu.memref_slice %arg6[%dma_start3A_1395, %dma_start3A_1396] : memref<100000x64xf32, #tpu.memory_space<hbm>> -> memref<100000x64xf32, #tpu.memory_space<hbm>>
        tpu.enqueue_indirect_dma source(%dma_start3A_1397 : memref<100000x64xf32, #tpu.memory_space<hbm>>) target(%dma_start3A_1391 : memref<48x64xf32, #tpu.memory_space<vmem>>) offsets(%dma_start3A_1394 : memref<48xi32, #tpu.memory_space<vmem>>) semaphore(%arg35 : memref<!tpu.dma_semaphore, #tpu.memory_space<semaphore_mem>>)
        %dma_start3A_1398 = arith.constant 0 : i32
        %dma_start3A_1399 = tpu.memref_slice %arg24[%add3A_1370, %dma_start3A_1398] : memref<128x16xi32, #tpu.memory_space<vmem>> -> memref<1x16xi32, #tpu.memory_space<vmem>>
        %dma_start3A_1400 = tpu.memref_squeeze %dma_start3A_1399 : memref<1x16xi32, #tpu.memory_space<vmem>> -> memref<16xi32, #tpu.memory_space<vmem>>
        %dma_start3A_1401 = arith.constant 0 : i32
        %dma_start3A_1402 = arith.constant 0 : i32
        %dma_start3A_1403 = tpu.memref_slice %arg6[%dma_start3A_1401, %dma_start3A_1402] : memref<100000x64xf32, #tpu.memory_space<hbm>> -> memref<100000x64xf32, #tpu.memory_space<hbm>>
        tpu.enqueue_indirect_dma source(%dma_start3A_1403 : memref<100000x64xf32, #tpu.memory_space<hbm>>) target(%arg25 : memref<16x64xf32, #tpu.memory_space<vmem>>) offsets(%dma_start3A_1400 : memref<16xi32, #tpu.memory_space<vmem>>) semaphore(%arg35 : memref<!tpu.dma_semaphore, #tpu.memory_space<semaphore_mem>>)
      } else {
      }
      %dma_wait3A_746 = arith.constant 0 : i32
      %dma_wait3A_747 = arith.constant 0 : i32
      %dma_wait3A_748 = tpu.memref_slice %arg6[%dma_wait3A_746, %dma_wait3A_747] : memref<100000x64xf32, #tpu.memory_space<hbm>> -> memref<304x64xf32, #tpu.memory_space<hbm>>
      %dma_wait3A_749 = arith.constant 0 : i32
      %dma_wait3A_750 = arith.constant 0 : i32
      %dma_wait3A_751 = tpu.memref_slice %arg6[%dma_wait3A_749, %dma_wait3A_750] : memref<100000x64xf32, #tpu.memory_space<hbm>> -> memref<304x64xf32, #tpu.memory_space<hbm>>
      tpu.wait_dma2 semaphore(%arg36 : memref<!tpu.dma_semaphore, #tpu.memory_space<semaphore_mem>>) src(%dma_wait3A_751 : memref<304x64xf32, #tpu.memory_space<hbm>>) dst(%arg23 : memref<304x64xf32, #tpu.memory_space<vmem>>)
      %dma_wait3A_752 = arith.constant 0 : i32
      %dma_wait3A_753 = arith.constant 0 : i32
      %dma_wait3A_754 = tpu.memref_slice %arg6[%dma_wait3A_752, %dma_wait3A_753] : memref<100000x64xf32, #tpu.memory_space<hbm>> -> memref<16x64xf32, #tpu.memory_space<hbm>>
      %dma_wait3A_755 = arith.constant 0 : i32
      %dma_wait3A_756 = arith.constant 0 : i32
      %dma_wait3A_757 = tpu.memref_slice %arg6[%dma_wait3A_755, %dma_wait3A_756] : memref<100000x64xf32, #tpu.memory_space<hbm>> -> memref<16x64xf32, #tpu.memory_space<hbm>>
      tpu.wait_dma2 semaphore(%arg36 : memref<!tpu.dma_semaphore, #tpu.memory_space<semaphore_mem>>) src(%dma_wait3A_757 : memref<16x64xf32, #tpu.memory_space<hbm>>) dst(%arg26 : memref<16x64xf32, #tpu.memory_space<vmem>>)
      %add3A_758 = arith.constant 1 : i32
      %add3A_759 = arith.addi %mul3A_97, %add3A_758 : i32
      %add3A_760 = arith.addi %mul3A_2, %add3A_759 : i32
      %get3A_761 = arith.index_cast %add3A_759 : i32 to index
      %get3A_762 = arith.constant 0 : index
      %get3A_763 = tpu.vector_load %arg19[%get3A_761, %get3A_762] {strides = array<i32>} : memref<128x64xf32, #tpu.memory_space<vmem>>, vector<16xf32>,
      %get3A_764 = arith.index_cast %add3A_759 : i32 to index
      %get3A_765 = arith.constant 16 : index
      %get3A_766 = tpu.vector_load %arg19[%get3A_764, %get3A_765] {strides = array<i32>} : memref<128x64xf32, #tpu.memory_space<vmem>>, vector<16xf32>,
      %get3A_767 = arith.index_cast %add3A_759 : i32 to index
      %get3A_768 = arith.constant 32 : index
      %get3A_769 = tpu.vector_load %arg19[%get3A_767, %get3A_768] {strides = array<i32>} : memref<128x64xf32, #tpu.memory_space<vmem>>, vector<16xf32>,
      %get3A_770 = arith.index_cast %add3A_759 : i32 to index
      %get3A_771 = arith.constant 48 : index
      %get3A_772 = tpu.vector_load %arg19[%get3A_770, %get3A_771] {strides = array<i32>} : memref<128x64xf32, #tpu.memory_space<vmem>>, vector<16xf32>,
      %ge3A_773 = arith.constant 1 : i32
      %ge3A_774 = arith.cmpi sge, %scan3A_94, %ge3A_773 : i32
      %convert_element_type3A_775 = arith.extui %ge3A_774 : i1 to i32
      %cond3A_776 = arith.constant 0 : i32
      %cond3A_777 = arith.cmpi ne, %convert_element_type3A_775, %cond3A_776 : i32
      scf.if %cond3A_777 {
        %dma_wait3A_1369 = arith.constant 0 : i32
        %dma_wait3A_1370 = arith.constant 0 : i32
        %dma_wait3A_1371 = tpu.memref_slice %arg11[%dma_wait3A_1369, %dma_wait3A_1370] : memref<4096x304xf32, #tpu.memory_space<hbm>> -> memref<1x304xf32, #tpu.memory_space<hbm>>
        %dma_wait3A_1372 = tpu.memref_squeeze %dma_wait3A_1371 : memref<1x304xf32, #tpu.memory_space<hbm>> -> memref<304xf32, #tpu.memory_space<hbm>>
        %dma_wait3A_1373 = arith.constant 0 : i32
        %dma_wait3A_1374 = tpu.memref_slice %arg11[%dma_wait3A_1369, %dma_wait3A_1373] : memref<4096x304xf32, #tpu.memory_space<hbm>> -> memref<1x304xf32, #tpu.memory_space<hbm>>
        %dma_wait3A_1375 = tpu.memref_squeeze %dma_wait3A_1374 : memref<1x304xf32, #tpu.memory_space<hbm>> -> memref<304xf32, #tpu.memory_space<hbm>>
        tpu.wait_dma2 semaphore(%arg38 : memref<!tpu.dma_semaphore, #tpu.memory_space<semaphore_mem>>) src(%dma_wait3A_1375 : memref<304xf32, #tpu.memory_space<hbm>>) dst(%arg31 : memref<304xf32, #tpu.memory_space<vmem>>)
      } else {
      }
      %scan3A_778 = arith.constant 0 : i32
      %scan3A_779 = arith.constant 0 : i32
      %scan3A_780 = arith.constant 19 : i32
      %scan3A_781 = arith.addi %scan3A_779, %scan3A_780 : i32
      %scan3A_782 = arith.constant 1 : i32
      scf.for %scan3A_1369 = %scan3A_779 to %scan3A_781 step %scan3A_782  : i32 {
        %mul3A_1370 = arith.constant 16 : i32
        %mul3A_1371 = arith.muli %scan3A_1369, %mul3A_1370 : i32
        %eq3A_1372 = arith.constant 0 : i32
        %eq3A_1373 = vector.broadcast %eq3A_1372 : i32 to vector<16xi32>
        %eq3A_1374 = arith.cmpi eq, %iota3A, %eq3A_1373 : vector<16xi32>
        %add3A_1375 = arith.constant 0 : i32
        %add3A_1376 = arith.addi %mul3A_1371, %add3A_1375 : i32
        %get3A_1377 = arith.index_cast %add3A_1376 : i32 to index
        %get3A_1378 = arith.constant 0 : index
        %get3A_1379 = tpu.vector_load %arg23[%get3A_1377, %get3A_1378] {strides = array<i32>} : memref<304x64xf32, #tpu.memory_space<vmem>>, vector<16xf32>,
        %mul3A_1380 = arith.mulf %get3A_1379, %get3A_763 : vector<16xf32>
        %get3A_1381 = arith.index_cast %add3A_1376 : i32 to index
        %get3A_1382 = arith.constant 16 : index
        %get3A_1383 = tpu.vector_load %arg23[%get3A_1381, %get3A_1382] {strides = array<i32>} : memref<304x64xf32, #tpu.memory_space<vmem>>, vector<16xf32>,
        %mul3A_1384 = arith.mulf %get3A_1383, %get3A_766 : vector<16xf32>
        %add3A_1385 = arith.addf %mul3A_1380, %mul3A_1384 : vector<16xf32>
        %get3A_1386 = arith.index_cast %add3A_1376 : i32 to index
        %get3A_1387 = arith.constant 32 : index
        %get3A_1388 = tpu.vector_load %arg23[%get3A_1386, %get3A_1387] {strides = array<i32>} : memref<304x64xf32, #tpu.memory_space<vmem>>, vector<16xf32>,
        %mul3A_1389 = arith.mulf %get3A_1388, %get3A_769 : vector<16xf32>
        %add3A_1390 = arith.addf %add3A_1385, %mul3A_1389 : vector<16xf32>
        %get3A_1391 = arith.index_cast %add3A_1376 : i32 to index
        %get3A_1392 = arith.constant 48 : index
        %get3A_1393 = tpu.vector_load %arg23[%get3A_1391, %get3A_1392] {strides = array<i32>} : memref<304x64xf32, #tpu.memory_space<vmem>>, vector<16xf32>,
        %mul3A_1394 = arith.mulf %get3A_1393, %get3A_772 : vector<16xf32>
        %add3A_1395 = arith.addf %add3A_1390, %mul3A_1394 : vector<16xf32>
        %reduce_sum3A_1396 = arith.constant true
        %reduce_sum3A_1397 = vector.broadcast %reduce_sum3A_1396 : i1 to vector<16xi1>
        %reduce_sum3A_1398 = tpu.scan <sum>, %add3A_1395 masked %reduce_sum3A_1397 : vector<16xf32>, vector<16xi1> -> vector<16xf32>
        %reduce_sum3A_1399 = vector.extract %reduce_sum3A_1398[15] : f32 from vector<16xf32>
        %broadcast_in_dim3A_1400 = vector.broadcast %reduce_sum3A_1399 : f32 to vector<16xf32>
        %select_n3A_1401 = arith.select %eq3A_1374, %broadcast_in_dim3A_1400, %broadcast_in_dim3A_37 : vector<16xi1>, vector<16xf32>
        %eq3A_1402 = arith.constant 1 : i32
        %eq3A_1403 = vector.broadcast %eq3A_1402 : i32 to vector<16xi32>
        %eq3A_1404 = arith.cmpi eq, %iota3A, %eq3A_1403 : vector<16xi32>
        %add3A_1405 = arith.constant 1 : i32
        %add3A_1406 = arith.addi %mul3A_1371, %add3A_1405 : i32
        %get3A_1407 = arith.index_cast %add3A_1406 : i32 to index
        %get3A_1408 = arith.constant 0 : index
        %get3A_1409 = tpu.vector_load %arg23[%get3A_1407, %get3A_1408] {strides = array<i32>} : memref<304x64xf32, #tpu.memory_space<vmem>>, vector<16xf32>,
        %mul3A_1410 = arith.mulf %get3A_1409, %get3A_763 : vector<16xf32>
        %get3A_1411 = arith.index_cast %add3A_1406 : i32 to index
        %get3A_1412 = arith.constant 16 : index
        %get3A_1413 = tpu.vector_load %arg23[%get3A_1411, %get3A_1412] {strides = array<i32>} : memref<304x64xf32, #tpu.memory_space<vmem>>, vector<16xf32>,
        %mul3A_1414 = arith.mulf %get3A_1413, %get3A_766 : vector<16xf32>
        %add3A_1415 = arith.addf %mul3A_1410, %mul3A_1414 : vector<16xf32>
        %get3A_1416 = arith.index_cast %add3A_1406 : i32 to index
        %get3A_1417 = arith.constant 32 : index
        %get3A_1418 = tpu.vector_load %arg23[%get3A_1416, %get3A_1417] {strides = array<i32>} : memref<304x64xf32, #tpu.memory_space<vmem>>, vector<16xf32>,
        %mul3A_1419 = arith.mulf %get3A_1418, %get3A_769 : vector<16xf32>
        %add3A_1420 = arith.addf %add3A_1415, %mul3A_1419 : vector<16xf32>
        %get3A_1421 = arith.index_cast %add3A_1406 : i32 to index
        %get3A_1422 = arith.constant 48 : index
        %get3A_1423 = tpu.vector_load %arg23[%get3A_1421, %get3A_1422] {strides = array<i32>} : memref<304x64xf32, #tpu.memory_space<vmem>>, vector<16xf32>,
        %mul3A_1424 = arith.mulf %get3A_1423, %get3A_772 : vector<16xf32>
        %add3A_1425 = arith.addf %add3A_1420, %mul3A_1424 : vector<16xf32>
        %reduce_sum3A_1426 = arith.constant true
        %reduce_sum3A_1427 = vector.broadcast %reduce_sum3A_1426 : i1 to vector<16xi1>
        %reduce_sum3A_1428 = tpu.scan <sum>, %add3A_1425 masked %reduce_sum3A_1427 : vector<16xf32>, vector<16xi1> -> vector<16xf32>
        %reduce_sum3A_1429 = vector.extract %reduce_sum3A_1428[15] : f32 from vector<16xf32>
        %broadcast_in_dim3A_1430 = vector.broadcast %reduce_sum3A_1429 : f32 to vector<16xf32>
        %select_n3A_1431 = arith.select %eq3A_1404, %broadcast_in_dim3A_1430, %select_n3A_1401 : vector<16xi1>, vector<16xf32>
        %eq3A_1432 = arith.constant 2 : i32
        %eq3A_1433 = vector.broadcast %eq3A_1432 : i32 to vector<16xi32>
        %eq3A_1434 = arith.cmpi eq, %iota3A, %eq3A_1433 : vector<16xi32>
        %add3A_1435 = arith.constant 2 : i32
        %add3A_1436 = arith.addi %mul3A_1371, %add3A_1435 : i32
        %get3A_1437 = arith.index_cast %add3A_1436 : i32 to index
        %get3A_1438 = arith.constant 0 : index
        %get3A_1439 = tpu.vector_load %arg23[%get3A_1437, %get3A_1438] {strides = array<i32>} : memref<304x64xf32, #tpu.memory_space<vmem>>, vector<16xf32>,
        %mul3A_1440 = arith.mulf %get3A_1439, %get3A_763 : vector<16xf32>
        %get3A_1441 = arith.index_cast %add3A_1436 : i32 to index
        %get3A_1442 = arith.constant 16 : index
        %get3A_1443 = tpu.vector_load %arg23[%get3A_1441, %get3A_1442] {strides = array<i32>} : memref<304x64xf32, #tpu.memory_space<vmem>>, vector<16xf32>,
        %mul3A_1444 = arith.mulf %get3A_1443, %get3A_766 : vector<16xf32>
        %add3A_1445 = arith.addf %mul3A_1440, %mul3A_1444 : vector<16xf32>
        %get3A_1446 = arith.index_cast %add3A_1436 : i32 to index
        %get3A_1447 = arith.constant 32 : index
        %get3A_1448 = tpu.vector_load %arg23[%get3A_1446, %get3A_1447] {strides = array<i32>} : memref<304x64xf32, #tpu.memory_space<vmem>>, vector<16xf32>,
        %mul3A_1449 = arith.mulf %get3A_1448, %get3A_769 : vector<16xf32>
        %add3A_1450 = arith.addf %add3A_1445, %mul3A_1449 : vector<16xf32>
        %get3A_1451 = arith.index_cast %add3A_1436 : i32 to index
        %get3A_1452 = arith.constant 48 : index
        %get3A_1453 = tpu.vector_load %arg23[%get3A_1451, %get3A_1452] {strides = array<i32>} : memref<304x64xf32, #tpu.memory_space<vmem>>, vector<16xf32>,
        %mul3A_1454 = arith.mulf %get3A_1453, %get3A_772 : vector<16xf32>
        %add3A_1455 = arith.addf %add3A_1450, %mul3A_1454 : vector<16xf32>
        %reduce_sum3A_1456 = arith.constant true
        %reduce_sum3A_1457 = vector.broadcast %reduce_sum3A_1456 : i1 to vector<16xi1>
        %reduce_sum3A_1458 = tpu.scan <sum>, %add3A_1455 masked %reduce_sum3A_1457 : vector<16xf32>, vector<16xi1> -> vector<16xf32>
        %reduce_sum3A_1459 = vector.extract %reduce_sum3A_1458[15] : f32 from vector<16xf32>
        %broadcast_in_dim3A_1460 = vector.broadcast %reduce_sum3A_1459 : f32 to vector<16xf32>
        %select_n3A_1461 = arith.select %eq3A_1434, %broadcast_in_dim3A_1460, %select_n3A_1431 : vector<16xi1>, vector<16xf32>
        %eq3A_1462 = arith.constant 3 : i32
        %eq3A_1463 = vector.broadcast %eq3A_1462 : i32 to vector<16xi32>
        %eq3A_1464 = arith.cmpi eq, %iota3A, %eq3A_1463 : vector<16xi32>
        %add3A_1465 = arith.constant 3 : i32
        %add3A_1466 = arith.addi %mul3A_1371, %add3A_1465 : i32
        %get3A_1467 = arith.index_cast %add3A_1466 : i32 to index
        %get3A_1468 = arith.constant 0 : index
        %get3A_1469 = tpu.vector_load %arg23[%get3A_1467, %get3A_1468] {strides = array<i32>} : memref<304x64xf32, #tpu.memory_space<vmem>>, vector<16xf32>,
        %mul3A_1470 = arith.mulf %get3A_1469, %get3A_763 : vector<16xf32>
        %get3A_1471 = arith.index_cast %add3A_1466 : i32 to index
        %get3A_1472 = arith.constant 16 : index
        %get3A_1473 = tpu.vector_load %arg23[%get3A_1471, %get3A_1472] {strides = array<i32>} : memref<304x64xf32, #tpu.memory_space<vmem>>, vector<16xf32>,
        %mul3A_1474 = arith.mulf %get3A_1473, %get3A_766 : vector<16xf32>
        %add3A_1475 = arith.addf %mul3A_1470, %mul3A_1474 : vector<16xf32>
        %get3A_1476 = arith.index_cast %add3A_1466 : i32 to index
        %get3A_1477 = arith.constant 32 : index
        %get3A_1478 = tpu.vector_load %arg23[%get3A_1476, %get3A_1477] {strides = array<i32>} : memref<304x64xf32, #tpu.memory_space<vmem>>, vector<16xf32>,
        %mul3A_1479 = arith.mulf %get3A_1478, %get3A_769 : vector<16xf32>
        %add3A_1480 = arith.addf %add3A_1475, %mul3A_1479 : vector<16xf32>
        %get3A_1481 = arith.index_cast %add3A_1466 : i32 to index
        %get3A_1482 = arith.constant 48 : index
        %get3A_1483 = tpu.vector_load %arg23[%get3A_1481, %get3A_1482] {strides = array<i32>} : memref<304x64xf32, #tpu.memory_space<vmem>>, vector<16xf32>,
        %mul3A_1484 = arith.mulf %get3A_1483, %get3A_772 : vector<16xf32>
        %add3A_1485 = arith.addf %add3A_1480, %mul3A_1484 : vector<16xf32>
        %reduce_sum3A_1486 = arith.constant true
        %reduce_sum3A_1487 = vector.broadcast %reduce_sum3A_1486 : i1 to vector<16xi1>
        %reduce_sum3A_1488 = tpu.scan <sum>, %add3A_1485 masked %reduce_sum3A_1487 : vector<16xf32>, vector<16xi1> -> vector<16xf32>
        %reduce_sum3A_1489 = vector.extract %reduce_sum3A_1488[15] : f32 from vector<16xf32>
        %broadcast_in_dim3A_1490 = vector.broadcast %reduce_sum3A_1489 : f32 to vector<16xf32>
        %select_n3A_1491 = arith.select %eq3A_1464, %broadcast_in_dim3A_1490, %select_n3A_1461 : vector<16xi1>, vector<16xf32>
        %eq3A_1492 = arith.constant 4 : i32
        %eq3A_1493 = vector.broadcast %eq3A_1492 : i32 to vector<16xi32>
        %eq3A_1494 = arith.cmpi eq, %iota3A, %eq3A_1493 : vector<16xi32>
        %add3A_1495 = arith.constant 4 : i32
        %add3A_1496 = arith.addi %mul3A_1371, %add3A_1495 : i32
        %get3A_1497 = arith.index_cast %add3A_1496 : i32 to index
        %get3A_1498 = arith.constant 0 : index
        %get3A_1499 = tpu.vector_load %arg23[%get3A_1497, %get3A_1498] {strides = array<i32>} : memref<304x64xf32, #tpu.memory_space<vmem>>, vector<16xf32>,
        %mul3A_1500 = arith.mulf %get3A_1499, %get3A_763 : vector<16xf32>
        %get3A_1501 = arith.index_cast %add3A_1496 : i32 to index
        %get3A_1502 = arith.constant 16 : index
        %get3A_1503 = tpu.vector_load %arg23[%get3A_1501, %get3A_1502] {strides = array<i32>} : memref<304x64xf32, #tpu.memory_space<vmem>>, vector<16xf32>,
        %mul3A_1504 = arith.mulf %get3A_1503, %get3A_766 : vector<16xf32>
        %add3A_1505 = arith.addf %mul3A_1500, %mul3A_1504 : vector<16xf32>
        %get3A_1506 = arith.index_cast %add3A_1496 : i32 to index
        %get3A_1507 = arith.constant 32 : index
        %get3A_1508 = tpu.vector_load %arg23[%get3A_1506, %get3A_1507] {strides = array<i32>} : memref<304x64xf32, #tpu.memory_space<vmem>>, vector<16xf32>,
        %mul3A_1509 = arith.mulf %get3A_1508, %get3A_769 : vector<16xf32>
        %add3A_1510 = arith.addf %add3A_1505, %mul3A_1509 : vector<16xf32>
        %get3A_1511 = arith.index_cast %add3A_1496 : i32 to index
        %get3A_1512 = arith.constant 48 : index
        %get3A_1513 = tpu.vector_load %arg23[%get3A_1511, %get3A_1512] {strides = array<i32>} : memref<304x64xf32, #tpu.memory_space<vmem>>, vector<16xf32>,
        %mul3A_1514 = arith.mulf %get3A_1513, %get3A_772 : vector<16xf32>
        %add3A_1515 = arith.addf %add3A_1510, %mul3A_1514 : vector<16xf32>
        %reduce_sum3A_1516 = arith.constant true
        %reduce_sum3A_1517 = vector.broadcast %reduce_sum3A_1516 : i1 to vector<16xi1>
        %reduce_sum3A_1518 = tpu.scan <sum>, %add3A_1515 masked %reduce_sum3A_1517 : vector<16xf32>, vector<16xi1> -> vector<16xf32>
        %reduce_sum3A_1519 = vector.extract %reduce_sum3A_1518[15] : f32 from vector<16xf32>
        %broadcast_in_dim3A_1520 = vector.broadcast %reduce_sum3A_1519 : f32 to vector<16xf32>
        %select_n3A_1521 = arith.select %eq3A_1494, %broadcast_in_dim3A_1520, %select_n3A_1491 : vector<16xi1>, vector<16xf32>
        %eq3A_1522 = arith.constant 5 : i32
        %eq3A_1523 = vector.broadcast %eq3A_1522 : i32 to vector<16xi32>
        %eq3A_1524 = arith.cmpi eq, %iota3A, %eq3A_1523 : vector<16xi32>
        %add3A_1525 = arith.constant 5 : i32
        %add3A_1526 = arith.addi %mul3A_1371, %add3A_1525 : i32
        %get3A_1527 = arith.index_cast %add3A_1526 : i32 to index
        %get3A_1528 = arith.constant 0 : index
        %get3A_1529 = tpu.vector_load %arg23[%get3A_1527, %get3A_1528] {strides = array<i32>} : memref<304x64xf32, #tpu.memory_space<vmem>>, vector<16xf32>,
        %mul3A_1530 = arith.mulf %get3A_1529, %get3A_763 : vector<16xf32>
        %get3A_1531 = arith.index_cast %add3A_1526 : i32 to index
        %get3A_1532 = arith.constant 16 : index
        %get3A_1533 = tpu.vector_load %arg23[%get3A_1531, %get3A_1532] {strides = array<i32>} : memref<304x64xf32, #tpu.memory_space<vmem>>, vector<16xf32>,
        %mul3A_1534 = arith.mulf %get3A_1533, %get3A_766 : vector<16xf32>
        %add3A_1535 = arith.addf %mul3A_1530, %mul3A_1534 : vector<16xf32>
        %get3A_1536 = arith.index_cast %add3A_1526 : i32 to index
        %get3A_1537 = arith.constant 32 : index
        %get3A_1538 = tpu.vector_load %arg23[%get3A_1536, %get3A_1537] {strides = array<i32>} : memref<304x64xf32, #tpu.memory_space<vmem>>, vector<16xf32>,
        %mul3A_1539 = arith.mulf %get3A_1538, %get3A_769 : vector<16xf32>
        %add3A_1540 = arith.addf %add3A_1535, %mul3A_1539 : vector<16xf32>
        %get3A_1541 = arith.index_cast %add3A_1526 : i32 to index
        %get3A_1542 = arith.constant 48 : index
        %get3A_1543 = tpu.vector_load %arg23[%get3A_1541, %get3A_1542] {strides = array<i32>} : memref<304x64xf32, #tpu.memory_space<vmem>>, vector<16xf32>,
        %mul3A_1544 = arith.mulf %get3A_1543, %get3A_772 : vector<16xf32>
        %add3A_1545 = arith.addf %add3A_1540, %mul3A_1544 : vector<16xf32>
        %reduce_sum3A_1546 = arith.constant true
        %reduce_sum3A_1547 = vector.broadcast %reduce_sum3A_1546 : i1 to vector<16xi1>
        %reduce_sum3A_1548 = tpu.scan <sum>, %add3A_1545 masked %reduce_sum3A_1547 : vector<16xf32>, vector<16xi1> -> vector<16xf32>
        %reduce_sum3A_1549 = vector.extract %reduce_sum3A_1548[15] : f32 from vector<16xf32>
        %broadcast_in_dim3A_1550 = vector.broadcast %reduce_sum3A_1549 : f32 to vector<16xf32>
        %select_n3A_1551 = arith.select %eq3A_1524, %broadcast_in_dim3A_1550, %select_n3A_1521 : vector<16xi1>, vector<16xf32>
        %eq3A_1552 = arith.constant 6 : i32
        %eq3A_1553 = vector.broadcast %eq3A_1552 : i32 to vector<16xi32>
        %eq3A_1554 = arith.cmpi eq, %iota3A, %eq3A_1553 : vector<16xi32>
        %add3A_1555 = arith.constant 6 : i32
        %add3A_1556 = arith.addi %mul3A_1371, %add3A_1555 : i32
        %get3A_1557 = arith.index_cast %add3A_1556 : i32 to index
        %get3A_1558 = arith.constant 0 : index
        %get3A_1559 = tpu.vector_load %arg23[%get3A_1557, %get3A_1558] {strides = array<i32>} : memref<304x64xf32, #tpu.memory_space<vmem>>, vector<16xf32>,
        %mul3A_1560 = arith.mulf %get3A_1559, %get3A_763 : vector<16xf32>
        %get3A_1561 = arith.index_cast %add3A_1556 : i32 to index
        %get3A_1562 = arith.constant 16 : index
        %get3A_1563 = tpu.vector_load %arg23[%get3A_1561, %get3A_1562] {strides = array<i32>} : memref<304x64xf32, #tpu.memory_space<vmem>>, vector<16xf32>,
        %mul3A_1564 = arith.mulf %get3A_1563, %get3A_766 : vector<16xf32>
        %add3A_1565 = arith.addf %mul3A_1560, %mul3A_1564 : vector<16xf32>
        %get3A_1566 = arith.index_cast %add3A_1556 : i32 to index
        %get3A_1567 = arith.constant 32 : index
        %get3A_1568 = tpu.vector_load %arg23[%get3A_1566, %get3A_1567] {strides = array<i32>} : memref<304x64xf32, #tpu.memory_space<vmem>>, vector<16xf32>,
        %mul3A_1569 = arith.mulf %get3A_1568, %get3A_769 : vector<16xf32>
        %add3A_1570 = arith.addf %add3A_1565, %mul3A_1569 : vector<16xf32>
        %get3A_1571 = arith.index_cast %add3A_1556 : i32 to index
        %get3A_1572 = arith.constant 48 : index
        %get3A_1573 = tpu.vector_load %arg23[%get3A_1571, %get3A_1572] {strides = array<i32>} : memref<304x64xf32, #tpu.memory_space<vmem>>, vector<16xf32>,
        %mul3A_1574 = arith.mulf %get3A_1573, %get3A_772 : vector<16xf32>
        %add3A_1575 = arith.addf %add3A_1570, %mul3A_1574 : vector<16xf32>
        %reduce_sum3A_1576 = arith.constant true
        %reduce_sum3A_1577 = vector.broadcast %reduce_sum3A_1576 : i1 to vector<16xi1>
        %reduce_sum3A_1578 = tpu.scan <sum>, %add3A_1575 masked %reduce_sum3A_1577 : vector<16xf32>, vector<16xi1> -> vector<16xf32>
        %reduce_sum3A_1579 = vector.extract %reduce_sum3A_1578[15] : f32 from vector<16xf32>
        %broadcast_in_dim3A_1580 = vector.broadcast %reduce_sum3A_1579 : f32 to vector<16xf32>
        %select_n3A_1581 = arith.select %eq3A_1554, %broadcast_in_dim3A_1580, %select_n3A_1551 : vector<16xi1>, vector<16xf32>
        %eq3A_1582 = arith.constant 7 : i32
        %eq3A_1583 = vector.broadcast %eq3A_1582 : i32 to vector<16xi32>
        %eq3A_1584 = arith.cmpi eq, %iota3A, %eq3A_1583 : vector<16xi32>
        %add3A_1585 = arith.constant 7 : i32
        %add3A_1586 = arith.addi %mul3A_1371, %add3A_1585 : i32
        %get3A_1587 = arith.index_cast %add3A_1586 : i32 to index
        %get3A_1588 = arith.constant 0 : index
        %get3A_1589 = tpu.vector_load %arg23[%get3A_1587, %get3A_1588] {strides = array<i32>} : memref<304x64xf32, #tpu.memory_space<vmem>>, vector<16xf32>,
        %mul3A_1590 = arith.mulf %get3A_1589, %get3A_763 : vector<16xf32>
        %get3A_1591 = arith.index_cast %add3A_1586 : i32 to index
        %get3A_1592 = arith.constant 16 : index
        %get3A_1593 = tpu.vector_load %arg23[%get3A_1591, %get3A_1592] {strides = array<i32>} : memref<304x64xf32, #tpu.memory_space<vmem>>, vector<16xf32>,
        %mul3A_1594 = arith.mulf %get3A_1593, %get3A_766 : vector<16xf32>
        %add3A_1595 = arith.addf %mul3A_1590, %mul3A_1594 : vector<16xf32>
        %get3A_1596 = arith.index_cast %add3A_1586 : i32 to index
        %get3A_1597 = arith.constant 32 : index
        %get3A_1598 = tpu.vector_load %arg23[%get3A_1596, %get3A_1597] {strides = array<i32>} : memref<304x64xf32, #tpu.memory_space<vmem>>, vector<16xf32>,
        %mul3A_1599 = arith.mulf %get3A_1598, %get3A_769 : vector<16xf32>
        %add3A_1600 = arith.addf %add3A_1595, %mul3A_1599 : vector<16xf32>
        %get3A_1601 = arith.index_cast %add3A_1586 : i32 to index
        %get3A_1602 = arith.constant 48 : index
        %get3A_1603 = tpu.vector_load %arg23[%get3A_1601, %get3A_1602] {strides = array<i32>} : memref<304x64xf32, #tpu.memory_space<vmem>>, vector<16xf32>,
        %mul3A_1604 = arith.mulf %get3A_1603, %get3A_772 : vector<16xf32>
        %add3A_1605 = arith.addf %add3A_1600, %mul3A_1604 : vector<16xf32>
        %reduce_sum3A_1606 = arith.constant true
        %reduce_sum3A_1607 = vector.broadcast %reduce_sum3A_1606 : i1 to vector<16xi1>
        %reduce_sum3A_1608 = tpu.scan <sum>, %add3A_1605 masked %reduce_sum3A_1607 : vector<16xf32>, vector<16xi1> -> vector<16xf32>
        %reduce_sum3A_1609 = vector.extract %reduce_sum3A_1608[15] : f32 from vector<16xf32>
        %broadcast_in_dim3A_1610 = vector.broadcast %reduce_sum3A_1609 : f32 to vector<16xf32>
        %select_n3A_1611 = arith.select %eq3A_1584, %broadcast_in_dim3A_1610, %select_n3A_1581 : vector<16xi1>, vector<16xf32>
        %eq3A_1612 = arith.constant 8 : i32
        %eq3A_1613 = vector.broadcast %eq3A_1612 : i32 to vector<16xi32>
        %eq3A_1614 = arith.cmpi eq, %iota3A, %eq3A_1613 : vector<16xi32>
        %add3A_1615 = arith.constant 8 : i32
        %add3A_1616 = arith.addi %mul3A_1371, %add3A_1615 : i32
        %get3A_1617 = arith.index_cast %add3A_1616 : i32 to index
        %get3A_1618 = arith.constant 0 : index
        %get3A_1619 = tpu.vector_load %arg23[%get3A_1617, %get3A_1618] {strides = array<i32>} : memref<304x64xf32, #tpu.memory_space<vmem>>, vector<16xf32>,
        %mul3A_1620 = arith.mulf %get3A_1619, %get3A_763 : vector<16xf32>
        %get3A_1621 = arith.index_cast %add3A_1616 : i32 to index
        %get3A_1622 = arith.constant 16 : index
        %get3A_1623 = tpu.vector_load %arg23[%get3A_1621, %get3A_1622] {strides = array<i32>} : memref<304x64xf32, #tpu.memory_space<vmem>>, vector<16xf32>,
        %mul3A_1624 = arith.mulf %get3A_1623, %get3A_766 : vector<16xf32>
        %add3A_1625 = arith.addf %mul3A_1620, %mul3A_1624 : vector<16xf32>
        %get3A_1626 = arith.index_cast %add3A_1616 : i32 to index
        %get3A_1627 = arith.constant 32 : index
        %get3A_1628 = tpu.vector_load %arg23[%get3A_1626, %get3A_1627] {strides = array<i32>} : memref<304x64xf32, #tpu.memory_space<vmem>>, vector<16xf32>,
        %mul3A_1629 = arith.mulf %get3A_1628, %get3A_769 : vector<16xf32>
        %add3A_1630 = arith.addf %add3A_1625, %mul3A_1629 : vector<16xf32>
        %get3A_1631 = arith.index_cast %add3A_1616 : i32 to index
        %get3A_1632 = arith.constant 48 : index
        %get3A_1633 = tpu.vector_load %arg23[%get3A_1631, %get3A_1632] {strides = array<i32>} : memref<304x64xf32, #tpu.memory_space<vmem>>, vector<16xf32>,
        %mul3A_1634 = arith.mulf %get3A_1633, %get3A_772 : vector<16xf32>
        %add3A_1635 = arith.addf %add3A_1630, %mul3A_1634 : vector<16xf32>
        %reduce_sum3A_1636 = arith.constant true
        %reduce_sum3A_1637 = vector.broadcast %reduce_sum3A_1636 : i1 to vector<16xi1>
        %reduce_sum3A_1638 = tpu.scan <sum>, %add3A_1635 masked %reduce_sum3A_1637 : vector<16xf32>, vector<16xi1> -> vector<16xf32>
        %reduce_sum3A_1639 = vector.extract %reduce_sum3A_1638[15] : f32 from vector<16xf32>
        %broadcast_in_dim3A_1640 = vector.broadcast %reduce_sum3A_1639 : f32 to vector<16xf32>
        %select_n3A_1641 = arith.select %eq3A_1614, %broadcast_in_dim3A_1640, %select_n3A_1611 : vector<16xi1>, vector<16xf32>
        %eq3A_1642 = arith.constant 9 : i32
        %eq3A_1643 = vector.broadcast %eq3A_1642 : i32 to vector<16xi32>
        %eq3A_1644 = arith.cmpi eq, %iota3A, %eq3A_1643 : vector<16xi32>
        %add3A_1645 = arith.constant 9 : i32
        %add3A_1646 = arith.addi %mul3A_1371, %add3A_1645 : i32
        %get3A_1647 = arith.index_cast %add3A_1646 : i32 to index
        %get3A_1648 = arith.constant 0 : index
        %get3A_1649 = tpu.vector_load %arg23[%get3A_1647, %get3A_1648] {strides = array<i32>} : memref<304x64xf32, #tpu.memory_space<vmem>>, vector<16xf32>,
        %mul3A_1650 = arith.mulf %get3A_1649, %get3A_763 : vector<16xf32>
        %get3A_1651 = arith.index_cast %add3A_1646 : i32 to index
        %get3A_1652 = arith.constant 16 : index
        %get3A_1653 = tpu.vector_load %arg23[%get3A_1651, %get3A_1652] {strides = array<i32>} : memref<304x64xf32, #tpu.memory_space<vmem>>, vector<16xf32>,
        %mul3A_1654 = arith.mulf %get3A_1653, %get3A_766 : vector<16xf32>
        %add3A_1655 = arith.addf %mul3A_1650, %mul3A_1654 : vector<16xf32>
        %get3A_1656 = arith.index_cast %add3A_1646 : i32 to index
        %get3A_1657 = arith.constant 32 : index
        %get3A_1658 = tpu.vector_load %arg23[%get3A_1656, %get3A_1657] {strides = array<i32>} : memref<304x64xf32, #tpu.memory_space<vmem>>, vector<16xf32>,
        %mul3A_1659 = arith.mulf %get3A_1658, %get3A_769 : vector<16xf32>
        %add3A_1660 = arith.addf %add3A_1655, %mul3A_1659 : vector<16xf32>
        %get3A_1661 = arith.index_cast %add3A_1646 : i32 to index
        %get3A_1662 = arith.constant 48 : index
        %get3A_1663 = tpu.vector_load %arg23[%get3A_1661, %get3A_1662] {strides = array<i32>} : memref<304x64xf32, #tpu.memory_space<vmem>>, vector<16xf32>,
        %mul3A_1664 = arith.mulf %get3A_1663, %get3A_772 : vector<16xf32>
        %add3A_1665 = arith.addf %add3A_1660, %mul3A_1664 : vector<16xf32>
        %reduce_sum3A_1666 = arith.constant true
        %reduce_sum3A_1667 = vector.broadcast %reduce_sum3A_1666 : i1 to vector<16xi1>
        %reduce_sum3A_1668 = tpu.scan <sum>, %add3A_1665 masked %reduce_sum3A_1667 : vector<16xf32>, vector<16xi1> -> vector<16xf32>
        %reduce_sum3A_1669 = vector.extract %reduce_sum3A_1668[15] : f32 from vector<16xf32>
        %broadcast_in_dim3A_1670 = vector.broadcast %reduce_sum3A_1669 : f32 to vector<16xf32>
        %select_n3A_1671 = arith.select %eq3A_1644, %broadcast_in_dim3A_1670, %select_n3A_1641 : vector<16xi1>, vector<16xf32>
        %eq3A_1672 = arith.constant 10 : i32
        %eq3A_1673 = vector.broadcast %eq3A_1672 : i32 to vector<16xi32>
        %eq3A_1674 = arith.cmpi eq, %iota3A, %eq3A_1673 : vector<16xi32>
        %add3A_1675 = arith.constant 10 : i32
        %add3A_1676 = arith.addi %mul3A_1371, %add3A_1675 : i32
        %get3A_1677 = arith.index_cast %add3A_1676 : i32 to index
        %get3A_1678 = arith.constant 0 : index
        %get3A_1679 = tpu.vector_load %arg23[%get3A_1677, %get3A_1678] {strides = array<i32>} : memref<304x64xf32, #tpu.memory_space<vmem>>, vector<16xf32>,
        %mul3A_1680 = arith.mulf %get3A_1679, %get3A_763 : vector<16xf32>
        %get3A_1681 = arith.index_cast %add3A_1676 : i32 to index
        %get3A_1682 = arith.constant 16 : index
        %get3A_1683 = tpu.vector_load %arg23[%get3A_1681, %get3A_1682] {strides = array<i32>} : memref<304x64xf32, #tpu.memory_space<vmem>>, vector<16xf32>,
        %mul3A_1684 = arith.mulf %get3A_1683, %get3A_766 : vector<16xf32>
        %add3A_1685 = arith.addf %mul3A_1680, %mul3A_1684 : vector<16xf32>
        %get3A_1686 = arith.index_cast %add3A_1676 : i32 to index
        %get3A_1687 = arith.constant 32 : index
        %get3A_1688 = tpu.vector_load %arg23[%get3A_1686, %get3A_1687] {strides = array<i32>} : memref<304x64xf32, #tpu.memory_space<vmem>>, vector<16xf32>,
        %mul3A_1689 = arith.mulf %get3A_1688, %get3A_769 : vector<16xf32>
        %add3A_1690 = arith.addf %add3A_1685, %mul3A_1689 : vector<16xf32>
        %get3A_1691 = arith.index_cast %add3A_1676 : i32 to index
        %get3A_1692 = arith.constant 48 : index
        %get3A_1693 = tpu.vector_load %arg23[%get3A_1691, %get3A_1692] {strides = array<i32>} : memref<304x64xf32, #tpu.memory_space<vmem>>, vector<16xf32>,
        %mul3A_1694 = arith.mulf %get3A_1693, %get3A_772 : vector<16xf32>
        %add3A_1695 = arith.addf %add3A_1690, %mul3A_1694 : vector<16xf32>
        %reduce_sum3A_1696 = arith.constant true
        %reduce_sum3A_1697 = vector.broadcast %reduce_sum3A_1696 : i1 to vector<16xi1>
        %reduce_sum3A_1698 = tpu.scan <sum>, %add3A_1695 masked %reduce_sum3A_1697 : vector<16xf32>, vector<16xi1> -> vector<16xf32>
        %reduce_sum3A_1699 = vector.extract %reduce_sum3A_1698[15] : f32 from vector<16xf32>
        %broadcast_in_dim3A_1700 = vector.broadcast %reduce_sum3A_1699 : f32 to vector<16xf32>
        %select_n3A_1701 = arith.select %eq3A_1674, %broadcast_in_dim3A_1700, %select_n3A_1671 : vector<16xi1>, vector<16xf32>
        %eq3A_1702 = arith.constant 11 : i32
        %eq3A_1703 = vector.broadcast %eq3A_1702 : i32 to vector<16xi32>
        %eq3A_1704 = arith.cmpi eq, %iota3A, %eq3A_1703 : vector<16xi32>
        %add3A_1705 = arith.constant 11 : i32
        %add3A_1706 = arith.addi %mul3A_1371, %add3A_1705 : i32
        %get3A_1707 = arith.index_cast %add3A_1706 : i32 to index
        %get3A_1708 = arith.constant 0 : index
        %get3A_1709 = tpu.vector_load %arg23[%get3A_1707, %get3A_1708] {strides = array<i32>} : memref<304x64xf32, #tpu.memory_space<vmem>>, vector<16xf32>,
        %mul3A_1710 = arith.mulf %get3A_1709, %get3A_763 : vector<16xf32>
        %get3A_1711 = arith.index_cast %add3A_1706 : i32 to index
        %get3A_1712 = arith.constant 16 : index
        %get3A_1713 = tpu.vector_load %arg23[%get3A_1711, %get3A_1712] {strides = array<i32>} : memref<304x64xf32, #tpu.memory_space<vmem>>, vector<16xf32>,
        %mul3A_1714 = arith.mulf %get3A_1713, %get3A_766 : vector<16xf32>
        %add3A_1715 = arith.addf %mul3A_1710, %mul3A_1714 : vector<16xf32>
        %get3A_1716 = arith.index_cast %add3A_1706 : i32 to index
        %get3A_1717 = arith.constant 32 : index
        %get3A_1718 = tpu.vector_load %arg23[%get3A_1716, %get3A_1717] {strides = array<i32>} : memref<304x64xf32, #tpu.memory_space<vmem>>, vector<16xf32>,
        %mul3A_1719 = arith.mulf %get3A_1718, %get3A_769 : vector<16xf32>
        %add3A_1720 = arith.addf %add3A_1715, %mul3A_1719 : vector<16xf32>
        %get3A_1721 = arith.index_cast %add3A_1706 : i32 to index
        %get3A_1722 = arith.constant 48 : index
        %get3A_1723 = tpu.vector_load %arg23[%get3A_1721, %get3A_1722] {strides = array<i32>} : memref<304x64xf32, #tpu.memory_space<vmem>>, vector<16xf32>,
        %mul3A_1724 = arith.mulf %get3A_1723, %get3A_772 : vector<16xf32>
        %add3A_1725 = arith.addf %add3A_1720, %mul3A_1724 : vector<16xf32>
        %reduce_sum3A_1726 = arith.constant true
        %reduce_sum3A_1727 = vector.broadcast %reduce_sum3A_1726 : i1 to vector<16xi1>
        %reduce_sum3A_1728 = tpu.scan <sum>, %add3A_1725 masked %reduce_sum3A_1727 : vector<16xf32>, vector<16xi1> -> vector<16xf32>
        %reduce_sum3A_1729 = vector.extract %reduce_sum3A_1728[15] : f32 from vector<16xf32>
        %broadcast_in_dim3A_1730 = vector.broadcast %reduce_sum3A_1729 : f32 to vector<16xf32>
        %select_n3A_1731 = arith.select %eq3A_1704, %broadcast_in_dim3A_1730, %select_n3A_1701 : vector<16xi1>, vector<16xf32>
        %eq3A_1732 = arith.constant 12 : i32
        %eq3A_1733 = vector.broadcast %eq3A_1732 : i32 to vector<16xi32>
        %eq3A_1734 = arith.cmpi eq, %iota3A, %eq3A_1733 : vector<16xi32>
        %add3A_1735 = arith.constant 12 : i32
        %add3A_1736 = arith.addi %mul3A_1371, %add3A_1735 : i32
        %get3A_1737 = arith.index_cast %add3A_1736 : i32 to index
        %get3A_1738 = arith.constant 0 : index
        %get3A_1739 = tpu.vector_load %arg23[%get3A_1737, %get3A_1738] {strides = array<i32>} : memref<304x64xf32, #tpu.memory_space<vmem>>, vector<16xf32>,
        %mul3A_1740 = arith.mulf %get3A_1739, %get3A_763 : vector<16xf32>
        %get3A_1741 = arith.index_cast %add3A_1736 : i32 to index
        %get3A_1742 = arith.constant 16 : index
        %get3A_1743 = tpu.vector_load %arg23[%get3A_1741, %get3A_1742] {strides = array<i32>} : memref<304x64xf32, #tpu.memory_space<vmem>>, vector<16xf32>,
        %mul3A_1744 = arith.mulf %get3A_1743, %get3A_766 : vector<16xf32>
        %add3A_1745 = arith.addf %mul3A_1740, %mul3A_1744 : vector<16xf32>
        %get3A_1746 = arith.index_cast %add3A_1736 : i32 to index
        %get3A_1747 = arith.constant 32 : index
        %get3A_1748 = tpu.vector_load %arg23[%get3A_1746, %get3A_1747] {strides = array<i32>} : memref<304x64xf32, #tpu.memory_space<vmem>>, vector<16xf32>,
        %mul3A_1749 = arith.mulf %get3A_1748, %get3A_769 : vector<16xf32>
        %add3A_1750 = arith.addf %add3A_1745, %mul3A_1749 : vector<16xf32>
        %get3A_1751 = arith.index_cast %add3A_1736 : i32 to index
        %get3A_1752 = arith.constant 48 : index
        %get3A_1753 = tpu.vector_load %arg23[%get3A_1751, %get3A_1752] {strides = array<i32>} : memref<304x64xf32, #tpu.memory_space<vmem>>, vector<16xf32>,
        %mul3A_1754 = arith.mulf %get3A_1753, %get3A_772 : vector<16xf32>
        %add3A_1755 = arith.addf %add3A_1750, %mul3A_1754 : vector<16xf32>
        %reduce_sum3A_1756 = arith.constant true
        %reduce_sum3A_1757 = vector.broadcast %reduce_sum3A_1756 : i1 to vector<16xi1>
        %reduce_sum3A_1758 = tpu.scan <sum>, %add3A_1755 masked %reduce_sum3A_1757 : vector<16xf32>, vector<16xi1> -> vector<16xf32>
        %reduce_sum3A_1759 = vector.extract %reduce_sum3A_1758[15] : f32 from vector<16xf32>
        %broadcast_in_dim3A_1760 = vector.broadcast %reduce_sum3A_1759 : f32 to vector<16xf32>
        %select_n3A_1761 = arith.select %eq3A_1734, %broadcast_in_dim3A_1760, %select_n3A_1731 : vector<16xi1>, vector<16xf32>
        %eq3A_1762 = arith.constant 13 : i32
        %eq3A_1763 = vector.broadcast %eq3A_1762 : i32 to vector<16xi32>
        %eq3A_1764 = arith.cmpi eq, %iota3A, %eq3A_1763 : vector<16xi32>
        %add3A_1765 = arith.constant 13 : i32
        %add3A_1766 = arith.addi %mul3A_1371, %add3A_1765 : i32
        %get3A_1767 = arith.index_cast %add3A_1766 : i32 to index
        %get3A_1768 = arith.constant 0 : index
        %get3A_1769 = tpu.vector_load %arg23[%get3A_1767, %get3A_1768] {strides = array<i32>} : memref<304x64xf32, #tpu.memory_space<vmem>>, vector<16xf32>,
        %mul3A_1770 = arith.mulf %get3A_1769, %get3A_763 : vector<16xf32>
        %get3A_1771 = arith.index_cast %add3A_1766 : i32 to index
        %get3A_1772 = arith.constant 16 : index
        %get3A_1773 = tpu.vector_load %arg23[%get3A_1771, %get3A_1772] {strides = array<i32>} : memref<304x64xf32, #tpu.memory_space<vmem>>, vector<16xf32>,
        %mul3A_1774 = arith.mulf %get3A_1773, %get3A_766 : vector<16xf32>
        %add3A_1775 = arith.addf %mul3A_1770, %mul3A_1774 : vector<16xf32>
        %get3A_1776 = arith.index_cast %add3A_1766 : i32 to index
        %get3A_1777 = arith.constant 32 : index
        %get3A_1778 = tpu.vector_load %arg23[%get3A_1776, %get3A_1777] {strides = array<i32>} : memref<304x64xf32, #tpu.memory_space<vmem>>, vector<16xf32>,
        %mul3A_1779 = arith.mulf %get3A_1778, %get3A_769 : vector<16xf32>
        %add3A_1780 = arith.addf %add3A_1775, %mul3A_1779 : vector<16xf32>
        %get3A_1781 = arith.index_cast %add3A_1766 : i32 to index
        %get3A_1782 = arith.constant 48 : index
        %get3A_1783 = tpu.vector_load %arg23[%get3A_1781, %get3A_1782] {strides = array<i32>} : memref<304x64xf32, #tpu.memory_space<vmem>>, vector<16xf32>,
        %mul3A_1784 = arith.mulf %get3A_1783, %get3A_772 : vector<16xf32>
        %add3A_1785 = arith.addf %add3A_1780, %mul3A_1784 : vector<16xf32>
        %reduce_sum3A_1786 = arith.constant true
        %reduce_sum3A_1787 = vector.broadcast %reduce_sum3A_1786 : i1 to vector<16xi1>
        %reduce_sum3A_1788 = tpu.scan <sum>, %add3A_1785 masked %reduce_sum3A_1787 : vector<16xf32>, vector<16xi1> -> vector<16xf32>
        %reduce_sum3A_1789 = vector.extract %reduce_sum3A_1788[15] : f32 from vector<16xf32>
        %broadcast_in_dim3A_1790 = vector.broadcast %reduce_sum3A_1789 : f32 to vector<16xf32>
        %select_n3A_1791 = arith.select %eq3A_1764, %broadcast_in_dim3A_1790, %select_n3A_1761 : vector<16xi1>, vector<16xf32>
        %eq3A_1792 = arith.constant 14 : i32
        %eq3A_1793 = vector.broadcast %eq3A_1792 : i32 to vector<16xi32>
        %eq3A_1794 = arith.cmpi eq, %iota3A, %eq3A_1793 : vector<16xi32>
        %add3A_1795 = arith.constant 14 : i32
        %add3A_1796 = arith.addi %mul3A_1371, %add3A_1795 : i32
        %get3A_1797 = arith.index_cast %add3A_1796 : i32 to index
        %get3A_1798 = arith.constant 0 : index
        %get3A_1799 = tpu.vector_load %arg23[%get3A_1797, %get3A_1798] {strides = array<i32>} : memref<304x64xf32, #tpu.memory_space<vmem>>, vector<16xf32>,
        %mul3A_1800 = arith.mulf %get3A_1799, %get3A_763 : vector<16xf32>
        %get3A_1801 = arith.index_cast %add3A_1796 : i32 to index
        %get3A_1802 = arith.constant 16 : index
        %get3A_1803 = tpu.vector_load %arg23[%get3A_1801, %get3A_1802] {strides = array<i32>} : memref<304x64xf32, #tpu.memory_space<vmem>>, vector<16xf32>,
        %mul3A_1804 = arith.mulf %get3A_1803, %get3A_766 : vector<16xf32>
        %add3A_1805 = arith.addf %mul3A_1800, %mul3A_1804 : vector<16xf32>
        %get3A_1806 = arith.index_cast %add3A_1796 : i32 to index
        %get3A_1807 = arith.constant 32 : index
        %get3A_1808 = tpu.vector_load %arg23[%get3A_1806, %get3A_1807] {strides = array<i32>} : memref<304x64xf32, #tpu.memory_space<vmem>>, vector<16xf32>,
        %mul3A_1809 = arith.mulf %get3A_1808, %get3A_769 : vector<16xf32>
        %add3A_1810 = arith.addf %add3A_1805, %mul3A_1809 : vector<16xf32>
        %get3A_1811 = arith.index_cast %add3A_1796 : i32 to index
        %get3A_1812 = arith.constant 48 : index
        %get3A_1813 = tpu.vector_load %arg23[%get3A_1811, %get3A_1812] {strides = array<i32>} : memref<304x64xf32, #tpu.memory_space<vmem>>, vector<16xf32>,
        %mul3A_1814 = arith.mulf %get3A_1813, %get3A_772 : vector<16xf32>
        %add3A_1815 = arith.addf %add3A_1810, %mul3A_1814 : vector<16xf32>
        %reduce_sum3A_1816 = arith.constant true
        %reduce_sum3A_1817 = vector.broadcast %reduce_sum3A_1816 : i1 to vector<16xi1>
        %reduce_sum3A_1818 = tpu.scan <sum>, %add3A_1815 masked %reduce_sum3A_1817 : vector<16xf32>, vector<16xi1> -> vector<16xf32>
        %reduce_sum3A_1819 = vector.extract %reduce_sum3A_1818[15] : f32 from vector<16xf32>
        %broadcast_in_dim3A_1820 = vector.broadcast %reduce_sum3A_1819 : f32 to vector<16xf32>
        %select_n3A_1821 = arith.select %eq3A_1794, %broadcast_in_dim3A_1820, %select_n3A_1791 : vector<16xi1>, vector<16xf32>
        %eq3A_1822 = arith.constant 15 : i32
        %eq3A_1823 = vector.broadcast %eq3A_1822 : i32 to vector<16xi32>
        %eq3A_1824 = arith.cmpi eq, %iota3A, %eq3A_1823 : vector<16xi32>
        %add3A_1825 = arith.constant 15 : i32
        %add3A_1826 = arith.addi %mul3A_1371, %add3A_1825 : i32
        %get3A_1827 = arith.index_cast %add3A_1826 : i32 to index
        %get3A_1828 = arith.constant 0 : index
        %get3A_1829 = tpu.vector_load %arg23[%get3A_1827, %get3A_1828] {strides = array<i32>} : memref<304x64xf32, #tpu.memory_space<vmem>>, vector<16xf32>,
        %mul3A_1830 = arith.mulf %get3A_1829, %get3A_763 : vector<16xf32>
        %get3A_1831 = arith.index_cast %add3A_1826 : i32 to index
        %get3A_1832 = arith.constant 16 : index
        %get3A_1833 = tpu.vector_load %arg23[%get3A_1831, %get3A_1832] {strides = array<i32>} : memref<304x64xf32, #tpu.memory_space<vmem>>, vector<16xf32>,
        %mul3A_1834 = arith.mulf %get3A_1833, %get3A_766 : vector<16xf32>
        %add3A_1835 = arith.addf %mul3A_1830, %mul3A_1834 : vector<16xf32>
        %get3A_1836 = arith.index_cast %add3A_1826 : i32 to index
        %get3A_1837 = arith.constant 32 : index
        %get3A_1838 = tpu.vector_load %arg23[%get3A_1836, %get3A_1837] {strides = array<i32>} : memref<304x64xf32, #tpu.memory_space<vmem>>, vector<16xf32>,
        %mul3A_1839 = arith.mulf %get3A_1838, %get3A_769 : vector<16xf32>
        %add3A_1840 = arith.addf %add3A_1835, %mul3A_1839 : vector<16xf32>
        %get3A_1841 = arith.index_cast %add3A_1826 : i32 to index
        %get3A_1842 = arith.constant 48 : index
        %get3A_1843 = tpu.vector_load %arg23[%get3A_1841, %get3A_1842] {strides = array<i32>} : memref<304x64xf32, #tpu.memory_space<vmem>>, vector<16xf32>,
        %mul3A_1844 = arith.mulf %get3A_1843, %get3A_772 : vector<16xf32>
        %add3A_1845 = arith.addf %add3A_1840, %mul3A_1844 : vector<16xf32>
        %reduce_sum3A_1846 = arith.constant true
        %reduce_sum3A_1847 = vector.broadcast %reduce_sum3A_1846 : i1 to vector<16xi1>
        %reduce_sum3A_1848 = tpu.scan <sum>, %add3A_1845 masked %reduce_sum3A_1847 : vector<16xf32>, vector<16xi1> -> vector<16xf32>
        %reduce_sum3A_1849 = vector.extract %reduce_sum3A_1848[15] : f32 from vector<16xf32>
        %broadcast_in_dim3A_1850 = vector.broadcast %reduce_sum3A_1849 : f32 to vector<16xf32>
        %select_n3A_1851 = arith.select %eq3A_1824, %broadcast_in_dim3A_1850, %select_n3A_1821 : vector<16xi1>, vector<16xf32>
        %mul3A_1852 = arith.constant 16 : i32
        %mul3A_1853 = arith.muli %scan3A_1369, %mul3A_1852 : i32
        %swap3A_1854 = arith.index_cast %mul3A_1853 : i32 to index
        %swap3A_1855 = tpu.vector_load %arg31[%swap3A_1854] {strides = array<i32>} : memref<304xf32, #tpu.memory_space<vmem>>, vector<16xf32>,
        tpu.vector_store %arg31[%swap3A_1854], %select_n3A_1851 {strides = array<i32>} : memref<304xf32, #tpu.memory_space<vmem>>, vector<16xf32>,
      }
      %scan3A_783 = arith.constant 19 : i32
      %dma_start3A_784 = arith.constant 0 : i32
      %dma_start3A_785 = tpu.memref_slice %arg11[%add3A_760, %dma_start3A_784] : memref<4096x304xf32, #tpu.memory_space<hbm>> -> memref<1x304xf32, #tpu.memory_space<hbm>>
      %dma_start3A_786 = tpu.memref_squeeze %dma_start3A_785 : memref<1x304xf32, #tpu.memory_space<hbm>> -> memref<304xf32, #tpu.memory_space<hbm>>
      %dma_start3A_787 = arith.constant 0 : i32
      %dma_start3A_788 = tpu.memref_slice %arg11[%add3A_760, %dma_start3A_787] : memref<4096x304xf32, #tpu.memory_space<hbm>> -> memref<1x304xf32, #tpu.memory_space<hbm>>
      %dma_start3A_789 = tpu.memref_squeeze %dma_start3A_788 : memref<1x304xf32, #tpu.memory_space<hbm>> -> memref<304xf32, #tpu.memory_space<hbm>>
      tpu.enqueue_dma source(%arg31 : memref<304xf32, #tpu.memory_space<vmem>>) target(%dma_start3A_789 : memref<304xf32, #tpu.memory_space<hbm>>) target_semaphore(%arg38 : memref<!tpu.dma_semaphore, #tpu.memory_space<semaphore_mem>>)
      %eq3A_790 = arith.constant 0 : i32
      %eq3A_791 = vector.broadcast %eq3A_790 : i32 to vector<16xi32>
      %eq3A_792 = arith.cmpi eq, %iota3A, %eq3A_791 : vector<16xi32>
      %get3A_793 = arith.constant 0 : i32
      %get3A_794 = arith.index_cast %get3A_793 : i32 to index
      %get3A_795 = arith.constant 0 : index
      %get3A_796 = tpu.vector_load %arg26[%get3A_794, %get3A_795] {strides = array<i32>} : memref<16x64xf32, #tpu.memory_space<vmem>>, vector<16xf32>,
      %mul3A_797 = arith.mulf %get3A_796, %get3A_763 : vector<16xf32>
      %get3A_798 = arith.constant 0 : i32
      %get3A_799 = arith.index_cast %get3A_798 : i32 to index
      %get3A_800 = arith.constant 16 : index
      %get3A_801 = tpu.vector_load %arg26[%get3A_799, %get3A_800] {strides = array<i32>} : memref<16x64xf32, #tpu.memory_space<vmem>>, vector<16xf32>,
      %mul3A_802 = arith.mulf %get3A_801, %get3A_766 : vector<16xf32>
      %add3A_803 = arith.addf %mul3A_797, %mul3A_802 : vector<16xf32>
      %get3A_804 = arith.constant 0 : i32
      %get3A_805 = arith.index_cast %get3A_804 : i32 to index
      %get3A_806 = arith.constant 32 : index
      %get3A_807 = tpu.vector_load %arg26[%get3A_805, %get3A_806] {strides = array<i32>} : memref<16x64xf32, #tpu.memory_space<vmem>>, vector<16xf32>,
      %mul3A_808 = arith.mulf %get3A_807, %get3A_769 : vector<16xf32>
      %add3A_809 = arith.addf %add3A_803, %mul3A_808 : vector<16xf32>
      %get3A_810 = arith.constant 0 : i32
      %get3A_811 = arith.index_cast %get3A_810 : i32 to index
      %get3A_812 = arith.constant 48 : index
      %get3A_813 = tpu.vector_load %arg26[%get3A_811, %get3A_812] {strides = array<i32>} : memref<16x64xf32, #tpu.memory_space<vmem>>, vector<16xf32>,
      %mul3A_814 = arith.mulf %get3A_813, %get3A_772 : vector<16xf32>
      %add3A_815 = arith.addf %add3A_809, %mul3A_814 : vector<16xf32>
      %reduce_sum3A_816 = arith.constant true
      %reduce_sum3A_817 = vector.broadcast %reduce_sum3A_816 : i1 to vector<16xi1>
      %reduce_sum3A_818 = tpu.scan <sum>, %add3A_815 masked %reduce_sum3A_817 : vector<16xf32>, vector<16xi1> -> vector<16xf32>
      %reduce_sum3A_819 = vector.extract %reduce_sum3A_818[15] : f32 from vector<16xf32>
      %broadcast_in_dim3A_820 = vector.broadcast %reduce_sum3A_819 : f32 to vector<16xf32>
      %select_n3A_821 = arith.select %eq3A_792, %broadcast_in_dim3A_820, %broadcast_in_dim3A_37 : vector<16xi1>, vector<16xf32>
      %eq3A_822 = arith.constant 1 : i32
      %eq3A_823 = vector.broadcast %eq3A_822 : i32 to vector<16xi32>
      %eq3A_824 = arith.cmpi eq, %iota3A, %eq3A_823 : vector<16xi32>
      %get3A_825 = arith.constant 1 : i32
      %get3A_826 = arith.index_cast %get3A_825 : i32 to index
      %get3A_827 = arith.constant 0 : index
      %get3A_828 = tpu.vector_load %arg26[%get3A_826, %get3A_827] {strides = array<i32>} : memref<16x64xf32, #tpu.memory_space<vmem>>, vector<16xf32>,
      %mul3A_829 = arith.mulf %get3A_828, %get3A_763 : vector<16xf32>
      %get3A_830 = arith.constant 1 : i32
      %get3A_831 = arith.index_cast %get3A_830 : i32 to index
      %get3A_832 = arith.constant 16 : index
      %get3A_833 = tpu.vector_load %arg26[%get3A_831, %get3A_832] {strides = array<i32>} : memref<16x64xf32, #tpu.memory_space<vmem>>, vector<16xf32>,
      %mul3A_834 = arith.mulf %get3A_833, %get3A_766 : vector<16xf32>
      %add3A_835 = arith.addf %mul3A_829, %mul3A_834 : vector<16xf32>
      %get3A_836 = arith.constant 1 : i32
      %get3A_837 = arith.index_cast %get3A_836 : i32 to index
      %get3A_838 = arith.constant 32 : index
      %get3A_839 = tpu.vector_load %arg26[%get3A_837, %get3A_838] {strides = array<i32>} : memref<16x64xf32, #tpu.memory_space<vmem>>, vector<16xf32>,
      %mul3A_840 = arith.mulf %get3A_839, %get3A_769 : vector<16xf32>
      %add3A_841 = arith.addf %add3A_835, %mul3A_840 : vector<16xf32>
      %get3A_842 = arith.constant 1 : i32
      %get3A_843 = arith.index_cast %get3A_842 : i32 to index
      %get3A_844 = arith.constant 48 : index
      %get3A_845 = tpu.vector_load %arg26[%get3A_843, %get3A_844] {strides = array<i32>} : memref<16x64xf32, #tpu.memory_space<vmem>>, vector<16xf32>,
      %mul3A_846 = arith.mulf %get3A_845, %get3A_772 : vector<16xf32>
      %add3A_847 = arith.addf %add3A_841, %mul3A_846 : vector<16xf32>
      %reduce_sum3A_848 = arith.constant true
      %reduce_sum3A_849 = vector.broadcast %reduce_sum3A_848 : i1 to vector<16xi1>
      %reduce_sum3A_850 = tpu.scan <sum>, %add3A_847 masked %reduce_sum3A_849 : vector<16xf32>, vector<16xi1> -> vector<16xf32>
      %reduce_sum3A_851 = vector.extract %reduce_sum3A_850[15] : f32 from vector<16xf32>
      %broadcast_in_dim3A_852 = vector.broadcast %reduce_sum3A_851 : f32 to vector<16xf32>
      %select_n3A_853 = arith.select %eq3A_824, %broadcast_in_dim3A_852, %select_n3A_821 : vector<16xi1>, vector<16xf32>
      %eq3A_854 = arith.constant 2 : i32
      %eq3A_855 = vector.broadcast %eq3A_854 : i32 to vector<16xi32>
      %eq3A_856 = arith.cmpi eq, %iota3A, %eq3A_855 : vector<16xi32>
      %get3A_857 = arith.constant 2 : i32
      %get3A_858 = arith.index_cast %get3A_857 : i32 to index
      %get3A_859 = arith.constant 0 : index
      %get3A_860 = tpu.vector_load %arg26[%get3A_858, %get3A_859] {strides = array<i32>} : memref<16x64xf32, #tpu.memory_space<vmem>>, vector<16xf32>,
      %mul3A_861 = arith.mulf %get3A_860, %get3A_763 : vector<16xf32>
      %get3A_862 = arith.constant 2 : i32
      %get3A_863 = arith.index_cast %get3A_862 : i32 to index
      %get3A_864 = arith.constant 16 : index
      %get3A_865 = tpu.vector_load %arg26[%get3A_863, %get3A_864] {strides = array<i32>} : memref<16x64xf32, #tpu.memory_space<vmem>>, vector<16xf32>,
      %mul3A_866 = arith.mulf %get3A_865, %get3A_766 : vector<16xf32>
      %add3A_867 = arith.addf %mul3A_861, %mul3A_866 : vector<16xf32>
      %get3A_868 = arith.constant 2 : i32
      %get3A_869 = arith.index_cast %get3A_868 : i32 to index
      %get3A_870 = arith.constant 32 : index
      %get3A_871 = tpu.vector_load %arg26[%get3A_869, %get3A_870] {strides = array<i32>} : memref<16x64xf32, #tpu.memory_space<vmem>>, vector<16xf32>,
      %mul3A_872 = arith.mulf %get3A_871, %get3A_769 : vector<16xf32>
      %add3A_873 = arith.addf %add3A_867, %mul3A_872 : vector<16xf32>
      %get3A_874 = arith.constant 2 : i32
      %get3A_875 = arith.index_cast %get3A_874 : i32 to index
      %get3A_876 = arith.constant 48 : index
      %get3A_877 = tpu.vector_load %arg26[%get3A_875, %get3A_876] {strides = array<i32>} : memref<16x64xf32, #tpu.memory_space<vmem>>, vector<16xf32>,
      %mul3A_878 = arith.mulf %get3A_877, %get3A_772 : vector<16xf32>
      %add3A_879 = arith.addf %add3A_873, %mul3A_878 : vector<16xf32>
      %reduce_sum3A_880 = arith.constant true
      %reduce_sum3A_881 = vector.broadcast %reduce_sum3A_880 : i1 to vector<16xi1>
      %reduce_sum3A_882 = tpu.scan <sum>, %add3A_879 masked %reduce_sum3A_881 : vector<16xf32>, vector<16xi1> -> vector<16xf32>
      %reduce_sum3A_883 = vector.extract %reduce_sum3A_882[15] : f32 from vector<16xf32>
      %broadcast_in_dim3A_884 = vector.broadcast %reduce_sum3A_883 : f32 to vector<16xf32>
      %select_n3A_885 = arith.select %eq3A_856, %broadcast_in_dim3A_884, %select_n3A_853 : vector<16xi1>, vector<16xf32>
      %eq3A_886 = arith.constant 3 : i32
      %eq3A_887 = vector.broadcast %eq3A_886 : i32 to vector<16xi32>
      %eq3A_888 = arith.cmpi eq, %iota3A, %eq3A_887 : vector<16xi32>
      %get3A_889 = arith.constant 3 : i32
      %get3A_890 = arith.index_cast %get3A_889 : i32 to index
      %get3A_891 = arith.constant 0 : index
      %get3A_892 = tpu.vector_load %arg26[%get3A_890, %get3A_891] {strides = array<i32>} : memref<16x64xf32, #tpu.memory_space<vmem>>, vector<16xf32>,
      %mul3A_893 = arith.mulf %get3A_892, %get3A_763 : vector<16xf32>
      %get3A_894 = arith.constant 3 : i32
      %get3A_895 = arith.index_cast %get3A_894 : i32 to index
      %get3A_896 = arith.constant 16 : index
      %get3A_897 = tpu.vector_load %arg26[%get3A_895, %get3A_896] {strides = array<i32>} : memref<16x64xf32, #tpu.memory_space<vmem>>, vector<16xf32>,
      %mul3A_898 = arith.mulf %get3A_897, %get3A_766 : vector<16xf32>
      %add3A_899 = arith.addf %mul3A_893, %mul3A_898 : vector<16xf32>
      %get3A_900 = arith.constant 3 : i32
      %get3A_901 = arith.index_cast %get3A_900 : i32 to index
      %get3A_902 = arith.constant 32 : index
      %get3A_903 = tpu.vector_load %arg26[%get3A_901, %get3A_902] {strides = array<i32>} : memref<16x64xf32, #tpu.memory_space<vmem>>, vector<16xf32>,
      %mul3A_904 = arith.mulf %get3A_903, %get3A_769 : vector<16xf32>
      %add3A_905 = arith.addf %add3A_899, %mul3A_904 : vector<16xf32>
      %get3A_906 = arith.constant 3 : i32
      %get3A_907 = arith.index_cast %get3A_906 : i32 to index
      %get3A_908 = arith.constant 48 : index
      %get3A_909 = tpu.vector_load %arg26[%get3A_907, %get3A_908] {strides = array<i32>} : memref<16x64xf32, #tpu.memory_space<vmem>>, vector<16xf32>,
      %mul3A_910 = arith.mulf %get3A_909, %get3A_772 : vector<16xf32>
      %add3A_911 = arith.addf %add3A_905, %mul3A_910 : vector<16xf32>
      %reduce_sum3A_912 = arith.constant true
      %reduce_sum3A_913 = vector.broadcast %reduce_sum3A_912 : i1 to vector<16xi1>
      %reduce_sum3A_914 = tpu.scan <sum>, %add3A_911 masked %reduce_sum3A_913 : vector<16xf32>, vector<16xi1> -> vector<16xf32>
      %reduce_sum3A_915 = vector.extract %reduce_sum3A_914[15] : f32 from vector<16xf32>
      %broadcast_in_dim3A_916 = vector.broadcast %reduce_sum3A_915 : f32 to vector<16xf32>
      %select_n3A_917 = arith.select %eq3A_888, %broadcast_in_dim3A_916, %select_n3A_885 : vector<16xi1>, vector<16xf32>
      %eq3A_918 = arith.constant 4 : i32
      %eq3A_919 = vector.broadcast %eq3A_918 : i32 to vector<16xi32>
      %eq3A_920 = arith.cmpi eq, %iota3A, %eq3A_919 : vector<16xi32>
      %get3A_921 = arith.constant 4 : i32
      %get3A_922 = arith.index_cast %get3A_921 : i32 to index
      %get3A_923 = arith.constant 0 : index
      %get3A_924 = tpu.vector_load %arg26[%get3A_922, %get3A_923] {strides = array<i32>} : memref<16x64xf32, #tpu.memory_space<vmem>>, vector<16xf32>,
      %mul3A_925 = arith.mulf %get3A_924, %get3A_763 : vector<16xf32>
      %get3A_926 = arith.constant 4 : i32
      %get3A_927 = arith.index_cast %get3A_926 : i32 to index
      %get3A_928 = arith.constant 16 : index
      %get3A_929 = tpu.vector_load %arg26[%get3A_927, %get3A_928] {strides = array<i32>} : memref<16x64xf32, #tpu.memory_space<vmem>>, vector<16xf32>,
      %mul3A_930 = arith.mulf %get3A_929, %get3A_766 : vector<16xf32>
      %add3A_931 = arith.addf %mul3A_925, %mul3A_930 : vector<16xf32>
      %get3A_932 = arith.constant 4 : i32
      %get3A_933 = arith.index_cast %get3A_932 : i32 to index
      %get3A_934 = arith.constant 32 : index
      %get3A_935 = tpu.vector_load %arg26[%get3A_933, %get3A_934] {strides = array<i32>} : memref<16x64xf32, #tpu.memory_space<vmem>>, vector<16xf32>,
      %mul3A_936 = arith.mulf %get3A_935, %get3A_769 : vector<16xf32>
      %add3A_937 = arith.addf %add3A_931, %mul3A_936 : vector<16xf32>
      %get3A_938 = arith.constant 4 : i32
      %get3A_939 = arith.index_cast %get3A_938 : i32 to index
      %get3A_940 = arith.constant 48 : index
      %get3A_941 = tpu.vector_load %arg26[%get3A_939, %get3A_940] {strides = array<i32>} : memref<16x64xf32, #tpu.memory_space<vmem>>, vector<16xf32>,
      %mul3A_942 = arith.mulf %get3A_941, %get3A_772 : vector<16xf32>
      %add3A_943 = arith.addf %add3A_937, %mul3A_942 : vector<16xf32>
      %reduce_sum3A_944 = arith.constant true
      %reduce_sum3A_945 = vector.broadcast %reduce_sum3A_944 : i1 to vector<16xi1>
      %reduce_sum3A_946 = tpu.scan <sum>, %add3A_943 masked %reduce_sum3A_945 : vector<16xf32>, vector<16xi1> -> vector<16xf32>
      %reduce_sum3A_947 = vector.extract %reduce_sum3A_946[15] : f32 from vector<16xf32>
      %broadcast_in_dim3A_948 = vector.broadcast %reduce_sum3A_947 : f32 to vector<16xf32>
      %select_n3A_949 = arith.select %eq3A_920, %broadcast_in_dim3A_948, %select_n3A_917 : vector<16xi1>, vector<16xf32>
      %eq3A_950 = arith.constant 5 : i32
      %eq3A_951 = vector.broadcast %eq3A_950 : i32 to vector<16xi32>
      %eq3A_952 = arith.cmpi eq, %iota3A, %eq3A_951 : vector<16xi32>
      %get3A_953 = arith.constant 5 : i32
      %get3A_954 = arith.index_cast %get3A_953 : i32 to index
      %get3A_955 = arith.constant 0 : index
      %get3A_956 = tpu.vector_load %arg26[%get3A_954, %get3A_955] {strides = array<i32>} : memref<16x64xf32, #tpu.memory_space<vmem>>, vector<16xf32>,
      %mul3A_957 = arith.mulf %get3A_956, %get3A_763 : vector<16xf32>
      %get3A_958 = arith.constant 5 : i32
      %get3A_959 = arith.index_cast %get3A_958 : i32 to index
      %get3A_960 = arith.constant 16 : index
      %get3A_961 = tpu.vector_load %arg26[%get3A_959, %get3A_960] {strides = array<i32>} : memref<16x64xf32, #tpu.memory_space<vmem>>, vector<16xf32>,
      %mul3A_962 = arith.mulf %get3A_961, %get3A_766 : vector<16xf32>
      %add3A_963 = arith.addf %mul3A_957, %mul3A_962 : vector<16xf32>
      %get3A_964 = arith.constant 5 : i32
      %get3A_965 = arith.index_cast %get3A_964 : i32 to index
      %get3A_966 = arith.constant 32 : index
      %get3A_967 = tpu.vector_load %arg26[%get3A_965, %get3A_966] {strides = array<i32>} : memref<16x64xf32, #tpu.memory_space<vmem>>, vector<16xf32>,
      %mul3A_968 = arith.mulf %get3A_967, %get3A_769 : vector<16xf32>
      %add3A_969 = arith.addf %add3A_963, %mul3A_968 : vector<16xf32>
      %get3A_970 = arith.constant 5 : i32
      %get3A_971 = arith.index_cast %get3A_970 : i32 to index
      %get3A_972 = arith.constant 48 : index
      %get3A_973 = tpu.vector_load %arg26[%get3A_971, %get3A_972] {strides = array<i32>} : memref<16x64xf32, #tpu.memory_space<vmem>>, vector<16xf32>,
      %mul3A_974 = arith.mulf %get3A_973, %get3A_772 : vector<16xf32>
      %add3A_975 = arith.addf %add3A_969, %mul3A_974 : vector<16xf32>
      %reduce_sum3A_976 = arith.constant true
      %reduce_sum3A_977 = vector.broadcast %reduce_sum3A_976 : i1 to vector<16xi1>
      %reduce_sum3A_978 = tpu.scan <sum>, %add3A_975 masked %reduce_sum3A_977 : vector<16xf32>, vector<16xi1> -> vector<16xf32>
      %reduce_sum3A_979 = vector.extract %reduce_sum3A_978[15] : f32 from vector<16xf32>
      %broadcast_in_dim3A_980 = vector.broadcast %reduce_sum3A_979 : f32 to vector<16xf32>
      %select_n3A_981 = arith.select %eq3A_952, %broadcast_in_dim3A_980, %select_n3A_949 : vector<16xi1>, vector<16xf32>
      %eq3A_982 = arith.constant 6 : i32
      %eq3A_983 = vector.broadcast %eq3A_982 : i32 to vector<16xi32>
      %eq3A_984 = arith.cmpi eq, %iota3A, %eq3A_983 : vector<16xi32>
      %get3A_985 = arith.constant 6 : i32
      %get3A_986 = arith.index_cast %get3A_985 : i32 to index
      %get3A_987 = arith.constant 0 : index
      %get3A_988 = tpu.vector_load %arg26[%get3A_986, %get3A_987] {strides = array<i32>} : memref<16x64xf32, #tpu.memory_space<vmem>>, vector<16xf32>,
      %mul3A_989 = arith.mulf %get3A_988, %get3A_763 : vector<16xf32>
      %get3A_990 = arith.constant 6 : i32
      %get3A_991 = arith.index_cast %get3A_990 : i32 to index
      %get3A_992 = arith.constant 16 : index
      %get3A_993 = tpu.vector_load %arg26[%get3A_991, %get3A_992] {strides = array<i32>} : memref<16x64xf32, #tpu.memory_space<vmem>>, vector<16xf32>,
      %mul3A_994 = arith.mulf %get3A_993, %get3A_766 : vector<16xf32>
      %add3A_995 = arith.addf %mul3A_989, %mul3A_994 : vector<16xf32>
      %get3A_996 = arith.constant 6 : i32
      %get3A_997 = arith.index_cast %get3A_996 : i32 to index
      %get3A_998 = arith.constant 32 : index
      %get3A_999 = tpu.vector_load %arg26[%get3A_997, %get3A_998] {strides = array<i32>} : memref<16x64xf32, #tpu.memory_space<vmem>>, vector<16xf32>,
      %mul3A_1000 = arith.mulf %get3A_999, %get3A_769 : vector<16xf32>
      %add3A_1001 = arith.addf %add3A_995, %mul3A_1000 : vector<16xf32>
      %get3A_1002 = arith.constant 6 : i32
      %get3A_1003 = arith.index_cast %get3A_1002 : i32 to index
      %get3A_1004 = arith.constant 48 : index
      %get3A_1005 = tpu.vector_load %arg26[%get3A_1003, %get3A_1004] {strides = array<i32>} : memref<16x64xf32, #tpu.memory_space<vmem>>, vector<16xf32>,
      %mul3A_1006 = arith.mulf %get3A_1005, %get3A_772 : vector<16xf32>
      %add3A_1007 = arith.addf %add3A_1001, %mul3A_1006 : vector<16xf32>
      %reduce_sum3A_1008 = arith.constant true
      %reduce_sum3A_1009 = vector.broadcast %reduce_sum3A_1008 : i1 to vector<16xi1>
      %reduce_sum3A_1010 = tpu.scan <sum>, %add3A_1007 masked %reduce_sum3A_1009 : vector<16xf32>, vector<16xi1> -> vector<16xf32>
      %reduce_sum3A_1011 = vector.extract %reduce_sum3A_1010[15] : f32 from vector<16xf32>
      %broadcast_in_dim3A_1012 = vector.broadcast %reduce_sum3A_1011 : f32 to vector<16xf32>
      %select_n3A_1013 = arith.select %eq3A_984, %broadcast_in_dim3A_1012, %select_n3A_981 : vector<16xi1>, vector<16xf32>
      %eq3A_1014 = arith.constant 7 : i32
      %eq3A_1015 = vector.broadcast %eq3A_1014 : i32 to vector<16xi32>
      %eq3A_1016 = arith.cmpi eq, %iota3A, %eq3A_1015 : vector<16xi32>
      %get3A_1017 = arith.constant 7 : i32
      %get3A_1018 = arith.index_cast %get3A_1017 : i32 to index
      %get3A_1019 = arith.constant 0 : index
      %get3A_1020 = tpu.vector_load %arg26[%get3A_1018, %get3A_1019] {strides = array<i32>} : memref<16x64xf32, #tpu.memory_space<vmem>>, vector<16xf32>,
      %mul3A_1021 = arith.mulf %get3A_1020, %get3A_763 : vector<16xf32>
      %get3A_1022 = arith.constant 7 : i32
      %get3A_1023 = arith.index_cast %get3A_1022 : i32 to index
      %get3A_1024 = arith.constant 16 : index
      %get3A_1025 = tpu.vector_load %arg26[%get3A_1023, %get3A_1024] {strides = array<i32>} : memref<16x64xf32, #tpu.memory_space<vmem>>, vector<16xf32>,
      %mul3A_1026 = arith.mulf %get3A_1025, %get3A_766 : vector<16xf32>
      %add3A_1027 = arith.addf %mul3A_1021, %mul3A_1026 : vector<16xf32>
      %get3A_1028 = arith.constant 7 : i32
      %get3A_1029 = arith.index_cast %get3A_1028 : i32 to index
      %get3A_1030 = arith.constant 32 : index
      %get3A_1031 = tpu.vector_load %arg26[%get3A_1029, %get3A_1030] {strides = array<i32>} : memref<16x64xf32, #tpu.memory_space<vmem>>, vector<16xf32>,
      %mul3A_1032 = arith.mulf %get3A_1031, %get3A_769 : vector<16xf32>
      %add3A_1033 = arith.addf %add3A_1027, %mul3A_1032 : vector<16xf32>
      %get3A_1034 = arith.constant 7 : i32
      %get3A_1035 = arith.index_cast %get3A_1034 : i32 to index
      %get3A_1036 = arith.constant 48 : index
      %get3A_1037 = tpu.vector_load %arg26[%get3A_1035, %get3A_1036] {strides = array<i32>} : memref<16x64xf32, #tpu.memory_space<vmem>>, vector<16xf32>,
      %mul3A_1038 = arith.mulf %get3A_1037, %get3A_772 : vector<16xf32>
      %add3A_1039 = arith.addf %add3A_1033, %mul3A_1038 : vector<16xf32>
      %reduce_sum3A_1040 = arith.constant true
      %reduce_sum3A_1041 = vector.broadcast %reduce_sum3A_1040 : i1 to vector<16xi1>
      %reduce_sum3A_1042 = tpu.scan <sum>, %add3A_1039 masked %reduce_sum3A_1041 : vector<16xf32>, vector<16xi1> -> vector<16xf32>
      %reduce_sum3A_1043 = vector.extract %reduce_sum3A_1042[15] : f32 from vector<16xf32>
      %broadcast_in_dim3A_1044 = vector.broadcast %reduce_sum3A_1043 : f32 to vector<16xf32>
      %select_n3A_1045 = arith.select %eq3A_1016, %broadcast_in_dim3A_1044, %select_n3A_1013 : vector<16xi1>, vector<16xf32>
      %eq3A_1046 = arith.constant 8 : i32
      %eq3A_1047 = vector.broadcast %eq3A_1046 : i32 to vector<16xi32>
      %eq3A_1048 = arith.cmpi eq, %iota3A, %eq3A_1047 : vector<16xi32>
      %get3A_1049 = arith.constant 8 : i32
      %get3A_1050 = arith.index_cast %get3A_1049 : i32 to index
      %get3A_1051 = arith.constant 0 : index
      %get3A_1052 = tpu.vector_load %arg26[%get3A_1050, %get3A_1051] {strides = array<i32>} : memref<16x64xf32, #tpu.memory_space<vmem>>, vector<16xf32>,
      %mul3A_1053 = arith.mulf %get3A_1052, %get3A_763 : vector<16xf32>
      %get3A_1054 = arith.constant 8 : i32
      %get3A_1055 = arith.index_cast %get3A_1054 : i32 to index
      %get3A_1056 = arith.constant 16 : index
      %get3A_1057 = tpu.vector_load %arg26[%get3A_1055, %get3A_1056] {strides = array<i32>} : memref<16x64xf32, #tpu.memory_space<vmem>>, vector<16xf32>,
      %mul3A_1058 = arith.mulf %get3A_1057, %get3A_766 : vector<16xf32>
      %add3A_1059 = arith.addf %mul3A_1053, %mul3A_1058 : vector<16xf32>
      %get3A_1060 = arith.constant 8 : i32
      %get3A_1061 = arith.index_cast %get3A_1060 : i32 to index
      %get3A_1062 = arith.constant 32 : index
      %get3A_1063 = tpu.vector_load %arg26[%get3A_1061, %get3A_1062] {strides = array<i32>} : memref<16x64xf32, #tpu.memory_space<vmem>>, vector<16xf32>,
      %mul3A_1064 = arith.mulf %get3A_1063, %get3A_769 : vector<16xf32>
      %add3A_1065 = arith.addf %add3A_1059, %mul3A_1064 : vector<16xf32>
      %get3A_1066 = arith.constant 8 : i32
      %get3A_1067 = arith.index_cast %get3A_1066 : i32 to index
      %get3A_1068 = arith.constant 48 : index
      %get3A_1069 = tpu.vector_load %arg26[%get3A_1067, %get3A_1068] {strides = array<i32>} : memref<16x64xf32, #tpu.memory_space<vmem>>, vector<16xf32>,
      %mul3A_1070 = arith.mulf %get3A_1069, %get3A_772 : vector<16xf32>
      %add3A_1071 = arith.addf %add3A_1065, %mul3A_1070 : vector<16xf32>
      %reduce_sum3A_1072 = arith.constant true
      %reduce_sum3A_1073 = vector.broadcast %reduce_sum3A_1072 : i1 to vector<16xi1>
      %reduce_sum3A_1074 = tpu.scan <sum>, %add3A_1071 masked %reduce_sum3A_1073 : vector<16xf32>, vector<16xi1> -> vector<16xf32>
      %reduce_sum3A_1075 = vector.extract %reduce_sum3A_1074[15] : f32 from vector<16xf32>
      %broadcast_in_dim3A_1076 = vector.broadcast %reduce_sum3A_1075 : f32 to vector<16xf32>
      %select_n3A_1077 = arith.select %eq3A_1048, %broadcast_in_dim3A_1076, %select_n3A_1045 : vector<16xi1>, vector<16xf32>
      %eq3A_1078 = arith.constant 9 : i32
      %eq3A_1079 = vector.broadcast %eq3A_1078 : i32 to vector<16xi32>
      %eq3A_1080 = arith.cmpi eq, %iota3A, %eq3A_1079 : vector<16xi32>
      %get3A_1081 = arith.constant 9 : i32
      %get3A_1082 = arith.index_cast %get3A_1081 : i32 to index
      %get3A_1083 = arith.constant 0 : index
      %get3A_1084 = tpu.vector_load %arg26[%get3A_1082, %get3A_1083] {strides = array<i32>} : memref<16x64xf32, #tpu.memory_space<vmem>>, vector<16xf32>,
      %mul3A_1085 = arith.mulf %get3A_1084, %get3A_763 : vector<16xf32>
      %get3A_1086 = arith.constant 9 : i32
      %get3A_1087 = arith.index_cast %get3A_1086 : i32 to index
      %get3A_1088 = arith.constant 16 : index
      %get3A_1089 = tpu.vector_load %arg26[%get3A_1087, %get3A_1088] {strides = array<i32>} : memref<16x64xf32, #tpu.memory_space<vmem>>, vector<16xf32>,
      %mul3A_1090 = arith.mulf %get3A_1089, %get3A_766 : vector<16xf32>
      %add3A_1091 = arith.addf %mul3A_1085, %mul3A_1090 : vector<16xf32>
      %get3A_1092 = arith.constant 9 : i32
      %get3A_1093 = arith.index_cast %get3A_1092 : i32 to index
      %get3A_1094 = arith.constant 32 : index
      %get3A_1095 = tpu.vector_load %arg26[%get3A_1093, %get3A_1094] {strides = array<i32>} : memref<16x64xf32, #tpu.memory_space<vmem>>, vector<16xf32>,
      %mul3A_1096 = arith.mulf %get3A_1095, %get3A_769 : vector<16xf32>
      %add3A_1097 = arith.addf %add3A_1091, %mul3A_1096 : vector<16xf32>
      %get3A_1098 = arith.constant 9 : i32
      %get3A_1099 = arith.index_cast %get3A_1098 : i32 to index
      %get3A_1100 = arith.constant 48 : index
      %get3A_1101 = tpu.vector_load %arg26[%get3A_1099, %get3A_1100] {strides = array<i32>} : memref<16x64xf32, #tpu.memory_space<vmem>>, vector<16xf32>,
      %mul3A_1102 = arith.mulf %get3A_1101, %get3A_772 : vector<16xf32>
      %add3A_1103 = arith.addf %add3A_1097, %mul3A_1102 : vector<16xf32>
      %reduce_sum3A_1104 = arith.constant true
      %reduce_sum3A_1105 = vector.broadcast %reduce_sum3A_1104 : i1 to vector<16xi1>
      %reduce_sum3A_1106 = tpu.scan <sum>, %add3A_1103 masked %reduce_sum3A_1105 : vector<16xf32>, vector<16xi1> -> vector<16xf32>
      %reduce_sum3A_1107 = vector.extract %reduce_sum3A_1106[15] : f32 from vector<16xf32>
      %broadcast_in_dim3A_1108 = vector.broadcast %reduce_sum3A_1107 : f32 to vector<16xf32>
      %select_n3A_1109 = arith.select %eq3A_1080, %broadcast_in_dim3A_1108, %select_n3A_1077 : vector<16xi1>, vector<16xf32>
      %eq3A_1110 = arith.constant 10 : i32
      %eq3A_1111 = vector.broadcast %eq3A_1110 : i32 to vector<16xi32>
      %eq3A_1112 = arith.cmpi eq, %iota3A, %eq3A_1111 : vector<16xi32>
      %get3A_1113 = arith.constant 10 : i32
      %get3A_1114 = arith.index_cast %get3A_1113 : i32 to index
      %get3A_1115 = arith.constant 0 : index
      %get3A_1116 = tpu.vector_load %arg26[%get3A_1114, %get3A_1115] {strides = array<i32>} : memref<16x64xf32, #tpu.memory_space<vmem>>, vector<16xf32>,
      %mul3A_1117 = arith.mulf %get3A_1116, %get3A_763 : vector<16xf32>
      %get3A_1118 = arith.constant 10 : i32
      %get3A_1119 = arith.index_cast %get3A_1118 : i32 to index
      %get3A_1120 = arith.constant 16 : index
      %get3A_1121 = tpu.vector_load %arg26[%get3A_1119, %get3A_1120] {strides = array<i32>} : memref<16x64xf32, #tpu.memory_space<vmem>>, vector<16xf32>,
      %mul3A_1122 = arith.mulf %get3A_1121, %get3A_766 : vector<16xf32>
      %add3A_1123 = arith.addf %mul3A_1117, %mul3A_1122 : vector<16xf32>
      %get3A_1124 = arith.constant 10 : i32
      %get3A_1125 = arith.index_cast %get3A_1124 : i32 to index
      %get3A_1126 = arith.constant 32 : index
      %get3A_1127 = tpu.vector_load %arg26[%get3A_1125, %get3A_1126] {strides = array<i32>} : memref<16x64xf32, #tpu.memory_space<vmem>>, vector<16xf32>,
      %mul3A_1128 = arith.mulf %get3A_1127, %get3A_769 : vector<16xf32>
      %add3A_1129 = arith.addf %add3A_1123, %mul3A_1128 : vector<16xf32>
      %get3A_1130 = arith.constant 10 : i32
      %get3A_1131 = arith.index_cast %get3A_1130 : i32 to index
      %get3A_1132 = arith.constant 48 : index
      %get3A_1133 = tpu.vector_load %arg26[%get3A_1131, %get3A_1132] {strides = array<i32>} : memref<16x64xf32, #tpu.memory_space<vmem>>, vector<16xf32>,
      %mul3A_1134 = arith.mulf %get3A_1133, %get3A_772 : vector<16xf32>
      %add3A_1135 = arith.addf %add3A_1129, %mul3A_1134 : vector<16xf32>
      %reduce_sum3A_1136 = arith.constant true
      %reduce_sum3A_1137 = vector.broadcast %reduce_sum3A_1136 : i1 to vector<16xi1>
      %reduce_sum3A_1138 = tpu.scan <sum>, %add3A_1135 masked %reduce_sum3A_1137 : vector<16xf32>, vector<16xi1> -> vector<16xf32>
      %reduce_sum3A_1139 = vector.extract %reduce_sum3A_1138[15] : f32 from vector<16xf32>
      %broadcast_in_dim3A_1140 = vector.broadcast %reduce_sum3A_1139 : f32 to vector<16xf32>
      %select_n3A_1141 = arith.select %eq3A_1112, %broadcast_in_dim3A_1140, %select_n3A_1109 : vector<16xi1>, vector<16xf32>
      %eq3A_1142 = arith.constant 11 : i32
      %eq3A_1143 = vector.broadcast %eq3A_1142 : i32 to vector<16xi32>
      %eq3A_1144 = arith.cmpi eq, %iota3A, %eq3A_1143 : vector<16xi32>
      %get3A_1145 = arith.constant 11 : i32
      %get3A_1146 = arith.index_cast %get3A_1145 : i32 to index
      %get3A_1147 = arith.constant 0 : index
      %get3A_1148 = tpu.vector_load %arg26[%get3A_1146, %get3A_1147] {strides = array<i32>} : memref<16x64xf32, #tpu.memory_space<vmem>>, vector<16xf32>,
      %mul3A_1149 = arith.mulf %get3A_1148, %get3A_763 : vector<16xf32>
      %get3A_1150 = arith.constant 11 : i32
      %get3A_1151 = arith.index_cast %get3A_1150 : i32 to index
      %get3A_1152 = arith.constant 16 : index
      %get3A_1153 = tpu.vector_load %arg26[%get3A_1151, %get3A_1152] {strides = array<i32>} : memref<16x64xf32, #tpu.memory_space<vmem>>, vector<16xf32>,
      %mul3A_1154 = arith.mulf %get3A_1153, %get3A_766 : vector<16xf32>
      %add3A_1155 = arith.addf %mul3A_1149, %mul3A_1154 : vector<16xf32>
      %get3A_1156 = arith.constant 11 : i32
      %get3A_1157 = arith.index_cast %get3A_1156 : i32 to index
      %get3A_1158 = arith.constant 32 : index
      %get3A_1159 = tpu.vector_load %arg26[%get3A_1157, %get3A_1158] {strides = array<i32>} : memref<16x64xf32, #tpu.memory_space<vmem>>, vector<16xf32>,
      %mul3A_1160 = arith.mulf %get3A_1159, %get3A_769 : vector<16xf32>
      %add3A_1161 = arith.addf %add3A_1155, %mul3A_1160 : vector<16xf32>
      %get3A_1162 = arith.constant 11 : i32
      %get3A_1163 = arith.index_cast %get3A_1162 : i32 to index
      %get3A_1164 = arith.constant 48 : index
      %get3A_1165 = tpu.vector_load %arg26[%get3A_1163, %get3A_1164] {strides = array<i32>} : memref<16x64xf32, #tpu.memory_space<vmem>>, vector<16xf32>,
      %mul3A_1166 = arith.mulf %get3A_1165, %get3A_772 : vector<16xf32>
      %add3A_1167 = arith.addf %add3A_1161, %mul3A_1166 : vector<16xf32>
      %reduce_sum3A_1168 = arith.constant true
      %reduce_sum3A_1169 = vector.broadcast %reduce_sum3A_1168 : i1 to vector<16xi1>
      %reduce_sum3A_1170 = tpu.scan <sum>, %add3A_1167 masked %reduce_sum3A_1169 : vector<16xf32>, vector<16xi1> -> vector<16xf32>
      %reduce_sum3A_1171 = vector.extract %reduce_sum3A_1170[15] : f32 from vector<16xf32>
      %broadcast_in_dim3A_1172 = vector.broadcast %reduce_sum3A_1171 : f32 to vector<16xf32>
      %select_n3A_1173 = arith.select %eq3A_1144, %broadcast_in_dim3A_1172, %select_n3A_1141 : vector<16xi1>, vector<16xf32>
      %eq3A_1174 = arith.constant 12 : i32
      %eq3A_1175 = vector.broadcast %eq3A_1174 : i32 to vector<16xi32>
      %eq3A_1176 = arith.cmpi eq, %iota3A, %eq3A_1175 : vector<16xi32>
      %get3A_1177 = arith.constant 12 : i32
      %get3A_1178 = arith.index_cast %get3A_1177 : i32 to index
      %get3A_1179 = arith.constant 0 : index
      %get3A_1180 = tpu.vector_load %arg26[%get3A_1178, %get3A_1179] {strides = array<i32>} : memref<16x64xf32, #tpu.memory_space<vmem>>, vector<16xf32>,
      %mul3A_1181 = arith.mulf %get3A_1180, %get3A_763 : vector<16xf32>
      %get3A_1182 = arith.constant 12 : i32
      %get3A_1183 = arith.index_cast %get3A_1182 : i32 to index
      %get3A_1184 = arith.constant 16 : index
      %get3A_1185 = tpu.vector_load %arg26[%get3A_1183, %get3A_1184] {strides = array<i32>} : memref<16x64xf32, #tpu.memory_space<vmem>>, vector<16xf32>,
      %mul3A_1186 = arith.mulf %get3A_1185, %get3A_766 : vector<16xf32>
      %add3A_1187 = arith.addf %mul3A_1181, %mul3A_1186 : vector<16xf32>
      %get3A_1188 = arith.constant 12 : i32
      %get3A_1189 = arith.index_cast %get3A_1188 : i32 to index
      %get3A_1190 = arith.constant 32 : index
      %get3A_1191 = tpu.vector_load %arg26[%get3A_1189, %get3A_1190] {strides = array<i32>} : memref<16x64xf32, #tpu.memory_space<vmem>>, vector<16xf32>,
      %mul3A_1192 = arith.mulf %get3A_1191, %get3A_769 : vector<16xf32>
      %add3A_1193 = arith.addf %add3A_1187, %mul3A_1192 : vector<16xf32>
      %get3A_1194 = arith.constant 12 : i32
      %get3A_1195 = arith.index_cast %get3A_1194 : i32 to index
      %get3A_1196 = arith.constant 48 : index
      %get3A_1197 = tpu.vector_load %arg26[%get3A_1195, %get3A_1196] {strides = array<i32>} : memref<16x64xf32, #tpu.memory_space<vmem>>, vector<16xf32>,
      %mul3A_1198 = arith.mulf %get3A_1197, %get3A_772 : vector<16xf32>
      %add3A_1199 = arith.addf %add3A_1193, %mul3A_1198 : vector<16xf32>
      %reduce_sum3A_1200 = arith.constant true
      %reduce_sum3A_1201 = vector.broadcast %reduce_sum3A_1200 : i1 to vector<16xi1>
      %reduce_sum3A_1202 = tpu.scan <sum>, %add3A_1199 masked %reduce_sum3A_1201 : vector<16xf32>, vector<16xi1> -> vector<16xf32>
      %reduce_sum3A_1203 = vector.extract %reduce_sum3A_1202[15] : f32 from vector<16xf32>
      %broadcast_in_dim3A_1204 = vector.broadcast %reduce_sum3A_1203 : f32 to vector<16xf32>
      %select_n3A_1205 = arith.select %eq3A_1176, %broadcast_in_dim3A_1204, %select_n3A_1173 : vector<16xi1>, vector<16xf32>
      %eq3A_1206 = arith.constant 13 : i32
      %eq3A_1207 = vector.broadcast %eq3A_1206 : i32 to vector<16xi32>
      %eq3A_1208 = arith.cmpi eq, %iota3A, %eq3A_1207 : vector<16xi32>
      %get3A_1209 = arith.constant 13 : i32
      %get3A_1210 = arith.index_cast %get3A_1209 : i32 to index
      %get3A_1211 = arith.constant 0 : index
      %get3A_1212 = tpu.vector_load %arg26[%get3A_1210, %get3A_1211] {strides = array<i32>} : memref<16x64xf32, #tpu.memory_space<vmem>>, vector<16xf32>,
      %mul3A_1213 = arith.mulf %get3A_1212, %get3A_763 : vector<16xf32>
      %get3A_1214 = arith.constant 13 : i32
      %get3A_1215 = arith.index_cast %get3A_1214 : i32 to index
      %get3A_1216 = arith.constant 16 : index
      %get3A_1217 = tpu.vector_load %arg26[%get3A_1215, %get3A_1216] {strides = array<i32>} : memref<16x64xf32, #tpu.memory_space<vmem>>, vector<16xf32>,
      %mul3A_1218 = arith.mulf %get3A_1217, %get3A_766 : vector<16xf32>
      %add3A_1219 = arith.addf %mul3A_1213, %mul3A_1218 : vector<16xf32>
      %get3A_1220 = arith.constant 13 : i32
      %get3A_1221 = arith.index_cast %get3A_1220 : i32 to index
      %get3A_1222 = arith.constant 32 : index
      %get3A_1223 = tpu.vector_load %arg26[%get3A_1221, %get3A_1222] {strides = array<i32>} : memref<16x64xf32, #tpu.memory_space<vmem>>, vector<16xf32>,
      %mul3A_1224 = arith.mulf %get3A_1223, %get3A_769 : vector<16xf32>
      %add3A_1225 = arith.addf %add3A_1219, %mul3A_1224 : vector<16xf32>
      %get3A_1226 = arith.constant 13 : i32
      %get3A_1227 = arith.index_cast %get3A_1226 : i32 to index
      %get3A_1228 = arith.constant 48 : index
      %get3A_1229 = tpu.vector_load %arg26[%get3A_1227, %get3A_1228] {strides = array<i32>} : memref<16x64xf32, #tpu.memory_space<vmem>>, vector<16xf32>,
      %mul3A_1230 = arith.mulf %get3A_1229, %get3A_772 : vector<16xf32>
      %add3A_1231 = arith.addf %add3A_1225, %mul3A_1230 : vector<16xf32>
      %reduce_sum3A_1232 = arith.constant true
      %reduce_sum3A_1233 = vector.broadcast %reduce_sum3A_1232 : i1 to vector<16xi1>
      %reduce_sum3A_1234 = tpu.scan <sum>, %add3A_1231 masked %reduce_sum3A_1233 : vector<16xf32>, vector<16xi1> -> vector<16xf32>
      %reduce_sum3A_1235 = vector.extract %reduce_sum3A_1234[15] : f32 from vector<16xf32>
      %broadcast_in_dim3A_1236 = vector.broadcast %reduce_sum3A_1235 : f32 to vector<16xf32>
      %select_n3A_1237 = arith.select %eq3A_1208, %broadcast_in_dim3A_1236, %select_n3A_1205 : vector<16xi1>, vector<16xf32>
      %eq3A_1238 = arith.constant 14 : i32
      %eq3A_1239 = vector.broadcast %eq3A_1238 : i32 to vector<16xi32>
      %eq3A_1240 = arith.cmpi eq, %iota3A, %eq3A_1239 : vector<16xi32>
      %get3A_1241 = arith.constant 14 : i32
      %get3A_1242 = arith.index_cast %get3A_1241 : i32 to index
      %get3A_1243 = arith.constant 0 : index
      %get3A_1244 = tpu.vector_load %arg26[%get3A_1242, %get3A_1243] {strides = array<i32>} : memref<16x64xf32, #tpu.memory_space<vmem>>, vector<16xf32>,
      %mul3A_1245 = arith.mulf %get3A_1244, %get3A_763 : vector<16xf32>
      %get3A_1246 = arith.constant 14 : i32
      %get3A_1247 = arith.index_cast %get3A_1246 : i32 to index
      %get3A_1248 = arith.constant 16 : index
      %get3A_1249 = tpu.vector_load %arg26[%get3A_1247, %get3A_1248] {strides = array<i32>} : memref<16x64xf32, #tpu.memory_space<vmem>>, vector<16xf32>,
      %mul3A_1250 = arith.mulf %get3A_1249, %get3A_766 : vector<16xf32>
      %add3A_1251 = arith.addf %mul3A_1245, %mul3A_1250 : vector<16xf32>
      %get3A_1252 = arith.constant 14 : i32
      %get3A_1253 = arith.index_cast %get3A_1252 : i32 to index
      %get3A_1254 = arith.constant 32 : index
      %get3A_1255 = tpu.vector_load %arg26[%get3A_1253, %get3A_1254] {strides = array<i32>} : memref<16x64xf32, #tpu.memory_space<vmem>>, vector<16xf32>,
      %mul3A_1256 = arith.mulf %get3A_1255, %get3A_769 : vector<16xf32>
      %add3A_1257 = arith.addf %add3A_1251, %mul3A_1256 : vector<16xf32>
      %get3A_1258 = arith.constant 14 : i32
      %get3A_1259 = arith.index_cast %get3A_1258 : i32 to index
      %get3A_1260 = arith.constant 48 : index
      %get3A_1261 = tpu.vector_load %arg26[%get3A_1259, %get3A_1260] {strides = array<i32>} : memref<16x64xf32, #tpu.memory_space<vmem>>, vector<16xf32>,
      %mul3A_1262 = arith.mulf %get3A_1261, %get3A_772 : vector<16xf32>
      %add3A_1263 = arith.addf %add3A_1257, %mul3A_1262 : vector<16xf32>
      %reduce_sum3A_1264 = arith.constant true
      %reduce_sum3A_1265 = vector.broadcast %reduce_sum3A_1264 : i1 to vector<16xi1>
      %reduce_sum3A_1266 = tpu.scan <sum>, %add3A_1263 masked %reduce_sum3A_1265 : vector<16xf32>, vector<16xi1> -> vector<16xf32>
      %reduce_sum3A_1267 = vector.extract %reduce_sum3A_1266[15] : f32 from vector<16xf32>
      %broadcast_in_dim3A_1268 = vector.broadcast %reduce_sum3A_1267 : f32 to vector<16xf32>
      %select_n3A_1269 = arith.select %eq3A_1240, %broadcast_in_dim3A_1268, %select_n3A_1237 : vector<16xi1>, vector<16xf32>
      %eq3A_1270 = arith.constant 15 : i32
      %eq3A_1271 = vector.broadcast %eq3A_1270 : i32 to vector<16xi32>
      %eq3A_1272 = arith.cmpi eq, %iota3A, %eq3A_1271 : vector<16xi32>
      %get3A_1273 = arith.constant 15 : i32
      %get3A_1274 = arith.index_cast %get3A_1273 : i32 to index
      %get3A_1275 = arith.constant 0 : index
      %get3A_1276 = tpu.vector_load %arg26[%get3A_1274, %get3A_1275] {strides = array<i32>} : memref<16x64xf32, #tpu.memory_space<vmem>>, vector<16xf32>,
      %mul3A_1277 = arith.mulf %get3A_1276, %get3A_763 : vector<16xf32>
      %get3A_1278 = arith.constant 15 : i32
      %get3A_1279 = arith.index_cast %get3A_1278 : i32 to index
      %get3A_1280 = arith.constant 16 : index
      %get3A_1281 = tpu.vector_load %arg26[%get3A_1279, %get3A_1280] {strides = array<i32>} : memref<16x64xf32, #tpu.memory_space<vmem>>, vector<16xf32>,
      %mul3A_1282 = arith.mulf %get3A_1281, %get3A_766 : vector<16xf32>
      %add3A_1283 = arith.addf %mul3A_1277, %mul3A_1282 : vector<16xf32>
      %get3A_1284 = arith.constant 15 : i32
      %get3A_1285 = arith.index_cast %get3A_1284 : i32 to index
      %get3A_1286 = arith.constant 32 : index
      %get3A_1287 = tpu.vector_load %arg26[%get3A_1285, %get3A_1286] {strides = array<i32>} : memref<16x64xf32, #tpu.memory_space<vmem>>, vector<16xf32>,
      %mul3A_1288 = arith.mulf %get3A_1287, %get3A_769 : vector<16xf32>
      %add3A_1289 = arith.addf %add3A_1283, %mul3A_1288 : vector<16xf32>
      %get3A_1290 = arith.constant 15 : i32
      %get3A_1291 = arith.index_cast %get3A_1290 : i32 to index
      %get3A_1292 = arith.constant 48 : index
      %get3A_1293 = tpu.vector_load %arg26[%get3A_1291, %get3A_1292] {strides = array<i32>} : memref<16x64xf32, #tpu.memory_space<vmem>>, vector<16xf32>,
      %mul3A_1294 = arith.mulf %get3A_1293, %get3A_772 : vector<16xf32>
      %add3A_1295 = arith.addf %add3A_1289, %mul3A_1294 : vector<16xf32>
      %reduce_sum3A_1296 = arith.constant true
      %reduce_sum3A_1297 = vector.broadcast %reduce_sum3A_1296 : i1 to vector<16xi1>
      %reduce_sum3A_1298 = tpu.scan <sum>, %add3A_1295 masked %reduce_sum3A_1297 : vector<16xf32>, vector<16xi1> -> vector<16xf32>
      %reduce_sum3A_1299 = vector.extract %reduce_sum3A_1298[15] : f32 from vector<16xf32>
      %broadcast_in_dim3A_1300 = vector.broadcast %reduce_sum3A_1299 : f32 to vector<16xf32>
      %select_n3A_1301 = arith.select %eq3A_1272, %broadcast_in_dim3A_1300, %select_n3A_1269 : vector<16xi1>, vector<16xf32>
      %swap3A_1302 = arith.index_cast %add3A_759 : i32 to index
      %swap3A_1303 = arith.constant 0 : index
      %swap3A_1304 = tpu.vector_load %arg32[%swap3A_1302, %swap3A_1303] {strides = array<i32>} : memref<128x16xf32, #tpu.memory_space<vmem>>, vector<16xf32>,
      tpu.vector_store %arg32[%swap3A_1302, %swap3A_1303], %select_n3A_1301 {strides = array<i32>} : memref<128x16xf32, #tpu.memory_space<vmem>>, vector<16xf32>,
      %jit3A_1305 = arith.constant 16 : i32
      %eq3A_1306 = arith.constant 0 : i32
      %eq3A_1307 = arith.cmpi eq, %jit3A_1305, %eq3A_1306 : i32
      %jit3A_1308 = arith.constant 1 : i32
      %select_n3A_1309 = arith.select %eq3A_1307, %jit3A_1308, %jit3A_1305 : i32
      %rem3A_1310 = arith.remsi %add3A_759, %select_n3A_1309 : i32
      %ne3A_1311 = arith.constant 0 : i32
      %ne3A_1312 = arith.cmpi ne, %rem3A_1310, %ne3A_1311 : i32
      %lt3A_1313 = arith.constant 0 : i32
      %lt3A_1314 = arith.cmpi slt, %rem3A_1310, %lt3A_1313 : i32
      %lt3A_1315 = arith.constant 0 : i32
      %lt3A_1316 = arith.cmpi slt, %select_n3A_1309, %lt3A_1315 : i32
      %ne3A_1317 = arith.xori %lt3A_1314, %lt3A_1316 : i1
      %and3A_1318 = arith.andi %ne3A_1317, %ne3A_1312 : i1
      %add3A_1319 = arith.addi %rem3A_1310, %select_n3A_1309 : i32
      %select_n3A_1320 = arith.select %and3A_1318, %add3A_1319, %rem3A_1310 : i32
      %eq3A_1321 = vector.broadcast %select_n3A_1320 : i32 to vector<16xi32>
      %eq3A_1322 = arith.cmpi eq, %iota3A, %eq3A_1321 : vector<16xi32>
      %get3A_1323 = arith.index_cast %add3A_759 : i32 to index
      %get3A_1324 = arith.constant 0 : index
      %get3A_1325 = tpu.vector_load %arg20[%get3A_1323, %get3A_1324] {strides = array<i32>} : memref<128x64xf32, #tpu.memory_space<vmem>>, vector<16xf32>,
      %mul3A_1326 = arith.mulf %get3A_1325, %get3A_763 : vector<16xf32>
      %get3A_1327 = arith.index_cast %add3A_759 : i32 to index
      %get3A_1328 = arith.constant 16 : index
      %get3A_1329 = tpu.vector_load %arg20[%get3A_1327, %get3A_1328] {strides = array<i32>} : memref<128x64xf32, #tpu.memory_space<vmem>>, vector<16xf32>,
      %mul3A_1330 = arith.mulf %get3A_1329, %get3A_766 : vector<16xf32>
      %add3A_1331 = arith.addf %mul3A_1326, %mul3A_1330 : vector<16xf32>
      %get3A_1332 = arith.index_cast %add3A_759 : i32 to index
      %get3A_1333 = arith.constant 32 : index
      %get3A_1334 = tpu.vector_load %arg20[%get3A_1332, %get3A_1333] {strides = array<i32>} : memref<128x64xf32, #tpu.memory_space<vmem>>, vector<16xf32>,
      %mul3A_1335 = arith.mulf %get3A_1334, %get3A_769 : vector<16xf32>
      %add3A_1336 = arith.addf %add3A_1331, %mul3A_1335 : vector<16xf32>
      %get3A_1337 = arith.index_cast %add3A_759 : i32 to index
      %get3A_1338 = arith.constant 48 : index
      %get3A_1339 = tpu.vector_load %arg20[%get3A_1337, %get3A_1338] {strides = array<i32>} : memref<128x64xf32, #tpu.memory_space<vmem>>, vector<16xf32>,
      %mul3A_1340 = arith.mulf %get3A_1339, %get3A_772 : vector<16xf32>
      %add3A_1341 = arith.addf %add3A_1336, %mul3A_1340 : vector<16xf32>
      %reduce_sum3A_1342 = arith.constant true
      %reduce_sum3A_1343 = vector.broadcast %reduce_sum3A_1342 : i1 to vector<16xi1>
      %reduce_sum3A_1344 = tpu.scan <sum>, %add3A_1341 masked %reduce_sum3A_1343 : vector<16xf32>, vector<16xi1> -> vector<16xf32>
      %reduce_sum3A_1345 = vector.extract %reduce_sum3A_1344[15] : f32 from vector<16xf32>
      %broadcast_in_dim3A_1346 = vector.broadcast %reduce_sum3A_1345 : f32 to vector<16xf32>
      %select_n3A_1347 = arith.select %eq3A_1322, %broadcast_in_dim3A_1346, %select_n3A_719 : vector<16xi1>, vector<16xf32>
      %jit3A_1348 = arith.constant 16 : i32
      %eq3A_1349 = arith.constant 0 : i32
      %eq3A_1350 = arith.cmpi eq, %jit3A_1348, %eq3A_1349 : i32
      %jit3A_1351 = arith.constant 1 : i32
      %select_n3A_1352 = arith.select %eq3A_1350, %jit3A_1351, %jit3A_1348 : i32
      %rem3A_1353 = arith.remsi %add3A_759, %select_n3A_1352 : i32
      %ne3A_1354 = arith.constant 0 : i32
      %ne3A_1355 = arith.cmpi ne, %rem3A_1353, %ne3A_1354 : i32
      %lt3A_1356 = arith.constant 0 : i32
      %lt3A_1357 = arith.cmpi slt, %rem3A_1353, %lt3A_1356 : i32
      %lt3A_1358 = arith.constant 0 : i32
      %lt3A_1359 = arith.cmpi slt, %select_n3A_1352, %lt3A_1358 : i32
      %ne3A_1360 = arith.xori %lt3A_1357, %lt3A_1359 : i1
      %and3A_1361 = arith.andi %ne3A_1360, %ne3A_1355 : i1
      %add3A_1362 = arith.addi %rem3A_1353, %select_n3A_1352 : i32
      %select_n3A_1363 = arith.select %and3A_1361, %add3A_1362, %rem3A_1353 : i32
      %eq3A_1364 = arith.constant 15 : i32
      %eq3A_1365 = arith.cmpi eq, %select_n3A_1363, %eq3A_1364 : i32
      %convert_element_type3A_1366 = arith.extui %eq3A_1365 : i1 to i32
      %cond3A_1367 = arith.constant 0 : i32
      %cond3A_1368 = arith.cmpi ne, %convert_element_type3A_1366, %cond3A_1367 : i32
      scf.if %cond3A_1368 {
        %sub3A = arith.constant 15 : i32
        %sub3A_1369 = arith.subi %add3A_759, %sub3A : i32
        %swap3A_1370 = arith.index_cast %sub3A_1369 : i32 to index
        %swap3A_1371 = tpu.vector_load %arg33[%swap3A_1370] {strides = array<i32>} : memref<128xf32, #tpu.memory_space<vmem>>, vector<16xf32>,
        tpu.vector_store %arg33[%swap3A_1370], %select_n3A_1347 {strides = array<i32>} : memref<128xf32, #tpu.memory_space<vmem>>, vector<16xf32>,
      } else {
      }
      scf.yield %select_n3A_1347 : vector<16xf32>
    }
    %scan3A_79 = arith.constant 64 : i32
    %dma_wait3A_80 = arith.constant 0 : i32
    %dma_wait3A_81 = arith.constant 0 : i32
    %dma_wait3A_82 = tpu.memref_slice %arg11[%dma_wait3A_80, %dma_wait3A_81] : memref<4096x304xf32, #tpu.memory_space<hbm>> -> memref<1x304xf32, #tpu.memory_space<hbm>>
    %dma_wait3A_83 = tpu.memref_squeeze %dma_wait3A_82 : memref<1x304xf32, #tpu.memory_space<hbm>> -> memref<304xf32, #tpu.memory_space<hbm>>
    %dma_wait3A_84 = arith.constant 0 : i32
    %dma_wait3A_85 = tpu.memref_slice %arg11[%dma_wait3A_80, %dma_wait3A_84] : memref<4096x304xf32, #tpu.memory_space<hbm>> -> memref<1x304xf32, #tpu.memory_space<hbm>>
    %dma_wait3A_86 = tpu.memref_squeeze %dma_wait3A_85 : memref<1x304xf32, #tpu.memory_space<hbm>> -> memref<304xf32, #tpu.memory_space<hbm>>
    tpu.wait_dma2 semaphore(%arg37 : memref<!tpu.dma_semaphore, #tpu.memory_space<semaphore_mem>>) src(%dma_wait3A_86 : memref<304xf32, #tpu.memory_space<hbm>>) dst(%arg30 : memref<304xf32, #tpu.memory_space<vmem>>)
    %dma_wait3A_87 = arith.constant 0 : i32
    %dma_wait3A_88 = arith.constant 0 : i32
    %dma_wait3A_89 = tpu.memref_slice %arg11[%dma_wait3A_87, %dma_wait3A_88] : memref<4096x304xf32, #tpu.memory_space<hbm>> -> memref<1x304xf32, #tpu.memory_space<hbm>>
    %dma_wait3A_90 = tpu.memref_squeeze %dma_wait3A_89 : memref<1x304xf32, #tpu.memory_space<hbm>> -> memref<304xf32, #tpu.memory_space<hbm>>
    %dma_wait3A_91 = arith.constant 0 : i32
    %dma_wait3A_92 = tpu.memref_slice %arg11[%dma_wait3A_87, %dma_wait3A_91] : memref<4096x304xf32, #tpu.memory_space<hbm>> -> memref<1x304xf32, #tpu.memory_space<hbm>>
    %dma_wait3A_93 = tpu.memref_squeeze %dma_wait3A_92 : memref<1x304xf32, #tpu.memory_space<hbm>> -> memref<304xf32, #tpu.memory_space<hbm>>
    tpu.wait_dma2 semaphore(%arg38 : memref<!tpu.dma_semaphore, #tpu.memory_space<semaphore_mem>>) src(%dma_wait3A_93 : memref<304xf32, #tpu.memory_space<hbm>>) dst(%arg31 : memref<304xf32, #tpu.memory_space<vmem>>)
    "tpu.region"() ({
      %run_scoped3A = tpu.sem_alloc : memref<!tpu.dma_semaphore, #tpu.memory_space<semaphore_mem>>
      %dma_start3A_94 = arith.constant 0 : i32
      %dma_start3A_95 = tpu.memref_slice %arg13[%mul3A_2, %dma_start3A_94] : memref<4096x16xf32, #tpu.memory_space<hbm>> -> memref<128x16xf32, #tpu.memory_space<hbm>>
      %dma_start3A_96 = arith.constant 0 : i32
      %dma_start3A_97 = tpu.memref_slice %arg13[%mul3A_2, %dma_start3A_96] : memref<4096x16xf32, #tpu.memory_space<hbm>> -> memref<128x16xf32, #tpu.memory_space<hbm>>
      tpu.enqueue_dma source(%arg32 : memref<128x16xf32, #tpu.memory_space<vmem>>) target(%dma_start3A_97 : memref<128x16xf32, #tpu.memory_space<hbm>>) target_semaphore(%run_scoped3A : memref<!tpu.dma_semaphore, #tpu.memory_space<semaphore_mem>>)
      %dma_wait3A_98 = arith.constant 0 : i32
      %dma_wait3A_99 = tpu.memref_slice %arg13[%mul3A_2, %dma_wait3A_98] : memref<4096x16xf32, #tpu.memory_space<hbm>> -> memref<128x16xf32, #tpu.memory_space<hbm>>
      %dma_wait3A_100 = arith.constant 0 : i32
      %dma_wait3A_101 = tpu.memref_slice %arg13[%mul3A_2, %dma_wait3A_100] : memref<4096x16xf32, #tpu.memory_space<hbm>> -> memref<128x16xf32, #tpu.memory_space<hbm>>
      tpu.wait_dma2 semaphore(%run_scoped3A : memref<!tpu.dma_semaphore, #tpu.memory_space<semaphore_mem>>) src(%arg32 : memref<128x16xf32, #tpu.memory_space<vmem>>) dst(%dma_wait3A_101 : memref<128x16xf32, #tpu.memory_space<hbm>>)
      tpu.yield
    }) : () -> ()
    "tpu.region"() ({
      %run_scoped3A = tpu.sem_alloc : memref<!tpu.dma_semaphore, #tpu.memory_space<semaphore_mem>>
      %dma_start3A_94 = tpu.memref_slice %arg12[%mul3A_2] : memref<4096xf32, #tpu.memory_space<hbm>> -> memref<128xf32, #tpu.memory_space<hbm>>
      %dma_start3A_95 = tpu.memref_slice %arg12[%mul3A_2] : memref<4096xf32, #tpu.memory_space<hbm>> -> memref<128xf32, #tpu.memory_space<hbm>>
      tpu.enqueue_dma source(%arg33 : memref<128xf32, #tpu.memory_space<vmem>>) target(%dma_start3A_95 : memref<128xf32, #tpu.memory_space<hbm>>) target_semaphore(%run_scoped3A : memref<!tpu.dma_semaphore, #tpu.memory_space<semaphore_mem>>)
      %dma_wait3A_96 = tpu.memref_slice %arg12[%mul3A_2] : memref<4096xf32, #tpu.memory_space<hbm>> -> memref<128xf32, #tpu.memory_space<hbm>>
      %dma_wait3A_97 = tpu.memref_slice %arg12[%mul3A_2] : memref<4096xf32, #tpu.memory_space<hbm>> -> memref<128xf32, #tpu.memory_space<hbm>>
      tpu.wait_dma2 semaphore(%run_scoped3A : memref<!tpu.dma_semaphore, #tpu.memory_space<semaphore_mem>>) src(%arg33 : memref<128xf32, #tpu.memory_space<vmem>>) dst(%dma_wait3A_97 : memref<128xf32, #tpu.memory_space<hbm>>)
      tpu.yield
    }) : () -> ()
    return
  }
}

module attributes {stable_mosaic.version = 14 : i64} {
  func.func @_sumsq_body(%arg0: i32, %arg1: memref<2000x128xf32, #tpu.memory_space<vmem>>, %arg2: memref<1x1xf32, #tpu.memory_space<smem>>) attributes {dimension_semantics = [#tpu.dimension_semantics<arbitrary>], iteration_bounds = array<i64: 25>, scalar_prefetch = 0 : i64, scratch_operands = 0 : i64, tpu.core_type = #tpu.core_type<tc>, window_params = [{transform_indices = @transform_0, window_bounds = array<i64: 2000, 128>}, {transform_indices = @transform_1, window_bounds = array<i64: 1, 1>}]} {
    %eq3A = arith.constant 0 : i32
    %eq3A_0 = arith.cmpi eq, %arg0, %eq3A : i32
    %convert_element_type3A = arith.extui %eq3A_0 : i1 to i32
    %cond3A = arith.constant 0 : i32
    %cond3A_1 = arith.cmpi ne, %convert_element_type3A, %cond3A : i32
    scf.if %cond3A_1 {
      %swap3A_13 = arith.constant 0.000000e+00 : f32
      %swap3A_14 = arith.constant 0 : index
      %swap3A_15 = arith.constant 0 : index
      %swap3A_16 = memref.load %arg2[%swap3A_14, %swap3A_15] : memref<1x1xf32, #tpu.memory_space<smem>>
      memref.store %swap3A_13, %arg2[%swap3A_14, %swap3A_15] : memref<1x1xf32, #tpu.memory_space<smem>>
    } else {
    }
    %get3A = arith.constant 0 : index
    %get3A_2 = arith.constant 0 : index
    %get3A_3 = vector.load %arg1[%get3A, %get3A_2] : memref<2000x128xf32, #tpu.memory_space<vmem>>, vector<2000x128xf32>
    %get3A_4 = arith.constant 0 : index
    %get3A_5 = arith.constant 0 : index
    %get3A_6 = memref.load %arg2[%get3A_4, %get3A_5] : memref<1x1xf32, #tpu.memory_space<smem>>
    %mul3A = arith.mulf %get3A_3, %get3A_3 : vector<2000x128xf32>
    %reduce_sum3A = vector.shape_cast %mul3A : vector<2000x128xf32> to vector<1x2000x128xf32>
    %reduce_sum3A_7 = arith.constant dense<0.000000e+00> : vector<1xf32>
    %reduce_sum3A_8 = vector.multi_reduction <add>, %reduce_sum3A, %reduce_sum3A_7 [1, 2] : vector<1x2000x128xf32> to vector<1xf32>
    %reduce_sum3A_9 = vector.shape_cast %reduce_sum3A_8 : vector<1xf32> to vector<1x1x1xf32>
    %reduce_sum3A_10 = vector.extract %reduce_sum3A_9[0, 0, 0] : f32 from vector<1x1x1xf32>
    %add3A = arith.addf %get3A_6, %reduce_sum3A_10 : f32
    %swap3A = arith.constant 0 : index
    %swap3A_11 = arith.constant 0 : index
    %swap3A_12 = memref.load %arg2[%swap3A, %swap3A_11] : memref<1x1xf32, #tpu.memory_space<smem>>
    memref.store %add3A, %arg2[%swap3A, %swap3A_11] : memref<1x1xf32, #tpu.memory_space<smem>>
    return
  }
  func.func @transform_0(%arg0: i32) -> (i32, i32) {
    %c0_i32 = arith.constant 0 : i32
    %c0_i32_0 = arith.constant 0 : i32
    return %arg0, %c0_i32 : i32, i32
  }
  func.func @transform_1(%arg0: i32) -> (i32, i32) {
    %c0_i32 = arith.constant 0 : i32
    %c0_i32_0 = arith.constant 0 : i32
    %c0_i32_1 = arith.constant 0 : i32
    return %c0_i32, %c0_i32_0 : i32, i32
  }
}

module attributes {stable_mosaic.version = 14 : i64} {
  func.func @_sumsq_body(%arg0: i32, %arg1: memref<4000x128xf32, #tpu.memory_space<vmem>>, %arg2: memref<1x1xf32, #tpu.memory_space<smem>>) attributes {dimension_semantics = [#tpu.dimension_semantics<arbitrary>], iteration_bounds = array<i64: 125>, scalar_prefetch = 0 : i64, scratch_operands = 0 : i64, tpu.core_type = #tpu.core_type<tc>, window_params = [{transform_indices = @transform_0, window_bounds = array<i64: 4000, 128>}, {transform_indices = @transform_1, window_bounds = array<i64: 1, 1>}]} {
    %eq3A = arith.constant 0 : i32
    %eq3A_0 = arith.cmpi eq, %arg0, %eq3A : i32
    %convert_element_type3A = arith.extui %eq3A_0 : i1 to i32
    %cond3A = arith.constant 0 : i32
    %cond3A_1 = arith.cmpi ne, %convert_element_type3A, %cond3A : i32
    scf.if %cond3A_1 {
      %swap3A_13 = arith.constant 0.000000e+00 : f32
      %swap3A_14 = arith.constant 0 : index
      %swap3A_15 = arith.constant 0 : index
      %swap3A_16 = memref.load %arg2[%swap3A_14, %swap3A_15] : memref<1x1xf32, #tpu.memory_space<smem>>
      memref.store %swap3A_13, %arg2[%swap3A_14, %swap3A_15] : memref<1x1xf32, #tpu.memory_space<smem>>
    } else {
    }
    %get3A = arith.constant 0 : index
    %get3A_2 = arith.constant 0 : index
    %get3A_3 = vector.load %arg1[%get3A, %get3A_2] : memref<4000x128xf32, #tpu.memory_space<vmem>>, vector<4000x128xf32>
    %get3A_4 = arith.constant 0 : index
    %get3A_5 = arith.constant 0 : index
    %get3A_6 = memref.load %arg2[%get3A_4, %get3A_5] : memref<1x1xf32, #tpu.memory_space<smem>>
    %mul3A = arith.mulf %get3A_3, %get3A_3 : vector<4000x128xf32>
    %reduce_sum3A = vector.shape_cast %mul3A : vector<4000x128xf32> to vector<1x4000x128xf32>
    %reduce_sum3A_7 = arith.constant dense<0.000000e+00> : vector<1xf32>
    %reduce_sum3A_8 = vector.multi_reduction <add>, %reduce_sum3A, %reduce_sum3A_7 [1, 2] : vector<1x4000x128xf32> to vector<1xf32>
    %reduce_sum3A_9 = vector.shape_cast %reduce_sum3A_8 : vector<1xf32> to vector<1x1x1xf32>
    %reduce_sum3A_10 = vector.extract %reduce_sum3A_9[0, 0, 0] : f32 from vector<1x1x1xf32>
    %add3A = arith.addf %get3A_6, %reduce_sum3A_10 : f32
    %swap3A = arith.constant 0 : index
    %swap3A_11 = arith.constant 0 : index
    %swap3A_12 = memref.load %arg2[%swap3A, %swap3A_11] : memref<1x1xf32, #tpu.memory_space<smem>>
    memref.store %add3A, %arg2[%swap3A, %swap3A_11] : memref<1x1xf32, #tpu.memory_space<smem>>
    return
  }
  func.func @transform_0(%arg0: i32) -> (i32, i32) {
    %c0_i32 = arith.constant 0 : i32
    %c0_i32_0 = arith.constant 0 : i32
    return %arg0, %c0_i32 : i32, i32
  }
  func.func @transform_1(%arg0: i32) -> (i32, i32) {
    %c0_i32 = arith.constant 0 : i32
    %c0_i32_0 = arith.constant 0 : i32
    %c0_i32_1 = arith.constant 0 : i32
    return %c0_i32, %c0_i32_0 : i32, i32
  }
}

module attributes {stable_mosaic.version = 14 : i64} {
  func.func @_combine_body(%arg0: i32, %arg1: memref<256x304xf32, #tpu.memory_space<vmem>>, %arg2: memref<8x32xf32, #tpu.memory_space<vmem>>, %arg3: memref<8x32xf32, #tpu.memory_space<vmem>>, %arg4: memref<8x32xf32, #tpu.memory_space<vmem>>, %arg5: memref<256x16xf32, #tpu.memory_space<vmem>>, %arg6: memref<256x16xf32, #tpu.memory_space<vmem>>, %arg7: memref<1x1xf32, #tpu.memory_space<smem>>, %arg8: memref<1x1xf32, #tpu.memory_space<smem>>, %arg9: memref<1x1xf32, #tpu.memory_space<smem>>) attributes {dimension_semantics = [#tpu.dimension_semantics<arbitrary>], iteration_bounds = array<i64: 16>, scalar_prefetch = 0 : i64, scratch_operands = 0 : i64, tpu.core_type = #tpu.core_type<tc>, window_params = [{transform_indices = @transform_0, window_bounds = array<i64: 256, 304>}, {transform_indices = @transform_1, window_bounds = array<i64: 8, 32>}, {transform_indices = @transform_2, window_bounds = array<i64: 8, 32>}, {transform_indices = @transform_3, window_bounds = array<i64: 8, 32>}, {transform_indices = @transform_4, window_bounds = array<i64: 256, 16>}, {transform_indices = @transform_5, window_bounds = array<i64: 256, 16>}, {transform_indices = @transform_6, window_bounds = array<i64: 1, 1>}, {transform_indices = @transform_7, window_bounds = array<i64: 1, 1>}, {transform_indices = @transform_8, window_bounds = array<i64: 1, 1>}]} {
    %get3A = arith.constant 0 : index
    %get3A_0 = arith.constant 0 : index
    %get3A_1 = vector.load %arg1[%get3A, %get3A_0] : memref<256x304xf32, #tpu.memory_space<vmem>>, vector<256x304xf32>
    %iota3A = tpu.iota {dimensions = array<i32: 1>} : vector<256x304xi32>
    %abs3A = math.absf %get3A_1 : vector<256x304xf32>
    %neg3A = arith.constant 0.000000e+00 : f32
    %neg3A_2 = vector.broadcast %neg3A : f32 to vector<256x304xf32>
    %neg3A_3 = arith.subf %neg3A_2, %abs3A : vector<256x304xf32>
    %exp3A = math.exp %neg3A_3 : vector<256x304xf32>
    %log1p3A = math.log1p %exp3A : vector<256x304xf32>
    %add3A = arith.addf %get3A_1, %log1p3A : vector<256x304xf32>
    %neg3A_4 = arith.constant 0.000000e+00 : f32
    %neg3A_5 = vector.broadcast %neg3A_4 : f32 to vector<256x304xf32>
    %neg3A_6 = arith.subf %neg3A_5, %get3A_1 : vector<256x304xf32>
    %max3A = arith.constant 0.000000e+00 : f32
    %max3A_7 = vector.broadcast %max3A : f32 to vector<256x304xf32>
    %max3A_8 = arith.maximumf %neg3A_6, %max3A_7 : vector<256x304xf32>
    %add3A_9 = arith.addf %add3A, %max3A_8 : vector<256x304xf32>
    %lt3A = arith.constant 300 : i32
    %lt3A_10 = vector.broadcast %lt3A : i32 to vector<256x304xi32>
    %lt3A_11 = arith.cmpi slt, %iota3A, %lt3A_10 : vector<256x304xi32>
    %jit3A = arith.constant 0.000000e+00 : f32
    %broadcast_in_dim3A = vector.broadcast %jit3A : f32 to vector<256x304xf32>
    %select_n3A = arith.select %lt3A_11, %add3A_9, %broadcast_in_dim3A : vector<256x304xi1>, vector<256x304xf32>
    %get3A_12 = arith.constant 0 : index
    %get3A_13 = arith.constant 0 : index
    %get3A_14 = vector.load %arg2[%get3A_12, %get3A_13] : memref<8x32xf32, #tpu.memory_space<vmem>>, vector<8x32xf32>
    %get3A_15 = arith.constant 0 : index
    %get3A_16 = arith.constant 0 : index
    %get3A_17 = vector.load %arg3[%get3A_15, %get3A_16] : memref<8x32xf32, #tpu.memory_space<vmem>>, vector<8x32xf32>
    %get3A_18 = arith.constant 0 : index
    %get3A_19 = arith.constant 0 : index
    %get3A_20 = vector.load %arg4[%get3A_18, %get3A_19] : memref<8x32xf32, #tpu.memory_space<vmem>>, vector<8x32xf32>
    %mul3A = arith.mulf %get3A_17, %get3A_20 : vector<8x32xf32>
    %mul3A_21 = arith.constant 1.000000e+00 : f32
    %mul3A_22 = vector.broadcast %mul3A_21 : f32 to vector<8x32xf32>
    %mul3A_23 = arith.mulf %mul3A_22, %mul3A : vector<8x32xf32>
    %add3A_24 = arith.constant 9.99999997E-7 : f32
    %add3A_25 = vector.broadcast %add3A_24 : f32 to vector<8x32xf32>
    %add3A_26 = arith.addf %add3A_25, %mul3A_23 : vector<8x32xf32>
    %sub3A = arith.constant 1.000000e+00 : f32
    %sub3A_27 = vector.broadcast %sub3A : f32 to vector<8x32xf32>
    %sub3A_28 = arith.subf %add3A_26, %sub3A_27 : vector<8x32xf32>
    %add3A_29 = arith.constant 1.000000e+00 : f32
    %add3A_30 = vector.broadcast %add3A_29 : f32 to vector<8x32xf32>
    %add3A_31 = arith.addf %add3A_30, %sub3A_28 : vector<8x32xf32>
    %abs3A_32 = math.absf %get3A_14 : vector<8x32xf32>
    %neg3A_33 = arith.constant 0.000000e+00 : f32
    %neg3A_34 = vector.broadcast %neg3A_33 : f32 to vector<8x32xf32>
    %neg3A_35 = arith.subf %neg3A_34, %abs3A_32 : vector<8x32xf32>
    %exp3A_36 = math.exp %neg3A_35 : vector<8x32xf32>
    %log1p3A_37 = math.log1p %exp3A_36 : vector<8x32xf32>
    %neg3A_38 = arith.constant 0.000000e+00 : f32
    %neg3A_39 = vector.broadcast %neg3A_38 : f32 to vector<8x32xf32>
    %neg3A_40 = arith.subf %neg3A_39, %get3A_14 : vector<8x32xf32>
    %max3A_41 = arith.constant 0.000000e+00 : f32
    %max3A_42 = vector.broadcast %max3A_41 : f32 to vector<8x32xf32>
    %max3A_43 = arith.maximumf %neg3A_40, %max3A_42 : vector<8x32xf32>
    %add3A_44 = arith.addf %log1p3A_37, %max3A_43 : vector<8x32xf32>
    %mul3A_45 = arith.mulf %add3A_31, %add3A_44 : vector<8x32xf32>
    %get3A_46 = arith.constant 0 : index
    %get3A_47 = arith.constant 0 : index
    %get3A_48 = vector.load %arg5[%get3A_46, %get3A_47] : memref<256x16xf32, #tpu.memory_space<vmem>>, vector<256x16xf32>
    %get3A_49 = arith.constant 0 : index
    %get3A_50 = arith.constant 0 : index
    %get3A_51 = vector.load %arg6[%get3A_49, %get3A_50] : memref<256x16xf32, #tpu.memory_space<vmem>>, vector<256x16xf32>
    %neg3A_52 = arith.constant 0.000000e+00 : f32
    %neg3A_53 = vector.broadcast %neg3A_52 : f32 to vector<256x16xf32>
    %neg3A_54 = arith.subf %neg3A_53, %get3A_51 : vector<256x16xf32>
    %logistic3A = arith.negf %get3A_48 : vector<256x16xf32>
    %logistic3A_55 = math.exp %logistic3A : vector<256x16xf32>
    %logistic3A_56 = arith.constant 1.000000e+00 : f32
    %logistic3A_57 = vector.broadcast %logistic3A_56 : f32 to vector<256x16xf32>
    %logistic3A_58 = arith.addf %logistic3A_57, %logistic3A_55 : vector<256x16xf32>
    %logistic3A_59 = arith.divf %logistic3A_57, %logistic3A_58 : vector<256x16xf32>
    %log3A = math.log %logistic3A_59 : vector<256x16xf32>
    %mul3A_60 = arith.mulf %neg3A_54, %log3A : vector<256x16xf32>
    %reduce_sum3A = vector.shape_cast %mul3A_60 : vector<256x16xf32> to vector<1x256x16xf32>
    %reduce_sum3A_61 = arith.constant dense<0.000000e+00> : vector<1xf32>
    %reduce_sum3A_62 = vector.multi_reduction <add>, %reduce_sum3A, %reduce_sum3A_61 [1, 2] : vector<1x256x16xf32> to vector<1xf32>
    %reduce_sum3A_63 = vector.shape_cast %reduce_sum3A_62 : vector<1xf32> to vector<1x1x1xf32>
    %reduce_sum3A_64 = vector.extract %reduce_sum3A_63[0, 0, 0] : f32 from vector<1x1x1xf32>
    %reduce_sum3A_65 = vector.shape_cast %mul3A_45 : vector<8x32xf32> to vector<1x8x32xf32>
    %reduce_sum3A_66 = arith.constant dense<0.000000e+00> : vector<1xf32>
    %reduce_sum3A_67 = vector.multi_reduction <add>, %reduce_sum3A_65, %reduce_sum3A_66 [1, 2] : vector<1x8x32xf32> to vector<1xf32>
    %reduce_sum3A_68 = vector.shape_cast %reduce_sum3A_67 : vector<1xf32> to vector<1x1x1xf32>
    %reduce_sum3A_69 = vector.extract %reduce_sum3A_68[0, 0, 0] : f32 from vector<1x1x1xf32>
    %reduce_sum3A_70 = vector.shape_cast %select_n3A : vector<256x304xf32> to vector<1x256x304xf32>
    %reduce_sum3A_71 = arith.constant dense<0.000000e+00> : vector<1xf32>
    %reduce_sum3A_72 = vector.multi_reduction <add>, %reduce_sum3A_70, %reduce_sum3A_71 [1, 2] : vector<1x256x304xf32> to vector<1xf32>
    %reduce_sum3A_73 = vector.shape_cast %reduce_sum3A_72 : vector<1xf32> to vector<1x1x1xf32>
    %reduce_sum3A_74 = vector.extract %reduce_sum3A_73[0, 0, 0] : f32 from vector<1x1x1xf32>
    %mul3A_75 = arith.constant 1.000000e+00 : f32
    %mul3A_76 = arith.mulf %mul3A_75, %reduce_sum3A_74 : f32
    %add3A_77 = arith.addf %reduce_sum3A_69, %mul3A_76 : f32
    %mul3A_78 = arith.constant 5.000000e-04 : f32
    %mul3A_79 = arith.mulf %mul3A_78, %reduce_sum3A_64 : f32
    %add3A_80 = arith.addf %add3A_77, %mul3A_79 : f32
    %eq3A = arith.constant 0 : i32
    %eq3A_81 = arith.cmpi eq, %arg0, %eq3A : i32
    %convert_element_type3A = arith.extui %eq3A_81 : i1 to i32
    %cond3A = arith.constant 0 : i32
    %cond3A_82 = arith.cmpi ne, %convert_element_type3A, %cond3A : i32
    scf.if %cond3A_82 {
      %swap3A_94 = arith.constant 0.000000e+00 : f32
      %swap3A_95 = arith.constant 0 : index
      %swap3A_96 = arith.constant 0 : index
      %swap3A_97 = memref.load %arg9[%swap3A_95, %swap3A_96] : memref<1x1xf32, #tpu.memory_space<smem>>
      memref.store %swap3A_94, %arg9[%swap3A_95, %swap3A_96] : memref<1x1xf32, #tpu.memory_space<smem>>
    } else {
    }
    %get3A_83 = arith.constant 0 : index
    %get3A_84 = arith.constant 0 : index
    %get3A_85 = memref.load %arg9[%get3A_83, %get3A_84] : memref<1x1xf32, #tpu.memory_space<smem>>
    %add3A_86 = arith.addf %get3A_85, %add3A_80 : f32
    %swap3A = arith.constant 0 : index
    %swap3A_87 = arith.constant 0 : index
    %swap3A_88 = memref.load %arg9[%swap3A, %swap3A_87] : memref<1x1xf32, #tpu.memory_space<smem>>
    memref.store %add3A_86, %arg9[%swap3A, %swap3A_87] : memref<1x1xf32, #tpu.memory_space<smem>>
    %eq3A_89 = arith.constant 15 : i32
    %eq3A_90 = arith.cmpi eq, %arg0, %eq3A_89 : i32
    %convert_element_type3A_91 = arith.extui %eq3A_90 : i1 to i32
    %cond3A_92 = arith.constant 0 : i32
    %cond3A_93 = arith.cmpi ne, %convert_element_type3A_91, %cond3A_92 : i32
    scf.if %cond3A_93 {
      %get3A_94 = arith.constant 0 : index
      %get3A_95 = arith.constant 0 : index
      %get3A_96 = memref.load %arg9[%get3A_94, %get3A_95] : memref<1x1xf32, #tpu.memory_space<smem>>
      %get3A_97 = arith.constant 0 : index
      %get3A_98 = arith.constant 0 : index
      %get3A_99 = memref.load %arg7[%get3A_97, %get3A_98] : memref<1x1xf32, #tpu.memory_space<smem>>
      %get3A_100 = arith.constant 0 : index
      %get3A_101 = arith.constant 0 : index
      %get3A_102 = memref.load %arg8[%get3A_100, %get3A_101] : memref<1x1xf32, #tpu.memory_space<smem>>
      %add3A_103 = arith.addf %get3A_99, %get3A_102 : f32
      %div3A = arith.constant 2.000000e+00 : f32
      %div3A_104 = arith.divf %add3A_103, %div3A : f32
      %mul3A_105 = arith.constant 9.99999974E-5 : f32
      %mul3A_106 = arith.mulf %mul3A_105, %div3A_104 : f32
      %add3A_107 = arith.addf %get3A_96, %mul3A_106 : f32
      %swap3A_108 = arith.constant 0 : index
      %swap3A_109 = arith.constant 0 : index
      %swap3A_110 = memref.load %arg9[%swap3A_108, %swap3A_109] : memref<1x1xf32, #tpu.memory_space<smem>>
      memref.store %add3A_107, %arg9[%swap3A_108, %swap3A_109] : memref<1x1xf32, #tpu.memory_space<smem>>
    } else {
    }
    return
  }
  func.func @transform_0(%arg0: i32) -> (i32, i32) {
    %c0_i32 = arith.constant 0 : i32
    %c0_i32_0 = arith.constant 0 : i32
    return %arg0, %c0_i32 : i32, i32
  }
  func.func @transform_1(%arg0: i32) -> (i32, i32) {
    %c0_i32 = arith.constant 0 : i32
    %c0_i32_0 = arith.constant 0 : i32
    return %arg0, %c0_i32 : i32, i32
  }
  func.func @transform_2(%arg0: i32) -> (i32, i32) {
    %c0_i32 = arith.constant 0 : i32
    %c0_i32_0 = arith.constant 0 : i32
    return %arg0, %c0_i32 : i32, i32
  }
  func.func @transform_3(%arg0: i32) -> (i32, i32) {
    %c0_i32 = arith.constant 0 : i32
    %c0_i32_0 = arith.constant 0 : i32
    return %arg0, %c0_i32 : i32, i32
  }
  func.func @transform_4(%arg0: i32) -> (i32, i32) {
    %c0_i32 = arith.constant 0 : i32
    %c0_i32_0 = arith.constant 0 : i32
    return %arg0, %c0_i32 : i32, i32
  }
  func.func @transform_5(%arg0: i32) -> (i32, i32) {
    %c0_i32 = arith.constant 0 : i32
    %c0_i32_0 = arith.constant 0 : i32
    return %arg0, %c0_i32 : i32, i32
  }
  func.func @transform_6(%arg0: i32) -> (i32, i32) {
    %c0_i32 = arith.constant 0 : i32
    %c0_i32_0 = arith.constant 0 : i32
    %c0_i32_1 = arith.constant 0 : i32
    return %c0_i32, %c0_i32_0 : i32, i32
  }
  func.func @transform_7(%arg0: i32) -> (i32, i32) {
    %c0_i32 = arith.constant 0 : i32
    %c0_i32_0 = arith.constant 0 : i32
    %c0_i32_1 = arith.constant 0 : i32
    return %c0_i32, %c0_i32_0 : i32, i32
  }
  func.func @transform_8(%arg0: i32) -> (i32, i32) {
    %c0_i32 = arith.constant 0 : i32
    %c0_i32_0 = arith.constant 0 : i32
    %c0_i32_1 = arith.constant 0 : i32
    return %c0_i32, %c0_i32_0 : i32, i32
  }
}

</mosaic_0001>

<sc_bundles>
// kernel: kernel.6.cloned.1.call-start
scs
__scs_entry_jumppad:
0x0: {  	(pc) =	sbr.rel $0x88, $3  }
0x1: {  	(tag) =	ssettag $0x0;
	lr =	simm.s32 $0x1  }
0x2: {  	[smem:$0x3F98] =	sst lr;
	_ =	strace $0xD0000000  }
0x3: {  	_ = 	snop  }
0x4: {  	_ = 	snop  }
0x5: {  	_ = 	snop  }
0x6: {  	_ = 	snop  }
0x7: {  	_ = 	snop  }
__scs_overlays_trampoline_lowered:
0x8: {  	[smem:$0x3FA7] =	sst s0  }
0x9: {  	[smem:$0x3FA8] =	sst s1  }
0xa: {  	[smem:$0x3FA9] =	sst s2  }
0xb: {  	[smem:$0x3FAA] =	sst s3  }
0xc: {  	[smem:$0x3FAB] =	sst s4  }
0xd: {  	[smem:$0x3FAC] =	sst s5  }
0xe: {  	[smem:$0x3FAD] =	sst s6  }
0xf: {  	[smem:$0x3FAE] =	sst s7  }
0x10: {  	[smem:$0x3FAF] =	sst s8  }
0x11: {  	[smem:$0x3FB0] =	sst s9;
	s0 =	simm.s32 @!p0 $0x0  }
0x12: {  	s1 =	sld [smem:$0x3F96];
	s0 =	simm.s32 @p0 $0x1  }
0x13: {  	[smem:$0x3FB1] =	sst s0;
	s0 =	simm.s32 @!p1 $0x0  }
0x14: {  	s2 =	sld [smem:$0x3F95];
	s0 =	simm.s32 @p1 $0x1  }
0x15: {  	[smem:$0x3FB2] =	sst s0;
	s0 =	simm.s32 @!p2 $0x0  }
0x16: {  	s3 =	sld [smem:$0x3FDB];
	s0 =	simm.s32 @p2 $0x1  }
0x17: {  	s4 =	simm.s32 $0x1BF5;
	[smem:$0x3FB4] =	sst s0  }
0x18: {  	s0 =	sld [smem:$0x3F97];
	_ =	swait.ge [sflag:s4], $0x0  }
0x19: {  	s7 =	sld [smem:$0x3F98]  }
0x1a: {  	s8 =	sadd.s32 $0xFFFFE003, lr  }
0x1b: {  	s9 =	sadd.s32 $0xFFFFFEF7, lr;
	s5 =	simm.s32 $0xFFFFFFFF;
	p2 =	slt.u32 s8, $0xFFFFF086  }
0x1c: {  	p1 =	slt.u32 s9, $0xF7A;
	s5 =	simm.s32 @!p2 $0x0  }
0x1d: {  	s5 =	simm.s32 @p1 $0x1;
	p0 =	seq.s32 s7, s2  }
0x1e: {  	s7 =	smul.u32 @!p0 $0xF7A, s2;
	p2 =	seq.s32 @!p0 s5, $0x0  }
0x1f: {  	s9 =	smul.u32 $0xF7A, s1;
	s8 =	simm.s32 @!p0 $0x1BF5;
	p2 =	por !p2, p0  }
0x20: {  	[sflag:s8] =	ssyncset.s32 @!p0 $0xFFFFF086;
	s6 =	sadd.s32 @!p0 s3, s7;
	s7 =	simm.s32 @!p0 $0x108  }
0x21: {  	s3 =	sadd.s32 s3, s9;
	s6 =	sadd.s32 @!p0 $0x88, s6;
	s7 =	simm.s32 @p2 $0x1082  }
0x22: {  	[simem:s7], [sflag:s8] =	dma.local @!p0 [hbm:s6], $0xF7A  }
0x23: {  	s9 =	sor.u32 $0xD0000000, s2;
	s6 =	simm.s32 $0x108;
	_ =	swait.ge @!p0 [sflag:s8], $0x0  }
0x24: {  	s3 =	sadd.s32 $0x88, s3;
	s6 =	simm.s32 @!p1 $0x1082;
	[sflag:s4] =	ssyncset.s32 $0xFFFFF086  }
0x25: {  	[simem:s6], [sflag:s4] =	dma.local [hbm:s3], $0xF7A  }
0x26: {  	[smem:$0x3F98] =	sst s1;
	(tag) =	ssettag s2;
	_ =	strace s9  }
0x27: {  	s1 =	sld [smem:$0x3FA8]  }
0x28: {  	s2 =	sld [smem:$0x3FA9]  }
0x29: {  	s4 =	sld [smem:$0x3FAB]  }
0x2a: {  	p0 =	seq.s32 s5, $0x0;
	s5 =	sld [smem:$0x3FAC]  }
0x2b: {  	s6 =	sld [smem:$0x3FAD]  }
0x2c: {  	s7 =	sld [smem:$0x3FAE]  }
0x2d: {  	s3 =	simm.s32 $0x108;
	s8 =	sld [smem:$0x3FAF]  }
0x2e: {  	s3 =	simm.s32 @!p0 $0x1082;
	s9 =	sld [smem:$0x3FB0]  }
0x2f: {  	lr =	sadd.s32 s0, s3;
	s0 =	sld [smem:$0x3FA7]  }
0x30: {  	s3 =	sld [smem:$0x3FAA]  }
0x31: {  	[smem:$0x3FB3] =	sst s10  }
0x32: {  	s10 =	sld [smem:$0x3FB1];
	_ =	sdelay $0x3  }
0x33: {  	p0 =	seq.s32 s10, $0x1;
	s10 =	sld [smem:$0x3FB3];
	_ =	sdelay $0x3  }
0x34: {  	[smem:$0x3FB3] =	sst s10  }
0x35: {  	s10 =	sld [smem:$0x3FB2];
	_ =	sdelay $0x3  }
0x36: {  	p1 =	seq.s32 s10, $0x1;
	s10 =	sld [smem:$0x3FB3];
	_ =	sdelay $0x3  }
0x37: {  	[smem:$0x3FB3] =	sst s10  }
0x38: {  	s10 =	sld [smem:$0x3FB4]  }
0x39: {  	_ = 	snop;
	(pc) =	sbr.ind lr, $3  }
0x3a: {  	_ = 	snop  }
0x3b: {  	_ = 	snop  }
0x3c: {  	p2 =	seq.s32 s10, $0x1;
	s10 =	sld [smem:$0x3FB3]  }
0x3d: {  	_ =	shalt  }
0x3e: {  	_ =	shalt  }
0x3f: {  	_ =	shalt  }
0x40: {  	_ =	shalt  }
0x41: {  	_ =	shalt  }
0x42: {  	_ =	shalt  }
0x43: {  	_ =	shalt  }
0x44: {  	_ =	shalt  }
0x45: {  	_ =	shalt  }
0x46: {  	_ =	shalt  }
0x47: {  	_ =	shalt  }
0x48: {  	_ =	shalt  }
0x49: {  	_ =	shalt  }
0x4a: {  	_ =	shalt  }
0x4b: {  	_ =	shalt  }
0x4c: {  	_ =	shalt  }
0x4d: {  	_ =	shalt  }
0x4e: {  	_ =	shalt  }
0x4f: {  	_ =	shalt  }
0x50: {  	_ =	shalt  }
0x51: {  	_ =	shalt  }
0x52: {  	_ =	shalt  }
0x53: {  	_ =	shalt  }
0x54: {  	_ =	shalt  }
0x55: {  	_ =	shalt  }
0x56: {  	_ =	shalt  }
0x57: {  	_ =	shalt  }
0x58: {  	_ =	shalt  }
0x59: {  	_ =	shalt  }
0x5a: {  	_ =	shalt  }
0x5b: {  	_ =	shalt  }
0x5c: {  	_ =	shalt  }
0x5d: {  	_ =	shalt  }
0x5e: {  	_ =	shalt  }
0x5f: {  	_ =	shalt  }
0x60: {  	_ =	shalt  }
0x61: {  	_ =	shalt  }
0x62: {  	_ =	shalt  }
0x63: {  	_ =	shalt  }
0x64: {  	_ =	shalt  }
0x65: {  	_ =	shalt  }
0x66: {  	_ =	shalt  }
0x67: {  	_ =	shalt  }
0x68: {  	_ =	shalt  }
0x69: {  	_ =	shalt  }
0x6a: {  	_ =	shalt  }
0x6b: {  	_ =	shalt  }
0x6c: {  	_ =	shalt  }
0x6d: {  	_ =	shalt  }
0x6e: {  	_ =	shalt  }
0x6f: {  	_ =	shalt  }
0x70: {  	_ =	shalt  }
0x71: {  	_ =	shalt  }
0x72: {  	_ =	shalt  }
0x73: {  	_ =	shalt  }
0x74: {  	_ =	shalt  }
0x75: {  	_ =	shalt  }
0x76: {  	_ =	shalt  }
0x77: {  	_ =	shalt  }
0x78: {  	_ =	shalt  }
0x79: {  	_ =	shalt  }
0x7a: {  	_ =	shalt  }
0x7b: {  	_ =	shalt  }
0x7c: {  	_ =	shalt  }
0x7d: {  	_ =	shalt  }
0x7e: {  	_ =	shalt  }
0x7f: {  	_ =	shalt  }
0x80: {  	_ =	shalt  }
0x81: {  	_ =	shalt  }
0x82: {  	_ =	shalt  }
0x83: {  	_ =	shalt  }
0x84: {  	_ =	shalt  }
0x85: {  	_ =	shalt  }
0x86: {  	_ =	shalt  }
0x87: {  	_ =	shalt  }
.Lfunc_end0:
.L_simem_size_0:
called_computation_lowered:
.L_overlay_start_0:
0x88: {  	s2 =	sld [smem:$0x3FD9]  }
0x89: {  	s3 =	sld [smem:$0x3FFE];
	_ =	sdelay $0x1  }
0x8a: {  	s1 =	srdreg.scid  }
0x8b: {  	s0 =	sand.u32 $0x1, s1  }
0x8c: {  	s17 =	sshll.u32 s0, $0xA;
	s2 =	sadd.s32 s3, s2  }
0x8d: {  	s2 =	sadd.s32 s2, s17  }
0x8e: {  	[smem:$0x3FBF] =	sst s2  }
0x8f: {  	_ = 	snop  }
0x90: {  	s2 =	sld [smem:$0x3FC9]  }
0x91: {  	s18 =	sld [smem:$0x3FC8];
	(tm) =	ssettm $0x1  }
0x92: {  	s4 =	sld [smem:$0x3FFB];
	_ =	sdelay $0x3  }
0x93: {  	_ =	strace s4  }
0x94: {  	s4 =	sld [smem:$0x3FFC];
	_ =	sdelay $0x3  }
0x95: {  	_ =	strace s4  }
0x96: {  	s4 =	sld [smem:$0x3FFD];
	_ =	sdelay $0x3  }
0x97: {  	_ =	strace s4  }
0x98: {  	_ =	strace $0x8FFFFFFF  }
0x99: {  	s19 =	sld [smem:$0x3FDB];
	_ =	sdelay $0x1  }
0x9a: {  	s5 =	simm.s32 $_scs_section_size  }
0x9b: {  	s6 =	simm.s32 $_size__tile_overlayer_lowered;
	s7 =	simm.s32 $_tile_overlayer_lowered  }
0x9c: {  	s22 =	simm.s32 $0x1BFF;
	s21 =	sshll.u32 s7, $0x1;
	s4 =	sadd.s32 s5, s19  }
0x9d: {  	s8 =	simm.s32 $0x0;
	s20 =	sshll.u32 s6, $0x1;
	s6 =	sadd.s32 s21, s4  }
0x9e: {  	[timem:s8], [sflag:s22] =	dma.local [hbm:s6], s20  }
0x9f: {  	_ =	swait.ge [sflag:s22], s20  }
0xa0: {  	s5 =	ssub.s32 $0x0, s20;
	[sflag:s22] =	ssyncset.done $0x0  }
0xa1: {  	[sflag:s22] =	ssyncadd.s32 s5;
	_ =	sdelay $0x1  }
0xa2: {  	s23 =	simm.s32 $0x1B8B  }
0xa3: {  	_ =	swait.ge [sflag:s23], $0x1  }
0xa4: {  	[sflag:s23] =	ssyncset.done $0x0  }
0xa5: {  	s25 =	simm.s32 $0x1B8E;
	s24 =	sld [smem:$0x3FFE];
	[sflag:s23] =	ssyncadd.s32 $0xFFFFFFFF  }
0xa6: {  	s26 =	simm.s32 $execute0_lowered;
	[smem:$0x3FD2] =	sst s25  }
0xa7: {  	s6 =	sshll.u32 s26, $0x1;
	_ =	strace $0x80000046;
	[dreg:$0x1] =	wrdreg $0xFFFFFFFF  }
0xa8: {  	s28 =	simm.s32 $_size_execute0_lowered;
	s4 =	sadd.s32 s4, s6;
	[dreg:$0x0] =	wrdreg $0x0  }
0xa9: {  	s6 =	sshll.u32 s28, $0x1;
	[dreg:$0x2] =	wrdreg s4  }
0xaa: {  	[dreg:$0x3] =	wrdreg s6  }
0xab: {  	[dreg:$0x4] =	wrdreg $0xC0  }
0xac: {  	_ =	task [dreg:s8], $0x5FFFF  }
0xad: {  	[dreg:$0x1] =	wrdreg $0xFFFFFFFF  }
0xae: {  	[dreg:$0x0] =	wrdreg $0x60  }
0xaf: {  	[dreg:$0x2] =	wrdreg s2  }
0xb0: {  	[dreg:$0x3] =	wrdreg s18  }
0xb1: {  	[dreg:$0x4] =	wrdreg s24  }
0xb2: {  	[dreg:$0x5] =	wrdreg $0x9  }
0xb3: {  	_ =	task.clear_ibuf [dreg:s8], $0x6FFFF;
	_ =	strace $0x90000046  }
0xb4: {  	s29 =	simm.s32 $0x9;
	_ =	strace $0x80000048  }
0xb5: {  	_ =	swait.ge [sflag:s29], $0x1  }
0xb6: {  	[sflag:s29] =	ssyncadd.s32 $0xFFFFFFFF  }
0xb7: {  	_ =	strace $0x90000048  }
0xb8: {  	_ =	sfence  }
0xb9: {  	s30 =	sld [smem:$0x0];
	_ =	sdelay $0x2  }
0xba: {  	s31 =	sshll.u32 s1, $0xD;
	s1 =	sshrl.u32 s1, $0x2  }
0xbb: {  	s3 =	sand.u32 $0x4000, s31;
	s1 =	sadd.s32 s1, s30  }
0xbc: {  	s0 =	sor.u32 s3, s0;
	s1 =	sshll.u32 s1, $0x11  }
0xbd: {  	s0 =	sor.u32 s1, s0  }
0xbe: {  	s0 =	sadd.s32 $0x8F2B, s0  }
0xbf: {  	[sflag:s0] =	ssyncadd.remote.s32 $0x1  }
0xc0: {  	_ =	sfence.sel $0xFFFF  }
0xc1: {  	[dreg:$0x0] =	wrdreg $0xFFFFFFFF;
	(pc) =	sbr.abs _section_cstart, $3  }
0xc2: {  	[dreg:$0x1] =	wrdreg $0xFFFFFFFF  }
0xc3: {  	_ =	task.clear_ibuf [dreg:s8], $0x2FFFF;
	_ =	strace $0x9FFFFFFF  }
0xc4: {  	(tm) =	ssettm $0x7FFFFFFF  }
0xc5: {  	_ =	shalt  }
tec
execute0_lowered:
.L_overlay_start_1:
0x0: {  	(tag) =	ssettag $0x1  }
0x1: {  	s0 =	rddreg [dreg:$0x0]  }
0x2: {  	s1 =	rddreg [dreg:$0x1]  }
0x3: {  	s4 =	rddreg [dreg:$0x2]  }
0x4: {  	s2 =	srdreg.scid;
	s3 =	stileid.u32;
	s31 =	simm.s32 $0x14500  }
0x5: {  	s28 =	simm.s32 $0x3;
	s30 =	simm.s32 $0x0;
	s6 =	sand.u32 $0x1, s2  }
0x6: {  	s2 =	simm.s32 $0x0;
	s15 =	sadd.s32 $0x122E400, s4;
	s8 =	sadd.s32 $0x19CF600, s4  }
0x7: {  	s3 =	sshll.u32 s3, $0x8;
	s16 =	sadd.s32 $0x271C00, s4;
	[smem:$0x7FF] =	sst s2  }
0x8: {  	s17 =	sadd.s32 $0x28A400, s4;
	_ =	strace $0x80000047;
	[dreg:$0x4] =	wrdreg s15  }
0x9: {  	s18 =	sadd.s32 $0x2BB200, s4;
	s10 =	sadd.s32 $0x1AC3C00, s4;
	[dreg:$0x5] =	wrdreg s8  }
0xa: {  	s5 =	sshll.u32 s6, $0x7;
	s6 =	ssub.s32 $0x2, s6;
	[dreg:$0x6] =	wrdreg s16  }
0xb: {  	s3 =	sor.u32 s5, s3;
	s5 =	sadd.s32 $0x1AE600, s4;
	[dreg:$0x7] =	wrdreg s17  }
0xc: {  	[dreg:$0x8] =	wrdreg s18;
	s13 =	sshrl.u32 s6, $0x1;
	s7 =	smul.u32 $0x26, s3  }
0xd: {  	s19 =	sshrl.u32 s3, $0x3;
	s11 =	sshll.u32 s3, $0x1;
	s12 =	sadd.s32 s3, s4  }
0xe: {  	s6 =	ssub.s32 s6, s13;
	s9 =	sadd.s32 s19, s4;
	s20 =	sadd.s32 $0x1AE9C00, s12  }
0xf: {  	s0 =	sadd.s32 s0, s19;
	s21 =	sadd.s32 $0x1AEAC00, s12;
	[dreg:$0x9] =	wrdreg s20  }
0x10: {  	s23 =	sadd.s32 s1, s19;
	s29 =	smax.u32 s6, $0x1;
	[dreg:$0xa] =	wrdreg s0  }
0x11: {  	s1 =	simm.s32 $0x16500;
	s6 =	simm.s32 $0x19230;
	[dreg:$0xb] =	wrdreg s21  }
0x12: {  	s7 =	sadd.s32 s7, s4;
	s4 =	sadd.s32 s11, s4;
	[dreg:$0xd] =	wrdreg s23  }
0x13: {  	vm0 =	vmmov $0x1;
	s26 =	sadd.s32 $0x1AC3A00, s9;
	[dreg:$0x11] =	wrdreg s29;
	s20 =	simm.s32 $0x6  }
0x14: {  	vm1 =	vmmov $0x3;
	vm2 =	vmmov $0x7;
	vm3 =	vmmov $0xf;
	s21 =	simm.s32 $0x80;
	s22 =	sadd.s32 $0x1AEDC00, s4;
	[dreg:$0x10] =	wrdreg s26  }
0x15: {  	vm4 =	vmmov $0x1f;
	vm5 =	vmmov $0x3f;
	vm6 =	vmmov $0x7f;
	s23 =	simm.s32 $0x1;
	s24 =	sadd.s32 $0x1C00, s7;
	[dreg:$0xc] =	wrdreg s22  }
0x16: {  	vm7 =	vmmov $0xff;
	vm8 =	vmmov $0x1ff;
	vm9 =	vmmov $0x3ff;
	s0 =	simm.s32 $0x10;
	s25 =	sadd.s32 $0x1AEBC00, s4;
	[dreg:$0xe] =	wrdreg s24  }
0x17: {  	vm10 =	vmmov $0x7ff;
	vm11 =	vmmov $0xfff;
	vm12 =	vmmov $0x1fff;
	s4 =	simm.s32 $0x17D00;
	s26 =	simm.s32 $0x19100;
	[dreg:$0xf] =	wrdreg s25  }
0x18: {  	vm13 =	vmmov $0x3fff;
	vm14 =	vmmov $0x7fff;
	v0 =	vlaneseq.u32;
	s22 =	simm.s32 $0x30;
	s24 =	simm.s32 $0x12500;
	s25 =	simm.s32 $0x2  }
.LBB2_1:
0x19: {  	s7 =	rddreg [dreg:$0xa]  }
0x1a: {  	[tilespmem:s2], [sflag:$0x6] =	stream.linear.gather [hbm4b:s7+s2], $0x80, $0x38;
	[tilespmem:$0x19BE0] =	vst v63  }
0x1b: {  	_ =	swait.ge [sflag:s20], $0x80  }
0x1c: {  	[sflag:s20] =	ssyncset.done $0x0  }
0x1d: {  	s12 =	rddreg [dreg:$0xd];
	[sflag:s20] =	ssyncadd.s32 $0xFFFFFF80  }
0x1e: {  	[tilespmem:s21], [sflag:$0x6] =	stream.linear.gather [hbm4b:s12+s2], $0x80, $0x38;
	[tilespmem:$0x19BE0] =	vst v63  }
0x1f: {  	_ =	swait.ge [sflag:s20], $0x80  }
0x20: {  	[sflag:s20] =	ssyncset.done $0x0  }
0x21: {  	s8 =	simm.s32 $0x100;
	s13 =	rddreg [dreg:$0x4];
	[sflag:s20] =	ssyncadd.s32 $0xFFFFFF80  }
0x22: {  	[tilespmem:s8], [sflag:$0x1] =	stream.indirect.gather [hbm4b:s13+s21], $0x40, s2, s21, $0xb8;
	[tilespmem:$0x19BE0] =	vst v63  }
0x23: {  	_ =	swait.ge [sflag:s23], $0x2000  }
0x24: {  	[sflag:s23] =	ssyncset.done $0x0  }
0x25: {  	s14 =	simm.s32 $0x2100;
	[sflag:s23] =	ssyncadd.s32 $0xFFFFE000  }
0x26: {  	[tilespmem:s14], [sflag:$0x1] =	stream.indirect.gather [hbm4b:s5+s21], $0x40, s21, s21, $0xb8;
	[tilespmem:$0x19BE0] =	vst v63  }
0x27: {  	_ =	swait.ge [sflag:s23], $0x2000  }
0x28: {  	[sflag:s23] =	ssyncset.done $0x0  }
0x29: {  	s16 =	simm.s32 $0x18900;
	s15 =	rddreg [dreg:$0x5];
	[sflag:s23] =	ssyncadd.s32 $0xFFFFE000  }
0x2a: {  	[tilespmem:s16], [sflag:$0x1] =	stream.indirect.gather [hbm4b:s15+s21], $0x1, s2, s21, $0xb8;
	[tilespmem:$0x19BE0] =	vst v63  }
0x2b: {  	_ =	swait.ge [sflag:s23], $0x80  }
0x2c: {  	[sflag:s23] =	ssyncset.done $0x0  }
0x2d: {  	s9 =	simm.s32 $0x18D00;
	s17 =	rddreg [dreg:$0x6];
	[sflag:s23] =	ssyncadd.s32 $0xFFFFFF80  }
0x2e: {  	[tilespmem:s9], [sflag:$0x1] =	stream.indirect.gather [hbm4b:s17+s21], $0x1, s21, s21, $0xb8;
	[tilespmem:$0x19BE0] =	vst v63  }
0x2f: {  	_ =	swait.ge [sflag:s23], $0x80  }
0x30: {  	[sflag:s23] =	ssyncset.done $0x0  }
0x31: {  	s11 =	simm.s32 $0x17100;
	s18 =	rddreg [dreg:$0x7];
	[sflag:s23] =	ssyncadd.s32 $0xFFFFFF80  }
0x32: {  	[tilespmem:s11], [sflag:$0x1] =	stream.indirect.gather [hbm4b:s18+s21], $0x10, s21, s21, $0xb8;
	[tilespmem:$0x19BE0] =	vst v63  }
0x33: {  	_ =	swait.ge [sflag:s23], $0x800  }
0x34: {  	[sflag:s23] =	ssyncset.done $0x0  }
0x35: {  	s12 =	simm.s32 $0x18100;
	s19 =	rddreg [dreg:$0x8];
	[sflag:s23] =	ssyncadd.s32 $0xFFFFF800  }
0x36: {  	[tilespmem:s12], [sflag:$0x1] =	stream.indirect.gather [hbm4b:s19+s21], $0x10, s21, s21, $0xb8;
	[tilespmem:$0x19BE0] =	vst v63  }
0x37: {  	_ =	swait.ge [sflag:s23], $0x800  }
0x38: {  	[sflag:s23] =	ssyncset.done $0x0  }
0x39: {  	s29 =	rddreg [dreg:$0x9];
	[sflag:s23] =	ssyncadd.s32 $0xFFFFF800  }
0x3a: {  	[hbm4b:s29+s2] =	stream.linear.scatter [tilespmem:s16], [sflag:$0x6], $0x400, $0x38;
	[tilespmem:$0x19BE0] =	vst v63  }
0x3b: {  	_ =	swait.ge [sflag:s20], $0x400  }
0x3c: {  	[sflag:s20] =	ssyncset.done $0x0  }
0x3d: {  	s8 =	rddreg [dreg:$0xb];
	[sflag:s20] =	ssyncadd.s32 $0xFFFFFC00  }
0x3e: {  	[hbm4b:s8+s2] =	stream.linear.scatter [tilespmem:s9], [sflag:$0x6], $0x400, $0x38;
	[tilespmem:$0x19BE0] =	vst v63  }
0x3f: {  	_ =	swait.ge [sflag:s20], $0x400  }
0x40: {  	[sflag:s20] =	ssyncset.done $0x0  }
0x41: {  	s9 =	rddreg [dreg:$0xc];
	[sflag:s20] =	ssyncadd.s32 $0xFFFFFC00  }
0x42: {  	[hbm4b:s9+s2] =	stream.linear.scatter [tilespmem:s12], [sflag:$0x6], $0x800, $0x38;
	[tilespmem:$0x19BE0] =	vst v63  }
0x43: {  	_ =	swait.ge [sflag:s20], $0x800  }
0x44: {  	[sflag:s20] =	ssyncset.done $0x0  }
0x45: {  	s14 =	simm.s32 $0x4100;
	s13 =	rddreg [dreg:$0xe];
	[sflag:s20] =	ssyncadd.s32 $0xFFFFF800  }
0x46: {  	[tilespmem:s14], [sflag:$0x6] =	stream.linear.gather [hbm4b:s13+s2], $0x9800, $0x38;
	[tilespmem:$0x19BE0] =	vst v63  }
0x47: {  	_ =	swait.ge [sflag:s20], $0x9800  }
0x48: {  	[sflag:s20] =	ssyncset.done $0x0  }
0x49: {  	s15 =	simm.s32 $0xD900;
	[sflag:s20] =	ssyncadd.s32 $0xFFFF6800  }
0x4a: {  	[tilespmem:s15], [sflag:$0x2] =	stream.indirect.gather [hbm4b:s5+s21], $0x40, s14, s21, $0xb8;
	[tilespmem:$0x19BE0] =	vst v63  }
0x4b: {  	s17 =	simm.s32 $0xF900;
	s16 =	simm.s32 $0x4180  }
0x4c: {  	[tilespmem:s17], [sflag:$0x2] =	stream.indirect.gather [hbm4b:s5+s21], $0x40, s16, s21, $0xb8;
	[tilespmem:$0x19BE0] =	vst v63  }
0x4d: {  	s18 =	simm.s32 $0x4200;
	s19 =	simm.s32 $0x11900  }
0x4e: {  	[tilespmem:s19], [sflag:$0x2] =	stream.indirect.gather [hbm4b:s5+s22], $0x40, s18, s22, $0xb8;
	[tilespmem:$0x19BE0] =	vst v63  }
0x4f: {  	s29 =	simm.s32 $0x17900;
	s8 =	simm.s32 $0x0  }
0x50: {  	v1 =	vimm.f32 $0.0e+00;
	[tilespmem:s29], [sflag:$0x2] =	stream.indirect.gather [hbm4b:s5+s0], $0x40, s11, s0, $0xb8;
	[tilespmem:$0x19BE0] =	vst v63  }
.LBB2_2:
0x51: {  	s9 =	sshllo.u32 s8, $0x1  }
0x52: {  	s11 =	smul.u32 $0x4C0, s9;
	_ =	sdelay $0x1  }
0x53: {  	s11 =	sshra.s32 s11, $0x2  }
0x54: {  	s12 =	sadd.s32 $0x4100, s11  }
0x55: {  	[tilespmem:s24], [sflag:$0x3] =	stream.indirect.gather [hbm4b:s5+s21], $0x40, s12, s21, $0xb8;
	[tilespmem:$0x19BE0] =	vst v63  }
0x56: {  	s18 =	sadd.s32 $0x4180, s11  }
0x57: {  	[tilespmem:s31], [sflag:$0x3] =	stream.indirect.gather [hbm4b:s5+s21], $0x40, s18, s21, $0xb8;
	[tilespmem:$0x19BE0] =	vst v63  }
0x58: {  	s11 =	sadd.s32 $0x4200, s11  }
0x59: {  	[tilespmem:s1], [sflag:$0x3] =	stream.indirect.gather [hbm4b:s5+s22], $0x40, s11, s22, $0xb8;
	[tilespmem:$0x19BE0] =	vst v63  }
0x5a: {  	s11 =	sshll.u32 s9, $0x4  }
0x5b: {  	s19 =	sadd.s32 $0x17100, s11  }
0x5c: {  	[tilespmem:s4], [sflag:$0x3] =	stream.indirect.gather [hbm4b:s5+s0], $0x40, s19, s0, $0xb8;
	[tilespmem:$0x19BE0] =	vst v63  }
0x5d: {  	_ =	swait.ge [sflag:s25], $0x4C00  }
0x5e: {  	[sflag:s25] =	ssyncset.done $0x0  }
0x5f: {  	[sflag:s25] =	ssyncadd.s32 $0xFFFFB400  }
0x60: {  	_ =	swait.ge [sflag:s25], $0x400  }
0x61: {  	[sflag:s25] =	ssyncset.done $0x0  }
0x62: {  	s13 =	sshll.u32 s8, $0x7;
	[sflag:s25] =	ssyncadd.s32 $0xFFFFFC00  }
0x63: {  	v4 =	vld [tilespmem:s13+$0x100]  }
0x64: {  	p0 =	seq.s32 s8, $0x0;
	v5 =	vld [tilespmem:s13+$0x110]  }
0x65: {  	s12 =	simm.s32 @!p0 $0x4;
	v2 =	vld [tilespmem:s13+$0x120]  }
0x66: {  	v3 =	vld [tilespmem:s13+$0x130];
	_ =	swait.ge @!p0 [sflag:s12], $0x130  }
0x67: {  	[sflag:s12] =	ssyncset.done @!p0 $0x0  }
0x68: {  	s17 =	simm.s32 $0xDB00;
	[sflag:s12] =	ssyncadd.s32 @!p0 $0xFFFFFED0  }
0x69: {  	v9 =	vld [tilespmem:s17+$0x1B0]  }
0x6a: {  	v6 =	vld [tilespmem:s17+$0x1C0]  }
0x6b: {  	v10 =	vld [tilespmem:s17+$0x1A0]  }
0x6c: {  	v11 =	vld [tilespmem:s17+$0x130]  }
0x6d: {  	v12 =	vld [tilespmem:s17+$0x180]  }
0x6e: {  	v13 =	vld [tilespmem:s17+$0x190]  }
0x6f: {  	v14 =	vld [tilespmem:s17+$0xF0]  }
0x70: {  	v15 =	vld [tilespmem:s17+$0x120]  }
0x71: {  	v7 =	vld [tilespmem:s17+$0x140]  }
0x72: {  	v16 =	vld [tilespmem:s17+$0xE0]  }
0x73: {  	v17 =	vld [tilespmem:s17+$0x100]  }
0x74: {  	v18 =	vld [tilespmem:s17+$0x110]  }
0x75: {  	v19 =	vld [tilespmem:s17+$0x70]  }
0x76: {  	v20 =	vld [tilespmem:s17+$0xC0]  }
0x77: {  	v21 =	vld [tilespmem:s17+$0xD0]  }
0x78: {  	v22 =	vld [tilespmem:s17+$0x30]  }
0x79: {  	v23 =	vld [tilespmem:s17+$0x60]  }
0x7a: {  	v8 =	vld [tilespmem:s17+$0x80]  }
0x7b: {  	v24 =	vld [tilespmem:s17+$0x20]  }
0x7c: {  	v25 =	vld [tilespmem:s17+$0x40]  }
0x7d: {  	v26 =	vld [tilespmem:s17+$0x50]  }
0x7e: {  	v27 =	vld [tilespmem:s17+$0xFFFFFFB0]  }
0x7f: {  	v28 =	vld [tilespmem:s17+$0x0];
	v12 =	vmul.f32 v12, v4;
	v13 =	vmul.f32 v13, v5  }
0x80: {  	v29 =	vld [tilespmem:s17+$0x10];
	v10 =	vmul.f32 v10, v2;
	v17 =	vmul.f32 v17, v4  }
0x81: {  	v30 =	vld [tilespmem:s17+$0xFFFFFF70];
	v18 =	vmul.f32 v18, v5;
	v20 =	vmul.f32 v20, v4;
	v13 =	vadd.f32 v13, v12  }
0x82: {  	v31 =	vld [tilespmem:s17+$0xFFFFFFA0];
	v21 =	vmul.f32 v21, v5;
	v15 =	vmul.f32 v15, v2  }
0x83: {  	v32 =	vld [tilespmem:s17+$0xFFFFFF60];
	v9 =	vmul.f32 v9, v3;
	v10 =	vadd.f32 v10, v13;
	v13 =	vadd.f32 v18, v17  }
0x84: {  	v33 =	vld [tilespmem:s17+$0xFFFFFEF0];
	v16 =	vmul.f32 v16, v2;
	v11 =	vmul.f32 v11, v3;
	v18 =	vadd.f32 v21, v20  }
0x85: {  	v14 =	vmul.f32 v14, v3;
	v12 =	vld [tilespmem:s17+$0xFFFFFFC0];
	v13 =	vadd.f32 v15, v13;
	v9 =	vadd.f32 v9, v10  }
0x86: {  	v20 =	vld [tilespmem:s17+$0xFFFFFF90];
	v10 =	vadd.f32 v16, v18;
	v16 =	vmul.f32 v25, v4;
	v18 =	vmul.f32 v26, v5  }
0x87: {  	v17 =	vld [tilespmem:s17+$0xFFFFFF80];
	v11 =	vadd.f32 v11, v13;
	(xrf2) =	vadd.scan.msk.f32 $0xffff, v9  }
0x88: {  	v21 =	vld [tilespmem:s17+$0xFFFFFF50];
	v9 =	vmul.f32 v23, v2;
	v10 =	vadd.f32 v14, v10;
	v14 =	vadd.f32 v18, v16  }
0x89: {  	v15 =	vld [tilespmem:s17+$0xFFFFFF40];
	v16 =	vmul.f32 v29, v5;
	(xrf2) =	vadd.scan.msk.f32 $0xffff, v11;
	v11 =	vmul.f32 v28, v4  }
0x8a: {  	v19 =	vmul.f32 v19, v3;
	v25 =	vld [tilespmem:s17+$0xFFFFFE90];
	v9 =	vadd.f32 v9, v14  }
0x8b: {  	v18 =	vmul.f32 v20, v5;
	v20 =	vmul.f32 v24, v2;
	(xrf2) =	vadd.scan.msk.f32 $0xffff, v10;
	v10 =	vld [tilespmem:s17+$0xFFFFFEC0];
	v11 =	vadd.f32 v16, v11  }
0x8c: {  	v13 =	vld [tilespmem:s17+$0xFFFFFEB0];
	v17 =	vmul.f32 v17, v4;
	v9 =	vadd.f32 v19, v9  }
0x8d: {  	v16 =	vld [tilespmem:s17+$0xFFFFFED0];
	v11 =	vadd.f32 v20, v11;
	v20 =	vmul.f32 v22, v3  }
0x8e: {  	v23 =	vld [tilespmem:s17+$0xFFFFFEE0];
	v17 =	vadd.f32 v18, v17;
	v18 =	vmul.f32 v31, v2;
	(xrf2) =	vadd.scan.msk.f32 $0xffff, v9  }
0x8f: {  	v24 =	vld [tilespmem:s17+$0xFFFFFE80];
	v21 =	vmul.f32 v21, v5;
	v19 =	vmul.f32 v15, v4;
	v11 =	vadd.f32 v20, v11  }
0x90: {  	v14 =	vld [tilespmem:s17+$0xFFFFFF00];
	v18 =	vadd.f32 v18, v17;
	v22 =	vmul.f32 v27, v3;
	v10 =	vmul.f32 v10, v4  }
0x91: {  	v15 =	vld [tilespmem:s17+$0xFFFFFEA0];
	v19 =	vadd.f32 v21, v19;
	v21 =	vmul.f32 v32, v2;
	v9, _, _ =	vpop (xrf2);
	(xrf2) =	vadd.scan.msk.f32 $0xffff, v11  }
0x92: {  	v17 =	vld [tilespmem:s17+$0xFFFFFE00];
	v26 =	vadd.f32 v22, v18;
	v20 =	vmul.f32 v16, v5  }
0x93: {  	v27 =	vmul.f32 v30, v3;
	v18 =	vld [tilespmem:s17+$0xFFFFFE10];
	v21 =	vadd.f32 v21, v19  }
0x94: {  	s29 =	simm.s32 $0x40;
	v63 =	vmul.f32 v23, v2;
	v19 =	vld [tilespmem:s17+$0xFFFFFE40];
	v62 =	vadd.f32 v20, v10;
	v10, _, _ =	vpop (xrf2);
	(xrf2) =	vadd.scan.msk.f32 $0xffff, v26  }
0x95: {  	s14 =	sor.u32 $0x10, s13;
	s15 =	sor.u32 $0x20, s13;
	s12 =	sshll.u32 s8, $0x1;
	v23 =	vmul.f32 v25, v5;
	v22 =	vmul.f32 v24, v4;
	v16 =	vld [tilespmem:s17+$0xFFFFFE20];
	v20 =	vadd.f32 v27, v21  }
0x96: {  	s16 =	sor.u32 $0x30, s13;
	s19 =	simm.s32 $0x0;
	s18 =	sadd.s32 s3, s12;
	v25 =	vmul.f32 v33, v3;
	v21 =	vld [tilespmem:s17+$0xFFFFFE50];
	v11, _, _ =	vpop (xrf2);
	v24 =	vadd.f32 v63, v62  }
.LBB2_3:
0x97: {  	p1 =	sne.s32 s29, $0x480;
	v26 =	vld [tilespmem:s17+$0xFFFFFE30];
	v22 =	vadd.f32 v23, v22;
	v23 =	vmul.f32 v15, v2;
	(xrf2) =	vadd.scan.msk.f32 $0xffff, v20  }
0x98: {  	v17 =	vmul.f32 v17, v4;
	v18 =	vmul.f32 v18, v5;
	v20 =	vld [tilespmem:s17+$0xFFFFFE60];
	v25 =	vadd.f32 v25, v24;
	v15, _, _ =	vpop (xrf2)  }
0x99: {  	v13 =	vmul.f32 v13, v3;
	v22 =	vadd.f32 v23, v22;
	v23 =	vld [tilespmem:s17+$0xFFFFFF10]  }
0x9a: {  	v16 =	vmul.f32 v16, v2;
	v17 =	vadd.f32 v18, v17;
	v18 =	vld [tilespmem:s17+$0xFFFFFE70];
	(xrf2) =	vadd.scan.msk.f32 $0xffff, v25  }
0x9b: {  	v19 =	vmul.f32 v19, v4;
	v21 =	vmul.f32 v21, v5;
	v13 =	vadd.f32 v13, v22;
	v22 =	vld [tilespmem:s17+$0xFFFFFF20];
	v24, _, _ =	vpop (xrf2)  }
0x9c: {  	v16 =	vadd.f32 v16, v17;
	v17 =	vmul.f32 v26, v3;
	v25 =	vld [tilespmem:s17+$0xFFFFFFD0]  }
0x9d: {  	v19 =	vadd.f32 v21, v19;
	v20 =	vmul.f32 v20, v2;
	v21 =	vld [tilespmem:s17+$0xFFFFFF30];
	(xrf2) =	vadd.scan.msk.f32 $0xffff, v13  }
0x9e: {  	v14 =	vmul.f32 v14, v4;
	v13 =	vadd.f32 v17, v16;
	v16 =	vmul.f32 v23, v5;
	v17 =	vld [tilespmem:s17+$0xFFFFFFE0];
	v23, _, _ =	vpop (xrf2)  }
0x9f: {  	v19 =	vadd.f32 v20, v19;
	v18 =	vmul.f32 v18, v3;
	v20 =	vld [tilespmem:s17+$0x90]  }
0xa0: {  	v14 =	vadd.f32 v16, v14;
	v16 =	vmul.f32 v22, v2;
	v22 =	vld [tilespmem:s17+$0xFFFFFFF0];
	(xrf2) =	vadd.scan.msk.f32 $0xffff, v13  }
0xa1: {  	v12 =	vmul.f32 v12, v4;
	v13 =	vadd.f32 v18, v19;
	v18 =	vmul.f32 v25, v5;
	v19 =	vld [tilespmem:s17+$0xA0];
	v25, _, _ =	vpop (xrf2)  }
0xa2: {  	v14 =	vadd.f32 v16, v14;
	v16 =	vmul.f32 v21, v3;
	v21 =	vld [tilespmem:s17+$0x150]  }
0xa3: {  	v12 =	vadd.f32 v18, v12;
	v17 =	vmul.f32 v17, v2;
	v18 =	vld [tilespmem:s17+$0xB0];
	(xrf2) =	vadd.scan.msk.f32 $0xffff, v13  }
0xa4: {  	v8 =	vmul.f32 v8, v4;
	v13 =	vadd.f32 v16, v14;
	v14 =	vmul.f32 v20, v5;
	v16 =	vld [tilespmem:s17+$0x160];
	v20, _, _ =	vpop (xrf2)  }
0xa5: {  	v12 =	vadd.f32 v17, v12;
	v26 =	vmul.f32 v22, v3;
	v22 =	vld [tilespmem:s17+$0x1D0]  }
0xa6: {  	v8 =	vadd.f32 v14, v8;
	v14 =	vmul.f32 v19, v2;
	v19 =	vld [tilespmem:s17+$0x170];
	(xrf2) =	vadd.scan.msk.f32 $0xffff, v13  }
0xa7: {  	v7 =	vmul.f32 v7, v4;
	v12 =	vadd.f32 v26, v12;
	v13 =	vmul.f32 v21, v5;
	v17, _, _ =	vpop (xrf2)  }
0xa8: {  	v8 =	vadd.f32 v14, v8;
	v21 =	vmul.f32 v18, v3;
	v18 =	vld [tilespmem:s17+$0x1E0]  }
0xa9: {  	v7 =	vadd.f32 v13, v7;
	v13 =	vmul.f32 v16, v2;
	(xrf2) =	vadd.scan.msk.f32 $0xffff, v12  }
0xaa: {  	v6 =	vmul.f32 v6, v4;
	v8 =	vadd.f32 v21, v8;
	v12 =	vld [tilespmem:s17+$0x1F0];
	v14, _, _ =	vpop (xrf2)  }
0xab: {  	v16 =	vmul.f32 v22, v5;
	v7 =	vadd.f32 v13, v7;
	v19 =	vmul.f32 v19, v3  }
0xac: {  	(xrf2) =	vadd.scan.msk.f32 $0xffff, v8  }
0xad: {  	v6 =	vadd.f32 v16, v6;
	v7 =	vadd.f32 v19, v7;
	v8 =	vmul.f32 v18, v2;
	v13, _, _ =	vpop (xrf2)  }
0xae: {  	v14 =	vbroadcast v14, $0xF;
	v18 =	vbroadcast v13, $0xF  }
0xaf: {  	v16 =	vbroadcast v17, $0xF;
	v6 =	vadd.f32 v8, v6;
	v8 =	vmul.f32 v12, v3;
	(xrf2) =	vadd.scan.msk.f32 $0xffff, v7  }
0xb0: {  	v12 =	vbroadcast v20, $0xF;
	v7 =	vsel vm0, v14, v18;
	v13, _, _ =	vpop (xrf2)  }
0xb1: {  	v7 =	vsel vm1, v7, v16;
	v14 =	vbroadcast v13, $0xF;
	v6 =	vadd.f32 v8, v6  }
0xb2: {  	v8 =	vbroadcast v25, $0xF;
	v7 =	vsel vm2, v7, v12  }
0xb3: {  	v7 =	vsel vm3, v7, v14;
	v14 =	vbroadcast v23, $0xF;
	v13, _, _ =	vpop (xrf2);
	(xrf2) =	vadd.scan.msk.f32 $0xffff, v6  }
0xb4: {  	v6 =	vsel vm4, v7, v8;
	v7 =	vbroadcast v13, $0xF  }
0xb5: {  	v8 =	vbroadcast v24, $0xF;
	v6 =	vsel vm5, v6, v14  }
0xb6: {  	v6 =	vsel vm6, v6, v7;
	v7 =	vbroadcast v15, $0xF;
	v12, _, _ =	vpop (xrf2)  }
0xb7: {  	v6 =	vsel vm7, v6, v8;
	v8 =	vbroadcast v12, $0xF  }
0xb8: {  	v6 =	vsel vm8, v6, v7;
	v7 =	vbroadcast v11, $0xF  }
0xb9: {  	v6 =	vsel vm9, v6, v8;
	v8 =	vbroadcast v10, $0xF;
	v10, _, _ =	vpop (xrf2)  }
0xba: {  	v6 =	vsel vm10, v6, v7;
	v10 =	vbroadcast v10, $0xF  }
0xbb: {  	v6 =	vsel vm11, v6, v8;
	v8 =	vbroadcast v9, $0xF  }
0xbc: {  	v6 =	vsel vm12, v6, v10  }
0xbd: {  	v6 =	vsel vm13, v6, v8;
	v7, _, _ =	vpop (xrf2)  }
0xbe: {  	s7 =	sshra.s32 s19, $0x2;
	s19 =	smov.u32 s29;
	v6 =	vsel vm14, v6, v7  }
0xbf: {  	s17 =	sadd.s32 $0x400, s17;
	[tilespmem:s7+$0x19100] =	vst v6  }
0xc0: {  	v9 =	vld [tilespmem:s17+$0x1B0]  }
0xc1: {  	v6 =	vld [tilespmem:s17+$0x1C0]  }
0xc2: {  	v10 =	vld [tilespmem:s17+$0x1A0]  }
0xc3: {  	v11 =	vld [tilespmem:s17+$0x130]  }
0xc4: {  	v12 =	vld [tilespmem:s17+$0x180]  }
0xc5: {  	v13 =	vld [tilespmem:s17+$0x190]  }
0xc6: {  	v14 =	vld [tilespmem:s17+$0xF0]  }
0xc7: {  	v15 =	vld [tilespmem:s17+$0x120]  }
0xc8: {  	v7 =	vld [tilespmem:s17+$0x140]  }
0xc9: {  	v16 =	vld [tilespmem:s17+$0xE0]  }
0xca: {  	v17 =	vld [tilespmem:s17+$0x100]  }
0xcb: {  	v18 =	vld [tilespmem:s17+$0x110]  }
0xcc: {  	v19 =	vld [tilespmem:s17+$0x70]  }
0xcd: {  	v20 =	vld [tilespmem:s17+$0xC0]  }
0xce: {  	v21 =	vld [tilespmem:s17+$0xD0]  }
0xcf: {  	v22 =	vld [tilespmem:s17+$0x30]  }
0xd0: {  	v23 =	vld [tilespmem:s17+$0x60]  }
0xd1: {  	v8 =	vld [tilespmem:s17+$0x80]  }
0xd2: {  	v24 =	vld [tilespmem:s17+$0x20]  }
0xd3: {  	v25 =	vld [tilespmem:s17+$0x40]  }
0xd4: {  	v12 =	vmul.f32 v12, v4;
	v13 =	vmul.f32 v13, v5;
	v26 =	vld [tilespmem:s17+$0x50]  }
0xd5: {  	v27 =	vld [tilespmem:s17+$0xFFFFFFB0]  }
0xd6: {  	v10 =	vmul.f32 v10, v2;
	v12 =	vadd.f32 v13, v12;
	v28 =	vld [tilespmem:s17+$0x0]  }
0xd7: {  	v17 =	vmul.f32 v17, v4;
	v18 =	vmul.f32 v18, v5;
	v13 =	vld [tilespmem:s17+$0x10]  }
0xd8: {  	v9 =	vmul.f32 v9, v3;
	v10 =	vadd.f32 v10, v12;
	v29 =	vld [tilespmem:s17+$0xFFFFFF70]  }
0xd9: {  	v15 =	vmul.f32 v15, v2;
	v17 =	vadd.f32 v18, v17;
	v30 =	vld [tilespmem:s17+$0xFFFFFFA0]  }
0xda: {  	v9 =	vadd.f32 v9, v10;
	v18 =	vmul.f32 v20, v4;
	v20 =	vmul.f32 v21, v5;
	v12 =	vld [tilespmem:s17+$0xFFFFFFC0]  }
0xdb: {  	v11 =	vmul.f32 v11, v3;
	v15 =	vadd.f32 v15, v17;
	v10 =	vld [tilespmem:s17+$0xFFFFFF60]  }
0xdc: {  	v16 =	vmul.f32 v16, v2;
	v18 =	vadd.f32 v20, v18;
	v17 =	vld [tilespmem:s17+$0xFFFFFF80];
	(xrf2) =	vadd.scan.msk.f32 $0xffff, v9  }
0xdd: {  	v11 =	vadd.f32 v11, v15;
	v20 =	vmul.f32 v25, v4;
	v21 =	vmul.f32 v26, v5;
	v9 =	vld [tilespmem:s17+$0xFFFFFF90]  }
0xde: {  	v14 =	vmul.f32 v14, v3;
	v15 =	vadd.f32 v16, v18;
	v25 =	vld [tilespmem:s17+$0xFFFFFEF0]  }
0xdf: {  	v18 =	vadd.f32 v21, v20;
	v20 =	vmul.f32 v23, v2;
	v16 =	vld [tilespmem:s17+$0xFFFFFF40];
	(xrf2) =	vadd.scan.msk.f32 $0xffff, v11  }
0xe0: {  	v14 =	vadd.f32 v14, v15;
	v21 =	vmul.f32 v28, v4;
	v23 =	vmul.f32 v13, v5;
	v11 =	vld [tilespmem:s17+$0xFFFFFF50]  }
0xe1: {  	v15 =	vadd.f32 v20, v18;
	v18 =	vmul.f32 v19, v3;
	v13 =	vld [tilespmem:s17+$0xFFFFFEB0]  }
0xe2: {  	v20 =	vadd.f32 v23, v21;
	v21 =	vmul.f32 v24, v2;
	v19 =	vld [tilespmem:s17+$0xFFFFFEE0];
	(xrf2) =	vadd.scan.msk.f32 $0xffff, v14  }
0xe3: {  	v15 =	vadd.f32 v18, v15;
	v17 =	vmul.f32 v17, v4;
	v26 =	vmul.f32 v9, v5;
	v23 =	vld [tilespmem:s17+$0xFFFFFEC0]  }
0xe4: {  	v20 =	vadd.f32 v21, v20;
	v21 =	vmul.f32 v22, v3;
	v18 =	vld [tilespmem:s17+$0xFFFFFED0]  }
0xe5: {  	v22 =	vmul.f32 v30, v2;
	v17 =	vadd.f32 v26, v17;
	v14 =	vld [tilespmem:s17+$0xFFFFFF00];
	(xrf2) =	vadd.scan.msk.f32 $0xffff, v15  }
0xe6: {  	v20 =	vadd.f32 v21, v20;
	v16 =	vmul.f32 v16, v4;
	v11 =	vmul.f32 v11, v5;
	v24 =	vld [tilespmem:s17+$0xFFFFFE80];
	v9, _, _ =	vpop (xrf2)  }
0xe7: {  	v26 =	vmul.f32 v27, v3;
	v22 =	vadd.f32 v22, v17;
	v21 =	vld [tilespmem:s17+$0xFFFFFE90]  }
0xe8: {  	v11 =	vadd.f32 v11, v16;
	v16 =	vmul.f32 v10, v2;
	v15 =	vld [tilespmem:s17+$0xFFFFFEA0];
	(xrf2) =	vadd.scan.msk.f32 $0xffff, v20  }
.Ltmp0:
0xe9: {  	v20 =	vmul.f32 v23, v4;
	v22 =	vadd.f32 v26, v22;
	v17 =	vld [tilespmem:s17+$0xFFFFFE00];
	v23 =	vmul.f32 v18, v5;
	v10, _, _ =	vpop (xrf2);
	(pc) =	sbr.rel @p1 .LBB2_3-.Ltmp0, $4  }
0xea: {  	v26 =	vmul.f32 v29, v3;
	v30 =	vadd.f32 v16, v11;
	v18 =	vld [tilespmem:s17+$0xFFFFFE10]  }
0xeb: {  	v28 =	vmul.f32 v19, v2;
	v16 =	vld [tilespmem:s17+$0xFFFFFE20];
	v27 =	vadd.f32 v23, v20;
	(xrf2) =	vadd.scan.msk.f32 $0xffff, v22  }
0xec: {  	v22 =	vmul.f32 v24, v4;
	v20 =	vadd.f32 v26, v30;
	v19 =	vld [tilespmem:s17+$0xFFFFFE40];
	v23 =	vmul.f32 v21, v5;
	v11, _, _ =	vpop (xrf2)  }
0xed: {  	s29 =	sadd.s32 $0x40, s29;
	v25 =	vmul.f32 v25, v3;
	v21 =	vld [tilespmem:s17+$0xFFFFFE50];
	v24 =	vadd.f32 v28, v27  }
0xee: {  	v26 =	vld [tilespmem:s17+$0xFFFFFE30]  }
0xef: {  	v27 =	vld [tilespmem:s17+$0xFFFFFE60]  }
0xf0: {  	v22 =	vadd.f32 v23, v22;
	v15 =	vmul.f32 v15, v2;
	v23 =	vld [tilespmem:s17+$0xFFFFFF10]  }
0xf1: {  	v17 =	vmul.f32 v17, v4;
	v18 =	vmul.f32 v18, v5;
	v24 =	vadd.f32 v25, v24;
	v25 =	vld [tilespmem:s17+$0xFFFFFE70]  }
0xf2: {  	v15 =	vadd.f32 v15, v22;
	v22 =	vld [tilespmem:s17+$0xFFFFFF20];
	v19 =	vmul.f32 v19, v4;
	v21 =	vmul.f32 v21, v5  }
0xf3: {  	v13 =	vmul.f32 v13, v3;
	v16 =	vmul.f32 v16, v2;
	v17 =	vadd.f32 v18, v17;
	v18 =	vld [tilespmem:s17+$0xFFFFFFD0]  }
0xf4: {  	v14 =	vmul.f32 v14, v4;
	v19 =	vadd.f32 v21, v19;
	v21 =	vmul.f32 v27, v2;
	v27 =	vld [tilespmem:s17+$0xFFFFFF30]  }
0xf5: {  	v26 =	vmul.f32 v26, v3;
	v16 =	vadd.f32 v16, v17;
	v17 =	vmul.f32 v23, v5;
	v23 =	vld [tilespmem:s17+$0xFFFFFFE0]  }
0xf6: {  	(xrf2) =	vadd.scan.msk.f32 $0xffff, v20;
	v20 =	vld [tilespmem:s17+$0x90];
	v13 =	vadd.f32 v13, v15;
	v15 =	vadd.f32 v21, v19;
	v19 =	vmul.f32 v25, v3  }
0xf7: {  	(xrf2) =	vadd.scan.msk.f32 $0xffff, v24;
	v16 =	vadd.f32 v26, v16;
	v14 =	vadd.f32 v17, v14;
	v17 =	vmul.f32 v22, v2;
	v21 =	vld [tilespmem:s17+$0xFFFFFFF0]  }
0xf8: {  	v12 =	vmul.f32 v12, v4;
	(xrf2) =	vadd.scan.msk.f32 $0xffff, v13;
	v13 =	vadd.f32 v19, v15;
	v15 =	vmul.f32 v18, v5;
	v18 =	vld [tilespmem:s17+$0xA0]  }
0xf9: {  	(xrf2) =	vadd.scan.msk.f32 $0xffff, v16;
	v14 =	vadd.f32 v17, v14;
	v17 =	vld [tilespmem:s17+$0x150];
	v16 =	vmul.f32 v27, v3  }
0xfa: {  	v19 =	vld [tilespmem:s17+$0xB0];
	v12 =	vadd.f32 v15, v12;
	v15 =	vmul.f32 v23, v2  }
0xfb: {  	v8 =	vmul.f32 v8, v4;
	(xrf2) =	vadd.scan.msk.f32 $0xffff, v13;
	v13 =	vadd.f32 v16, v14;
	v14 =	vmul.f32 v20, v5;
	v16 =	vld [tilespmem:s17+$0x160]  }
0xfc: {  	v12 =	vadd.f32 v15, v12;
	v15 =	vmul.f32 v21, v3  }
0xfd: {  	v21, _, _ =	vpop (xrf2);
	v8 =	vadd.f32 v14, v8;
	v14 =	vmul.f32 v18, v2;
	v18 =	vld [tilespmem:s17+$0x170];
	(xrf2) =	vadd.scan.msk.f32 $0xffff, v13  }
0xfe: {  	v7 =	vmul.f32 v7, v4;
	v20 =	vld [tilespmem:s17+$0x1D0];
	v12 =	vadd.f32 v15, v12;
	v15 =	vmul.f32 v17, v5  }
0xff: {  	v8 =	vadd.f32 v14, v8  }
0x100: {  	v13, _, _ =	vpop (xrf2);
	v14 =	vmul.f32 v19, v3;
	v19 =	vld [tilespmem:s17+$0x1E0];
	v7 =	vadd.f32 v15, v7;
	v15 =	vmul.f32 v16, v2  }
0x101: {  	v17, _, _ =	vpop (xrf2)  }
0x102: {  	v22, _, _ =	vpop (xrf2);
	(xrf2) =	vadd.scan.msk.f32 $0xffff, v12;
	v8 =	vadd.f32 v14, v8;
	v14 =	vld [tilespmem:s17+$0x1F0];
	v7 =	vadd.f32 v15, v7;
	v15 =	vmul.f32 v18, v3  }
0x103: {  	v6 =	vmul.f32 v6, v4;
	v12, _, _ =	vpop (xrf2);
	v18 =	vmul.f32 v20, v5  }
0x104: {  	v16, _, _ =	vpop (xrf2)  }
0x105: {  	(xrf2) =	vadd.scan.msk.f32 $0xffff, v8;
	v20, _, _ =	vpop (xrf2);
	v6 =	vadd.f32 v18, v6;
	v8 =	vmul.f32 v19, v2  }
0x106: {  	v7 =	vadd.f32 v15, v7;
	v18 =	vbroadcast v20, $0xF;
	v15, _, _ =	vpop (xrf2)  }
0x107: {  	v6 =	vadd.f32 v8, v6;
	v8 =	vmul.f32 v14, v3;
	v15 =	vbroadcast v15, $0xF;
	v14, _, _ =	vpop (xrf2)  }
0x108: {  	v16 =	vbroadcast v16, $0xF;
	(xrf2) =	vadd.scan.msk.f32 $0xffff, v7;
	v14 =	vbroadcast v14, $0xF  }
0x109: {  	v12 =	vbroadcast v12, $0xF;
	v7 =	vsel vm0, v18, v15  }
0x10a: {  	v6 =	vadd.f32 v8, v6;
	v7 =	vsel vm1, v7, v16  }
0x10b: {  	v8 =	vbroadcast v22, $0xF;
	v7 =	vsel vm2, v7, v12;
	v12 =	vbroadcast v17, $0xF  }
0x10c: {  	v7 =	vsel vm3, v7, v14;
	v14, _, _ =	vpop (xrf2)  }
0x10d: {  	(xrf2) =	vadd.scan.msk.f32 $0xffff, v6;
	v6 =	vsel vm4, v7, v8;
	v7 =	vbroadcast v14, $0xF  }
0x10e: {  	v8 =	vbroadcast v13, $0xF;
	v6 =	vsel vm5, v6, v12  }
0x10f: {  	v6 =	vsel vm6, v6, v7;
	v7 =	vbroadcast v21, $0xF;
	v12, _, _ =	vpop (xrf2)  }
0x110: {  	v6 =	vsel vm7, v6, v8;
	v8 =	vbroadcast v12, $0xF  }
0x111: {  	v6 =	vsel vm8, v6, v7;
	v7 =	vbroadcast v11, $0xF  }
0x112: {  	v6 =	vsel vm9, v6, v8;
	v8 =	vbroadcast v10, $0xF;
	v10, _, _ =	vpop (xrf2)  }
0x113: {  	v6 =	vsel vm10, v6, v7;
	v7 =	vbroadcast v10, $0xF;
	_ =	sdelay $0x1  }
0x114: {  	v6 =	vsel vm11, v6, v8;
	v8 =	vbroadcast v9, $0xF  }
0x115: {  	v6 =	vsel vm12, v6, v7  }
0x116: {  	s7 =	smul.u32 $0x26, s18;
	v6 =	vsel vm13, v6, v8;
	v7, _, _ =	vpop (xrf2)  }
0x117: {  	s19 =	sshra.s32 s19, $0x2;
	v6 =	vsel vm14, v6, v7  }
0x118: {  	s7 =	sadd.s32 s10, s7;
	[tilespmem:s19+$0x19100] =	vst v6  }
0x119: {  	[hbm4b:s7+s2] =	stream.linear.scatter [tilespmem:s26], [sflag:$0x4], $0x130, $0x38;
	[tilespmem:$0x19BE0] =	vst v63  }
0x11a: {  	v6 =	vld [tilespmem:$0x17900]  }
0x11b: {  	v7 =	vld [tilespmem:$0x17910]  }
0x11c: {  	v8 =	vld [tilespmem:$0x17920]  }
0x11d: {  	v9 =	vld [tilespmem:$0x17930]  }
0x11e: {  	v10 =	vld [tilespmem:$0x17940]  }
0x11f: {  	v11 =	vld [tilespmem:$0x17950]  }
0x120: {  	v12 =	vld [tilespmem:$0x17960]  }
0x121: {  	v13 =	vld [tilespmem:$0x17970]  }
0x122: {  	v14 =	vld [tilespmem:$0x17980]  }
0x123: {  	v15 =	vld [tilespmem:$0x17990]  }
0x124: {  	v16 =	vld [tilespmem:$0x179A0]  }
0x125: {  	v17 =	vld [tilespmem:$0x179B0]  }
0x126: {  	v18 =	vld [tilespmem:$0x179C0]  }
0x127: {  	v19 =	vld [tilespmem:$0x179D0]  }
0x128: {  	v20 =	vld [tilespmem:$0x179E0]  }
0x129: {  	v21 =	vld [tilespmem:$0x179F0]  }
0x12a: {  	v22 =	vld [tilespmem:$0x17A00]  }
0x12b: {  	v23 =	vld [tilespmem:$0x17A10]  }
0x12c: {  	v24 =	vld [tilespmem:$0x17A20]  }
0x12d: {  	v25 =	vld [tilespmem:$0x17A30]  }
0x12e: {  	v26 =	vld [tilespmem:$0x17A40]  }
0x12f: {  	v27 =	vld [tilespmem:$0x17A50]  }
0x130: {  	v28 =	vld [tilespmem:$0x17A60]  }
0x131: {  	v29 =	vld [tilespmem:$0x17A70]  }
0x132: {  	v30 =	vld [tilespmem:$0x17A80]  }
0x133: {  	v31 =	vld [tilespmem:$0x17A90]  }
0x134: {  	v32 =	vld [tilespmem:$0x17AA0]  }
0x135: {  	v33 =	vld [tilespmem:$0x17AB0]  }
0x136: {  	v34 =	vld [tilespmem:$0x17AC0]  }
0x137: {  	v35 =	vld [tilespmem:$0x17AD0]  }
0x138: {  	v36 =	vld [tilespmem:$0x17AE0];
	v6 =	vmul.f32 v6, v4;
	v7 =	vmul.f32 v7, v5  }
0x139: {  	v37 =	vld [tilespmem:$0x17AF0];
	v10 =	vmul.f32 v10, v4;
	v11 =	vmul.f32 v11, v5  }
0x13a: {  	v38 =	vld [tilespmem:$0x17B10];
	v9 =	vmul.f32 v9, v3;
	v6 =	vadd.f32 v7, v6;
	v7 =	vmul.f32 v8, v2  }
0x13b: {  	v46 =	vld [tilespmem:$0x17BC0];
	v13 =	vmul.f32 v13, v3;
	v21 =	vmul.f32 v21, v3  }
0x13c: {  	v48 =	vld [tilespmem:$0x17BF0];
	v6 =	vadd.f32 v7, v6;
	v7 =	vmul.f32 v14, v4;
	v14 =	vmul.f32 v15, v5  }
0x13d: {  	v49 =	vld [tilespmem:$0x17C00];
	v25 =	vmul.f32 v25, v3;
	v10 =	vadd.f32 v11, v10;
	v11 =	vmul.f32 v12, v2  }
0x13e: {  	v52 =	vld [tilespmem:$0x17C10];
	v47 =	vmul.f32 v35, v5;
	v7 =	vadd.f32 v14, v7;
	v14 =	vmul.f32 v16, v2  }
0x13f: {  	v8 =	vld [tilespmem:$0x17B00];
	v10 =	vadd.f32 v11, v10;
	v11 =	vmul.f32 v18, v4;
	v18 =	vmul.f32 v19, v5  }
0x140: {  	v54 =	vld [tilespmem:$0x17C30];
	v6 =	vadd.f32 v9, v6;
	v9 =	vmul.f32 v17, v3;
	v7 =	vadd.f32 v14, v7  }
0x141: {  	v55 =	vld [tilespmem:$0x17C70];
	v50 =	vmul.f32 v33, v3;
	v51 =	vmul.f32 v36, v2;
	v11 =	vadd.f32 v18, v11  }
0x142: {  	v12 =	vld [tilespmem:$0x17B30];
	v18 =	vmul.f32 v23, v5;
	v7 =	vadd.f32 v9, v7;
	v9 =	vmul.f32 v22, v4  }
0x143: {  	v53 =	vmul.f32 v37, v3;
	v19 =	vld [tilespmem:$0x17B50];
	v10 =	vadd.f32 v13, v10;
	v13 =	vmul.f32 v20, v2  }
0x144: {  	v16 =	vld [tilespmem:$0x17B40];
	v8 =	vmul.f32 v8, v4;
	v9 =	vadd.f32 v18, v9;
	v18 =	vmul.f32 v24, v2  }
0x145: {  	v15 =	vld [tilespmem:$0x17B20];
	v11 =	vadd.f32 v13, v11;
	v13 =	vmul.f32 v26, v4;
	v22 =	vmul.f32 v27, v5  }
0x146: {  	v14 =	vld [tilespmem:$0x17B60];
	v27 =	vmul.f32 v31, v5;
	v9 =	vadd.f32 v18, v9;
	v18 =	vmul.f32 v30, v4  }
0x147: {  	v17 =	vld [tilespmem:$0x17B70];
	v12 =	vmul.f32 v12, v3;
	v13 =	vadd.f32 v22, v13;
	v22 =	vmul.f32 v28, v2  }
0x148: {  	v20 =	vld [tilespmem:$0x17B80];
	v9 =	vadd.f32 v25, v9;
	v18 =	vadd.f32 v27, v18;
	v25 =	vmul.f32 v32, v2  }
0x149: {  	v19 =	vmul.f32 v19, v5;
	v11 =	vadd.f32 v21, v11;
	v16 =	vmul.f32 v16, v4;
	v24 =	vld [tilespmem:$0x17BA0]  }
0x14a: {  	v13 =	vadd.f32 v22, v13;
	v22 =	vld [tilespmem:$0x17BD0];
	v18 =	vadd.f32 v25, v18;
	v25 =	vmul.f32 v38, v5  }
0x14b: {  	v23 =	vld [tilespmem:$0x17B90];
	v21 =	vmul.f32 v29, v3;
	v16 =	vadd.f32 v19, v16;
	v14 =	vmul.f32 v14, v2  }
0x14c: {  	(xrf2) =	vadd.scan.msk.f32 $0xffff, v6;
	v15 =	vmul.f32 v15, v2;
	v6 =	vmul.f32 v17, v3;
	v27 =	vld [tilespmem:$0x17BE0];
	v8 =	vadd.f32 v25, v8  }
0x14d: {  	v26 =	vld [tilespmem:$0x17BB0];
	v14 =	vadd.f32 v14, v16;
	v13 =	vadd.f32 v21, v13;
	v21 =	vmul.f32 v34, v4  }
0x14e: {  	v19 =	vld [tilespmem:$0x17C50];
	v16 =	vmul.f32 v46, v4;
	v17 =	vmul.f32 v24, v2;
	v8 =	vadd.f32 v15, v8  }
0x14f: {  	v24 =	vld [tilespmem:$0x17C90];
	v6 =	vadd.f32 v6, v14;
	v21 =	vadd.f32 v47, v21;
	v22 =	vmul.f32 v22, v5  }
0x150: {  	v15 =	vld [tilespmem:$0x17C40];
	v8 =	vadd.f32 v12, v8;
	v12 =	vmul.f32 v20, v4;
	v20 =	vmul.f32 v23, v5  }
0x151: {  	(xrf2) =	vadd.scan.msk.f32 $0xffff, v10;
	v25 =	vld [tilespmem:$0x17C20];
	v21 =	vadd.f32 v51, v21;
	v16 =	vadd.f32 v22, v16;
	v22 =	vmul.f32 v27, v2  }
0x152: {  	(xrf2) =	vadd.scan.msk.f32 $0xffff, v7;
	v10 =	vmul.f32 v26, v3;
	v18 =	vadd.f32 v50, v18;
	v23 =	vld [tilespmem:$0x17C60];
	v12 =	vadd.f32 v20, v12  }
0x153: {  	(xrf2) =	vadd.scan.msk.f32 $0xffff, v11;
	v14 =	vmul.f32 v48, v3;
	v21 =	vadd.f32 v53, v21;
	v11 =	vadd.f32 v22, v16;
	v20 =	vld [tilespmem:$0x17C80]  }
0x154: {  	v26 =	vld [tilespmem:$0x17CA0];
	(xrf2) =	vadd.scan.msk.f32 $0xffff, v9;
	v7 =	vadd.f32 v17, v12;
	v12 =	vmul.f32 v49, v4;
	v17 =	vmul.f32 v52, v5  }
0x155: {  	(xrf2) =	vadd.scan.msk.f32 $0xffff, v13;
	v16 =	vld [tilespmem:$0x17CC0];
	v11 =	vadd.f32 v14, v11;
	v14 =	vmul.f32 v19, v5;
	v13 =	vmul.f32 v15, v4  }
0x156: {  	v15 =	vld [tilespmem:$0x17CB0];
	v7 =	vadd.f32 v10, v7;
	v9 =	vadd.f32 v17, v12;
	v10 =	vmul.f32 v25, v2  }
0x157: {  	(xrf2) =	vadd.scan.msk.f32 $0xffff, v18;
	v13 =	vadd.f32 v14, v13;
	v14 =	vmul.f32 v23, v2;
	v12 =	vld [tilespmem:$0x17CD0]  }
0x158: {  	(xrf2) =	vadd.scan.msk.f32 $0xffff, v21;
	v17 =	vmul.f32 v24, v5;
	v9 =	vadd.f32 v10, v9;
	v10 =	vmul.f32 v20, v4  }
0x159: {  	v18 =	vld [tilespmem:$0x17CE0];
	v19 =	vmul.f32 v54, v3;
	(xrf2) =	vadd.scan.msk.f32 $0xffff, v8  }
0x15a: {  	v8 =	vmul.f32 v55, v3;
	(xrf2) =	vadd.scan.msk.f32 $0xffff, v6;
	v10 =	vadd.f32 v17, v10;
	v17 =	vmul.f32 v26, v2  }
0x15b: {  	v6 =	vadd.f32 v14, v13;
	v13 =	vmul.f32 v16, v4;
	v20 =	vld [tilespmem:$0x17CF0];
	v14, _, _ =	vpop (xrf2);
	(xrf2) =	vadd.scan.msk.f32 $0xffff, v7;
	v7 =	vadd.f32 v19, v9  }
0x15c: {  	v12 =	vmul.f32 v12, v5;
	v9 =	vadd.f32 v17, v10;
	v10 =	vmul.f32 v15, v3  }
0x15d: {  	v6 =	vadd.f32 v8, v6  }
0x15e: {  	v15, _, _ =	vpop (xrf2);
	(xrf2) =	vadd.scan.msk.f32 $0xffff, v11;
	v11 =	vmul.f32 v18, v2;
	v8 =	vadd.f32 v12, v13;
	v12 =	vbroadcast v14, $0xF  }
0x15f: {  	v14, _, _ =	vpop (xrf2);
	(xrf2) =	vadd.scan.msk.f32 $0xffff, v7;
	v7 =	vadd.f32 v10, v9  }
0x160: {  	v13 =	vbroadcast v15, $0xF;
	v10, _, _ =	vpop (xrf2);
	(xrf2) =	vadd.scan.msk.f32 $0xffff, v6;
	v6 =	vadd.f32 v11, v8;
	v8 =	vmul.f32 v20, v3  }
0x161: {  	v9 =	vbroadcast v14, $0xF;
	v10 =	vbroadcast v10, $0xF  }
0x162: {  	v11 =	vsel vm0, v12, v13;
	v12, _, _ =	vpop (xrf2);
	v6 =	vadd.f32 v8, v6  }
0x163: {  	(xrf2) =	vadd.scan.msk.f32 $0xffff, v7;
	v9 =	vsel vm1, v11, v9;
	v7, _, _ =	vpop (xrf2);
	v11 =	vbroadcast v12, $0xF  }
0x164: {  	v9 =	vsel vm2, v9, v10;
	v7 =	vbroadcast v7, $0xF;
	v8, _, _ =	vpop (xrf2)  }
0x165: {  	v9 =	vsel vm3, v9, v11;
	v8 =	vbroadcast v8, $0xF;
	v10, _, _ =	vpop (xrf2)  }
0x166: {  	(xrf2) =	vadd.scan.msk.f32 $0xffff, v6;
	v7 =	vsel vm4, v9, v7;
	v6, _, _ =	vpop (xrf2);
	v9 =	vbroadcast v10, $0xF  }
0x167: {  	v10, _, _ =	vpop (xrf2);
	v7 =	vsel vm5, v7, v8  }
0x168: {  	v7 =	vsel vm6, v7, v9;
	v9 =	vbroadcast v10, $0xF  }
0x169: {  	v6 =	vbroadcast v6, $0xF  }
0x16a: {  	v8, _, _ =	vpop (xrf2)  }
0x16b: {  	v6 =	vsel vm7, v7, v6;
	v10, _, _ =	vpop (xrf2);
	v7 =	vbroadcast v8, $0xF  }
0x16c: {  	v6 =	vsel vm8, v6, v9;
	v8 =	vbroadcast v10, $0xF;
	v9, _, _ =	vpop (xrf2)  }
0x16d: {  	v6 =	vsel vm9, v6, v7;
	v7 =	vbroadcast v9, $0xF;
	v9, _, _ =	vpop (xrf2)  }
0x16e: {  	v6 =	vsel vm10, v6, v8;
	v8 =	vbroadcast v9, $0xF;
	v9, _, _ =	vpop (xrf2)  }
0x16f: {  	v6 =	vsel vm11, v6, v7;
	v7 =	vbroadcast v9, $0xF;
	_ =	sdelay $0x2  }
0x170: {  	v6 =	vsel vm12, v6, v8  }
0x171: {  	v6 =	vsel vm13, v6, v7;
	v7, _, _ =	vpop (xrf2)  }
0x172: {  	s18 =	sshrl.u32 s13, $0x2;
	v6 =	vsel vm14, v6, v7  }
0x173: {  	[tilespmem:s18+$0x19360] =	vst v6  }
0x174: {  	v6 =	vld [tilespmem:s13+$0x2100]  }
0x175: {  	v7 =	vld [tilespmem:s14+$0x2100];
	_ =	sdelay $0x1  }
0x176: {  	v8 =	vld [tilespmem:s15+$0x2100];
	_ =	sdelay $0x1  }
0x177: {  	v9 =	vld [tilespmem:s16+$0x2100]  }
0x178: {  	v4 =	vmul.f32 v6, v4;
	v5 =	vmul.f32 v7, v5;
	_ =	sdelay $0x1  }
0x179: {  	v2 =	vmul.f32 v8, v2;
	v4 =	vadd.f32 v5, v4;
	_ =	sdelay $0x1  }
0x17a: {  	v3 =	vmul.f32 v9, v3;
	v2 =	vadd.f32 v2, v4;
	_ =	sdelay $0x1  }
0x17b: {  	p1 =	seq.s32 s8, $0x3F;
	v2 =	vadd.f32 v3, v2  }
0x17c: {  	s7 =	sadd.s32 @!p1 $0x2, s12  }
0x17d: {  	s13 =	smul.u32 @!p1 $0x4C0, s7;
	(xrf2) =	vadd.scan.msk.f32 $0xffff, v2;
	_ =	sdelay $0x1  }
0x17e: {  	s15 =	simm.s32 @!p1 $0x80;
	s13 =	sshra.s32 @!p1 s13, $0x2  }
0x17f: {  	s16 =	simm.s32 @!p1 $0xD900;
	s7 =	sshll.u32 @!p1 s7, $0x4;
	s14 =	sadd.s32 @!p1 $0x4100, s13  }
0x180: {  	[tilespmem:s16], [sflag:$0x2] =	stream.indirect.gather @!p1 [hbm4b:s5+s15], $0x40, s14, s15, $0xb8;
	[tilespmem:$0x19BE0] =	vst v63  }
0x181: {  	s7 =	sand.u32 @!p1 $0x3FFFFFF0, s7;
	s14 =	sadd.s32 @!p1 $0x4180, s13;
	s16 =	simm.s32 @!p1 $0xF900  }
0x182: {  	[tilespmem:s16], [sflag:$0x2] =	stream.indirect.gather @!p1 [hbm4b:s5+s15], $0x40, s14, s15, $0xb8;
	[tilespmem:$0x19BE0] =	vst v63  }
0x183: {  	s13 =	sadd.s32 @!p1 $0x4200, s13;
	s14 =	simm.s32 @!p1 $0x30;
	s15 =	simm.s32 @!p1 $0x11900  }
0x184: {  	[tilespmem:s15], [sflag:$0x2] =	stream.indirect.gather @!p1 [hbm4b:s5+s14], $0x40, s13, s14, $0xb8;
	[tilespmem:$0x19BE0] =	vst v63  }
0x185: {  	s7 =	sadd.s32 @!p1 $0x17100, s7;
	s13 =	simm.s32 @!p1 $0x10;
	s14 =	simm.s32 @!p1 $0x17900  }
0x186: {  	[tilespmem:s14], [sflag:$0x2] =	stream.indirect.gather @!p1 [hbm4b:s5+s13], $0x40, s7, s13, $0xb8;
	v9, _, _ =	vpop (xrf2);
	[tilespmem:$0x19BE0] =	vst v63  }
0x187: {  	_ =	swait.ge [sflag:s28], $0x4C00  }
0x188: {  	[sflag:s28] =	ssyncset.done $0x0  }
0x189: {  	[sflag:s28] =	ssyncadd.s32 $0xFFFFB400  }
0x18a: {  	_ =	swait.ge [sflag:s28], $0x400  }
0x18b: {  	[sflag:s28] =	ssyncset.done $0x0  }
0x18c: {  	s13 =	sshll.u32 s9, $0x6;
	[sflag:s28] =	ssyncadd.s32 $0xFFFFFC00  }
0x18d: {  	v4 =	vld [tilespmem:s13+$0x100]  }
0x18e: {  	v5 =	vld [tilespmem:s13+$0x110]  }
0x18f: {  	s7 =	simm.s32 @!p0 $0x5;
	v3 =	vld [tilespmem:s13+$0x120]  }
0x190: {  	v2 =	vld [tilespmem:s13+$0x130];
	_ =	swait.ge @!p0 [sflag:s7], $0x130  }
0x191: {  	[sflag:s7] =	ssyncset.done @!p0 $0x0  }
0x192: {  	s17 =	simm.s32 $0x12700;
	[sflag:s7] =	ssyncadd.s32 @!p0 $0xFFFFFED0  }
0x193: {  	v10 =	vld [tilespmem:s17+$0x1B0]  }
0x194: {  	v6 =	vld [tilespmem:s17+$0x1C0]  }
0x195: {  	v11 =	vld [tilespmem:s17+$0x1A0]  }
0x196: {  	v12 =	vld [tilespmem:s17+$0x130]  }
0x197: {  	v13 =	vld [tilespmem:s17+$0x180]  }
0x198: {  	v14 =	vld [tilespmem:s17+$0x190]  }
0x199: {  	v15 =	vld [tilespmem:s17+$0xF0]  }
0x19a: {  	v16 =	vld [tilespmem:s17+$0x120]  }
0x19b: {  	v7 =	vld [tilespmem:s17+$0x140]  }
0x19c: {  	v17 =	vld [tilespmem:s17+$0xE0]  }
0x19d: {  	v18 =	vld [tilespmem:s17+$0x100]  }
0x19e: {  	v19 =	vld [tilespmem:s17+$0x110]  }
0x19f: {  	v20 =	vld [tilespmem:s17+$0x70]  }
0x1a0: {  	v21 =	vld [tilespmem:s17+$0xC0]  }
0x1a1: {  	v22 =	vld [tilespmem:s17+$0xD0]  }
0x1a2: {  	v23 =	vld [tilespmem:s17+$0x30]  }
0x1a3: {  	v24 =	vld [tilespmem:s17+$0x60]  }
0x1a4: {  	v8 =	vld [tilespmem:s17+$0x80]  }
0x1a5: {  	v25 =	vld [tilespmem:s17+$0x20]  }
0x1a6: {  	v26 =	vld [tilespmem:s17+$0x40]  }
0x1a7: {  	v27 =	vld [tilespmem:s17+$0x50]  }
0x1a8: {  	v56 =	vld [tilespmem:s17+$0xFFFFFFB0];
	v13 =	vmul.f32 v13, v4;
	v14 =	vmul.f32 v14, v5  }
0x1a9: {  	v57 =	vld [tilespmem:s17+$0x0];
	v18 =	vmul.f32 v18, v4;
	v19 =	vmul.f32 v19, v5  }
0x1aa: {  	v58 =	vld [tilespmem:s17+$0x10];
	v13 =	vadd.f32 v14, v13;
	v14 =	vmul.f32 v11, v3  }
0x1ab: {  	v59 =	vld [tilespmem:s17+$0xFFFFFF70];
	v16 =	vmul.f32 v16, v3;
	v18 =	vadd.f32 v19, v18  }
0x1ac: {  	v60 =	vld [tilespmem:s17+$0xFFFFFFA0];
	v13 =	vadd.f32 v14, v13;
	v14 =	vmul.f32 v21, v4;
	v21 =	vmul.f32 v22, v5  }
0x1ad: {  	v10 =	vmul.f32 v10, v2;
	v12 =	vmul.f32 v12, v2;
	v11 =	vld [tilespmem:s17+$0xFFFFFFC0]  }
0x1ae: {  	v17 =	vmul.f32 v17, v3;
	v19 =	vld [tilespmem:s17+$0xFFFFFF80];
	v16 =	vadd.f32 v16, v18;
	v14 =	vadd.f32 v21, v14  }
0x1af: {  	v22 =	vld [tilespmem:s17+$0xFFFFFF60];
	v18 =	vmul.f32 v26, v4;
	v26 =	vmul.f32 v27, v5;
	v10 =	vadd.f32 v10, v13  }
0x1b0: {  	v27 =	vld [tilespmem:s17+$0xFFFFFEF0];
	v12 =	vadd.f32 v12, v16;
	v13 =	vadd.f32 v17, v14;
	v14 =	vmul.f32 v15, v2  }
0x1b1: {  	v21 =	vld [tilespmem:s17+$0xFFFFFF90];
	v16 =	vadd.f32 v26, v18;
	v17 =	vmul.f32 v24, v3;
	(xrf2) =	vadd.scan.msk.f32 $0xffff, v10  }
0x1b2: {  	s19 =	sand.u32 $0xE, s12;
	v18 =	vld [tilespmem:s17+$0xFFFFFF50];
	(xrf2) =	vadd.scan.msk.f32 $0xffff, v12;
	v12 =	vmul.f32 v57, v4;
	v10 =	vadd.f32 v14, v13  }
0x1b3: {  	v26 =	vld [tilespmem:s17+$0xFFFFFE80];
	v14 =	vmul.f32 v58, v5;
	v16 =	vadd.f32 v17, v16;
	v17 =	vmov s19  }
0x1b4: {  	v15 =	vld [tilespmem:s17+$0xFFFFFF40];
	vm15 =	veq.s32 v17, v0;
	v17 =	vmul.f32 v20, v2  }
0x1b5: {  	v25 =	vmul.f32 v25, v3;
	(xrf2) =	vadd.scan.msk.f32 $0xffff, v10;
	v10 =	vld [tilespmem:s17+$0xFFFFFEC0];
	v12 =	vadd.f32 v14, v12  }
0x1b6: {  	v19 =	vmul.f32 v19, v4;
	v24 =	vld [tilespmem:s17+$0xFFFFFEE0];
	v21 =	vmul.f32 v21, v5;
	v16 =	vadd.f32 v17, v16  }
0x1b7: {  	v23 =	vmul.f32 v23, v2;
	v20 =	vld [tilespmem:s17+$0xFFFFFED0];
	v12 =	vadd.f32 v25, v12  }
0x1b8: {  	v13 =	vld [tilespmem:s17+$0xFFFFFEB0];
	v19 =	vadd.f32 v21, v19;
	v21 =	vmul.f32 v60, v3;
	(xrf2) =	vadd.scan.msk.f32 $0xffff, v16  }
0x1b9: {  	v18 =	vmul.f32 v18, v5;
	v14 =	vld [tilespmem:s17+$0xFFFFFF00];
	v17 =	vmul.f32 v15, v4;
	v12 =	vadd.f32 v23, v12  }
0x1ba: {  	v25 =	vld [tilespmem:s17+$0xFFFFFE90];
	v19 =	vadd.f32 v21, v19;
	v21 =	vmul.f32 v56, v2;
	v10 =	vmul.f32 v10, v4  }
0x1bb: {  	v22 =	vmul.f32 v22, v3;
	v15 =	vld [tilespmem:s17+$0xFFFFFEA0];
	v61 =	vadd.f32 v18, v17;
	v23 =	vbroadcast v9, $0xF;
	v9, _, _ =	vpop (xrf2);
	(xrf2) =	vadd.scan.msk.f32 $0xffff, v12  }
0x1bc: {  	v17 =	vld [tilespmem:s17+$0xFFFFFE00];
	v20 =	vmul.f32 v20, v5;
	v21 =	vadd.f32 v21, v19  }
0x1bd: {  	v62 =	vmul.f32 v59, v2;
	v18 =	vld [tilespmem:s17+$0xFFFFFE10];
	v28 =	vadd.f32 v22, v61  }
0x1be: {  	v24 =	vmul.f32 v24, v3;
	v16 =	vld [tilespmem:s17+$0xFFFFFE20];
	v22 =	vmul.f32 v26, v4;
	v63 =	vadd.f32 v20, v10;
	v10, _, _ =	vpop (xrf2);
	(xrf2) =	vadd.scan.msk.f32 $0xffff, v21  }
0x1bf: {  	s29 =	simm.s32 $0x40;
	s18 =	sadd.s32 s3, s9;
	s14 =	sor.u32 $0x10, s13;
	v19 =	vld [tilespmem:s17+$0xFFFFFE40];
	v1 =	vsel vm15, v23, v1;
	v23 =	vmul.f32 v25, v5;
	v20 =	vadd.f32 v62, v28  }
0x1c0: {  	s15 =	sor.u32 $0x20, s13;
	s16 =	sor.u32 $0x30, s13;
	s19 =	simm.s32 $0x0;
	v25 =	vmul.f32 v27, v2;
	v21 =	vld [tilespmem:s17+$0xFFFFFE50];
	v24 =	vadd.f32 v24, v63;
	v12, _, _ =	vpop (xrf2)  }
.LBB2_5:
0x1c1: {  	p0 =	sne.s32 s29, $0x480;
	v26 =	vld [tilespmem:s17+$0xFFFFFE30];
	v22 =	vadd.f32 v23, v22;
	v23 =	vmul.f32 v15, v3;
	(xrf2) =	vadd.scan.msk.f32 $0xffff, v20  }
0x1c2: {  	v17 =	vmul.f32 v17, v4;
	v18 =	vmul.f32 v18, v5;
	v20 =	vld [tilespmem:s17+$0xFFFFFE60];
	v25 =	vadd.f32 v25, v24;
	v15, _, _ =	vpop (xrf2)  }
0x1c3: {  	v13 =	vmul.f32 v13, v2;
	v22 =	vadd.f32 v23, v22;
	v23 =	vld [tilespmem:s17+$0xFFFFFF10]  }
0x1c4: {  	v16 =	vmul.f32 v16, v3;
	v17 =	vadd.f32 v18, v17;
	v18 =	vld [tilespmem:s17+$0xFFFFFE70];
	(xrf2) =	vadd.scan.msk.f32 $0xffff, v25  }
0x1c5: {  	v19 =	vmul.f32 v19, v4;
	v21 =	vmul.f32 v21, v5;
	v13 =	vadd.f32 v13, v22;
	v22 =	vld [tilespmem:s17+$0xFFFFFF20];
	v24, _, _ =	vpop (xrf2)  }
0x1c6: {  	v16 =	vadd.f32 v16, v17;
	v17 =	vmul.f32 v26, v2;
	v25 =	vld [tilespmem:s17+$0xFFFFFFD0]  }
0x1c7: {  	v19 =	vadd.f32 v21, v19;
	v20 =	vmul.f32 v20, v3;
	v21 =	vld [tilespmem:s17+$0xFFFFFF30];
	(xrf2) =	vadd.scan.msk.f32 $0xffff, v13  }
0x1c8: {  	v14 =	vmul.f32 v14, v4;
	v13 =	vadd.f32 v17, v16;
	v16 =	vmul.f32 v23, v5;
	v17 =	vld [tilespmem:s17+$0xFFFFFFE0];
	v23, _, _ =	vpop (xrf2)  }
0x1c9: {  	v19 =	vadd.f32 v20, v19;
	v18 =	vmul.f32 v18, v2;
	v20 =	vld [tilespmem:s17+$0x90]  }
0x1ca: {  	v14 =	vadd.f32 v16, v14;
	v16 =	vmul.f32 v22, v3;
	v22 =	vld [tilespmem:s17+$0xFFFFFFF0];
	(xrf2) =	vadd.scan.msk.f32 $0xffff, v13  }
0x1cb: {  	v11 =	vmul.f32 v11, v4;
	v13 =	vadd.f32 v18, v19;
	v18 =	vmul.f32 v25, v5;
	v19 =	vld [tilespmem:s17+$0xA0];
	v25, _, _ =	vpop (xrf2)  }
0x1cc: {  	v14 =	vadd.f32 v16, v14;
	v16 =	vmul.f32 v21, v2;
	v21 =	vld [tilespmem:s17+$0x150]  }
0x1cd: {  	v11 =	vadd.f32 v18, v11;
	v17 =	vmul.f32 v17, v3;
	v18 =	vld [tilespmem:s17+$0xB0];
	(xrf2) =	vadd.scan.msk.f32 $0xffff, v13  }
0x1ce: {  	v8 =	vmul.f32 v8, v4;
	v13 =	vadd.f32 v16, v14;
	v14 =	vmul.f32 v20, v5;
	v16 =	vld [tilespmem:s17+$0x160];
	v20, _, _ =	vpop (xrf2)  }
0x1cf: {  	v11 =	vadd.f32 v17, v11;
	v26 =	vmul.f32 v22, v2;
	v22 =	vld [tilespmem:s17+$0x1D0]  }
0x1d0: {  	v8 =	vadd.f32 v14, v8;
	v14 =	vmul.f32 v19, v3;
	v19 =	vld [tilespmem:s17+$0x170];
	(xrf2) =	vadd.scan.msk.f32 $0xffff, v13  }
0x1d1: {  	v7 =	vmul.f32 v7, v4;
	v11 =	vadd.f32 v26, v11;
	v13 =	vmul.f32 v21, v5;
	v17, _, _ =	vpop (xrf2)  }
0x1d2: {  	v8 =	vadd.f32 v14, v8;
	v21 =	vmul.f32 v18, v2;
	v18 =	vld [tilespmem:s17+$0x1E0]  }
0x1d3: {  	v7 =	vadd.f32 v13, v7;
	v13 =	vmul.f32 v16, v3;
	(xrf2) =	vadd.scan.msk.f32 $0xffff, v11  }
0x1d4: {  	v6 =	vmul.f32 v6, v4;
	v8 =	vadd.f32 v21, v8;
	v11 =	vld [tilespmem:s17+$0x1F0];
	v14, _, _ =	vpop (xrf2)  }
0x1d5: {  	v16 =	vmul.f32 v22, v5;
	v7 =	vadd.f32 v13, v7;
	v19 =	vmul.f32 v19, v2  }
0x1d6: {  	(xrf2) =	vadd.scan.msk.f32 $0xffff, v8  }
0x1d7: {  	v6 =	vadd.f32 v16, v6;
	v7 =	vadd.f32 v19, v7;
	v8 =	vmul.f32 v18, v3;
	v13, _, _ =	vpop (xrf2)  }
0x1d8: {  	v14 =	vbroadcast v14, $0xF;
	v18 =	vbroadcast v13, $0xF  }
0x1d9: {  	v16 =	vbroadcast v17, $0xF;
	v6 =	vadd.f32 v8, v6;
	v8 =	vmul.f32 v11, v2;
	(xrf2) =	vadd.scan.msk.f32 $0xffff, v7  }
0x1da: {  	v11 =	vbroadcast v20, $0xF;
	v7 =	vsel vm0, v14, v18;
	v13, _, _ =	vpop (xrf2)  }
0x1db: {  	v7 =	vsel vm1, v7, v16;
	v14 =	vbroadcast v13, $0xF;
	v6 =	vadd.f32 v8, v6  }
0x1dc: {  	v8 =	vbroadcast v25, $0xF;
	v7 =	vsel vm2, v7, v11  }
0x1dd: {  	v7 =	vsel vm3, v7, v14;
	v14 =	vbroadcast v23, $0xF;
	v13, _, _ =	vpop (xrf2);
	(xrf2) =	vadd.scan.msk.f32 $0xffff, v6  }
0x1de: {  	v6 =	vsel vm4, v7, v8;
	v7 =	vbroadcast v13, $0xF  }
0x1df: {  	v8 =	vbroadcast v24, $0xF;
	v6 =	vsel vm5, v6, v14  }
0x1e0: {  	v6 =	vsel vm6, v6, v7;
	v7 =	vbroadcast v15, $0xF;
	v11, _, _ =	vpop (xrf2)  }
0x1e1: {  	v6 =	vsel vm7, v6, v8;
	v8 =	vbroadcast v11, $0xF  }
0x1e2: {  	v6 =	vsel vm8, v6, v7;
	v7 =	vbroadcast v12, $0xF  }
0x1e3: {  	v6 =	vsel vm9, v6, v8;
	v8 =	vbroadcast v10, $0xF;
	v10, _, _ =	vpop (xrf2)  }
0x1e4: {  	v6 =	vsel vm10, v6, v7;
	v10 =	vbroadcast v10, $0xF  }
0x1e5: {  	v6 =	vsel vm11, v6, v8;
	v8 =	vbroadcast v9, $0xF  }
0x1e6: {  	v6 =	vsel vm12, v6, v10  }
0x1e7: {  	v6 =	vsel vm13, v6, v8;
	v7, _, _ =	vpop (xrf2)  }
0x1e8: {  	s7 =	sshra.s32 s19, $0x2;
	s19 =	smov.u32 s29;
	v6 =	vsel vm14, v6, v7  }
0x1e9: {  	s17 =	sadd.s32 $0x400, s17;
	[tilespmem:s7+$0x19230] =	vst v6  }
0x1ea: {  	v9 =	vld [tilespmem:s17+$0x1B0]  }
0x1eb: {  	v6 =	vld [tilespmem:s17+$0x1C0]  }
0x1ec: {  	v10 =	vld [tilespmem:s17+$0x1A0]  }
0x1ed: {  	v12 =	vld [tilespmem:s17+$0x130]  }
0x1ee: {  	v11 =	vld [tilespmem:s17+$0x180]  }
0x1ef: {  	v13 =	vld [tilespmem:s17+$0x190]  }
0x1f0: {  	v14 =	vld [tilespmem:s17+$0xF0]  }
0x1f1: {  	v15 =	vld [tilespmem:s17+$0x120]  }
0x1f2: {  	v7 =	vld [tilespmem:s17+$0x140]  }
0x1f3: {  	v16 =	vld [tilespmem:s17+$0xE0]  }
0x1f4: {  	v17 =	vld [tilespmem:s17+$0x100]  }
0x1f5: {  	v18 =	vld [tilespmem:s17+$0x110]  }
0x1f6: {  	v19 =	vld [tilespmem:s17+$0x70]  }
0x1f7: {  	v20 =	vld [tilespmem:s17+$0xC0]  }
0x1f8: {  	v21 =	vld [tilespmem:s17+$0xD0]  }
0x1f9: {  	v22 =	vld [tilespmem:s17+$0x30]  }
0x1fa: {  	v23 =	vld [tilespmem:s17+$0x60]  }
0x1fb: {  	v8 =	vld [tilespmem:s17+$0x80]  }
0x1fc: {  	v24 =	vld [tilespmem:s17+$0x20]  }
0x1fd: {  	v25 =	vld [tilespmem:s17+$0x40]  }
0x1fe: {  	v11 =	vmul.f32 v11, v4;
	v13 =	vmul.f32 v13, v5;
	v26 =	vld [tilespmem:s17+$0x50]  }
0x1ff: {  	v27 =	vld [tilespmem:s17+$0xFFFFFFB0]  }
0x200: {  	v10 =	vmul.f32 v10, v3;
	v11 =	vadd.f32 v13, v11;
	v28 =	vld [tilespmem:s17+$0x0]  }
0x201: {  	v17 =	vmul.f32 v17, v4;
	v18 =	vmul.f32 v18, v5;
	v13 =	vld [tilespmem:s17+$0x10]  }
0x202: {  	v9 =	vmul.f32 v9, v2;
	v10 =	vadd.f32 v10, v11;
	v29 =	vld [tilespmem:s17+$0xFFFFFF70]  }
0x203: {  	v15 =	vmul.f32 v15, v3;
	v17 =	vadd.f32 v18, v17;
	v30 =	vld [tilespmem:s17+$0xFFFFFFA0]  }
0x204: {  	v9 =	vadd.f32 v9, v10;
	v18 =	vmul.f32 v20, v4;
	v20 =	vmul.f32 v21, v5;
	v11 =	vld [tilespmem:s17+$0xFFFFFFC0]  }
0x205: {  	v12 =	vmul.f32 v12, v2;
	v15 =	vadd.f32 v15, v17;
	v10 =	vld [tilespmem:s17+$0xFFFFFF60]  }
0x206: {  	v16 =	vmul.f32 v16, v3;
	v18 =	vadd.f32 v20, v18;
	v17 =	vld [tilespmem:s17+$0xFFFFFF80];
	(xrf2) =	vadd.scan.msk.f32 $0xffff, v9  }
0x207: {  	v12 =	vadd.f32 v12, v15;
	v20 =	vmul.f32 v25, v4;
	v21 =	vmul.f32 v26, v5;
	v9 =	vld [tilespmem:s17+$0xFFFFFF90]  }
0x208: {  	v14 =	vmul.f32 v14, v2;
	v15 =	vadd.f32 v16, v18;
	v25 =	vld [tilespmem:s17+$0xFFFFFEF0]  }
0x209: {  	v18 =	vadd.f32 v21, v20;
	v20 =	vmul.f32 v23, v3;
	v16 =	vld [tilespmem:s17+$0xFFFFFF40];
	(xrf2) =	vadd.scan.msk.f32 $0xffff, v12  }
0x20a: {  	v14 =	vadd.f32 v14, v15;
	v21 =	vmul.f32 v28, v4;
	v23 =	vmul.f32 v13, v5;
	v12 =	vld [tilespmem:s17+$0xFFFFFF50]  }
0x20b: {  	v15 =	vadd.f32 v20, v18;
	v18 =	vmul.f32 v19, v2;
	v13 =	vld [tilespmem:s17+$0xFFFFFEB0]  }
0x20c: {  	v20 =	vadd.f32 v23, v21;
	v21 =	vmul.f32 v24, v3;
	v19 =	vld [tilespmem:s17+$0xFFFFFEE0];
	(xrf2) =	vadd.scan.msk.f32 $0xffff, v14  }
0x20d: {  	v15 =	vadd.f32 v18, v15;
	v17 =	vmul.f32 v17, v4;
	v26 =	vmul.f32 v9, v5;
	v23 =	vld [tilespmem:s17+$0xFFFFFEC0]  }
0x20e: {  	v20 =	vadd.f32 v21, v20;
	v21 =	vmul.f32 v22, v2;
	v18 =	vld [tilespmem:s17+$0xFFFFFED0]  }
0x20f: {  	v22 =	vmul.f32 v30, v3;
	v17 =	vadd.f32 v26, v17;
	v14 =	vld [tilespmem:s17+$0xFFFFFF00];
	(xrf2) =	vadd.scan.msk.f32 $0xffff, v15  }
0x210: {  	v20 =	vadd.f32 v21, v20;
	v16 =	vmul.f32 v16, v4;
	v12 =	vmul.f32 v12, v5;
	v24 =	vld [tilespmem:s17+$0xFFFFFE80];
	v9, _, _ =	vpop (xrf2)  }
0x211: {  	v26 =	vmul.f32 v27, v2;
	v22 =	vadd.f32 v22, v17;
	v21 =	vld [tilespmem:s17+$0xFFFFFE90]  }
0x212: {  	v12 =	vadd.f32 v12, v16;
	v16 =	vmul.f32 v10, v3;
	v15 =	vld [tilespmem:s17+$0xFFFFFEA0];
	(xrf2) =	vadd.scan.msk.f32 $0xffff, v20  }
.Ltmp1:
0x213: {  	v20 =	vmul.f32 v23, v4;
	v22 =	vadd.f32 v26, v22;
	v17 =	vld [tilespmem:s17+$0xFFFFFE00];
	v23 =	vmul.f32 v18, v5;
	v10, _, _ =	vpop (xrf2);
	(pc) =	sbr.rel @p0 .LBB2_5-.Ltmp1, $4  }
0x214: {  	v26 =	vmul.f32 v29, v2;
	v30 =	vadd.f32 v16, v12;
	v18 =	vld [tilespmem:s17+$0xFFFFFE10]  }
0x215: {  	v28 =	vmul.f32 v19, v3;
	v16 =	vld [tilespmem:s17+$0xFFFFFE20];
	v27 =	vadd.f32 v23, v20;
	(xrf2) =	vadd.scan.msk.f32 $0xffff, v22  }
0x216: {  	v22 =	vmul.f32 v24, v4;
	v20 =	vadd.f32 v26, v30;
	v19 =	vld [tilespmem:s17+$0xFFFFFE40];
	v23 =	vmul.f32 v21, v5;
	v12, _, _ =	vpop (xrf2)  }
0x217: {  	s29 =	sadd.s32 $0x40, s29;
	v25 =	vmul.f32 v25, v2;
	v21 =	vld [tilespmem:s17+$0xFFFFFE50];
	v24 =	vadd.f32 v28, v27  }
0x218: {  	v26 =	vld [tilespmem:s17+$0xFFFFFE30]  }
0x219: {  	v27 =	vld [tilespmem:s17+$0xFFFFFE60];
	v15 =	vmul.f32 v15, v3  }
0x21a: {  	v32 =	vld [tilespmem:s17+$0xFFFFFF10];
	v17 =	vmul.f32 v17, v4;
	v13 =	vmul.f32 v13, v2  }
0x21b: {  	v33 =	vld [tilespmem:s17+$0xFFFFFE70];
	v14 =	vmul.f32 v14, v4;
	v18 =	vmul.f32 v18, v5  }
0x21c: {  	v22 =	vadd.f32 v23, v22;
	v34 =	vld [tilespmem:s17+$0xFFFFFF20];
	v19 =	vmul.f32 v19, v4;
	v21 =	vmul.f32 v21, v5  }
0x21d: {  	v35 =	vld [tilespmem:s17+$0xFFFFFFD0];
	v24 =	vadd.f32 v25, v24;
	v16 =	vmul.f32 v16, v3;
	v17 =	vadd.f32 v18, v17  }
0x21e: {  	v37 =	vld [tilespmem:s17+$0xFFFFFF30];
	v15 =	vadd.f32 v15, v22;
	v36 =	vmul.f32 v27, v3;
	v19 =	vadd.f32 v21, v19  }
0x21f: {  	v39 =	vld [tilespmem:s17+$0xFFFFFFE0];
	v26 =	vmul.f32 v26, v2;
	v16 =	vadd.f32 v16, v17;
	v38 =	vmul.f32 v32, v5  }
0x220: {  	(xrf2) =	vadd.scan.msk.f32 $0xffff, v20;
	v42 =	vld [tilespmem:s17+$0x90];
	v13 =	vadd.f32 v13, v15;
	v41 =	vmul.f32 v33, v2;
	v40 =	vadd.f32 v36, v19  }
0x221: {  	v44 =	vld [tilespmem:s17+$0xFFFFFFF0];
	(xrf2) =	vadd.scan.msk.f32 $0xffff, v24;
	v43 =	vmul.f32 v34, v3;
	v16 =	vadd.f32 v26, v16;
	v14 =	vadd.f32 v38, v14  }
0x222: {  	v11 =	vmul.f32 v11, v4;
	v47 =	vld [tilespmem:s17+$0xA0];
	v46 =	vmul.f32 v35, v5;
	(xrf2) =	vadd.scan.msk.f32 $0xffff, v13;
	v45 =	vadd.f32 v41, v40  }
0x223: {  	v49 =	vld [tilespmem:s17+$0x150];
	v48 =	vmul.f32 v37, v2;
	(xrf2) =	vadd.scan.msk.f32 $0xffff, v16;
	v14 =	vadd.f32 v43, v14  }
0x224: {  	v51 =	vld [tilespmem:s17+$0xB0];
	v50 =	vmul.f32 v39, v3;
	v11 =	vadd.f32 v46, v11;
	(xrf2) =	vadd.scan.msk.f32 $0xffff, v45  }
0x225: {  	v8 =	vmul.f32 v8, v4;
	v54 =	vld [tilespmem:s17+$0x160];
	v53 =	vmul.f32 v42, v5;
	v52 =	vadd.f32 v48, v14  }
0x226: {  	v56 =	vld [tilespmem:s17+$0x1D0];
	v55 =	vmul.f32 v44, v2;
	v11 =	vadd.f32 v50, v11  }
0x227: {  	v59 =	vld [tilespmem:s17+$0x170];
	v57, _, _ =	vpop (xrf2);
	v58 =	vmul.f32 v47, v3;
	v8 =	vadd.f32 v53, v8;
	(xrf2) =	vadd.scan.msk.f32 $0xffff, v52  }
0x228: {  	v7 =	vmul.f32 v7, v4;
	v60, _, _ =	vpop (xrf2);
	v61 =	vmul.f32 v49, v5;
	v11 =	vadd.f32 v55, v11  }
0x229: {  	v24 =	vld [tilespmem:s17+$0x1E0];
	v63 =	vmul.f32 v51, v2;
	v62, _, _ =	vpop (xrf2);
	v8 =	vadd.f32 v58, v8  }
0x22a: {  	v7 =	vadd.f32 v61, v7;
	v26 =	vmul.f32 v54, v3;
	v25, _, _ =	vpop (xrf2);
	(xrf2) =	vadd.scan.msk.f32 $0xffff, v11  }
0x22b: {  	v6 =	vmul.f32 v6, v4;
	v28 =	vld [tilespmem:s17+$0x1F0];
	v8 =	vadd.f32 v63, v8;
	v27, _, _ =	vpop (xrf2)  }
0x22c: {  	v30 =	vmul.f32 v59, v2;
	v31 =	vmul.f32 v56, v5;
	v7 =	vadd.f32 v26, v7;
	v29, _, _ =	vpop (xrf2)  }
0x22d: {  	v32, _, _ =	vpop (xrf2);
	(xrf2) =	vadd.scan.msk.f32 $0xffff, v8  }
0x22e: {  	v6 =	vadd.f32 v31, v6;
	v33 =	vmul.f32 v24, v3;
	v7 =	vadd.f32 v30, v7;
	v34, _, _ =	vpop (xrf2)  }
0x22f: {  	v35 =	vbroadcast v32, $0xF;
	v15 =	vbroadcast v34, $0xF  }
0x230: {  	v36 =	vmul.f32 v28, v2;
	v6 =	vadd.f32 v33, v6;
	v16 =	vbroadcast v29, $0xF;
	(xrf2) =	vadd.scan.msk.f32 $0xffff, v7  }
0x231: {  	v11 =	vbroadcast v27, $0xF;
	v38, _, _ =	vpop (xrf2);
	v37 =	vsel vm0, v35, v15  }
0x232: {  	v6 =	vadd.f32 v36, v6;
	v14 =	vbroadcast v38, $0xF;
	v7 =	vsel vm1, v37, v16  }
0x233: {  	v39 =	vbroadcast v25, $0xF;
	v7 =	vsel vm2, v7, v11  }
0x234: {  	v40 =	vbroadcast v62, $0xF;
	(xrf2) =	vadd.scan.msk.f32 $0xffff, v6;
	v41, _, _ =	vpop (xrf2);
	v7 =	vsel vm3, v7, v14  }
0x235: {  	v43 =	vbroadcast v41, $0xF;
	v42 =	vsel vm4, v7, v39  }
0x236: {  	v44 =	vbroadcast v60, $0xF;
	v6 =	vsel vm5, v42, v40  }
0x237: {  	v45 =	vbroadcast v57, $0xF;
	v46, _, _ =	vpop (xrf2);
	v6 =	vsel vm6, v6, v43  }
0x238: {  	v47 =	vbroadcast v46, $0xF;
	v6 =	vsel vm7, v6, v44  }
0x239: {  	v48 =	vbroadcast v12, $0xF;
	v6 =	vsel vm8, v6, v45  }
0x23a: {  	v49 =	vbroadcast v10, $0xF;
	v50, _, _ =	vpop (xrf2);
	v6 =	vsel vm9, v6, v47  }
0x23b: {  	v51 =	vbroadcast v50, $0xF;
	v6 =	vsel vm10, v6, v48  }
0x23c: {  	v52 =	vbroadcast v9, $0xF;
	v6 =	vsel vm11, v6, v49  }
0x23d: {  	v6 =	vsel vm12, v6, v51  }
0x23e: {  	s7 =	smul.u32 $0x26, s18;
	v53, _, _ =	vpop (xrf2);
	v6 =	vsel vm13, v6, v52  }
0x23f: {  	s19 =	sshra.s32 s19, $0x2;
	v6 =	vsel vm14, v6, v53  }
0x240: {  	s7 =	sadd.s32 s10, s7;
	[tilespmem:s19+$0x19230] =	vst v6  }
0x241: {  	[hbm4b:s7+s2] =	stream.linear.scatter [tilespmem:s6], [sflag:$0x5], $0x130, $0x38;
	[tilespmem:$0x19BE0] =	vst v63  }
0x242: {  	v6 =	vld [tilespmem:$0x17D00]  }
0x243: {  	v54 =	vld [tilespmem:$0x17D10]  }
0x244: {  	v55 =	vld [tilespmem:$0x17D20]  }
0x245: {  	v56 =	vld [tilespmem:$0x17D30]  }
0x246: {  	v57 =	vld [tilespmem:$0x17D40]  }
0x247: {  	v58 =	vld [tilespmem:$0x17D50]  }
0x248: {  	v59 =	vld [tilespmem:$0x17D60]  }
0x249: {  	v60 =	vld [tilespmem:$0x17D70]  }
0x24a: {  	v61 =	vld [tilespmem:$0x17D80]  }
0x24b: {  	v62 =	vld [tilespmem:$0x17D90]  }
0x24c: {  	v63 =	vld [tilespmem:$0x17DA0]  }
0x24d: {  	v40 =	vld [tilespmem:$0x17DB0]  }
0x24e: {  	v41 =	vld [tilespmem:$0x17DC0]  }
0x24f: {  	v42 =	vld [tilespmem:$0x17DD0]  }
0x250: {  	v43 =	vld [tilespmem:$0x17DE0]  }
0x251: {  	v44 =	vld [tilespmem:$0x17DF0]  }
0x252: {  	v45 =	vld [tilespmem:$0x17E00]  }
0x253: {  	v46 =	vld [tilespmem:$0x17E10]  }
0x254: {  	v47 =	vld [tilespmem:$0x17E20]  }
0x255: {  	v48 =	vld [tilespmem:$0x17E30]  }
0x256: {  	v49 =	vld [tilespmem:$0x17E40]  }
0x257: {  	v50 =	vld [tilespmem:$0x17E50]  }
0x258: {  	v28 =	vld [tilespmem:$0x17E60]  }
0x259: {  	v29 =	vld [tilespmem:$0x17E70]  }
0x25a: {  	v30 =	vld [tilespmem:$0x17E80]  }
0x25b: {  	v31 =	vld [tilespmem:$0x17E90]  }
0x25c: {  	v32 =	vld [tilespmem:$0x17EA0];
	v6 =	vmul.f32 v6, v4  }
0x25d: {  	v33 =	vld [tilespmem:$0x17EB0];
	v7 =	vmul.f32 v54, v5;
	v51 =	vmul.f32 v55, v3  }
0x25e: {  	v34 =	vld [tilespmem:$0x17EC0];
	v10 =	vmul.f32 v57, v4;
	v11 =	vmul.f32 v58, v5  }
0x25f: {  	v35 =	vld [tilespmem:$0x17ED0];
	v52 =	vmul.f32 v61, v4;
	v53 =	vmul.f32 v62, v5  }
0x260: {  	v36 =	vld [tilespmem:$0x17EE0];
	v9 =	vmul.f32 v56, v2;
	v54 =	vmul.f32 v59, v3  }
0x261: {  	v37 =	vld [tilespmem:$0x17EF0];
	v13 =	vmul.f32 v60, v2;
	v55 =	vmul.f32 v63, v3  }
0x262: {  	v8 =	vld [tilespmem:$0x17F00];
	v56 =	vmul.f32 v41, v4;
	v57 =	vmul.f32 v42, v5  }
0x263: {  	v38 =	vld [tilespmem:$0x17F10];
	v58 =	vmul.f32 v40, v2;
	v59 =	vmul.f32 v43, v3  }
0x264: {  	v15 =	vld [tilespmem:$0x17F20];
	v60 =	vmul.f32 v45, v4;
	v61 =	vmul.f32 v46, v5  }
0x265: {  	v12 =	vld [tilespmem:$0x17F30];
	v62 =	vmul.f32 v49, v4;
	v63 =	vmul.f32 v50, v5  }
0x266: {  	v16 =	vld [tilespmem:$0x17F40];
	v21 =	vmul.f32 v44, v2;
	v39 =	vmul.f32 v47, v3  }
0x267: {  	v19 =	vld [tilespmem:$0x17F50];
	v25 =	vmul.f32 v48, v2;
	v41 =	vmul.f32 v28, v3  }
0x268: {  	v14 =	vld [tilespmem:$0x17F60];
	v43 =	vmul.f32 v30, v4;
	v44 =	vmul.f32 v31, v5  }
0x269: {  	v23 =	vld [tilespmem:$0x17F90];
	v46 =	vmul.f32 v29, v2;
	v48 =	vmul.f32 v32, v3  }
0x26a: {  	v17 =	vld [tilespmem:$0x17F70];
	v50 =	vmul.f32 v34, v4;
	v8 =	vmul.f32 v8, v4  }
0x26b: {  	v20 =	vld [tilespmem:$0x17F80];
	v15 =	vmul.f32 v15, v3;
	v16 =	vmul.f32 v16, v4  }
0x26c: {  	v40 =	vld [tilespmem:$0x17FA0];
	v19 =	vmul.f32 v19, v5;
	v12 =	vmul.f32 v12, v2  }
0x26d: {  	v42 =	vld [tilespmem:$0x17FB0];
	v14 =	vmul.f32 v14, v3;
	v6 =	vadd.f32 v7, v6;
	v10 =	vadd.f32 v11, v10  }
0x26e: {  	v45 =	vld [tilespmem:$0x17FC0];
	v32 =	vmul.f32 v23, v5;
	v7 =	vadd.f32 v53, v52;
	v11 =	vadd.f32 v57, v56  }
0x26f: {  	v47 =	vld [tilespmem:$0x17FD0];
	v18 =	vadd.f32 v44, v43;
	v53 =	vmul.f32 v38, v5;
	v16 =	vadd.f32 v19, v16  }
0x270: {  	v49 =	vld [tilespmem:$0x17FE0];
	v56 =	vmul.f32 v36, v3;
	v6 =	vadd.f32 v51, v6;
	v10 =	vadd.f32 v54, v10  }
0x271: {  	v34 =	vld [tilespmem:$0x18060];
	v7 =	vadd.f32 v55, v7;
	v11 =	vadd.f32 v59, v11;
	v51 =	vmul.f32 v35, v5  }
0x272: {  	v52 =	vld [tilespmem:$0x17FF0];
	v18 =	vadd.f32 v48, v18;
	v55 =	vmul.f32 v33, v2;
	v8 =	vadd.f32 v53, v8  }
0x273: {  	v57 =	vld [tilespmem:$0x18010];
	v14 =	vadd.f32 v14, v16;
	v35 =	vmul.f32 v45, v4;
	v6 =	vadd.f32 v9, v6  }
0x274: {  	v36 =	vld [tilespmem:$0x18070];
	v22 =	vmul.f32 v47, v5;
	v10 =	vadd.f32 v13, v10;
	v7 =	vadd.f32 v58, v7  }
0x275: {  	v54 =	vld [tilespmem:$0x18000];
	v38 =	vmul.f32 v40, v3;
	v9 =	vadd.f32 v61, v60;
	v13 =	vadd.f32 v63, v62  }
0x276: {  	v59 =	vld [tilespmem:$0x18020];
	v40 =	vmul.f32 v42, v2;
	v11 =	vadd.f32 v21, v11;
	v21 =	vadd.f32 v51, v50  }
0x277: {  	v42 =	vld [tilespmem:$0x18090];
	v58 =	vmul.f32 v37, v2;
	v18 =	vadd.f32 v55, v18;
	v8 =	vadd.f32 v15, v8  }
0x278: {  	v60 =	vld [tilespmem:$0x18030];
	v63 =	vmul.f32 v20, v4;
	v37 =	vmul.f32 v17, v2;
	v16 =	vadd.f32 v22, v35  }
0x279: {  	v61 =	vld [tilespmem:$0x18040];
	v45 =	vmul.f32 v57, v5;
	v9 =	vadd.f32 v39, v9;
	v13 =	vadd.f32 v41, v13  }
0x27a: {  	v62 =	vld [tilespmem:$0x18050];
	v48 =	vmul.f32 v52, v2;
	v21 =	vadd.f32 v56, v21;
	v8 =	vadd.f32 v12, v8;
	(xrf2) =	vadd.scan.msk.f32 $0xffff, v6  }
0x27b: {  	v12 =	vadd.f32 v32, v63;
	v39 =	vld [tilespmem:$0x18080];
	v41 =	vmul.f32 v49, v3;
	v6 =	vadd.f32 v37, v14;
	(xrf2) =	vadd.scan.msk.f32 $0xffff, v10  }
0x27c: {  	v52 =	vld [tilespmem:$0x180D0];
	v44 =	vmul.f32 v54, v4;
	v9 =	vadd.f32 v25, v9;
	v13 =	vadd.f32 v46, v13;
	(xrf2) =	vadd.scan.msk.f32 $0xffff, v7  }
0x27d: {  	v51 =	vmul.f32 v59, v3;
	v21 =	vadd.f32 v58, v21;
	v43 =	vadd.f32 v38, v12;
	v46 =	vld [tilespmem:$0x180A0];
	(xrf2) =	vadd.scan.msk.f32 $0xffff, v11  }
0x27e: {  	v49 =	vld [tilespmem:$0x180C0];
	v47 =	vadd.f32 v41, v16;
	v57 =	vmul.f32 v42, v5;
	v53 =	vmul.f32 v61, v4;
	(xrf2) =	vadd.scan.msk.f32 $0xffff, v9  }
0x27f: {  	v55 =	vld [tilespmem:$0x180B0];
	v50 =	vadd.f32 v45, v44;
	v54 =	vmul.f32 v62, v5;
	v59 =	vmul.f32 v60, v2;
	(xrf2) =	vadd.scan.msk.f32 $0xffff, v13  }
0x280: {  	v58 =	vld [tilespmem:$0x180E0];
	v60 =	vmul.f32 v34, v3;
	v7 =	vadd.f32 v40, v43;
	v56 =	vmul.f32 v39, v4;
	(xrf2) =	vadd.scan.msk.f32 $0xffff, v18  }
0x281: {  	v61 =	vmul.f32 v36, v2;
	v11 =	vadd.f32 v48, v47;
	v13 =	vadd.f32 v54, v53;
	(xrf2) =	vadd.scan.msk.f32 $0xffff, v21  }
0x282: {  	v63 =	vld [tilespmem:$0x180F0];
	v9 =	vadd.f32 v51, v50;
	v10 =	vadd.f32 v57, v56;
	v62 =	vmul.f32 v46, v3;
	(xrf2) =	vadd.scan.msk.f32 $0xffff, v8  }
0x283: {  	v12 =	vmul.f32 v52, v5;
	v22 =	vmul.f32 v49, v4;
	v21 =	vadd.f32 v60, v13;
	(xrf2) =	vadd.scan.msk.f32 $0xffff, v6  }
0x284: {  	v26 =	vmul.f32 v55, v2;
	v24 =	vadd.f32 v59, v9;
	v25 =	vadd.f32 v62, v10;
	v23, _, _ =	vpop (xrf2);
	(xrf2) =	vadd.scan.msk.f32 $0xffff, v7  }
0x285: {  	v28 =	vadd.f32 v12, v22;
	v29 =	vmul.f32 v58, v3;
	v6 =	vadd.f32 v61, v21;
	v27, _, _ =	vpop (xrf2);
	(xrf2) =	vadd.scan.msk.f32 $0xffff, v11  }
0x286: {  	v30 =	vbroadcast v23, $0xF;
	v33 =	vadd.f32 v26, v25;
	v31 =	vbroadcast v27, $0xF;
	v32, _, _ =	vpop (xrf2);
	(xrf2) =	vadd.scan.msk.f32 $0xffff, v24  }
0x287: {  	v37 =	vmul.f32 v63, v2;
	v36 =	vadd.f32 v29, v28;
	v34 =	vbroadcast v32, $0xF;
	v35, _, _ =	vpop (xrf2);
	(xrf2) =	vadd.scan.msk.f32 $0xffff, v6  }
0x288: {  	v38 =	vsel vm0, v30, v31;
	v10 =	vbroadcast v35, $0xF;
	v39, _, _ =	vpop (xrf2);
	(xrf2) =	vadd.scan.msk.f32 $0xffff, v33  }
0x289: {  	v6 =	vadd.f32 v37, v36;
	v40, _, _ =	vpop (xrf2);
	v9 =	vsel vm1, v38, v34;
	v41 =	vbroadcast v39, $0xF  }
0x28a: {  	v42, _, _ =	vpop (xrf2);
	v9 =	vsel vm2, v9, v10;
	v7 =	vbroadcast v40, $0xF  }
0x28b: {  	(xrf2) =	vadd.scan.msk.f32 $0xffff, v6;
	v9 =	vsel vm3, v9, v41;
	v8 =	vbroadcast v42, $0xF;
	v43, _, _ =	vpop (xrf2)  }
0x28c: {  	v44, _, _ =	vpop (xrf2);
	v7 =	vsel vm4, v9, v7;
	v45 =	vbroadcast v43, $0xF  }
0x28d: {  	v46, _, _ =	vpop (xrf2);
	v7 =	vsel vm5, v7, v8;
	v6 =	vbroadcast v44, $0xF  }
0x28e: {  	v47, _, _ =	vpop (xrf2);
	v7 =	vsel vm6, v7, v45;
	v48 =	vbroadcast v46, $0xF  }
0x28f: {  	v49, _, _ =	vpop (xrf2);
	v6 =	vsel vm7, v7, v6;
	v50 =	vbroadcast v47, $0xF  }
0x290: {  	v6 =	vsel vm8, v6, v48;
	v51 =	vbroadcast v49, $0xF;
	v52, _, _ =	vpop (xrf2)  }
0x291: {  	v6 =	vsel vm9, v6, v50;
	v53 =	vbroadcast v52, $0xF;
	v54, _, _ =	vpop (xrf2)  }
0x292: {  	v6 =	vsel vm10, v6, v51;
	v55 =	vbroadcast v54, $0xF;
	v56, _, _ =	vpop (xrf2)  }
0x293: {  	v6 =	vsel vm11, v6, v53;
	v57 =	vbroadcast v56, $0xF  }
0x294: {  	v6 =	vsel vm12, v6, v55  }
0x295: {  	v58, _, _ =	vpop (xrf2);
	v6 =	vsel vm13, v6, v57  }
0x296: {  	v6 =	vsel vm14, v6, v58  }
0x297: {  	[tilespmem:s11+$0x19360] =	vst v6  }
0x298: {  	v6 =	vld [tilespmem:s13+$0x2100]  }
0x299: {  	v59 =	vld [tilespmem:s14+$0x2100];
	_ =	sdelay $0x1  }
0x29a: {  	v60 =	vld [tilespmem:s15+$0x2100];
	_ =	sdelay $0x1  }
0x29b: {  	v61 =	vld [tilespmem:s16+$0x2100]  }
0x29c: {  	v62 =	vmul.f32 v6, v4;
	v63 =	vmul.f32 v59, v5;
	_ =	sdelay $0x1  }
0x29d: {  	v3 =	vmul.f32 v60, v3;
	v4 =	vadd.f32 v63, v62;
	_ =	sdelay $0x1  }
0x29e: {  	v2 =	vmul.f32 v61, v2;
	v3 =	vadd.f32 v3, v4;
	_ =	sdelay $0x1  }
0x29f: {  	v2 =	vadd.f32 v2, v3;
	_ =	sdelay $0x1  }
0x2a0: {  	(xrf2) =	vadd.scan.msk.f32 $0xffff, v2;
	_ =	sdelay $0x7  }
0x2a1: {  	s8 =	sadd.s32 $0x1, s8  }
0x2a2: {  	p1 =	sne.s32 s8, $0x40  }
.Ltmp2:
0x2a3: {  	s29 =	sand.u32 $0xF, s9;
	v2, _, _ =	vpop (xrf2);
	(pc) =	sbr.rel @p1 .LBB2_2-.Ltmp2, $4  }
0x2a4: {  	v3 =	vmov s29;
	v2 =	vbroadcast v2, $0xF  }
0x2a5: {  	vm15 =	veq.s32 v3, v0  }
0x2a6: {  	p0 =	sne.s32 s29, $0xF;
	v1 =	vsel vm15, v2, v1  }
0x2a7: {  	[tilespmem:s12+$0x19B52] =	vst @!p0 v1  }
0x2a8: {  	s7 =	simm.s32 $0x4  }
0x2a9: {  	_ =	swait.ge [sflag:s7], $0x130  }
0x2aa: {  	[sflag:s7] =	ssyncset.done $0x0  }
0x2ab: {  	s16 =	simm.s32 $0x5;
	[sflag:s7] =	ssyncadd.s32 $0xFFFFFED0  }
0x2ac: {  	_ =	swait.ge [sflag:s16], $0x130  }
0x2ad: {  	[sflag:s16] =	ssyncset.done $0x0  }
0x2ae: {  	s8 =	simm.s32 $0x19360;
	s17 =	rddreg [dreg:$0xf];
	[sflag:s16] =	ssyncadd.s32 $0xFFFFFED0  }
0x2af: {  	[hbm4b:s17+s2] =	stream.linear.scatter [tilespmem:s8], [sflag:$0x6], $0x800, $0x38;
	[tilespmem:$0x19BE0] =	vst v63  }
0x2b0: {  	_ =	swait.ge [sflag:s20], $0x800  }
0x2b1: {  	[sflag:s20] =	ssyncset.done $0x0  }
0x2b2: {  	s19 =	simm.s32 $0x19B60;
	s18 =	rddreg [dreg:$0x10];
	[sflag:s20] =	ssyncadd.s32 $0xFFFFF800  }
0x2b3: {  	[hbm4b:s18+s2] =	stream.linear.scatter [tilespmem:s19], [sflag:$0x6], $0x80, $0x38;
	[tilespmem:$0x19BE0] =	vst v63  }
0x2b4: {  	_ =	swait.ge [sflag:s20], $0x80  }
0x2b5: {  	s30 =	sadd.s32 $0x1, s30;
	s29 =	rddreg [dreg:$0x11]  }
0x2b6: {  	p0 =	sne.s32 s30, s29  }
.Ltmp3:
0x2b7: {  	_ = 	snop;
	(pc) =	sbr.rel @p0 .LBB2_1-.Ltmp3, $3  }
0x2b8: {  	_ =	sdelay $0x1  }
0x2b9: {  	[sflag:s20] =	ssyncset.done $0x0  }
0x2ba: {  	[sflag:s20] =	ssyncadd.s32 $0xFFFFFF80  }
0x2bb: {  	_ =	sfence.sel $0x180000  }
0x2bc: {  	[bflag:$0x0] =	sbarrier.arrive $0xFFFF  }
0x2bd: {  	_ =	strace $0x90000047  }
0x2be: {  	s0 =	stileid.u32;
	[bflag:$0x2] =	sbarrier.arrive $0xFFFF  }
0x2bf: {  	p0 =	sne.s32 s0, $0x0;
	s0 =	rddreg [dreg:$0x3]  }
0x2c0: {  	s0 =	sadd.s32 @!p0 $0x100000, s0  }
0x2c1: {  	[sflag:s0] =	ssyncadd.tile.s32 @!p0 $0x1;
	_ =	shalt  }
.Lfunc_end2:
_tile_overlayer_lowered:
.L_overlay_start_2:
0x2c2: {  	(tag) =	ssettag $0x2  }
0x2c3: {  	s0 =	rddreg [dreg:$0x0];
	s2 =	stileid.u32  }
0x2c4: {  	s1 =	rddreg [dreg:$0x1];
	p0 =	sne.s32 s2, $0x0  }
0x2c5: {  	s3 =	rddreg [dreg:$0x2];
	[bflag:$0x3] =	sbarrier.arrive $0xFFFF;
	s2 =	simm.s32 @!p0 $0x1C06  }
0x2c6: {  	[timem:s3], [sflag:s2] =	dma.local @!p0 [hbm:s0], s1  }
0x2c7: {  	s0 =	simm.s32 @!p0 $0x6  }
0x2c8: {  	_ =	swait.ge @!p0 [sflag:s0], s1  }
0x2c9: {  	s1 =	ssub.s32 @!p0 $0x0, s1;
	[sflag:s0] =	ssyncset.done @!p0 $0x0  }
0x2ca: {  	[sflag:s0] =	ssyncadd.s32 @!p0 s1  }
0x2cb: {  	[bflag:$0x3] =	sbarrier.arrive $0xFFFF  }
0x2cc: {  	_ =	shalt  }

</sc_bundles>
